<compile_context>
chip_gen: v7x
topology: tpu7x:2x2x1
jax: 0.10.2.dev20260603
libtpu: 0.0.44.dev20260713+nightly
codegen_flags: <defaults>
</compile_context>

<pallas_src>
import jax
import jax.numpy as jnp
from jax import lax
from jax.experimental import pallas as pl
from jax.experimental.pallas import tpu as pltpu
from jax.experimental.pallas import tpu_sc as plsc

N = 10000
E = 320000
H = 128
EMB = 64

NS = 16
CH = 128
NCHUNK = E // CH
NPAIRS = 78
N_PAD = 10240
ROWS_PER_TILE = N_PAD // NS
WCH = 128
CNTW = 16


def _zero_fill(buf, nrows, width, value=0.0):
  def zrow(r, carry):
    for j in range(width // 16):
      buf[r, pl.ds(16 * j, 16)] = jnp.full((16,), value, jnp.float32)
    return carry
  lax.fori_loop(0, nrows, zrow, 0)


def _sc_agg_body(hs_hbm, ha_hbm, src_sa, dst_sa, src_as, dst_as,
                 out_sa, out_as, acc, isrc, idst, rows0, rows1,
                 isem, gsem0, gsem1, ssem0, ssem1):
  c = lax.axis_index("c")
  s = lax.axis_index("s")
  q0 = 156 * s + jnp.minimum(s, 4)

  _zero_fill(rows0, WCH, H)
  base = s * ROWS_PER_TILE
  for k in range(ROWS_PER_TILE // WCH):
    pltpu.sync_copy(rows0, acc.at[pl.ds(base + k * WCH, WCH)])
  plsc.subcore_barrier()

  def run(table, src_hbm, dst_hbm):
    cp0 = pltpu.async_copy(src_hbm.at[pl.ds(q0, 2)], isrc.at[pl.ds(0, 2)], isem)
    cp1 = pltpu.async_copy(dst_hbm.at[pl.ds(q0, 2)], idst.at[pl.ds(0, 2)], isem)
    del cp0, cp1

    def pair(q, carry):
      p = 2 * (q & 1)
      pn = 2 - p
      a_row = p
      b_row = p + 1
      pltpu.make_async_copy(src_hbm.at[pl.ds(q0, 2)], isrc.at[pl.ds(0, 2)],
                            isem).wait()
      pltpu.make_async_copy(dst_hbm.at[pl.ds(q0, 2)], idst.at[pl.ds(0, 2)],
                            isem).wait()

      @pl.when(q > 0)
      def _():
        pltpu.make_async_copy(rows0, acc.at[idst.at[a_row]], ssem0).wait()
      pltpu.async_copy(table.at[isrc.at[a_row]], rows0, gsem0).wait()
      pltpu.async_copy(rows0, acc.at[idst.at[a_row]], ssem0, add=True)

      @pl.when(q > 0)
      def _():
        pltpu.make_async_copy(rows1, acc.at[idst.at[b_row]], ssem1).wait()
      ga_next = jnp.minimum(q0 + 2 * (q + 1), NCHUNK - 2)
      pltpu.async_copy(src_hbm.at[pl.ds(ga_next, 2)], isrc.at[pl.ds(pn, 2)],
                       isem)
      pltpu.async_copy(dst_hbm.at[pl.ds(ga_next, 2)], idst.at[pl.ds(pn, 2)],
                       isem)
      pltpu.async_copy(table.at[isrc.at[b_row]], rows1, gsem1).wait()
      pltpu.async_copy(rows1, acc.at[idst.at[b_row]], ssem1, add=True)
      return carry

    lax.fori_loop(0, NPAIRS, pair, 0)

    pltpu.make_async_copy(src_hbm.at[pl.ds(q0, 2)], isrc.at[pl.ds(0, 2)],
                          isem).wait()
    pltpu.make_async_copy(dst_hbm.at[pl.ds(q0, 2)], idst.at[pl.ds(0, 2)],
                          isem).wait()
    pltpu.make_async_copy(rows0, acc.at[idst.at[0]], ssem0).wait()
    pltpu.make_async_copy(rows1, acc.at[idst.at[1]], ssem1).wait()

    @pl.when(s < 4)
    def _():
      pltpu.async_copy(table.at[isrc.at[0]], rows0, gsem0).wait()
      pltpu.sync_copy(rows0, acc.at[idst.at[0]], add=True)

  @pl.when(c == 0)
  def _():
    run(hs_hbm, src_sa, dst_sa)

  @pl.when(c == 1)
  def _():
    run(ha_hbm, src_as, dst_as)

  plsc.subcore_barrier()

  def writeout(out_hbm):
    pltpu.sync_copy(acc.at[pl.ds(base, ROWS_PER_TILE)],
                    out_hbm.at[pl.ds(base, ROWS_PER_TILE)])

  @pl.when(c == 0)
  def _():
    writeout(out_sa)

  @pl.when(c == 1)
  def _():
    writeout(out_as)


_sc_agg = pl.kernel(
    _sc_agg_body,
    out_type=(jax.ShapeDtypeStruct((N_PAD, H), jnp.float32),
              jax.ShapeDtypeStruct((N_PAD, H), jnp.float32)),
    mesh=plsc.VectorSubcoreMesh(core_axis_name="c", subcore_axis_name="s"),
    compiler_params=pltpu.CompilerParams(use_tc_tiling_on_sc=False),
    scratch_types=[
        pltpu.VMEM_SHARED((N_PAD, H), jnp.float32),
        pltpu.VMEM((4, CH), jnp.int32),
        pltpu.VMEM((4, CH), jnp.int32),
        pltpu.VMEM((CH, H), jnp.float32),
        pltpu.VMEM((CH, H), jnp.float32),
        pltpu.SemaphoreType.DMA,
        pltpu.SemaphoreType.DMA,
        pltpu.SemaphoreType.DMA,
        pltpu.SemaphoreType.DMA,
        pltpu.SemaphoreType.DMA,
    ],
)


def _sc_cnt_body(dst_sa, dst_as, out_sa, out_as, acc, idst, ones, sem):
  c = lax.axis_index("c")
  s = lax.axis_index("s")
  q0 = 156 * s + jnp.minimum(s, 4)
  n_t = jnp.where(s < 4, 157, 156)
  q0c = jnp.minimum(q0, NCHUNK - 157)
  joff = q0 - q0c

  _zero_fill(ones, WCH, CNTW)
  base = s * ROWS_PER_TILE
  for k in range(ROWS_PER_TILE // WCH):
    pltpu.sync_copy(ones, acc.at[pl.ds(base + k * WCH, WCH)])
  plsc.subcore_barrier()
  _zero_fill(ones, WCH, CNTW, 1.0)

  def run(dst_hbm):
    pltpu.sync_copy(dst_hbm.at[pl.ds(q0c, 157)], idst)

    def chunk(j, carry):
      pltpu.sync_copy(ones, acc.at[idst.at[j + joff]], add=True)
      return carry
    lax.fori_loop(0, n_t, chunk, 0)

  @pl.when(c == 0)
  def _():
    run(dst_sa)

  @pl.when(c == 1)
  def _():
    run(dst_as)

  plsc.subcore_barrier()

  def writeout(out_hbm):
    pltpu.sync_copy(acc.at[pl.ds(base, ROWS_PER_TILE)],
                    out_hbm.at[pl.ds(base, ROWS_PER_TILE)])

  @pl.when(c == 0)
  def _():
    writeout(out_sa)

  @pl.when(c == 1)
  def _():
    writeout(out_as)


_sc_cnt = pl.kernel(
    _sc_cnt_body,
    out_type=(jax.ShapeDtypeStruct((N_PAD, CNTW), jnp.float32),
              jax.ShapeDtypeStruct((N_PAD, CNTW), jnp.float32)),
    mesh=plsc.VectorSubcoreMesh(core_axis_name="c", subcore_axis_name="s"),
    compiler_params=pltpu.CompilerParams(use_tc_tiling_on_sc=False),
    scratch_types=[
        pltpu.VMEM_SHARED((N_PAD, CNTW), jnp.float32),
        pltpu.VMEM((157, CH), jnp.int32),
        pltpu.VMEM((WCH, CNTW), jnp.float32),
        pltpu.SemaphoreType.DMA,
    ],
)



RBLK = 1000
GRID = N // RBLK


def _ln(x, gamma, beta):
  mu = jnp.mean(x, axis=-1, keepdims=True)
  var = jnp.mean((x - mu) ** 2, axis=-1, keepdims=True)
  return (x - mu) * lax.rsqrt(var + 1e-5) * gamma + beta


def _row_spec(d):
  return pl.BlockSpec((RBLK, d), lambda i: (i, 0))


def _full_spec(a, b):
  return pl.BlockSpec((a, b), lambda i: (0, 0))


def _kin_body(xs, xa, Wls, bls, Wla, bla, hs_out, ha_out):
  hs_out[...] = jnp.dot(xs[...], Wls[...],
                        preferred_element_type=jnp.float32) + bls[...]
  ha_out[...] = jnp.dot(xa[...], Wla[...],
                        preferred_element_type=jnp.float32) + bla[...]


def _kin(xs, xa, Wls, bls, Wla, bla):
  return pl.pallas_call(
      _kin_body,
      grid=(GRID,),
      in_specs=[_row_spec(H), _row_spec(H), _full_spec(H, H), _full_spec(1, H),
                _full_spec(H, H), _full_spec(1, H)],
      out_specs=(_row_spec(H), _row_spec(H)),
      out_shape=(jax.ShapeDtypeStruct((N, H), jnp.float32),
                 jax.ShapeDtypeStruct((N, H), jnp.float32)),
  )(xs, xa, Wls, bls, Wla, bla)


def _upd_one(s_agg, inv, h_dst, Wnr, b, ln_g, ln_b):
  cat = jnp.concatenate([s_agg * inv, h_dst], axis=1)
  new = jnp.dot(cat, Wnr[...], preferred_element_type=jnp.float32) + b[...]
  return _ln(jnp.maximum(new, 0.0), ln_g[...], ln_b[...]) + h_dst


def _kupd_body(ssa, sas, hs, ha, ca, cs, Wnr_sa, b_sa,
               Wnr_as, b_as, lgs, lbs, lga, lba, hs_o, ha_o):
  inv_a = 1.0 / jnp.maximum(ca[:, 0:1], 1.0)
  inv_s = 1.0 / jnp.maximum(cs[:, 0:1], 1.0)
  ha_o[...] = _upd_one(ssa[...], inv_a, ha[...], Wnr_sa, b_sa, lga, lba)
  hs_o[...] = _upd_one(sas[...], inv_s, hs[...], Wnr_as, b_as, lgs, lbs)


def _kupd(ssa, sas, hs, ha, ca, cs, Wnr_sa, b_sa,
          Wnr_as, b_as, lgs, lbs, lga, lba):
  wspec = _full_spec(2 * H, H)
  vspec = _full_spec(1, H)
  return pl.pallas_call(
      _kupd_body,
      grid=(GRID,),
      in_specs=[_row_spec(H), _row_spec(H), _row_spec(H), _row_spec(H),
                _row_spec(CNTW), _row_spec(CNTW),
                wspec, vspec, wspec, vspec,
                vspec, vspec, vspec, vspec],
      out_specs=(_row_spec(H), _row_spec(H)),
      out_shape=(jax.ShapeDtypeStruct((N, H), jnp.float32),
                 jax.ShapeDtypeStruct((N, H), jnp.float32)),
  )(ssa, sas, hs, ha, ca, cs, Wnr_sa, b_sa,
    Wnr_as, b_as, lgs, lbs, lga, lba)


def _out_proj(h, Wo, bo, g):
  o = jnp.dot(h, Wo[...], preferred_element_type=jnp.float32) + bo[...]
  nrm = jnp.sqrt(jnp.sum(o * o, axis=-1, keepdims=True))
  return o / jnp.maximum(nrm, 1e-12) * g[...]


def _kupd_out_body(ssa, sas, hs, ha, ca, cs, Wnr_sa, b_sa,
                   Wnr_as, b_as, lgs, lbs, lga, lba, Wo, bo, g,
                   os_o, oa_o):
  inv_a = 1.0 / jnp.maximum(ca[:, 0:1], 1.0)
  inv_s = 1.0 / jnp.maximum(cs[:, 0:1], 1.0)
  ha2 = _upd_one(ssa[...], inv_a, ha[...], Wnr_sa, b_sa, lga, lba)
  hs2 = _upd_one(sas[...], inv_s, hs[...], Wnr_as, b_as, lgs, lbs)
  os_o[...] = _out_proj(hs2, Wo, bo, g)
  oa_o[...] = _out_proj(ha2, Wo, bo, g)


def _kupd_out(ssa, sas, hs, ha, ca, cs, Wnr_sa, b_sa,
              Wnr_as, b_as, lgs, lbs, lga, lba, Wo, bo, g):
  wspec = _full_spec(2 * H, H)
  vspec = _full_spec(1, H)
  return pl.pallas_call(
      _kupd_out_body,
      grid=(GRID,),
      in_specs=[_row_spec(H), _row_spec(H), _row_spec(H), _row_spec(H),
                _row_spec(CNTW), _row_spec(CNTW),
                wspec, vspec, wspec, vspec,
                vspec, vspec, vspec, vspec,
                _full_spec(H, EMB), _full_spec(1, EMB), _full_spec(1, EMB)],
      out_specs=(_row_spec(EMB), _row_spec(EMB)),
      out_shape=(jax.ShapeDtypeStruct((N, EMB), jnp.float32),
                 jax.ShapeDtypeStruct((N, EMB), jnp.float32)),
  )(ssa, sas, hs, ha, ca, cs, Wnr_sa, b_sa,
    Wnr_as, b_as, lgs, lbs, lga, lba, Wo, bo, g)


def kernel(x_source, x_agent, edge_index_sa, edge_index_as,
           W_lin_src, b_lin_src, W_lin_agt, b_lin_agt,
           Wn_sa_0, Wr_sa_0, b_sa_0, Wn_as_0, Wr_as_0, b_as_0,
           Wn_sa_1, Wr_sa_1, b_sa_1, Wn_as_1, Wr_as_1, b_as_1,
           ln_g_src, ln_b_src, ln_g_agt, ln_b_agt,
           W_out, b_out, g):
  chunked = lambda v: v.astype(jnp.int32).reshape(NCHUNK, CH)
  src_sa = chunked(edge_index_sa[0])
  dst_sa = chunked(edge_index_sa[1])
  src_as = chunked(edge_index_as[0])
  dst_as = chunked(edge_index_as[1])

  row = lambda v: v.reshape(1, -1)
  hs0, ha0 = _kin(x_source, x_agent, W_lin_src, row(b_lin_src),
                  W_lin_agt, row(b_lin_agt))

  cnt_agt, cnt_src = _sc_cnt(dst_sa, dst_as)

  cat2 = lambda a, b: jnp.concatenate([a, b], axis=0)
  s_sa0, s_as0 = _sc_agg(hs0, ha0, src_sa, dst_sa, src_as, dst_as)
  hs1, ha1 = _kupd(
      s_sa0, s_as0, hs0, ha0, cnt_agt, cnt_src,
      cat2(Wn_sa_0, Wr_sa_0), row(b_sa_0), cat2(Wn_as_0, Wr_as_0), row(b_as_0),
      row(ln_g_src), row(ln_b_src), row(ln_g_agt), row(ln_b_agt))

  s_sa1, s_as1 = _sc_agg(hs1, ha1, src_sa, dst_sa, src_as, dst_as)
  return _kupd_out(
      s_sa1, s_as1, hs1, ha1, cnt_agt, cnt_src,
      cat2(Wn_sa_1, Wr_sa_1), row(b_sa_1), cat2(Wn_as_1, Wr_as_1), row(b_as_1),
      row(ln_g_src), row(ln_b_src), row(ln_g_agt), row(ln_b_agt),
      W_out, row(b_out), row(g))

# --- scband reference (transcript-rebuilt; emitter-appended) ---
"""Pipeline reference for scband-graph-encoder-25323127177729 (READ-ONLY COPY).

The authoritative reference and input builder live on the scoring server;
editing this copy changes nothing except your own understanding.
"""

import jax, jax.numpy as jnp
import numpy as np

N_SRC = 10000
N_AGT = 10000
E = 320000
D_IN = 128
H = 128
EMB = 64


def _layer_norm(x, gamma, beta, eps=1e-5):
    mu = jnp.mean(x, axis=-1, keepdims=True)
    var = jnp.mean((x - mu) ** 2, axis=-1, keepdims=True)
    return (x - mu) / jnp.sqrt(var + eps) * gamma + beta


def _sage(x_src, x_dst, edge_index, Wn, Wr, b):
    # PyG SAGEConv (bipartite, mean aggr): lin_l(mean_agg(x_src)) + lin_r(x_dst)
    src = edge_index[0]
    dst = edge_index[1]
    msg = jnp.take(x_src, src, axis=0)                      # gather  (SparseCore)
    s = jax.ops.segment_sum(msg, dst, num_segments=x_dst.shape[0])  # scatter-add
    cnt = jax.ops.segment_sum(jnp.ones((src.shape[0],), x_src.dtype), dst, num_segments=x_dst.shape[0])
    mean = s / jnp.maximum(cnt, 1.0)[:, None]
    return mean @ Wn + x_dst @ Wr + b


def setup_inputs(seed: int = 0) -> dict:
    key = jax.random.key(seed)
    ks = jax.random.split(key, 32)

    def w(k, shape, fan_in):
        return (jax.random.normal(k, shape, jnp.float32) / np.sqrt(fan_in)).astype(jnp.float32)

    inp = {}
    inp['x_source'] = jax.random.normal(ks[0], (N_SRC, D_IN), jnp.float32)
    inp['x_agent'] = jax.random.normal(ks[1], (N_AGT, D_IN), jnp.float32)
    inp['edge_index_sa'] = jnp.stack([
        jax.random.randint(ks[2], (E,), 0, N_SRC),
        jax.random.randint(ks[3], (E,), 0, N_AGT)])
    inp['edge_index_as'] = jnp.stack([
        jax.random.randint(ks[4], (E,), 0, N_AGT),
        jax.random.randint(ks[5], (E,), 0, N_SRC)])
    # input projection per node type
    inp['W_lin_src'] = w(ks[6], (D_IN, H), D_IN)
    inp['b_lin_src'] = jnp.zeros((H,), jnp.float32)
    inp['W_lin_agt'] = w(ks[7], (D_IN, H), D_IN)
    inp['b_lin_agt'] = jnp.zeros((H,), jnp.float32)
    # SAGE weights: 2 layers x 2 relations x (Wn, Wr, b)
    inp['Wn_sa_0'] = w(ks[8], (H, H), H);  inp['Wr_sa_0'] = w(ks[9], (H, H), H);  inp['b_sa_0'] = jnp.zeros((H,), jnp.float32)
    inp['Wn_as_0'] = w(ks[10], (H, H), H); inp['Wr_as_0'] = w(ks[11], (H, H), H); inp['b_as_0'] = jnp.zeros((H,), jnp.float32)
    inp['Wn_sa_1'] = w(ks[12], (H, H), H); inp['Wr_sa_1'] = w(ks[13], (H, H), H); inp['b_sa_1'] = jnp.zeros((H,), jnp.float32)
    inp['Wn_as_1'] = w(ks[14], (H, H), H); inp['Wr_as_1'] = w(ks[15], (H, H), H); inp['b_as_1'] = jnp.zeros((H,), jnp.float32)
    # LayerNorm per node type (shared across conv layers, as in the torch module)
    inp['ln_g_src'] = jnp.ones((H,), jnp.float32); inp['ln_b_src'] = jnp.zeros((H,), jnp.float32)
    inp['ln_g_agt'] = jnp.ones((H,), jnp.float32); inp['ln_b_agt'] = jnp.zeros((H,), jnp.float32)
    # output projection + learned gain g
    inp['W_out'] = w(ks[16], (H, EMB), H)
    inp['b_out'] = jnp.zeros((EMB,), jnp.float32)
    inp['g'] = jnp.ones((EMB,), jnp.float32)
    return inp


def reference(x_source, x_agent, edge_index_sa, edge_index_as,
              W_lin_src, b_lin_src, W_lin_agt, b_lin_agt,
              Wn_sa_0, Wr_sa_0, b_sa_0, Wn_as_0, Wr_as_0, b_as_0,
              Wn_sa_1, Wr_sa_1, b_sa_1, Wn_as_1, Wr_as_1, b_as_1,
              ln_g_src, ln_b_src, ln_g_agt, ln_b_agt,
              W_out, b_out, g):
    hs = x_source @ W_lin_src + b_lin_src
    ha = x_agent @ W_lin_agt + b_lin_agt
    layers = [
        (Wn_sa_0, Wr_sa_0, b_sa_0, Wn_as_0, Wr_as_0, b_as_0),
        (Wn_sa_1, Wr_sa_1, b_sa_1, Wn_as_1, Wr_as_1, b_as_1),
    ]
    for (Wn_sa, Wr_sa, b_sa, Wn_as, Wr_as, b_as) in layers:
        hs_in, ha_in = hs, ha
        # HeteroConv(aggr='sum'): each dst type receives from exactly one relation here
        new_agt = _sage(hs_in, ha_in, edge_index_sa, Wn_sa, Wr_sa, b_sa)
        new_src = _sage(ha_in, hs_in, edge_index_as, Wn_as, Wr_as, b_as)
        hs = _layer_norm(jax.nn.relu(new_src), ln_g_src, ln_b_src) + hs_in
        ha = _layer_norm(jax.nn.relu(new_agt), ln_g_agt, ln_b_agt) + ha_in
        # dropout(0.1) is identity in eval mode
    out_src = hs @ W_out + b_out
    out_agt = ha @ W_out + b_out
    out_src = out_src / jnp.maximum(jnp.linalg.norm(out_src, axis=1, keepdims=True), 1e-12) * g
    out_agt = out_agt / jnp.maximum(jnp.linalg.norm(out_agt, axis=1, keepdims=True), 1e-12) * g
    return (out_src, out_agt)


if False:  # reference __main__ guard neutralized (emitter)
    out = reference(**setup_inputs())
    print(out[0].shape, out[1].shape)

if __name__ == "__main__":
    import jax
    _d = setup_inputs()
    print(jax.jit(kernel)(*tuple(_d.values())))

</pallas_src>

<mosaic_0001>
#map = affine_map<(d0, d1) -> (0, 0)>
module attributes {stable_mosaic.version = 14 : i64} {
  func.func @_sc_agg_body(%arg0: i32, %arg1: i32, %arg2: memref<10000x128xf32, #tpu.memory_space<hbm>>, %arg3: memref<10000x128xf32, #tpu.memory_space<hbm>>, %arg4: memref<2500x128xi32, #tpu.memory_space<hbm>>, %arg5: memref<2500x128xi32, #tpu.memory_space<hbm>>, %arg6: memref<2500x128xi32, #tpu.memory_space<hbm>>, %arg7: memref<2500x128xi32, #tpu.memory_space<hbm>>, %arg8: memref<10240x128xf32, #tpu.memory_space<hbm>>, %arg9: memref<10240x128xf32, #tpu.memory_space<hbm>>, %arg10: memref<10240x128xf32, #tpu.memory_space<vmem_shared>>, %arg11: memref<4x128xi32, #tpu.memory_space<vmem>>, %arg12: memref<4x128xi32, #tpu.memory_space<vmem>>, %arg13: memref<128x128xf32, #tpu.memory_space<vmem>>, %arg14: memref<128x128xf32, #tpu.memory_space<vmem>>, %arg15: memref<!tpu.dma_semaphore, #tpu.memory_space<semaphore_mem>>, %arg16: memref<!tpu.dma_semaphore, #tpu.memory_space<semaphore_mem>>, %arg17: memref<!tpu.dma_semaphore, #tpu.memory_space<semaphore_mem>>, %arg18: memref<!tpu.dma_semaphore, #tpu.memory_space<semaphore_mem>>, %arg19: memref<!tpu.dma_semaphore, #tpu.memory_space<semaphore_mem>>) attributes {dimension_semantics = [#tpu.dimension_semantics<core_parallel>, #tpu.dimension_semantics<subcore_parallel>], iteration_bounds = array<i64: 2, 16>, scalar_prefetch = 0 : i64, scratch_operands = 10 : i64, tpu.core_type = #tpu.core_type<sc_vector_subcore>, window_params = [{transform_indices = #map}, {transform_indices = #map}, {transform_indices = #map}, {transform_indices = #map}, {transform_indices = #map}, {transform_indices = #map}, {transform_indices = #map}, {transform_indices = #map}]} {
    %mul3A = arith.constant 156 : i32
    %mul3A_0 = arith.muli %mul3A, %arg1 : i32
    %min3A = arith.constant 4 : i32
    %min3A_1 = arith.minsi %arg1, %min3A : i32
    %add3A = arith.addi %mul3A_0, %min3A_1 : i32
    %scan3A = arith.constant 0 : i32
    %scan3A_2 = arith.constant 0 : i32
    %scan3A_3 = arith.constant 128 : i32
    %scan3A_4 = arith.addi %scan3A_2, %scan3A_3 : i32
    %scan3A_5 = arith.constant 1 : i32
    scf.for %scan3A_37 = %scan3A_2 to %scan3A_4 step %scan3A_5  : i32 {
      %broadcast_in_dim3A = arith.constant 0.000000e+00 : f32
      %broadcast_in_dim3A_38 = vector.broadcast %broadcast_in_dim3A : f32 to vector<16xf32>
      %swap3A = arith.index_cast %scan3A_37 : i32 to index
      %swap3A_39 = arith.constant 0 : index
      %swap3A_40 = tpu.vector_load %arg13[%swap3A, %swap3A_39] {strides = array<i32>} : memref<128x128xf32, #tpu.memory_space<vmem>>, vector<1x16xf32>,
      %swap3A_41 = vector.shape_cast %swap3A_40 : vector<1x16xf32> to vector<16xf32>
      %swap3A_42 = vector.shape_cast %broadcast_in_dim3A_38 : vector<16xf32> to vector<1x16xf32>
      tpu.vector_store %arg13[%swap3A, %swap3A_39], %swap3A_42 {strides = array<i32>} : memref<128x128xf32, #tpu.memory_space<vmem>>, vector<1x16xf32>,
      %broadcast_in_dim3A_43 = arith.constant 0.000000e+00 : f32
      %broadcast_in_dim3A_44 = vector.broadcast %broadcast_in_dim3A_43 : f32 to vector<16xf32>
      %swap3A_45 = arith.index_cast %scan3A_37 : i32 to index
      %swap3A_46 = arith.constant 16 : index
      %swap3A_47 = tpu.vector_load %arg13[%swap3A_45, %swap3A_46] {strides = array<i32>} : memref<128x128xf32, #tpu.memory_space<vmem>>, vector<1x16xf32>,
      %swap3A_48 = vector.shape_cast %swap3A_47 : vector<1x16xf32> to vector<16xf32>
      %swap3A_49 = vector.shape_cast %broadcast_in_dim3A_44 : vector<16xf32> to vector<1x16xf32>
      tpu.vector_store %arg13[%swap3A_45, %swap3A_46], %swap3A_49 {strides = array<i32>} : memref<128x128xf32, #tpu.memory_space<vmem>>, vector<1x16xf32>,
      %broadcast_in_dim3A_50 = arith.constant 0.000000e+00 : f32
      %broadcast_in_dim3A_51 = vector.broadcast %broadcast_in_dim3A_50 : f32 to vector<16xf32>
      %swap3A_52 = arith.index_cast %scan3A_37 : i32 to index
      %swap3A_53 = arith.constant 32 : index
      %swap3A_54 = tpu.vector_load %arg13[%swap3A_52, %swap3A_53] {strides = array<i32>} : memref<128x128xf32, #tpu.memory_space<vmem>>, vector<1x16xf32>,
      %swap3A_55 = vector.shape_cast %swap3A_54 : vector<1x16xf32> to vector<16xf32>
      %swap3A_56 = vector.shape_cast %broadcast_in_dim3A_51 : vector<16xf32> to vector<1x16xf32>
      tpu.vector_store %arg13[%swap3A_52, %swap3A_53], %swap3A_56 {strides = array<i32>} : memref<128x128xf32, #tpu.memory_space<vmem>>, vector<1x16xf32>,
      %broadcast_in_dim3A_57 = arith.constant 0.000000e+00 : f32
      %broadcast_in_dim3A_58 = vector.broadcast %broadcast_in_dim3A_57 : f32 to vector<16xf32>
      %swap3A_59 = arith.index_cast %scan3A_37 : i32 to index
      %swap3A_60 = arith.constant 48 : index
      %swap3A_61 = tpu.vector_load %arg13[%swap3A_59, %swap3A_60] {strides = array<i32>} : memref<128x128xf32, #tpu.memory_space<vmem>>, vector<1x16xf32>,
      %swap3A_62 = vector.shape_cast %swap3A_61 : vector<1x16xf32> to vector<16xf32>
      %swap3A_63 = vector.shape_cast %broadcast_in_dim3A_58 : vector<16xf32> to vector<1x16xf32>
      tpu.vector_store %arg13[%swap3A_59, %swap3A_60], %swap3A_63 {strides = array<i32>} : memref<128x128xf32, #tpu.memory_space<vmem>>, vector<1x16xf32>,
      %broadcast_in_dim3A_64 = arith.constant 0.000000e+00 : f32
      %broadcast_in_dim3A_65 = vector.broadcast %broadcast_in_dim3A_64 : f32 to vector<16xf32>
      %swap3A_66 = arith.index_cast %scan3A_37 : i32 to index
      %swap3A_67 = arith.constant 64 : index
      %swap3A_68 = tpu.vector_load %arg13[%swap3A_66, %swap3A_67] {strides = array<i32>} : memref<128x128xf32, #tpu.memory_space<vmem>>, vector<1x16xf32>,
      %swap3A_69 = vector.shape_cast %swap3A_68 : vector<1x16xf32> to vector<16xf32>
      %swap3A_70 = vector.shape_cast %broadcast_in_dim3A_65 : vector<16xf32> to vector<1x16xf32>
      tpu.vector_store %arg13[%swap3A_66, %swap3A_67], %swap3A_70 {strides = array<i32>} : memref<128x128xf32, #tpu.memory_space<vmem>>, vector<1x16xf32>,
      %broadcast_in_dim3A_71 = arith.constant 0.000000e+00 : f32
      %broadcast_in_dim3A_72 = vector.broadcast %broadcast_in_dim3A_71 : f32 to vector<16xf32>
      %swap3A_73 = arith.index_cast %scan3A_37 : i32 to index
      %swap3A_74 = arith.constant 80 : index
      %swap3A_75 = tpu.vector_load %arg13[%swap3A_73, %swap3A_74] {strides = array<i32>} : memref<128x128xf32, #tpu.memory_space<vmem>>, vector<1x16xf32>,
      %swap3A_76 = vector.shape_cast %swap3A_75 : vector<1x16xf32> to vector<16xf32>
      %swap3A_77 = vector.shape_cast %broadcast_in_dim3A_72 : vector<16xf32> to vector<1x16xf32>
      tpu.vector_store %arg13[%swap3A_73, %swap3A_74], %swap3A_77 {strides = array<i32>} : memref<128x128xf32, #tpu.memory_space<vmem>>, vector<1x16xf32>,
      %broadcast_in_dim3A_78 = arith.constant 0.000000e+00 : f32
      %broadcast_in_dim3A_79 = vector.broadcast %broadcast_in_dim3A_78 : f32 to vector<16xf32>
      %swap3A_80 = arith.index_cast %scan3A_37 : i32 to index
      %swap3A_81 = arith.constant 96 : index
      %swap3A_82 = tpu.vector_load %arg13[%swap3A_80, %swap3A_81] {strides = array<i32>} : memref<128x128xf32, #tpu.memory_space<vmem>>, vector<1x16xf32>,
      %swap3A_83 = vector.shape_cast %swap3A_82 : vector<1x16xf32> to vector<16xf32>
      %swap3A_84 = vector.shape_cast %broadcast_in_dim3A_79 : vector<16xf32> to vector<1x16xf32>
      tpu.vector_store %arg13[%swap3A_80, %swap3A_81], %swap3A_84 {strides = array<i32>} : memref<128x128xf32, #tpu.memory_space<vmem>>, vector<1x16xf32>,
      %broadcast_in_dim3A_85 = arith.constant 0.000000e+00 : f32
      %broadcast_in_dim3A_86 = vector.broadcast %broadcast_in_dim3A_85 : f32 to vector<16xf32>
      %swap3A_87 = arith.index_cast %scan3A_37 : i32 to index
      %swap3A_88 = arith.constant 112 : index
      %swap3A_89 = tpu.vector_load %arg13[%swap3A_87, %swap3A_88] {strides = array<i32>} : memref<128x128xf32, #tpu.memory_space<vmem>>, vector<1x16xf32>,
      %swap3A_90 = vector.shape_cast %swap3A_89 : vector<1x16xf32> to vector<16xf32>
      %swap3A_91 = vector.shape_cast %broadcast_in_dim3A_86 : vector<16xf32> to vector<1x16xf32>
      tpu.vector_store %arg13[%swap3A_87, %swap3A_88], %swap3A_91 {strides = array<i32>} : memref<128x128xf32, #tpu.memory_space<vmem>>, vector<1x16xf32>,
    }
    %scan3A_6 = arith.constant 128 : i32
    %mul3A_7 = arith.constant 640 : i32
    %mul3A_8 = arith.muli %arg1, %mul3A_7 : i32
    %add3A_9 = arith.constant 0 : i32
    %add3A_10 = arith.addi %mul3A_8, %add3A_9 : i32
    "tpu.region"() ({
      %run_scoped3A = tpu.sem_alloc : memref<!tpu.dma_semaphore, #tpu.memory_space<semaphore_mem>>
      %dma_start3A = arith.constant 0 : i32
      %dma_start3A_37 = tpu.memref_slice %arg10[%add3A_10, %dma_start3A] : memref<10240x128xf32, #tpu.memory_space<vmem_shared>> -> memref<128x128xf32, #tpu.memory_space<vmem_shared>>
      %dma_start3A_38 = arith.constant 0 : i32
      %dma_start3A_39 = tpu.memref_slice %arg10[%add3A_10, %dma_start3A_38] : memref<10240x128xf32, #tpu.memory_space<vmem_shared>> -> memref<128x128xf32, #tpu.memory_space<vmem_shared>>
      tpu.enqueue_dma source(%arg13 : memref<128x128xf32, #tpu.memory_space<vmem>>) target(%dma_start3A_39 : memref<128x128xf32, #tpu.memory_space<vmem_shared>>) target_semaphore(%run_scoped3A : memref<!tpu.dma_semaphore, #tpu.memory_space<semaphore_mem>>)
      %dma_wait3A = arith.constant 0 : i32
      %dma_wait3A_40 = tpu.memref_slice %arg10[%add3A_10, %dma_wait3A] : memref<10240x128xf32, #tpu.memory_space<vmem_shared>> -> memref<128x128xf32, #tpu.memory_space<vmem_shared>>
      %dma_wait3A_41 = arith.constant 0 : i32
      %dma_wait3A_42 = tpu.memref_slice %arg10[%add3A_10, %dma_wait3A_41] : memref<10240x128xf32, #tpu.memory_space<vmem_shared>> -> memref<128x128xf32, #tpu.memory_space<vmem_shared>>
      tpu.wait_dma2 semaphore(%run_scoped3A : memref<!tpu.dma_semaphore, #tpu.memory_space<semaphore_mem>>) src(%arg13 : memref<128x128xf32, #tpu.memory_space<vmem>>) dst(%dma_wait3A_42 : memref<128x128xf32, #tpu.memory_space<vmem_shared>>)
      tpu.yield
    }) : () -> ()
    %add3A_11 = arith.constant 128 : i32
    %add3A_12 = arith.addi %mul3A_8, %add3A_11 : i32
    "tpu.region"() ({
      %run_scoped3A = tpu.sem_alloc : memref<!tpu.dma_semaphore, #tpu.memory_space<semaphore_mem>>
      %dma_start3A = arith.constant 0 : i32
      %dma_start3A_37 = tpu.memref_slice %arg10[%add3A_12, %dma_start3A] : memref<10240x128xf32, #tpu.memory_space<vmem_shared>> -> memref<128x128xf32, #tpu.memory_space<vmem_shared>>
      %dma_start3A_38 = arith.constant 0 : i32
      %dma_start3A_39 = tpu.memref_slice %arg10[%add3A_12, %dma_start3A_38] : memref<10240x128xf32, #tpu.memory_space<vmem_shared>> -> memref<128x128xf32, #tpu.memory_space<vmem_shared>>
      tpu.enqueue_dma source(%arg13 : memref<128x128xf32, #tpu.memory_space<vmem>>) target(%dma_start3A_39 : memref<128x128xf32, #tpu.memory_space<vmem_shared>>) target_semaphore(%run_scoped3A : memref<!tpu.dma_semaphore, #tpu.memory_space<semaphore_mem>>)
      %dma_wait3A = arith.constant 0 : i32
      %dma_wait3A_40 = tpu.memref_slice %arg10[%add3A_12, %dma_wait3A] : memref<10240x128xf32, #tpu.memory_space<vmem_shared>> -> memref<128x128xf32, #tpu.memory_space<vmem_shared>>
      %dma_wait3A_41 = arith.constant 0 : i32
      %dma_wait3A_42 = tpu.memref_slice %arg10[%add3A_12, %dma_wait3A_41] : memref<10240x128xf32, #tpu.memory_space<vmem_shared>> -> memref<128x128xf32, #tpu.memory_space<vmem_shared>>
      tpu.wait_dma2 semaphore(%run_scoped3A : memref<!tpu.dma_semaphore, #tpu.memory_space<semaphore_mem>>) src(%arg13 : memref<128x128xf32, #tpu.memory_space<vmem>>) dst(%dma_wait3A_42 : memref<128x128xf32, #tpu.memory_space<vmem_shared>>)
      tpu.yield
    }) : () -> ()
    %add3A_13 = arith.constant 256 : i32
    %add3A_14 = arith.addi %mul3A_8, %add3A_13 : i32
    "tpu.region"() ({
      %run_scoped3A = tpu.sem_alloc : memref<!tpu.dma_semaphore, #tpu.memory_space<semaphore_mem>>
      %dma_start3A = arith.constant 0 : i32
      %dma_start3A_37 = tpu.memref_slice %arg10[%add3A_14, %dma_start3A] : memref<10240x128xf32, #tpu.memory_space<vmem_shared>> -> memref<128x128xf32, #tpu.memory_space<vmem_shared>>
      %dma_start3A_38 = arith.constant 0 : i32
      %dma_start3A_39 = tpu.memref_slice %arg10[%add3A_14, %dma_start3A_38] : memref<10240x128xf32, #tpu.memory_space<vmem_shared>> -> memref<128x128xf32, #tpu.memory_space<vmem_shared>>
      tpu.enqueue_dma source(%arg13 : memref<128x128xf32, #tpu.memory_space<vmem>>) target(%dma_start3A_39 : memref<128x128xf32, #tpu.memory_space<vmem_shared>>) target_semaphore(%run_scoped3A : memref<!tpu.dma_semaphore, #tpu.memory_space<semaphore_mem>>)
      %dma_wait3A = arith.constant 0 : i32
      %dma_wait3A_40 = tpu.memref_slice %arg10[%add3A_14, %dma_wait3A] : memref<10240x128xf32, #tpu.memory_space<vmem_shared>> -> memref<128x128xf32, #tpu.memory_space<vmem_shared>>
      %dma_wait3A_41 = arith.constant 0 : i32
      %dma_wait3A_42 = tpu.memref_slice %arg10[%add3A_14, %dma_wait3A_41] : memref<10240x128xf32, #tpu.memory_space<vmem_shared>> -> memref<128x128xf32, #tpu.memory_space<vmem_shared>>
      tpu.wait_dma2 semaphore(%run_scoped3A : memref<!tpu.dma_semaphore, #tpu.memory_space<semaphore_mem>>) src(%arg13 : memref<128x128xf32, #tpu.memory_space<vmem>>) dst(%dma_wait3A_42 : memref<128x128xf32, #tpu.memory_space<vmem_shared>>)
      tpu.yield
    }) : () -> ()
    %add3A_15 = arith.constant 384 : i32
    %add3A_16 = arith.addi %mul3A_8, %add3A_15 : i32
    "tpu.region"() ({
      %run_scoped3A = tpu.sem_alloc : memref<!tpu.dma_semaphore, #tpu.memory_space<semaphore_mem>>
      %dma_start3A = arith.constant 0 : i32
      %dma_start3A_37 = tpu.memref_slice %arg10[%add3A_16, %dma_start3A] : memref<10240x128xf32, #tpu.memory_space<vmem_shared>> -> memref<128x128xf32, #tpu.memory_space<vmem_shared>>
      %dma_start3A_38 = arith.constant 0 : i32
      %dma_start3A_39 = tpu.memref_slice %arg10[%add3A_16, %dma_start3A_38] : memref<10240x128xf32, #tpu.memory_space<vmem_shared>> -> memref<128x128xf32, #tpu.memory_space<vmem_shared>>
      tpu.enqueue_dma source(%arg13 : memref<128x128xf32, #tpu.memory_space<vmem>>) target(%dma_start3A_39 : memref<128x128xf32, #tpu.memory_space<vmem_shared>>) target_semaphore(%run_scoped3A : memref<!tpu.dma_semaphore, #tpu.memory_space<semaphore_mem>>)
      %dma_wait3A = arith.constant 0 : i32
      %dma_wait3A_40 = tpu.memref_slice %arg10[%add3A_16, %dma_wait3A] : memref<10240x128xf32, #tpu.memory_space<vmem_shared>> -> memref<128x128xf32, #tpu.memory_space<vmem_shared>>
      %dma_wait3A_41 = arith.constant 0 : i32
      %dma_wait3A_42 = tpu.memref_slice %arg10[%add3A_16, %dma_wait3A_41] : memref<10240x128xf32, #tpu.memory_space<vmem_shared>> -> memref<128x128xf32, #tpu.memory_space<vmem_shared>>
      tpu.wait_dma2 semaphore(%run_scoped3A : memref<!tpu.dma_semaphore, #tpu.memory_space<semaphore_mem>>) src(%arg13 : memref<128x128xf32, #tpu.memory_space<vmem>>) dst(%dma_wait3A_42 : memref<128x128xf32, #tpu.memory_space<vmem_shared>>)
      tpu.yield
    }) : () -> ()
    %add3A_17 = arith.constant 512 : i32
    %add3A_18 = arith.addi %mul3A_8, %add3A_17 : i32
    "tpu.region"() ({
      %run_scoped3A = tpu.sem_alloc : memref<!tpu.dma_semaphore, #tpu.memory_space<semaphore_mem>>
      %dma_start3A = arith.constant 0 : i32
      %dma_start3A_37 = tpu.memref_slice %arg10[%add3A_18, %dma_start3A] : memref<10240x128xf32, #tpu.memory_space<vmem_shared>> -> memref<128x128xf32, #tpu.memory_space<vmem_shared>>
      %dma_start3A_38 = arith.constant 0 : i32
      %dma_start3A_39 = tpu.memref_slice %arg10[%add3A_18, %dma_start3A_38] : memref<10240x128xf32, #tpu.memory_space<vmem_shared>> -> memref<128x128xf32, #tpu.memory_space<vmem_shared>>
      tpu.enqueue_dma source(%arg13 : memref<128x128xf32, #tpu.memory_space<vmem>>) target(%dma_start3A_39 : memref<128x128xf32, #tpu.memory_space<vmem_shared>>) target_semaphore(%run_scoped3A : memref<!tpu.dma_semaphore, #tpu.memory_space<semaphore_mem>>)
      %dma_wait3A = arith.constant 0 : i32
      %dma_wait3A_40 = tpu.memref_slice %arg10[%add3A_18, %dma_wait3A] : memref<10240x128xf32, #tpu.memory_space<vmem_shared>> -> memref<128x128xf32, #tpu.memory_space<vmem_shared>>
      %dma_wait3A_41 = arith.constant 0 : i32
      %dma_wait3A_42 = tpu.memref_slice %arg10[%add3A_18, %dma_wait3A_41] : memref<10240x128xf32, #tpu.memory_space<vmem_shared>> -> memref<128x128xf32, #tpu.memory_space<vmem_shared>>
      tpu.wait_dma2 semaphore(%run_scoped3A : memref<!tpu.dma_semaphore, #tpu.memory_space<semaphore_mem>>) src(%arg13 : memref<128x128xf32, #tpu.memory_space<vmem>>) dst(%dma_wait3A_42 : memref<128x128xf32, #tpu.memory_space<vmem_shared>>)
      tpu.yield
    }) : () -> ()
    %barrier3A = arith.constant 0 : index
    tpu.barrier barrier_id(%barrier3A)
    %eq3A = arith.constant 0 : i32
    %eq3A_19 = arith.cmpi eq, %arg0, %eq3A : i32
    %convert_element_type3A = arith.extui %eq3A_19 : i1 to i32
    %cond3A = arith.constant 0 : i32
    %cond3A_20 = arith.cmpi ne, %convert_element_type3A, %cond3A : i32
    scf.if %cond3A_20 {
      %dma_start3A = arith.constant 0 : i32
      %dma_start3A_37 = arith.constant 0 : i32
      %dma_start3A_38 = tpu.memref_slice %arg11[%dma_start3A, %dma_start3A_37] : memref<4x128xi32, #tpu.memory_space<vmem>> -> memref<2x128xi32, #tpu.memory_space<vmem>>
      %dma_start3A_39 = arith.constant 0 : i32
      %dma_start3A_40 = tpu.memref_slice %arg4[%add3A, %dma_start3A_39] : memref<2500x128xi32, #tpu.memory_space<hbm>> -> memref<2x128xi32, #tpu.memory_space<hbm>>
      %dma_start3A_41 = arith.constant 0 : i32
      %dma_start3A_42 = arith.constant 0 : i32
      %dma_start3A_43 = tpu.memref_slice %arg11[%dma_start3A_41, %dma_start3A_42] : memref<4x128xi32, #tpu.memory_space<vmem>> -> memref<2x128xi32, #tpu.memory_space<vmem>>
      %dma_start3A_44 = arith.constant 0 : i32
      %dma_start3A_45 = tpu.memref_slice %arg4[%add3A, %dma_start3A_44] : memref<2500x128xi32, #tpu.memory_space<hbm>> -> memref<2x128xi32, #tpu.memory_space<hbm>>
      tpu.enqueue_dma source(%dma_start3A_45 : memref<2x128xi32, #tpu.memory_space<hbm>>) target(%dma_start3A_43 : memref<2x128xi32, #tpu.memory_space<vmem>>) target_semaphore(%arg15 : memref<!tpu.dma_semaphore, #tpu.memory_space<semaphore_mem>>)
      %dma_start3A_46 = arith.constant 0 : i32
      %dma_start3A_47 = arith.constant 0 : i32
      %dma_start3A_48 = tpu.memref_slice %arg12[%dma_start3A_46, %dma_start3A_47] : memref<4x128xi32, #tpu.memory_space<vmem>> -> memref<2x128xi32, #tpu.memory_space<vmem>>
      %dma_start3A_49 = arith.constant 0 : i32
      %dma_start3A_50 = tpu.memref_slice %arg5[%add3A, %dma_start3A_49] : memref<2500x128xi32, #tpu.memory_space<hbm>> -> memref<2x128xi32, #tpu.memory_space<hbm>>
      %dma_start3A_51 = arith.constant 0 : i32
      %dma_start3A_52 = arith.constant 0 : i32
      %dma_start3A_53 = tpu.memref_slice %arg12[%dma_start3A_51, %dma_start3A_52] : memref<4x128xi32, #tpu.memory_space<vmem>> -> memref<2x128xi32, #tpu.memory_space<vmem>>
      %dma_start3A_54 = arith.constant 0 : i32
      %dma_start3A_55 = tpu.memref_slice %arg5[%add3A, %dma_start3A_54] : memref<2500x128xi32, #tpu.memory_space<hbm>> -> memref<2x128xi32, #tpu.memory_space<hbm>>
      tpu.enqueue_dma source(%dma_start3A_55 : memref<2x128xi32, #tpu.memory_space<hbm>>) target(%dma_start3A_53 : memref<2x128xi32, #tpu.memory_space<vmem>>) target_semaphore(%arg15 : memref<!tpu.dma_semaphore, #tpu.memory_space<semaphore_mem>>)
      %scan3A_56 = arith.constant 0 : i32
      %scan3A_57 = arith.constant 0 : i32
      %scan3A_58 = arith.constant 78 : i32
      %scan3A_59 = arith.addi %scan3A_57, %scan3A_58 : i32
      %scan3A_60 = arith.constant 1 : i32
      scf.for %scan3A_99 = %scan3A_57 to %scan3A_59 step %scan3A_60  : i32 {
        %and3A = arith.constant 1 : i32
        %and3A_100 = arith.andi %scan3A_99, %and3A : i32
        %mul3A_101 = arith.constant 2 : i32
        %mul3A_102 = arith.muli %mul3A_101, %and3A_100 : i32
        %sub3A = arith.constant 2 : i32
        %sub3A_103 = arith.subi %sub3A, %mul3A_102 : i32
        %add3A_104 = arith.constant 1 : i32
        %add3A_105 = arith.addi %mul3A_102, %add3A_104 : i32
        %dma_wait3A_106 = arith.constant 0 : i32
        %dma_wait3A_107 = arith.constant 0 : i32
        %dma_wait3A_108 = tpu.memref_slice %arg11[%dma_wait3A_106, %dma_wait3A_107] : memref<4x128xi32, #tpu.memory_space<vmem>> -> memref<2x128xi32, #tpu.memory_space<vmem>>
        %dma_wait3A_109 = arith.constant 0 : i32
        %dma_wait3A_110 = tpu.memref_slice %arg4[%add3A, %dma_wait3A_109] : memref<2500x128xi32, #tpu.memory_space<hbm>> -> memref<2x128xi32, #tpu.memory_space<hbm>>
        %dma_wait3A_111 = arith.constant 0 : i32
        %dma_wait3A_112 = arith.constant 0 : i32
        %dma_wait3A_113 = tpu.memref_slice %arg11[%dma_wait3A_111, %dma_wait3A_112] : memref<4x128xi32, #tpu.memory_space<vmem>> -> memref<2x128xi32, #tpu.memory_space<vmem>>
        %dma_wait3A_114 = arith.constant 0 : i32
        %dma_wait3A_115 = tpu.memref_slice %arg4[%add3A, %dma_wait3A_114] : memref<2500x128xi32, #tpu.memory_space<hbm>> -> memref<2x128xi32, #tpu.memory_space<hbm>>
        tpu.wait_dma2 semaphore(%arg15 : memref<!tpu.dma_semaphore, #tpu.memory_space<semaphore_mem>>) src(%dma_wait3A_115 : memref<2x128xi32, #tpu.memory_space<hbm>>) dst(%dma_wait3A_113 : memref<2x128xi32, #tpu.memory_space<vmem>>)
        %dma_wait3A_116 = arith.constant 0 : i32
        %dma_wait3A_117 = arith.constant 0 : i32
        %dma_wait3A_118 = tpu.memref_slice %arg12[%dma_wait3A_116, %dma_wait3A_117] : memref<4x128xi32, #tpu.memory_space<vmem>> -> memref<2x128xi32, #tpu.memory_space<vmem>>
        %dma_wait3A_119 = arith.constant 0 : i32
        %dma_wait3A_120 = tpu.memref_slice %arg5[%add3A, %dma_wait3A_119] : memref<2500x128xi32, #tpu.memory_space<hbm>> -> memref<2x128xi32, #tpu.memory_space<hbm>>
        %dma_wait3A_121 = arith.constant 0 : i32
        %dma_wait3A_122 = arith.constant 0 : i32
        %dma_wait3A_123 = tpu.memref_slice %arg12[%dma_wait3A_121, %dma_wait3A_122] : memref<4x128xi32, #tpu.memory_space<vmem>> -> memref<2x128xi32, #tpu.memory_space<vmem>>
        %dma_wait3A_124 = arith.constant 0 : i32
        %dma_wait3A_125 = tpu.memref_slice %arg5[%add3A, %dma_wait3A_124] : memref<2500x128xi32, #tpu.memory_space<hbm>> -> memref<2x128xi32, #tpu.memory_space<hbm>>
        tpu.wait_dma2 semaphore(%arg15 : memref<!tpu.dma_semaphore, #tpu.memory_space<semaphore_mem>>) src(%dma_wait3A_125 : memref<2x128xi32, #tpu.memory_space<hbm>>) dst(%dma_wait3A_123 : memref<2x128xi32, #tpu.memory_space<vmem>>)
        %gt3A = arith.constant 0 : i32
        %gt3A_126 = arith.cmpi sgt, %scan3A_99, %gt3A : i32
        %convert_element_type3A_127 = arith.extui %gt3A_126 : i1 to i32
        %cond3A_128 = arith.constant 0 : i32
        %cond3A_129 = arith.cmpi ne, %convert_element_type3A_127, %cond3A_128 : i32
        scf.if %cond3A_129 {
          %dma_wait3A_194 = arith.constant 0 : i32
          %dma_wait3A_195 = tpu.memref_slice %arg12[%mul3A_102, %dma_wait3A_194] : memref<4x128xi32, #tpu.memory_space<vmem>> -> memref<1x128xi32, #tpu.memory_space<vmem>>
          %dma_wait3A_196 = tpu.memref_squeeze %dma_wait3A_195 : memref<1x128xi32, #tpu.memory_space<vmem>> -> memref<128xi32, #tpu.memory_space<vmem>>
          %dma_wait3A_197 = arith.constant 0 : i32
          %dma_wait3A_198 = arith.constant 0 : i32
          %dma_wait3A_199 = tpu.memref_slice %arg10[%dma_wait3A_197, %dma_wait3A_198] : memref<10240x128xf32, #tpu.memory_space<vmem_shared>> -> memref<10240x128xf32, #tpu.memory_space<vmem_shared>>
          tpu.wait_indirect_dma semaphore(%arg18 : memref<!tpu.dma_semaphore, #tpu.memory_space<semaphore_mem>>) src(%arg13 : memref<128x128xf32, #tpu.memory_space<vmem>>) dst(%dma_wait3A_199 : memref<10240x128xf32, #tpu.memory_space<vmem_shared>>)
        } else {
        }
        %dma_start3A_130 = arith.constant 0 : i32
        %dma_start3A_131 = tpu.memref_slice %arg11[%mul3A_102, %dma_start3A_130] : memref<4x128xi32, #tpu.memory_space<vmem>> -> memref<1x128xi32, #tpu.memory_space<vmem>>
        %dma_start3A_132 = tpu.memref_squeeze %dma_start3A_131 : memref<1x128xi32, #tpu.memory_space<vmem>> -> memref<128xi32, #tpu.memory_space<vmem>>
        %dma_start3A_133 = arith.constant 0 : i32
        %dma_start3A_134 = arith.constant 0 : i32
        %dma_start3A_135 = tpu.memref_slice %arg2[%dma_start3A_133, %dma_start3A_134] : memref<10000x128xf32, #tpu.memory_space<hbm>> -> memref<10000x128xf32, #tpu.memory_space<hbm>>
        tpu.enqueue_indirect_dma source(%dma_start3A_135 : memref<10000x128xf32, #tpu.memory_space<hbm>>) target(%arg13 : memref<128x128xf32, #tpu.memory_space<vmem>>) offsets(%dma_start3A_132 : memref<128xi32, #tpu.memory_space<vmem>>) semaphore(%arg16 : memref<!tpu.dma_semaphore, #tpu.memory_space<semaphore_mem>>)
        %dma_wait3A_136 = arith.constant 0 : i32
        %dma_wait3A_137 = tpu.memref_slice %arg11[%mul3A_102, %dma_wait3A_136] : memref<4x128xi32, #tpu.memory_space<vmem>> -> memref<1x128xi32, #tpu.memory_space<vmem>>
        %dma_wait3A_138 = tpu.memref_squeeze %dma_wait3A_137 : memref<1x128xi32, #tpu.memory_space<vmem>> -> memref<128xi32, #tpu.memory_space<vmem>>
        %dma_wait3A_139 = arith.constant 0 : i32
        %dma_wait3A_140 = arith.constant 0 : i32
        %dma_wait3A_141 = tpu.memref_slice %arg2[%dma_wait3A_139, %dma_wait3A_140] : memref<10000x128xf32, #tpu.memory_space<hbm>> -> memref<10000x128xf32, #tpu.memory_space<hbm>>
        tpu.wait_indirect_dma semaphore(%arg16 : memref<!tpu.dma_semaphore, #tpu.memory_space<semaphore_mem>>) src(%dma_wait3A_141 : memref<10000x128xf32, #tpu.memory_space<hbm>>) dst(%arg13 : memref<128x128xf32, #tpu.memory_space<vmem>>)
        %dma_start3A_142 = arith.constant 0 : i32
        %dma_start3A_143 = tpu.memref_slice %arg12[%mul3A_102, %dma_start3A_142] : memref<4x128xi32, #tpu.memory_space<vmem>> -> memref<1x128xi32, #tpu.memory_space<vmem>>
        %dma_start3A_144 = tpu.memref_squeeze %dma_start3A_143 : memref<1x128xi32, #tpu.memory_space<vmem>> -> memref<128xi32, #tpu.memory_space<vmem>>
        %dma_start3A_145 = arith.constant 0 : i32
        %dma_start3A_146 = arith.constant 0 : i32
        %dma_start3A_147 = tpu.memref_slice %arg10[%dma_start3A_145, %dma_start3A_146] : memref<10240x128xf32, #tpu.memory_space<vmem_shared>> -> memref<10240x128xf32, #tpu.memory_space<vmem_shared>>
        tpu.enqueue_indirect_dma source(%arg13 : memref<128x128xf32, #tpu.memory_space<vmem>>) target(%dma_start3A_147 : memref<10240x128xf32, #tpu.memory_space<vmem_shared>>) offsets(%dma_start3A_144 : memref<128xi32, #tpu.memory_space<vmem>>) semaphore(%arg18 : memref<!tpu.dma_semaphore, #tpu.memory_space<semaphore_mem>>) {add = true}
        %gt3A_148 = arith.constant 0 : i32
        %gt3A_149 = arith.cmpi sgt, %scan3A_99, %gt3A_148 : i32
        %convert_element_type3A_150 = arith.extui %gt3A_149 : i1 to i32
        %cond3A_151 = arith.constant 0 : i32
        %cond3A_152 = arith.cmpi ne, %convert_element_type3A_150, %cond3A_151 : i32
        scf.if %cond3A_152 {
          %dma_wait3A_194 = arith.constant 0 : i32
          %dma_wait3A_195 = tpu.memref_slice %arg12[%add3A_105, %dma_wait3A_194] : memref<4x128xi32, #tpu.memory_space<vmem>> -> memref<1x128xi32, #tpu.memory_space<vmem>>
          %dma_wait3A_196 = tpu.memref_squeeze %dma_wait3A_195 : memref<1x128xi32, #tpu.memory_space<vmem>> -> memref<128xi32, #tpu.memory_space<vmem>>
          %dma_wait3A_197 = arith.constant 0 : i32
          %dma_wait3A_198 = arith.constant 0 : i32
          %dma_wait3A_199 = tpu.memref_slice %arg10[%dma_wait3A_197, %dma_wait3A_198] : memref<10240x128xf32, #tpu.memory_space<vmem_shared>> -> memref<10240x128xf32, #tpu.memory_space<vmem_shared>>
          tpu.wait_indirect_dma semaphore(%arg19 : memref<!tpu.dma_semaphore, #tpu.memory_space<semaphore_mem>>) src(%arg14 : memref<128x128xf32, #tpu.memory_space<vmem>>) dst(%dma_wait3A_199 : memref<10240x128xf32, #tpu.memory_space<vmem_shared>>)
        } else {
        }
        %add3A_153 = arith.constant 1 : i32
        %add3A_154 = arith.addi %scan3A_99, %add3A_153 : i32
        %mul3A_155 = arith.constant 2 : i32
        %mul3A_156 = arith.muli %mul3A_155, %add3A_154 : i32
        %add3A_157 = arith.addi %add3A, %mul3A_156 : i32
        %min3A_158 = arith.constant 2498 : i32
        %min3A_159 = arith.minsi %add3A_157, %min3A_158 : i32
        %dma_start3A_160 = arith.constant 0 : i32
        %dma_start3A_161 = tpu.memref_slice %arg11[%sub3A_103, %dma_start3A_160] : memref<4x128xi32, #tpu.memory_space<vmem>> -> memref<2x128xi32, #tpu.memory_space<vmem>>
        %dma_start3A_162 = arith.constant 0 : i32
        %dma_start3A_163 = tpu.memref_slice %arg4[%min3A_159, %dma_start3A_162] : memref<2500x128xi32, #tpu.memory_space<hbm>> -> memref<2x128xi32, #tpu.memory_space<hbm>>
        %dma_start3A_164 = arith.constant 0 : i32
        %dma_start3A_165 = tpu.memref_slice %arg11[%sub3A_103, %dma_start3A_164] : memref<4x128xi32, #tpu.memory_space<vmem>> -> memref<2x128xi32, #tpu.memory_space<vmem>>
        %dma_start3A_166 = arith.constant 0 : i32
        %dma_start3A_167 = tpu.memref_slice %arg4[%min3A_159, %dma_start3A_166] : memref<2500x128xi32, #tpu.memory_space<hbm>> -> memref<2x128xi32, #tpu.memory_space<hbm>>
        tpu.enqueue_dma source(%dma_start3A_167 : memref<2x128xi32, #tpu.memory_space<hbm>>) target(%dma_start3A_165 : memref<2x128xi32, #tpu.memory_space<vmem>>) target_semaphore(%arg15 : memref<!tpu.dma_semaphore, #tpu.memory_space<semaphore_mem>>)
        %dma_start3A_168 = arith.constant 0 : i32
        %dma_start3A_169 = tpu.memref_slice %arg12[%sub3A_103, %dma_start3A_168] : memref<4x128xi32, #tpu.memory_space<vmem>> -> memref<2x128xi32, #tpu.memory_space<vmem>>
        %dma_start3A_170 = arith.constant 0 : i32
        %dma_start3A_171 = tpu.memref_slice %arg5[%min3A_159, %dma_start3A_170] : memref<2500x128xi32, #tpu.memory_space<hbm>> -> memref<2x128xi32, #tpu.memory_space<hbm>>
        %dma_start3A_172 = arith.constant 0 : i32
        %dma_start3A_173 = tpu.memref_slice %arg12[%sub3A_103, %dma_start3A_172] : memref<4x128xi32, #tpu.memory_space<vmem>> -> memref<2x128xi32, #tpu.memory_space<vmem>>
        %dma_start3A_174 = arith.constant 0 : i32
        %dma_start3A_175 = tpu.memref_slice %arg5[%min3A_159, %dma_start3A_174] : memref<2500x128xi32, #tpu.memory_space<hbm>> -> memref<2x128xi32, #tpu.memory_space<hbm>>
        tpu.enqueue_dma source(%dma_start3A_175 : memref<2x128xi32, #tpu.memory_space<hbm>>) target(%dma_start3A_173 : memref<2x128xi32, #tpu.memory_space<vmem>>) target_semaphore(%arg15 : memref<!tpu.dma_semaphore, #tpu.memory_space<semaphore_mem>>)
        %dma_start3A_176 = arith.constant 0 : i32
        %dma_start3A_177 = tpu.memref_slice %arg11[%add3A_105, %dma_start3A_176] : memref<4x128xi32, #tpu.memory_space<vmem>> -> memref<1x128xi32, #tpu.memory_space<vmem>>
        %dma_start3A_178 = tpu.memref_squeeze %dma_start3A_177 : memref<1x128xi32, #tpu.memory_space<vmem>> -> memref<128xi32, #tpu.memory_space<vmem>>
        %dma_start3A_179 = arith.constant 0 : i32
        %dma_start3A_180 = arith.constant 0 : i32
        %dma_start3A_181 = tpu.memref_slice %arg2[%dma_start3A_179, %dma_start3A_180] : memref<10000x128xf32, #tpu.memory_space<hbm>> -> memref<10000x128xf32, #tpu.memory_space<hbm>>
        tpu.enqueue_indirect_dma source(%dma_start3A_181 : memref<10000x128xf32, #tpu.memory_space<hbm>>) target(%arg14 : memref<128x128xf32, #tpu.memory_space<vmem>>) offsets(%dma_start3A_178 : memref<128xi32, #tpu.memory_space<vmem>>) semaphore(%arg17 : memref<!tpu.dma_semaphore, #tpu.memory_space<semaphore_mem>>)
        %dma_wait3A_182 = arith.constant 0 : i32
        %dma_wait3A_183 = tpu.memref_slice %arg11[%add3A_105, %dma_wait3A_182] : memref<4x128xi32, #tpu.memory_space<vmem>> -> memref<1x128xi32, #tpu.memory_space<vmem>>
        %dma_wait3A_184 = tpu.memref_squeeze %dma_wait3A_183 : memref<1x128xi32, #tpu.memory_space<vmem>> -> memref<128xi32, #tpu.memory_space<vmem>>
        %dma_wait3A_185 = arith.constant 0 : i32
        %dma_wait3A_186 = arith.constant 0 : i32
        %dma_wait3A_187 = tpu.memref_slice %arg2[%dma_wait3A_185, %dma_wait3A_186] : memref<10000x128xf32, #tpu.memory_space<hbm>> -> memref<10000x128xf32, #tpu.memory_space<hbm>>
        tpu.wait_indirect_dma semaphore(%arg17 : memref<!tpu.dma_semaphore, #tpu.memory_space<semaphore_mem>>) src(%dma_wait3A_187 : memref<10000x128xf32, #tpu.memory_space<hbm>>) dst(%arg14 : memref<128x128xf32, #tpu.memory_space<vmem>>)
        %dma_start3A_188 = arith.constant 0 : i32
        %dma_start3A_189 = tpu.memref_slice %arg12[%add3A_105, %dma_start3A_188] : memref<4x128xi32, #tpu.memory_space<vmem>> -> memref<1x128xi32, #tpu.memory_space<vmem>>
        %dma_start3A_190 = tpu.memref_squeeze %dma_start3A_189 : memref<1x128xi32, #tpu.memory_space<vmem>> -> memref<128xi32, #tpu.memory_space<vmem>>
        %dma_start3A_191 = arith.constant 0 : i32
        %dma_start3A_192 = arith.constant 0 : i32
        %dma_start3A_193 = tpu.memref_slice %arg10[%dma_start3A_191, %dma_start3A_192] : memref<10240x128xf32, #tpu.memory_space<vmem_shared>> -> memref<10240x128xf32, #tpu.memory_space<vmem_shared>>
        tpu.enqueue_indirect_dma source(%arg14 : memref<128x128xf32, #tpu.memory_space<vmem>>) target(%dma_start3A_193 : memref<10240x128xf32, #tpu.memory_space<vmem_shared>>) offsets(%dma_start3A_190 : memref<128xi32, #tpu.memory_space<vmem>>) semaphore(%arg19 : memref<!tpu.dma_semaphore, #tpu.memory_space<semaphore_mem>>) {add = true}
      }
      %scan3A_61 = arith.constant 78 : i32
      %dma_wait3A = arith.constant 0 : i32
      %dma_wait3A_62 = arith.constant 0 : i32
      %dma_wait3A_63 = tpu.memref_slice %arg11[%dma_wait3A, %dma_wait3A_62] : memref<4x128xi32, #tpu.memory_space<vmem>> -> memref<2x128xi32, #tpu.memory_space<vmem>>
      %dma_wait3A_64 = arith.constant 0 : i32
      %dma_wait3A_65 = tpu.memref_slice %arg4[%add3A, %dma_wait3A_64] : memref<2500x128xi32, #tpu.memory_space<hbm>> -> memref<2x128xi32, #tpu.memory_space<hbm>>
      %dma_wait3A_66 = arith.constant 0 : i32
      %dma_wait3A_67 = arith.constant 0 : i32
      %dma_wait3A_68 = tpu.memref_slice %arg11[%dma_wait3A_66, %dma_wait3A_67] : memref<4x128xi32, #tpu.memory_space<vmem>> -> memref<2x128xi32, #tpu.memory_space<vmem>>
      %dma_wait3A_69 = arith.constant 0 : i32
      %dma_wait3A_70 = tpu.memref_slice %arg4[%add3A, %dma_wait3A_69] : memref<2500x128xi32, #tpu.memory_space<hbm>> -> memref<2x128xi32, #tpu.memory_space<hbm>>
      tpu.wait_dma2 semaphore(%arg15 : memref<!tpu.dma_semaphore, #tpu.memory_space<semaphore_mem>>) src(%dma_wait3A_70 : memref<2x128xi32, #tpu.memory_space<hbm>>) dst(%dma_wait3A_68 : memref<2x128xi32, #tpu.memory_space<vmem>>)
      %dma_wait3A_71 = arith.constant 0 : i32
      %dma_wait3A_72 = arith.constant 0 : i32
      %dma_wait3A_73 = tpu.memref_slice %arg12[%dma_wait3A_71, %dma_wait3A_72] : memref<4x128xi32, #tpu.memory_space<vmem>> -> memref<2x128xi32, #tpu.memory_space<vmem>>
      %dma_wait3A_74 = arith.constant 0 : i32
      %dma_wait3A_75 = tpu.memref_slice %arg5[%add3A, %dma_wait3A_74] : memref<2500x128xi32, #tpu.memory_space<hbm>> -> memref<2x128xi32, #tpu.memory_space<hbm>>
      %dma_wait3A_76 = arith.constant 0 : i32
      %dma_wait3A_77 = arith.constant 0 : i32
      %dma_wait3A_78 = tpu.memref_slice %arg12[%dma_wait3A_76, %dma_wait3A_77] : memref<4x128xi32, #tpu.memory_space<vmem>> -> memref<2x128xi32, #tpu.memory_space<vmem>>
      %dma_wait3A_79 = arith.constant 0 : i32
      %dma_wait3A_80 = tpu.memref_slice %arg5[%add3A, %dma_wait3A_79] : memref<2500x128xi32, #tpu.memory_space<hbm>> -> memref<2x128xi32, #tpu.memory_space<hbm>>
      tpu.wait_dma2 semaphore(%arg15 : memref<!tpu.dma_semaphore, #tpu.memory_space<semaphore_mem>>) src(%dma_wait3A_80 : memref<2x128xi32, #tpu.memory_space<hbm>>) dst(%dma_wait3A_78 : memref<2x128xi32, #tpu.memory_space<vmem>>)
      %dma_wait3A_81 = arith.constant 0 : i32
      %dma_wait3A_82 = arith.constant 0 : i32
      %dma_wait3A_83 = tpu.memref_slice %arg12[%dma_wait3A_81, %dma_wait3A_82] : memref<4x128xi32, #tpu.memory_space<vmem>> -> memref<1x128xi32, #tpu.memory_space<vmem>>
      %dma_wait3A_84 = tpu.memref_squeeze %dma_wait3A_83 : memref<1x128xi32, #tpu.memory_space<vmem>> -> memref<128xi32, #tpu.memory_space<vmem>>
      %dma_wait3A_85 = arith.constant 0 : i32
      %dma_wait3A_86 = arith.constant 0 : i32
      %dma_wait3A_87 = tpu.memref_slice %arg10[%dma_wait3A_85, %dma_wait3A_86] : memref<10240x128xf32, #tpu.memory_space<vmem_shared>> -> memref<10240x128xf32, #tpu.memory_space<vmem_shared>>
      tpu.wait_indirect_dma semaphore(%arg18 : memref<!tpu.dma_semaphore, #tpu.memory_space<semaphore_mem>>) src(%arg13 : memref<128x128xf32, #tpu.memory_space<vmem>>) dst(%dma_wait3A_87 : memref<10240x128xf32, #tpu.memory_space<vmem_shared>>)
      %dma_wait3A_88 = arith.constant 1 : i32
      %dma_wait3A_89 = arith.constant 0 : i32
      %dma_wait3A_90 = tpu.memref_slice %arg12[%dma_wait3A_88, %dma_wait3A_89] : memref<4x128xi32, #tpu.memory_space<vmem>> -> memref<1x128xi32, #tpu.memory_space<vmem>>
      %dma_wait3A_91 = tpu.memref_squeeze %dma_wait3A_90 : memref<1x128xi32, #tpu.memory_space<vmem>> -> memref<128xi32, #tpu.memory_space<vmem>>
      %dma_wait3A_92 = arith.constant 0 : i32
      %dma_wait3A_93 = arith.constant 0 : i32
      %dma_wait3A_94 = tpu.memref_slice %arg10[%dma_wait3A_92, %dma_wait3A_93] : memref<10240x128xf32, #tpu.memory_space<vmem_shared>> -> memref<10240x128xf32, #tpu.memory_space<vmem_shared>>
      tpu.wait_indirect_dma semaphore(%arg19 : memref<!tpu.dma_semaphore, #tpu.memory_space<semaphore_mem>>) src(%arg14 : memref<128x128xf32, #tpu.memory_space<vmem>>) dst(%dma_wait3A_94 : memref<10240x128xf32, #tpu.memory_space<vmem_shared>>)
      %lt3A = arith.constant 4 : i32
      %lt3A_95 = arith.cmpi slt, %arg1, %lt3A : i32
      %convert_element_type3A_96 = arith.extui %lt3A_95 : i1 to i32
      %cond3A_97 = arith.constant 0 : i32
      %cond3A_98 = arith.cmpi ne, %convert_element_type3A_96, %cond3A_97 : i32
      scf.if %cond3A_98 {
        %dma_start3A_99 = arith.constant 0 : i32
        %dma_start3A_100 = arith.constant 0 : i32
        %dma_start3A_101 = tpu.memref_slice %arg11[%dma_start3A_99, %dma_start3A_100] : memref<4x128xi32, #tpu.memory_space<vmem>> -> memref<1x128xi32, #tpu.memory_space<vmem>>
        %dma_start3A_102 = tpu.memref_squeeze %dma_start3A_101 : memref<1x128xi32, #tpu.memory_space<vmem>> -> memref<128xi32, #tpu.memory_space<vmem>>
        %dma_start3A_103 = arith.constant 0 : i32
        %dma_start3A_104 = arith.constant 0 : i32
        %dma_start3A_105 = tpu.memref_slice %arg2[%dma_start3A_103, %dma_start3A_104] : memref<10000x128xf32, #tpu.memory_space<hbm>> -> memref<10000x128xf32, #tpu.memory_space<hbm>>
        tpu.enqueue_indirect_dma source(%dma_start3A_105 : memref<10000x128xf32, #tpu.memory_space<hbm>>) target(%arg13 : memref<128x128xf32, #tpu.memory_space<vmem>>) offsets(%dma_start3A_102 : memref<128xi32, #tpu.memory_space<vmem>>) semaphore(%arg16 : memref<!tpu.dma_semaphore, #tpu.memory_space<semaphore_mem>>)
        %dma_wait3A_106 = arith.constant 0 : i32
        %dma_wait3A_107 = arith.constant 0 : i32
        %dma_wait3A_108 = tpu.memref_slice %arg11[%dma_wait3A_106, %dma_wait3A_107] : memref<4x128xi32, #tpu.memory_space<vmem>> -> memref<1x128xi32, #tpu.memory_space<vmem>>
        %dma_wait3A_109 = tpu.memref_squeeze %dma_wait3A_108 : memref<1x128xi32, #tpu.memory_space<vmem>> -> memref<128xi32, #tpu.memory_space<vmem>>
        %dma_wait3A_110 = arith.constant 0 : i32
        %dma_wait3A_111 = arith.constant 0 : i32
        %dma_wait3A_112 = tpu.memref_slice %arg2[%dma_wait3A_110, %dma_wait3A_111] : memref<10000x128xf32, #tpu.memory_space<hbm>> -> memref<10000x128xf32, #tpu.memory_space<hbm>>
        tpu.wait_indirect_dma semaphore(%arg16 : memref<!tpu.dma_semaphore, #tpu.memory_space<semaphore_mem>>) src(%dma_wait3A_112 : memref<10000x128xf32, #tpu.memory_space<hbm>>) dst(%arg13 : memref<128x128xf32, #tpu.memory_space<vmem>>)
        %run_scoped3A = arith.constant 0 : i32
        "tpu.region"() ({
          %run_scoped3A_113 = tpu.sem_alloc : memref<!tpu.dma_semaphore, #tpu.memory_space<semaphore_mem>>
          %dma_start3A_114 = arith.constant 0 : i32
          %dma_start3A_115 = tpu.memref_slice %arg12[%run_scoped3A, %dma_start3A_114] : memref<4x128xi32, #tpu.memory_space<vmem>> -> memref<1x128xi32, #tpu.memory_space<vmem>>
          %dma_start3A_116 = tpu.memref_squeeze %dma_start3A_115 : memref<1x128xi32, #tpu.memory_space<vmem>> -> memref<128xi32, #tpu.memory_space<vmem>>
          %dma_start3A_117 = arith.constant 0 : i32
          %dma_start3A_118 = arith.constant 0 : i32
          %dma_start3A_119 = tpu.memref_slice %arg10[%dma_start3A_117, %dma_start3A_118] : memref<10240x128xf32, #tpu.memory_space<vmem_shared>> -> memref<10240x128xf32, #tpu.memory_space<vmem_shared>>
          tpu.enqueue_indirect_dma source(%arg13 : memref<128x128xf32, #tpu.memory_space<vmem>>) target(%dma_start3A_119 : memref<10240x128xf32, #tpu.memory_space<vmem_shared>>) offsets(%dma_start3A_116 : memref<128xi32, #tpu.memory_space<vmem>>) semaphore(%run_scoped3A_113 : memref<!tpu.dma_semaphore, #tpu.memory_space<semaphore_mem>>) {add = true}
          %dma_wait3A_120 = arith.constant 0 : i32
          %dma_wait3A_121 = tpu.memref_slice %arg12[%run_scoped3A, %dma_wait3A_120] : memref<4x128xi32, #tpu.memory_space<vmem>> -> memref<1x128xi32, #tpu.memory_space<vmem>>
          %dma_wait3A_122 = tpu.memref_squeeze %dma_wait3A_121 : memref<1x128xi32, #tpu.memory_space<vmem>> -> memref<128xi32, #tpu.memory_space<vmem>>
          %dma_wait3A_123 = arith.constant 0 : i32
          %dma_wait3A_124 = arith.constant 0 : i32
          %dma_wait3A_125 = tpu.memref_slice %arg10[%dma_wait3A_123, %dma_wait3A_124] : memref<10240x128xf32, #tpu.memory_space<vmem_shared>> -> memref<10240x128xf32, #tpu.memory_space<vmem_shared>>
          tpu.wait_indirect_dma semaphore(%run_scoped3A_113 : memref<!tpu.dma_semaphore, #tpu.memory_space<semaphore_mem>>) src(%arg13 : memref<128x128xf32, #tpu.memory_space<vmem>>) dst(%dma_wait3A_125 : memref<10240x128xf32, #tpu.memory_space<vmem_shared>>)
          tpu.yield
        }) : () -> ()
      } else {
      }
    } else {
    }
    %eq3A_21 = arith.constant 1 : i32
    %eq3A_22 = arith.cmpi eq, %arg0, %eq3A_21 : i32
    %convert_element_type3A_23 = arith.extui %eq3A_22 : i1 to i32
    %cond3A_24 = arith.constant 0 : i32
    %cond3A_25 = arith.cmpi ne, %convert_element_type3A_23, %cond3A_24 : i32
    scf.if %cond3A_25 {
      %dma_start3A = arith.constant 0 : i32
      %dma_start3A_37 = arith.constant 0 : i32
      %dma_start3A_38 = tpu.memref_slice %arg11[%dma_start3A, %dma_start3A_37] : memref<4x128xi32, #tpu.memory_space<vmem>> -> memref<2x128xi32, #tpu.memory_space<vmem>>
      %dma_start3A_39 = arith.constant 0 : i32
      %dma_start3A_40 = tpu.memref_slice %arg6[%add3A, %dma_start3A_39] : memref<2500x128xi32, #tpu.memory_space<hbm>> -> memref<2x128xi32, #tpu.memory_space<hbm>>
      %dma_start3A_41 = arith.constant 0 : i32
      %dma_start3A_42 = arith.constant 0 : i32
      %dma_start3A_43 = tpu.memref_slice %arg11[%dma_start3A_41, %dma_start3A_42] : memref<4x128xi32, #tpu.memory_space<vmem>> -> memref<2x128xi32, #tpu.memory_space<vmem>>
      %dma_start3A_44 = arith.constant 0 : i32
      %dma_start3A_45 = tpu.memref_slice %arg6[%add3A, %dma_start3A_44] : memref<2500x128xi32, #tpu.memory_space<hbm>> -> memref<2x128xi32, #tpu.memory_space<hbm>>
      tpu.enqueue_dma source(%dma_start3A_45 : memref<2x128xi32, #tpu.memory_space<hbm>>) target(%dma_start3A_43 : memref<2x128xi32, #tpu.memory_space<vmem>>) target_semaphore(%arg15 : memref<!tpu.dma_semaphore, #tpu.memory_space<semaphore_mem>>)
      %dma_start3A_46 = arith.constant 0 : i32
      %dma_start3A_47 = arith.constant 0 : i32
      %dma_start3A_48 = tpu.memref_slice %arg12[%dma_start3A_46, %dma_start3A_47] : memref<4x128xi32, #tpu.memory_space<vmem>> -> memref<2x128xi32, #tpu.memory_space<vmem>>
      %dma_start3A_49 = arith.constant 0 : i32
      %dma_start3A_50 = tpu.memref_slice %arg7[%add3A, %dma_start3A_49] : memref<2500x128xi32, #tpu.memory_space<hbm>> -> memref<2x128xi32, #tpu.memory_space<hbm>>
      %dma_start3A_51 = arith.constant 0 : i32
      %dma_start3A_52 = arith.constant 0 : i32
      %dma_start3A_53 = tpu.memref_slice %arg12[%dma_start3A_51, %dma_start3A_52] : memref<4x128xi32, #tpu.memory_space<vmem>> -> memref<2x128xi32, #tpu.memory_space<vmem>>
      %dma_start3A_54 = arith.constant 0 : i32
      %dma_start3A_55 = tpu.memref_slice %arg7[%add3A, %dma_start3A_54] : memref<2500x128xi32, #tpu.memory_space<hbm>> -> memref<2x128xi32, #tpu.memory_space<hbm>>
      tpu.enqueue_dma source(%dma_start3A_55 : memref<2x128xi32, #tpu.memory_space<hbm>>) target(%dma_start3A_53 : memref<2x128xi32, #tpu.memory_space<vmem>>) target_semaphore(%arg15 : memref<!tpu.dma_semaphore, #tpu.memory_space<semaphore_mem>>)
      %scan3A_56 = arith.constant 0 : i32
      %scan3A_57 = arith.constant 0 : i32
      %scan3A_58 = arith.constant 78 : i32
      %scan3A_59 = arith.addi %scan3A_57, %scan3A_58 : i32
      %scan3A_60 = arith.constant 1 : i32
      scf.for %scan3A_99 = %scan3A_57 to %scan3A_59 step %scan3A_60  : i32 {
        %and3A = arith.constant 1 : i32
        %and3A_100 = arith.andi %scan3A_99, %and3A : i32
        %mul3A_101 = arith.constant 2 : i32
        %mul3A_102 = arith.muli %mul3A_101, %and3A_100 : i32
        %sub3A = arith.constant 2 : i32
        %sub3A_103 = arith.subi %sub3A, %mul3A_102 : i32
        %add3A_104 = arith.constant 1 : i32
        %add3A_105 = arith.addi %mul3A_102, %add3A_104 : i32
        %dma_wait3A_106 = arith.constant 0 : i32
        %dma_wait3A_107 = arith.constant 0 : i32
        %dma_wait3A_108 = tpu.memref_slice %arg11[%dma_wait3A_106, %dma_wait3A_107] : memref<4x128xi32, #tpu.memory_space<vmem>> -> memref<2x128xi32, #tpu.memory_space<vmem>>
        %dma_wait3A_109 = arith.constant 0 : i32
        %dma_wait3A_110 = tpu.memref_slice %arg6[%add3A, %dma_wait3A_109] : memref<2500x128xi32, #tpu.memory_space<hbm>> -> memref<2x128xi32, #tpu.memory_space<hbm>>
        %dma_wait3A_111 = arith.constant 0 : i32
        %dma_wait3A_112 = arith.constant 0 : i32
        %dma_wait3A_113 = tpu.memref_slice %arg11[%dma_wait3A_111, %dma_wait3A_112] : memref<4x128xi32, #tpu.memory_space<vmem>> -> memref<2x128xi32, #tpu.memory_space<vmem>>
        %dma_wait3A_114 = arith.constant 0 : i32
        %dma_wait3A_115 = tpu.memref_slice %arg6[%add3A, %dma_wait3A_114] : memref<2500x128xi32, #tpu.memory_space<hbm>> -> memref<2x128xi32, #tpu.memory_space<hbm>>
        tpu.wait_dma2 semaphore(%arg15 : memref<!tpu.dma_semaphore, #tpu.memory_space<semaphore_mem>>) src(%dma_wait3A_115 : memref<2x128xi32, #tpu.memory_space<hbm>>) dst(%dma_wait3A_113 : memref<2x128xi32, #tpu.memory_space<vmem>>)
        %dma_wait3A_116 = arith.constant 0 : i32
        %dma_wait3A_117 = arith.constant 0 : i32
        %dma_wait3A_118 = tpu.memref_slice %arg12[%dma_wait3A_116, %dma_wait3A_117] : memref<4x128xi32, #tpu.memory_space<vmem>> -> memref<2x128xi32, #tpu.memory_space<vmem>>
        %dma_wait3A_119 = arith.constant 0 : i32
        %dma_wait3A_120 = tpu.memref_slice %arg7[%add3A, %dma_wait3A_119] : memref<2500x128xi32, #tpu.memory_space<hbm>> -> memref<2x128xi32, #tpu.memory_space<hbm>>
        %dma_wait3A_121 = arith.constant 0 : i32
        %dma_wait3A_122 = arith.constant 0 : i32
        %dma_wait3A_123 = tpu.memref_slice %arg12[%dma_wait3A_121, %dma_wait3A_122] : memref<4x128xi32, #tpu.memory_space<vmem>> -> memref<2x128xi32, #tpu.memory_space<vmem>>
        %dma_wait3A_124 = arith.constant 0 : i32
        %dma_wait3A_125 = tpu.memref_slice %arg7[%add3A, %dma_wait3A_124] : memref<2500x128xi32, #tpu.memory_space<hbm>> -> memref<2x128xi32, #tpu.memory_space<hbm>>
        tpu.wait_dma2 semaphore(%arg15 : memref<!tpu.dma_semaphore, #tpu.memory_space<semaphore_mem>>) src(%dma_wait3A_125 : memref<2x128xi32, #tpu.memory_space<hbm>>) dst(%dma_wait3A_123 : memref<2x128xi32, #tpu.memory_space<vmem>>)
        %gt3A = arith.constant 0 : i32
        %gt3A_126 = arith.cmpi sgt, %scan3A_99, %gt3A : i32
        %convert_element_type3A_127 = arith.extui %gt3A_126 : i1 to i32
        %cond3A_128 = arith.constant 0 : i32
        %cond3A_129 = arith.cmpi ne, %convert_element_type3A_127, %cond3A_128 : i32
        scf.if %cond3A_129 {
          %dma_wait3A_194 = arith.constant 0 : i32
          %dma_wait3A_195 = tpu.memref_slice %arg12[%mul3A_102, %dma_wait3A_194] : memref<4x128xi32, #tpu.memory_space<vmem>> -> memref<1x128xi32, #tpu.memory_space<vmem>>
          %dma_wait3A_196 = tpu.memref_squeeze %dma_wait3A_195 : memref<1x128xi32, #tpu.memory_space<vmem>> -> memref<128xi32, #tpu.memory_space<vmem>>
          %dma_wait3A_197 = arith.constant 0 : i32
          %dma_wait3A_198 = arith.constant 0 : i32
          %dma_wait3A_199 = tpu.memref_slice %arg10[%dma_wait3A_197, %dma_wait3A_198] : memref<10240x128xf32, #tpu.memory_space<vmem_shared>> -> memref<10240x128xf32, #tpu.memory_space<vmem_shared>>
          tpu.wait_indirect_dma semaphore(%arg18 : memref<!tpu.dma_semaphore, #tpu.memory_space<semaphore_mem>>) src(%arg13 : memref<128x128xf32, #tpu.memory_space<vmem>>) dst(%dma_wait3A_199 : memref<10240x128xf32, #tpu.memory_space<vmem_shared>>)
        } else {
        }
        %dma_start3A_130 = arith.constant 0 : i32
        %dma_start3A_131 = tpu.memref_slice %arg11[%mul3A_102, %dma_start3A_130] : memref<4x128xi32, #tpu.memory_space<vmem>> -> memref<1x128xi32, #tpu.memory_space<vmem>>
        %dma_start3A_132 = tpu.memref_squeeze %dma_start3A_131 : memref<1x128xi32, #tpu.memory_space<vmem>> -> memref<128xi32, #tpu.memory_space<vmem>>
        %dma_start3A_133 = arith.constant 0 : i32
        %dma_start3A_134 = arith.constant 0 : i32
        %dma_start3A_135 = tpu.memref_slice %arg3[%dma_start3A_133, %dma_start3A_134] : memref<10000x128xf32, #tpu.memory_space<hbm>> -> memref<10000x128xf32, #tpu.memory_space<hbm>>
        tpu.enqueue_indirect_dma source(%dma_start3A_135 : memref<10000x128xf32, #tpu.memory_space<hbm>>) target(%arg13 : memref<128x128xf32, #tpu.memory_space<vmem>>) offsets(%dma_start3A_132 : memref<128xi32, #tpu.memory_space<vmem>>) semaphore(%arg16 : memref<!tpu.dma_semaphore, #tpu.memory_space<semaphore_mem>>)
        %dma_wait3A_136 = arith.constant 0 : i32
        %dma_wait3A_137 = tpu.memref_slice %arg11[%mul3A_102, %dma_wait3A_136] : memref<4x128xi32, #tpu.memory_space<vmem>> -> memref<1x128xi32, #tpu.memory_space<vmem>>
        %dma_wait3A_138 = tpu.memref_squeeze %dma_wait3A_137 : memref<1x128xi32, #tpu.memory_space<vmem>> -> memref<128xi32, #tpu.memory_space<vmem>>
        %dma_wait3A_139 = arith.constant 0 : i32
        %dma_wait3A_140 = arith.constant 0 : i32
        %dma_wait3A_141 = tpu.memref_slice %arg3[%dma_wait3A_139, %dma_wait3A_140] : memref<10000x128xf32, #tpu.memory_space<hbm>> -> memref<10000x128xf32, #tpu.memory_space<hbm>>
        tpu.wait_indirect_dma semaphore(%arg16 : memref<!tpu.dma_semaphore, #tpu.memory_space<semaphore_mem>>) src(%dma_wait3A_141 : memref<10000x128xf32, #tpu.memory_space<hbm>>) dst(%arg13 : memref<128x128xf32, #tpu.memory_space<vmem>>)
        %dma_start3A_142 = arith.constant 0 : i32
        %dma_start3A_143 = tpu.memref_slice %arg12[%mul3A_102, %dma_start3A_142] : memref<4x128xi32, #tpu.memory_space<vmem>> -> memref<1x128xi32, #tpu.memory_space<vmem>>
        %dma_start3A_144 = tpu.memref_squeeze %dma_start3A_143 : memref<1x128xi32, #tpu.memory_space<vmem>> -> memref<128xi32, #tpu.memory_space<vmem>>
        %dma_start3A_145 = arith.constant 0 : i32
        %dma_start3A_146 = arith.constant 0 : i32
        %dma_start3A_147 = tpu.memref_slice %arg10[%dma_start3A_145, %dma_start3A_146] : memref<10240x128xf32, #tpu.memory_space<vmem_shared>> -> memref<10240x128xf32, #tpu.memory_space<vmem_shared>>
        tpu.enqueue_indirect_dma source(%arg13 : memref<128x128xf32, #tpu.memory_space<vmem>>) target(%dma_start3A_147 : memref<10240x128xf32, #tpu.memory_space<vmem_shared>>) offsets(%dma_start3A_144 : memref<128xi32, #tpu.memory_space<vmem>>) semaphore(%arg18 : memref<!tpu.dma_semaphore, #tpu.memory_space<semaphore_mem>>) {add = true}
        %gt3A_148 = arith.constant 0 : i32
        %gt3A_149 = arith.cmpi sgt, %scan3A_99, %gt3A_148 : i32
        %convert_element_type3A_150 = arith.extui %gt3A_149 : i1 to i32
        %cond3A_151 = arith.constant 0 : i32
        %cond3A_152 = arith.cmpi ne, %convert_element_type3A_150, %cond3A_151 : i32
        scf.if %cond3A_152 {
          %dma_wait3A_194 = arith.constant 0 : i32
          %dma_wait3A_195 = tpu.memref_slice %arg12[%add3A_105, %dma_wait3A_194] : memref<4x128xi32, #tpu.memory_space<vmem>> -> memref<1x128xi32, #tpu.memory_space<vmem>>
          %dma_wait3A_196 = tpu.memref_squeeze %dma_wait3A_195 : memref<1x128xi32, #tpu.memory_space<vmem>> -> memref<128xi32, #tpu.memory_space<vmem>>
          %dma_wait3A_197 = arith.constant 0 : i32
          %dma_wait3A_198 = arith.constant 0 : i32
          %dma_wait3A_199 = tpu.memref_slice %arg10[%dma_wait3A_197, %dma_wait3A_198] : memref<10240x128xf32, #tpu.memory_space<vmem_shared>> -> memref<10240x128xf32, #tpu.memory_space<vmem_shared>>
          tpu.wait_indirect_dma semaphore(%arg19 : memref<!tpu.dma_semaphore, #tpu.memory_space<semaphore_mem>>) src(%arg14 : memref<128x128xf32, #tpu.memory_space<vmem>>) dst(%dma_wait3A_199 : memref<10240x128xf32, #tpu.memory_space<vmem_shared>>)
        } else {
        }
        %add3A_153 = arith.constant 1 : i32
        %add3A_154 = arith.addi %scan3A_99, %add3A_153 : i32
        %mul3A_155 = arith.constant 2 : i32
        %mul3A_156 = arith.muli %mul3A_155, %add3A_154 : i32
        %add3A_157 = arith.addi %add3A, %mul3A_156 : i32
        %min3A_158 = arith.constant 2498 : i32
        %min3A_159 = arith.minsi %add3A_157, %min3A_158 : i32
        %dma_start3A_160 = arith.constant 0 : i32
        %dma_start3A_161 = tpu.memref_slice %arg11[%sub3A_103, %dma_start3A_160] : memref<4x128xi32, #tpu.memory_space<vmem>> -> memref<2x128xi32, #tpu.memory_space<vmem>>
        %dma_start3A_162 = arith.constant 0 : i32
        %dma_start3A_163 = tpu.memref_slice %arg6[%min3A_159, %dma_start3A_162] : memref<2500x128xi32, #tpu.memory_space<hbm>> -> memref<2x128xi32, #tpu.memory_space<hbm>>
        %dma_start3A_164 = arith.constant 0 : i32
        %dma_start3A_165 = tpu.memref_slice %arg11[%sub3A_103, %dma_start3A_164] : memref<4x128xi32, #tpu.memory_space<vmem>> -> memref<2x128xi32, #tpu.memory_space<vmem>>
        %dma_start3A_166 = arith.constant 0 : i32
        %dma_start3A_167 = tpu.memref_slice %arg6[%min3A_159, %dma_start3A_166] : memref<2500x128xi32, #tpu.memory_space<hbm>> -> memref<2x128xi32, #tpu.memory_space<hbm>>
        tpu.enqueue_dma source(%dma_start3A_167 : memref<2x128xi32, #tpu.memory_space<hbm>>) target(%dma_start3A_165 : memref<2x128xi32, #tpu.memory_space<vmem>>) target_semaphore(%arg15 : memref<!tpu.dma_semaphore, #tpu.memory_space<semaphore_mem>>)
        %dma_start3A_168 = arith.constant 0 : i32
        %dma_start3A_169 = tpu.memref_slice %arg12[%sub3A_103, %dma_start3A_168] : memref<4x128xi32, #tpu.memory_space<vmem>> -> memref<2x128xi32, #tpu.memory_space<vmem>>
        %dma_start3A_170 = arith.constant 0 : i32
        %dma_start3A_171 = tpu.memref_slice %arg7[%min3A_159, %dma_start3A_170] : memref<2500x128xi32, #tpu.memory_space<hbm>> -> memref<2x128xi32, #tpu.memory_space<hbm>>
        %dma_start3A_172 = arith.constant 0 : i32
        %dma_start3A_173 = tpu.memref_slice %arg12[%sub3A_103, %dma_start3A_172] : memref<4x128xi32, #tpu.memory_space<vmem>> -> memref<2x128xi32, #tpu.memory_space<vmem>>
        %dma_start3A_174 = arith.constant 0 : i32
        %dma_start3A_175 = tpu.memref_slice %arg7[%min3A_159, %dma_start3A_174] : memref<2500x128xi32, #tpu.memory_space<hbm>> -> memref<2x128xi32, #tpu.memory_space<hbm>>
        tpu.enqueue_dma source(%dma_start3A_175 : memref<2x128xi32, #tpu.memory_space<hbm>>) target(%dma_start3A_173 : memref<2x128xi32, #tpu.memory_space<vmem>>) target_semaphore(%arg15 : memref<!tpu.dma_semaphore, #tpu.memory_space<semaphore_mem>>)
        %dma_start3A_176 = arith.constant 0 : i32
        %dma_start3A_177 = tpu.memref_slice %arg11[%add3A_105, %dma_start3A_176] : memref<4x128xi32, #tpu.memory_space<vmem>> -> memref<1x128xi32, #tpu.memory_space<vmem>>
        %dma_start3A_178 = tpu.memref_squeeze %dma_start3A_177 : memref<1x128xi32, #tpu.memory_space<vmem>> -> memref<128xi32, #tpu.memory_space<vmem>>
        %dma_start3A_179 = arith.constant 0 : i32
        %dma_start3A_180 = arith.constant 0 : i32
        %dma_start3A_181 = tpu.memref_slice %arg3[%dma_start3A_179, %dma_start3A_180] : memref<10000x128xf32, #tpu.memory_space<hbm>> -> memref<10000x128xf32, #tpu.memory_space<hbm>>
        tpu.enqueue_indirect_dma source(%dma_start3A_181 : memref<10000x128xf32, #tpu.memory_space<hbm>>) target(%arg14 : memref<128x128xf32, #tpu.memory_space<vmem>>) offsets(%dma_start3A_178 : memref<128xi32, #tpu.memory_space<vmem>>) semaphore(%arg17 : memref<!tpu.dma_semaphore, #tpu.memory_space<semaphore_mem>>)
        %dma_wait3A_182 = arith.constant 0 : i32
        %dma_wait3A_183 = tpu.memref_slice %arg11[%add3A_105, %dma_wait3A_182] : memref<4x128xi32, #tpu.memory_space<vmem>> -> memref<1x128xi32, #tpu.memory_space<vmem>>
        %dma_wait3A_184 = tpu.memref_squeeze %dma_wait3A_183 : memref<1x128xi32, #tpu.memory_space<vmem>> -> memref<128xi32, #tpu.memory_space<vmem>>
        %dma_wait3A_185 = arith.constant 0 : i32
        %dma_wait3A_186 = arith.constant 0 : i32
        %dma_wait3A_187 = tpu.memref_slice %arg3[%dma_wait3A_185, %dma_wait3A_186] : memref<10000x128xf32, #tpu.memory_space<hbm>> -> memref<10000x128xf32, #tpu.memory_space<hbm>>
        tpu.wait_indirect_dma semaphore(%arg17 : memref<!tpu.dma_semaphore, #tpu.memory_space<semaphore_mem>>) src(%dma_wait3A_187 : memref<10000x128xf32, #tpu.memory_space<hbm>>) dst(%arg14 : memref<128x128xf32, #tpu.memory_space<vmem>>)
        %dma_start3A_188 = arith.constant 0 : i32
        %dma_start3A_189 = tpu.memref_slice %arg12[%add3A_105, %dma_start3A_188] : memref<4x128xi32, #tpu.memory_space<vmem>> -> memref<1x128xi32, #tpu.memory_space<vmem>>
        %dma_start3A_190 = tpu.memref_squeeze %dma_start3A_189 : memref<1x128xi32, #tpu.memory_space<vmem>> -> memref<128xi32, #tpu.memory_space<vmem>>
        %dma_start3A_191 = arith.constant 0 : i32
        %dma_start3A_192 = arith.constant 0 : i32
        %dma_start3A_193 = tpu.memref_slice %arg10[%dma_start3A_191, %dma_start3A_192] : memref<10240x128xf32, #tpu.memory_space<vmem_shared>> -> memref<10240x128xf32, #tpu.memory_space<vmem_shared>>
        tpu.enqueue_indirect_dma source(%arg14 : memref<128x128xf32, #tpu.memory_space<vmem>>) target(%dma_start3A_193 : memref<10240x128xf32, #tpu.memory_space<vmem_shared>>) offsets(%dma_start3A_190 : memref<128xi32, #tpu.memory_space<vmem>>) semaphore(%arg19 : memref<!tpu.dma_semaphore, #tpu.memory_space<semaphore_mem>>) {add = true}
      }
      %scan3A_61 = arith.constant 78 : i32
      %dma_wait3A = arith.constant 0 : i32
      %dma_wait3A_62 = arith.constant 0 : i32
      %dma_wait3A_63 = tpu.memref_slice %arg11[%dma_wait3A, %dma_wait3A_62] : memref<4x128xi32, #tpu.memory_space<vmem>> -> memref<2x128xi32, #tpu.memory_space<vmem>>
      %dma_wait3A_64 = arith.constant 0 : i32
      %dma_wait3A_65 = tpu.memref_slice %arg6[%add3A, %dma_wait3A_64] : memref<2500x128xi32, #tpu.memory_space<hbm>> -> memref<2x128xi32, #tpu.memory_space<hbm>>
      %dma_wait3A_66 = arith.constant 0 : i32
      %dma_wait3A_67 = arith.constant 0 : i32
      %dma_wait3A_68 = tpu.memref_slice %arg11[%dma_wait3A_66, %dma_wait3A_67] : memref<4x128xi32, #tpu.memory_space<vmem>> -> memref<2x128xi32, #tpu.memory_space<vmem>>
      %dma_wait3A_69 = arith.constant 0 : i32
      %dma_wait3A_70 = tpu.memref_slice %arg6[%add3A, %dma_wait3A_69] : memref<2500x128xi32, #tpu.memory_space<hbm>> -> memref<2x128xi32, #tpu.memory_space<hbm>>
      tpu.wait_dma2 semaphore(%arg15 : memref<!tpu.dma_semaphore, #tpu.memory_space<semaphore_mem>>) src(%dma_wait3A_70 : memref<2x128xi32, #tpu.memory_space<hbm>>) dst(%dma_wait3A_68 : memref<2x128xi32, #tpu.memory_space<vmem>>)
      %dma_wait3A_71 = arith.constant 0 : i32
      %dma_wait3A_72 = arith.constant 0 : i32
      %dma_wait3A_73 = tpu.memref_slice %arg12[%dma_wait3A_71, %dma_wait3A_72] : memref<4x128xi32, #tpu.memory_space<vmem>> -> memref<2x128xi32, #tpu.memory_space<vmem>>
      %dma_wait3A_74 = arith.constant 0 : i32
      %dma_wait3A_75 = tpu.memref_slice %arg7[%add3A, %dma_wait3A_74] : memref<2500x128xi32, #tpu.memory_space<hbm>> -> memref<2x128xi32, #tpu.memory_space<hbm>>
      %dma_wait3A_76 = arith.constant 0 : i32
      %dma_wait3A_77 = arith.constant 0 : i32
      %dma_wait3A_78 = tpu.memref_slice %arg12[%dma_wait3A_76, %dma_wait3A_77] : memref<4x128xi32, #tpu.memory_space<vmem>> -> memref<2x128xi32, #tpu.memory_space<vmem>>
      %dma_wait3A_79 = arith.constant 0 : i32
      %dma_wait3A_80 = tpu.memref_slice %arg7[%add3A, %dma_wait3A_79] : memref<2500x128xi32, #tpu.memory_space<hbm>> -> memref<2x128xi32, #tpu.memory_space<hbm>>
      tpu.wait_dma2 semaphore(%arg15 : memref<!tpu.dma_semaphore, #tpu.memory_space<semaphore_mem>>) src(%dma_wait3A_80 : memref<2x128xi32, #tpu.memory_space<hbm>>) dst(%dma_wait3A_78 : memref<2x128xi32, #tpu.memory_space<vmem>>)
      %dma_wait3A_81 = arith.constant 0 : i32
      %dma_wait3A_82 = arith.constant 0 : i32
      %dma_wait3A_83 = tpu.memref_slice %arg12[%dma_wait3A_81, %dma_wait3A_82] : memref<4x128xi32, #tpu.memory_space<vmem>> -> memref<1x128xi32, #tpu.memory_space<vmem>>
      %dma_wait3A_84 = tpu.memref_squeeze %dma_wait3A_83 : memref<1x128xi32, #tpu.memory_space<vmem>> -> memref<128xi32, #tpu.memory_space<vmem>>
      %dma_wait3A_85 = arith.constant 0 : i32
      %dma_wait3A_86 = arith.constant 0 : i32
      %dma_wait3A_87 = tpu.memref_slice %arg10[%dma_wait3A_85, %dma_wait3A_86] : memref<10240x128xf32, #tpu.memory_space<vmem_shared>> -> memref<10240x128xf32, #tpu.memory_space<vmem_shared>>
      tpu.wait_indirect_dma semaphore(%arg18 : memref<!tpu.dma_semaphore, #tpu.memory_space<semaphore_mem>>) src(%arg13 : memref<128x128xf32, #tpu.memory_space<vmem>>) dst(%dma_wait3A_87 : memref<10240x128xf32, #tpu.memory_space<vmem_shared>>)
      %dma_wait3A_88 = arith.constant 1 : i32
      %dma_wait3A_89 = arith.constant 0 : i32
      %dma_wait3A_90 = tpu.memref_slice %arg12[%dma_wait3A_88, %dma_wait3A_89] : memref<4x128xi32, #tpu.memory_space<vmem>> -> memref<1x128xi32, #tpu.memory_space<vmem>>
      %dma_wait3A_91 = tpu.memref_squeeze %dma_wait3A_90 : memref<1x128xi32, #tpu.memory_space<vmem>> -> memref<128xi32, #tpu.memory_space<vmem>>
      %dma_wait3A_92 = arith.constant 0 : i32
      %dma_wait3A_93 = arith.constant 0 : i32
      %dma_wait3A_94 = tpu.memref_slice %arg10[%dma_wait3A_92, %dma_wait3A_93] : memref<10240x128xf32, #tpu.memory_space<vmem_shared>> -> memref<10240x128xf32, #tpu.memory_space<vmem_shared>>
      tpu.wait_indirect_dma semaphore(%arg19 : memref<!tpu.dma_semaphore, #tpu.memory_space<semaphore_mem>>) src(%arg14 : memref<128x128xf32, #tpu.memory_space<vmem>>) dst(%dma_wait3A_94 : memref<10240x128xf32, #tpu.memory_space<vmem_shared>>)
      %lt3A = arith.constant 4 : i32
      %lt3A_95 = arith.cmpi slt, %arg1, %lt3A : i32
      %convert_element_type3A_96 = arith.extui %lt3A_95 : i1 to i32
      %cond3A_97 = arith.constant 0 : i32
      %cond3A_98 = arith.cmpi ne, %convert_element_type3A_96, %cond3A_97 : i32
      scf.if %cond3A_98 {
        %dma_start3A_99 = arith.constant 0 : i32
        %dma_start3A_100 = arith.constant 0 : i32
        %dma_start3A_101 = tpu.memref_slice %arg11[%dma_start3A_99, %dma_start3A_100] : memref<4x128xi32, #tpu.memory_space<vmem>> -> memref<1x128xi32, #tpu.memory_space<vmem>>
        %dma_start3A_102 = tpu.memref_squeeze %dma_start3A_101 : memref<1x128xi32, #tpu.memory_space<vmem>> -> memref<128xi32, #tpu.memory_space<vmem>>
        %dma_start3A_103 = arith.constant 0 : i32
        %dma_start3A_104 = arith.constant 0 : i32
        %dma_start3A_105 = tpu.memref_slice %arg3[%dma_start3A_103, %dma_start3A_104] : memref<10000x128xf32, #tpu.memory_space<hbm>> -> memref<10000x128xf32, #tpu.memory_space<hbm>>
        tpu.enqueue_indirect_dma source(%dma_start3A_105 : memref<10000x128xf32, #tpu.memory_space<hbm>>) target(%arg13 : memref<128x128xf32, #tpu.memory_space<vmem>>) offsets(%dma_start3A_102 : memref<128xi32, #tpu.memory_space<vmem>>) semaphore(%arg16 : memref<!tpu.dma_semaphore, #tpu.memory_space<semaphore_mem>>)
        %dma_wait3A_106 = arith.constant 0 : i32
        %dma_wait3A_107 = arith.constant 0 : i32
        %dma_wait3A_108 = tpu.memref_slice %arg11[%dma_wait3A_106, %dma_wait3A_107] : memref<4x128xi32, #tpu.memory_space<vmem>> -> memref<1x128xi32, #tpu.memory_space<vmem>>
        %dma_wait3A_109 = tpu.memref_squeeze %dma_wait3A_108 : memref<1x128xi32, #tpu.memory_space<vmem>> -> memref<128xi32, #tpu.memory_space<vmem>>
        %dma_wait3A_110 = arith.constant 0 : i32
        %dma_wait3A_111 = arith.constant 0 : i32
        %dma_wait3A_112 = tpu.memref_slice %arg3[%dma_wait3A_110, %dma_wait3A_111] : memref<10000x128xf32, #tpu.memory_space<hbm>> -> memref<10000x128xf32, #tpu.memory_space<hbm>>
        tpu.wait_indirect_dma semaphore(%arg16 : memref<!tpu.dma_semaphore, #tpu.memory_space<semaphore_mem>>) src(%dma_wait3A_112 : memref<10000x128xf32, #tpu.memory_space<hbm>>) dst(%arg13 : memref<128x128xf32, #tpu.memory_space<vmem>>)
        %run_scoped3A = arith.constant 0 : i32
        "tpu.region"() ({
          %run_scoped3A_113 = tpu.sem_alloc : memref<!tpu.dma_semaphore, #tpu.memory_space<semaphore_mem>>
          %dma_start3A_114 = arith.constant 0 : i32
          %dma_start3A_115 = tpu.memref_slice %arg12[%run_scoped3A, %dma_start3A_114] : memref<4x128xi32, #tpu.memory_space<vmem>> -> memref<1x128xi32, #tpu.memory_space<vmem>>
          %dma_start3A_116 = tpu.memref_squeeze %dma_start3A_115 : memref<1x128xi32, #tpu.memory_space<vmem>> -> memref<128xi32, #tpu.memory_space<vmem>>
          %dma_start3A_117 = arith.constant 0 : i32
          %dma_start3A_118 = arith.constant 0 : i32
          %dma_start3A_119 = tpu.memref_slice %arg10[%dma_start3A_117, %dma_start3A_118] : memref<10240x128xf32, #tpu.memory_space<vmem_shared>> -> memref<10240x128xf32, #tpu.memory_space<vmem_shared>>
          tpu.enqueue_indirect_dma source(%arg13 : memref<128x128xf32, #tpu.memory_space<vmem>>) target(%dma_start3A_119 : memref<10240x128xf32, #tpu.memory_space<vmem_shared>>) offsets(%dma_start3A_116 : memref<128xi32, #tpu.memory_space<vmem>>) semaphore(%run_scoped3A_113 : memref<!tpu.dma_semaphore, #tpu.memory_space<semaphore_mem>>) {add = true}
          %dma_wait3A_120 = arith.constant 0 : i32
          %dma_wait3A_121 = tpu.memref_slice %arg12[%run_scoped3A, %dma_wait3A_120] : memref<4x128xi32, #tpu.memory_space<vmem>> -> memref<1x128xi32, #tpu.memory_space<vmem>>
          %dma_wait3A_122 = tpu.memref_squeeze %dma_wait3A_121 : memref<1x128xi32, #tpu.memory_space<vmem>> -> memref<128xi32, #tpu.memory_space<vmem>>
          %dma_wait3A_123 = arith.constant 0 : i32
          %dma_wait3A_124 = arith.constant 0 : i32
          %dma_wait3A_125 = tpu.memref_slice %arg10[%dma_wait3A_123, %dma_wait3A_124] : memref<10240x128xf32, #tpu.memory_space<vmem_shared>> -> memref<10240x128xf32, #tpu.memory_space<vmem_shared>>
          tpu.wait_indirect_dma semaphore(%run_scoped3A_113 : memref<!tpu.dma_semaphore, #tpu.memory_space<semaphore_mem>>) src(%arg13 : memref<128x128xf32, #tpu.memory_space<vmem>>) dst(%dma_wait3A_125 : memref<10240x128xf32, #tpu.memory_space<vmem_shared>>)
          tpu.yield
        }) : () -> ()
      } else {
      }
    } else {
    }
    %barrier3A_26 = arith.constant 0 : index
    tpu.barrier barrier_id(%barrier3A_26)
    %eq3A_27 = arith.constant 0 : i32
    %eq3A_28 = arith.cmpi eq, %arg0, %eq3A_27 : i32
    %convert_element_type3A_29 = arith.extui %eq3A_28 : i1 to i32
    %cond3A_30 = arith.constant 0 : i32
    %cond3A_31 = arith.cmpi ne, %convert_element_type3A_29, %cond3A_30 : i32
    scf.if %cond3A_31 {
      "tpu.region"() ({
        %run_scoped3A = tpu.sem_alloc : memref<!tpu.dma_semaphore, #tpu.memory_space<semaphore_mem>>
        %dma_start3A = arith.constant 0 : i32
        %dma_start3A_37 = tpu.memref_slice %arg8[%mul3A_8, %dma_start3A] : memref<10240x128xf32, #tpu.memory_space<hbm>> -> memref<640x128xf32, #tpu.memory_space<hbm>>
        %dma_start3A_38 = arith.constant 0 : i32
        %dma_start3A_39 = tpu.memref_slice %arg10[%mul3A_8, %dma_start3A_38] : memref<10240x128xf32, #tpu.memory_space<vmem_shared>> -> memref<640x128xf32, #tpu.memory_space<vmem_shared>>
        tpu.enqueue_dma source(%dma_start3A_39 : memref<640x128xf32, #tpu.memory_space<vmem_shared>>) target(%dma_start3A_37 : memref<640x128xf32, #tpu.memory_space<hbm>>) target_semaphore(%run_scoped3A : memref<!tpu.dma_semaphore, #tpu.memory_space<semaphore_mem>>)
        %dma_wait3A = arith.constant 0 : i32
        %dma_wait3A_40 = tpu.memref_slice %arg8[%mul3A_8, %dma_wait3A] : memref<10240x128xf32, #tpu.memory_space<hbm>> -> memref<640x128xf32, #tpu.memory_space<hbm>>
        %dma_wait3A_41 = arith.constant 0 : i32
        %dma_wait3A_42 = tpu.memref_slice %arg10[%mul3A_8, %dma_wait3A_41] : memref<10240x128xf32, #tpu.memory_space<vmem_shared>> -> memref<640x128xf32, #tpu.memory_space<vmem_shared>>
        tpu.wait_dma2 semaphore(%run_scoped3A : memref<!tpu.dma_semaphore, #tpu.memory_space<semaphore_mem>>) src(%dma_wait3A_42 : memref<640x128xf32, #tpu.memory_space<vmem_shared>>) dst(%dma_wait3A_40 : memref<640x128xf32, #tpu.memory_space<hbm>>)
        tpu.yield
      }) : () -> ()
    } else {
    }
    %eq3A_32 = arith.constant 1 : i32
    %eq3A_33 = arith.cmpi eq, %arg0, %eq3A_32 : i32
    %convert_element_type3A_34 = arith.extui %eq3A_33 : i1 to i32
    %cond3A_35 = arith.constant 0 : i32
    %cond3A_36 = arith.cmpi ne, %convert_element_type3A_34, %cond3A_35 : i32
    scf.if %cond3A_36 {
      "tpu.region"() ({
        %run_scoped3A = tpu.sem_alloc : memref<!tpu.dma_semaphore, #tpu.memory_space<semaphore_mem>>
        %dma_start3A = arith.constant 0 : i32
        %dma_start3A_37 = tpu.memref_slice %arg9[%mul3A_8, %dma_start3A] : memref<10240x128xf32, #tpu.memory_space<hbm>> -> memref<640x128xf32, #tpu.memory_space<hbm>>
        %dma_start3A_38 = arith.constant 0 : i32
        %dma_start3A_39 = tpu.memref_slice %arg10[%mul3A_8, %dma_start3A_38] : memref<10240x128xf32, #tpu.memory_space<vmem_shared>> -> memref<640x128xf32, #tpu.memory_space<vmem_shared>>
        tpu.enqueue_dma source(%dma_start3A_39 : memref<640x128xf32, #tpu.memory_space<vmem_shared>>) target(%dma_start3A_37 : memref<640x128xf32, #tpu.memory_space<hbm>>) target_semaphore(%run_scoped3A : memref<!tpu.dma_semaphore, #tpu.memory_space<semaphore_mem>>)
        %dma_wait3A = arith.constant 0 : i32
        %dma_wait3A_40 = tpu.memref_slice %arg9[%mul3A_8, %dma_wait3A] : memref<10240x128xf32, #tpu.memory_space<hbm>> -> memref<640x128xf32, #tpu.memory_space<hbm>>
        %dma_wait3A_41 = arith.constant 0 : i32
        %dma_wait3A_42 = tpu.memref_slice %arg10[%mul3A_8, %dma_wait3A_41] : memref<10240x128xf32, #tpu.memory_space<vmem_shared>> -> memref<640x128xf32, #tpu.memory_space<vmem_shared>>
        tpu.wait_dma2 semaphore(%run_scoped3A : memref<!tpu.dma_semaphore, #tpu.memory_space<semaphore_mem>>) src(%dma_wait3A_42 : memref<640x128xf32, #tpu.memory_space<vmem_shared>>) dst(%dma_wait3A_40 : memref<640x128xf32, #tpu.memory_space<hbm>>)
        tpu.yield
      }) : () -> ()
    } else {
    }
    return
  }
}

#map = affine_map<(d0, d1) -> (0, 0)>
module attributes {stable_mosaic.version = 14 : i64} {
  func.func @_sc_agg_body(%arg0: i32, %arg1: i32, %arg2: memref<10000x128xf32, #tpu.memory_space<hbm>>, %arg3: memref<10000x128xf32, #tpu.memory_space<hbm>>, %arg4: memref<2500x128xi32, #tpu.memory_space<hbm>>, %arg5: memref<2500x128xi32, #tpu.memory_space<hbm>>, %arg6: memref<2500x128xi32, #tpu.memory_space<hbm>>, %arg7: memref<2500x128xi32, #tpu.memory_space<hbm>>, %arg8: memref<10240x128xf32, #tpu.memory_space<hbm>>, %arg9: memref<10240x128xf32, #tpu.memory_space<hbm>>, %arg10: memref<10240x128xf32, #tpu.memory_space<vmem_shared>>, %arg11: memref<4x128xi32, #tpu.memory_space<vmem>>, %arg12: memref<4x128xi32, #tpu.memory_space<vmem>>, %arg13: memref<128x128xf32, #tpu.memory_space<vmem>>, %arg14: memref<128x128xf32, #tpu.memory_space<vmem>>, %arg15: memref<!tpu.dma_semaphore, #tpu.memory_space<semaphore_mem>>, %arg16: memref<!tpu.dma_semaphore, #tpu.memory_space<semaphore_mem>>, %arg17: memref<!tpu.dma_semaphore, #tpu.memory_space<semaphore_mem>>, %arg18: memref<!tpu.dma_semaphore, #tpu.memory_space<semaphore_mem>>, %arg19: memref<!tpu.dma_semaphore, #tpu.memory_space<semaphore_mem>>) attributes {dimension_semantics = [#tpu.dimension_semantics<core_parallel>, #tpu.dimension_semantics<subcore_parallel>], iteration_bounds = array<i64: 2, 16>, scalar_prefetch = 0 : i64, scratch_operands = 10 : i64, tpu.core_type = #tpu.core_type<sc_vector_subcore>, window_params = [{transform_indices = #map}, {transform_indices = #map}, {transform_indices = #map}, {transform_indices = #map}, {transform_indices = #map}, {transform_indices = #map}, {transform_indices = #map}, {transform_indices = #map}]} {
    %mul3A = arith.constant 156 : i32
    %mul3A_0 = arith.muli %mul3A, %arg1 : i32
    %min3A = arith.constant 4 : i32
    %min3A_1 = arith.minsi %arg1, %min3A : i32
    %add3A = arith.addi %mul3A_0, %min3A_1 : i32
    %scan3A = arith.constant 0 : i32
    %scan3A_2 = arith.constant 0 : i32
    %scan3A_3 = arith.constant 128 : i32
    %scan3A_4 = arith.addi %scan3A_2, %scan3A_3 : i32
    %scan3A_5 = arith.constant 1 : i32
    scf.for %scan3A_37 = %scan3A_2 to %scan3A_4 step %scan3A_5  : i32 {
      %broadcast_in_dim3A = arith.constant 0.000000e+00 : f32
      %broadcast_in_dim3A_38 = vector.broadcast %broadcast_in_dim3A : f32 to vector<16xf32>
      %swap3A = arith.index_cast %scan3A_37 : i32 to index
      %swap3A_39 = arith.constant 0 : index
      %swap3A_40 = tpu.vector_load %arg13[%swap3A, %swap3A_39] {strides = array<i32>} : memref<128x128xf32, #tpu.memory_space<vmem>>, vector<1x16xf32>,
      %swap3A_41 = vector.shape_cast %swap3A_40 : vector<1x16xf32> to vector<16xf32>
      %swap3A_42 = vector.shape_cast %broadcast_in_dim3A_38 : vector<16xf32> to vector<1x16xf32>
      tpu.vector_store %arg13[%swap3A, %swap3A_39], %swap3A_42 {strides = array<i32>} : memref<128x128xf32, #tpu.memory_space<vmem>>, vector<1x16xf32>,
      %broadcast_in_dim3A_43 = arith.constant 0.000000e+00 : f32
      %broadcast_in_dim3A_44 = vector.broadcast %broadcast_in_dim3A_43 : f32 to vector<16xf32>
      %swap3A_45 = arith.index_cast %scan3A_37 : i32 to index
      %swap3A_46 = arith.constant 16 : index
      %swap3A_47 = tpu.vector_load %arg13[%swap3A_45, %swap3A_46] {strides = array<i32>} : memref<128x128xf32, #tpu.memory_space<vmem>>, vector<1x16xf32>,
      %swap3A_48 = vector.shape_cast %swap3A_47 : vector<1x16xf32> to vector<16xf32>
      %swap3A_49 = vector.shape_cast %broadcast_in_dim3A_44 : vector<16xf32> to vector<1x16xf32>
      tpu.vector_store %arg13[%swap3A_45, %swap3A_46], %swap3A_49 {strides = array<i32>} : memref<128x128xf32, #tpu.memory_space<vmem>>, vector<1x16xf32>,
      %broadcast_in_dim3A_50 = arith.constant 0.000000e+00 : f32
      %broadcast_in_dim3A_51 = vector.broadcast %broadcast_in_dim3A_50 : f32 to vector<16xf32>
      %swap3A_52 = arith.index_cast %scan3A_37 : i32 to index
      %swap3A_53 = arith.constant 32 : index
      %swap3A_54 = tpu.vector_load %arg13[%swap3A_52, %swap3A_53] {strides = array<i32>} : memref<128x128xf32, #tpu.memory_space<vmem>>, vector<1x16xf32>,
      %swap3A_55 = vector.shape_cast %swap3A_54 : vector<1x16xf32> to vector<16xf32>
      %swap3A_56 = vector.shape_cast %broadcast_in_dim3A_51 : vector<16xf32> to vector<1x16xf32>
      tpu.vector_store %arg13[%swap3A_52, %swap3A_53], %swap3A_56 {strides = array<i32>} : memref<128x128xf32, #tpu.memory_space<vmem>>, vector<1x16xf32>,
      %broadcast_in_dim3A_57 = arith.constant 0.000000e+00 : f32
      %broadcast_in_dim3A_58 = vector.broadcast %broadcast_in_dim3A_57 : f32 to vector<16xf32>
      %swap3A_59 = arith.index_cast %scan3A_37 : i32 to index
      %swap3A_60 = arith.constant 48 : index
      %swap3A_61 = tpu.vector_load %arg13[%swap3A_59, %swap3A_60] {strides = array<i32>} : memref<128x128xf32, #tpu.memory_space<vmem>>, vector<1x16xf32>,
      %swap3A_62 = vector.shape_cast %swap3A_61 : vector<1x16xf32> to vector<16xf32>
      %swap3A_63 = vector.shape_cast %broadcast_in_dim3A_58 : vector<16xf32> to vector<1x16xf32>
      tpu.vector_store %arg13[%swap3A_59, %swap3A_60], %swap3A_63 {strides = array<i32>} : memref<128x128xf32, #tpu.memory_space<vmem>>, vector<1x16xf32>,
      %broadcast_in_dim3A_64 = arith.constant 0.000000e+00 : f32
      %broadcast_in_dim3A_65 = vector.broadcast %broadcast_in_dim3A_64 : f32 to vector<16xf32>
      %swap3A_66 = arith.index_cast %scan3A_37 : i32 to index
      %swap3A_67 = arith.constant 64 : index
      %swap3A_68 = tpu.vector_load %arg13[%swap3A_66, %swap3A_67] {strides = array<i32>} : memref<128x128xf32, #tpu.memory_space<vmem>>, vector<1x16xf32>,
      %swap3A_69 = vector.shape_cast %swap3A_68 : vector<1x16xf32> to vector<16xf32>
      %swap3A_70 = vector.shape_cast %broadcast_in_dim3A_65 : vector<16xf32> to vector<1x16xf32>
      tpu.vector_store %arg13[%swap3A_66, %swap3A_67], %swap3A_70 {strides = array<i32>} : memref<128x128xf32, #tpu.memory_space<vmem>>, vector<1x16xf32>,
      %broadcast_in_dim3A_71 = arith.constant 0.000000e+00 : f32
      %broadcast_in_dim3A_72 = vector.broadcast %broadcast_in_dim3A_71 : f32 to vector<16xf32>
      %swap3A_73 = arith.index_cast %scan3A_37 : i32 to index
      %swap3A_74 = arith.constant 80 : index
      %swap3A_75 = tpu.vector_load %arg13[%swap3A_73, %swap3A_74] {strides = array<i32>} : memref<128x128xf32, #tpu.memory_space<vmem>>, vector<1x16xf32>,
      %swap3A_76 = vector.shape_cast %swap3A_75 : vector<1x16xf32> to vector<16xf32>
      %swap3A_77 = vector.shape_cast %broadcast_in_dim3A_72 : vector<16xf32> to vector<1x16xf32>
      tpu.vector_store %arg13[%swap3A_73, %swap3A_74], %swap3A_77 {strides = array<i32>} : memref<128x128xf32, #tpu.memory_space<vmem>>, vector<1x16xf32>,
      %broadcast_in_dim3A_78 = arith.constant 0.000000e+00 : f32
      %broadcast_in_dim3A_79 = vector.broadcast %broadcast_in_dim3A_78 : f32 to vector<16xf32>
      %swap3A_80 = arith.index_cast %scan3A_37 : i32 to index
      %swap3A_81 = arith.constant 96 : index
      %swap3A_82 = tpu.vector_load %arg13[%swap3A_80, %swap3A_81] {strides = array<i32>} : memref<128x128xf32, #tpu.memory_space<vmem>>, vector<1x16xf32>,
      %swap3A_83 = vector.shape_cast %swap3A_82 : vector<1x16xf32> to vector<16xf32>
      %swap3A_84 = vector.shape_cast %broadcast_in_dim3A_79 : vector<16xf32> to vector<1x16xf32>
      tpu.vector_store %arg13[%swap3A_80, %swap3A_81], %swap3A_84 {strides = array<i32>} : memref<128x128xf32, #tpu.memory_space<vmem>>, vector<1x16xf32>,
      %broadcast_in_dim3A_85 = arith.constant 0.000000e+00 : f32
      %broadcast_in_dim3A_86 = vector.broadcast %broadcast_in_dim3A_85 : f32 to vector<16xf32>
      %swap3A_87 = arith.index_cast %scan3A_37 : i32 to index
      %swap3A_88 = arith.constant 112 : index
      %swap3A_89 = tpu.vector_load %arg13[%swap3A_87, %swap3A_88] {strides = array<i32>} : memref<128x128xf32, #tpu.memory_space<vmem>>, vector<1x16xf32>,
      %swap3A_90 = vector.shape_cast %swap3A_89 : vector<1x16xf32> to vector<16xf32>
      %swap3A_91 = vector.shape_cast %broadcast_in_dim3A_86 : vector<16xf32> to vector<1x16xf32>
      tpu.vector_store %arg13[%swap3A_87, %swap3A_88], %swap3A_91 {strides = array<i32>} : memref<128x128xf32, #tpu.memory_space<vmem>>, vector<1x16xf32>,
    }
    %scan3A_6 = arith.constant 128 : i32
    %mul3A_7 = arith.constant 640 : i32
    %mul3A_8 = arith.muli %arg1, %mul3A_7 : i32
    %add3A_9 = arith.constant 0 : i32
    %add3A_10 = arith.addi %mul3A_8, %add3A_9 : i32
    "tpu.region"() ({
      %run_scoped3A = tpu.sem_alloc : memref<!tpu.dma_semaphore, #tpu.memory_space<semaphore_mem>>
      %dma_start3A = arith.constant 0 : i32
      %dma_start3A_37 = tpu.memref_slice %arg10[%add3A_10, %dma_start3A] : memref<10240x128xf32, #tpu.memory_space<vmem_shared>> -> memref<128x128xf32, #tpu.memory_space<vmem_shared>>
      %dma_start3A_38 = arith.constant 0 : i32
      %dma_start3A_39 = tpu.memref_slice %arg10[%add3A_10, %dma_start3A_38] : memref<10240x128xf32, #tpu.memory_space<vmem_shared>> -> memref<128x128xf32, #tpu.memory_space<vmem_shared>>
      tpu.enqueue_dma source(%arg13 : memref<128x128xf32, #tpu.memory_space<vmem>>) target(%dma_start3A_39 : memref<128x128xf32, #tpu.memory_space<vmem_shared>>) target_semaphore(%run_scoped3A : memref<!tpu.dma_semaphore, #tpu.memory_space<semaphore_mem>>)
      %dma_wait3A = arith.constant 0 : i32
      %dma_wait3A_40 = tpu.memref_slice %arg10[%add3A_10, %dma_wait3A] : memref<10240x128xf32, #tpu.memory_space<vmem_shared>> -> memref<128x128xf32, #tpu.memory_space<vmem_shared>>
      %dma_wait3A_41 = arith.constant 0 : i32
      %dma_wait3A_42 = tpu.memref_slice %arg10[%add3A_10, %dma_wait3A_41] : memref<10240x128xf32, #tpu.memory_space<vmem_shared>> -> memref<128x128xf32, #tpu.memory_space<vmem_shared>>
      tpu.wait_dma2 semaphore(%run_scoped3A : memref<!tpu.dma_semaphore, #tpu.memory_space<semaphore_mem>>) src(%arg13 : memref<128x128xf32, #tpu.memory_space<vmem>>) dst(%dma_wait3A_42 : memref<128x128xf32, #tpu.memory_space<vmem_shared>>)
      tpu.yield
    }) : () -> ()
    %add3A_11 = arith.constant 128 : i32
    %add3A_12 = arith.addi %mul3A_8, %add3A_11 : i32
    "tpu.region"() ({
      %run_scoped3A = tpu.sem_alloc : memref<!tpu.dma_semaphore, #tpu.memory_space<semaphore_mem>>
      %dma_start3A = arith.constant 0 : i32
      %dma_start3A_37 = tpu.memref_slice %arg10[%add3A_12, %dma_start3A] : memref<10240x128xf32, #tpu.memory_space<vmem_shared>> -> memref<128x128xf32, #tpu.memory_space<vmem_shared>>
      %dma_start3A_38 = arith.constant 0 : i32
      %dma_start3A_39 = tpu.memref_slice %arg10[%add3A_12, %dma_start3A_38] : memref<10240x128xf32, #tpu.memory_space<vmem_shared>> -> memref<128x128xf32, #tpu.memory_space<vmem_shared>>
      tpu.enqueue_dma source(%arg13 : memref<128x128xf32, #tpu.memory_space<vmem>>) target(%dma_start3A_39 : memref<128x128xf32, #tpu.memory_space<vmem_shared>>) target_semaphore(%run_scoped3A : memref<!tpu.dma_semaphore, #tpu.memory_space<semaphore_mem>>)
      %dma_wait3A = arith.constant 0 : i32
      %dma_wait3A_40 = tpu.memref_slice %arg10[%add3A_12, %dma_wait3A] : memref<10240x128xf32, #tpu.memory_space<vmem_shared>> -> memref<128x128xf32, #tpu.memory_space<vmem_shared>>
      %dma_wait3A_41 = arith.constant 0 : i32
      %dma_wait3A_42 = tpu.memref_slice %arg10[%add3A_12, %dma_wait3A_41] : memref<10240x128xf32, #tpu.memory_space<vmem_shared>> -> memref<128x128xf32, #tpu.memory_space<vmem_shared>>
      tpu.wait_dma2 semaphore(%run_scoped3A : memref<!tpu.dma_semaphore, #tpu.memory_space<semaphore_mem>>) src(%arg13 : memref<128x128xf32, #tpu.memory_space<vmem>>) dst(%dma_wait3A_42 : memref<128x128xf32, #tpu.memory_space<vmem_shared>>)
      tpu.yield
    }) : () -> ()
    %add3A_13 = arith.constant 256 : i32
    %add3A_14 = arith.addi %mul3A_8, %add3A_13 : i32
    "tpu.region"() ({
      %run_scoped3A = tpu.sem_alloc : memref<!tpu.dma_semaphore, #tpu.memory_space<semaphore_mem>>
      %dma_start3A = arith.constant 0 : i32
      %dma_start3A_37 = tpu.memref_slice %arg10[%add3A_14, %dma_start3A] : memref<10240x128xf32, #tpu.memory_space<vmem_shared>> -> memref<128x128xf32, #tpu.memory_space<vmem_shared>>
      %dma_start3A_38 = arith.constant 0 : i32
      %dma_start3A_39 = tpu.memref_slice %arg10[%add3A_14, %dma_start3A_38] : memref<10240x128xf32, #tpu.memory_space<vmem_shared>> -> memref<128x128xf32, #tpu.memory_space<vmem_shared>>
      tpu.enqueue_dma source(%arg13 : memref<128x128xf32, #tpu.memory_space<vmem>>) target(%dma_start3A_39 : memref<128x128xf32, #tpu.memory_space<vmem_shared>>) target_semaphore(%run_scoped3A : memref<!tpu.dma_semaphore, #tpu.memory_space<semaphore_mem>>)
      %dma_wait3A = arith.constant 0 : i32
      %dma_wait3A_40 = tpu.memref_slice %arg10[%add3A_14, %dma_wait3A] : memref<10240x128xf32, #tpu.memory_space<vmem_shared>> -> memref<128x128xf32, #tpu.memory_space<vmem_shared>>
      %dma_wait3A_41 = arith.constant 0 : i32
      %dma_wait3A_42 = tpu.memref_slice %arg10[%add3A_14, %dma_wait3A_41] : memref<10240x128xf32, #tpu.memory_space<vmem_shared>> -> memref<128x128xf32, #tpu.memory_space<vmem_shared>>
      tpu.wait_dma2 semaphore(%run_scoped3A : memref<!tpu.dma_semaphore, #tpu.memory_space<semaphore_mem>>) src(%arg13 : memref<128x128xf32, #tpu.memory_space<vmem>>) dst(%dma_wait3A_42 : memref<128x128xf32, #tpu.memory_space<vmem_shared>>)
      tpu.yield
    }) : () -> ()
    %add3A_15 = arith.constant 384 : i32
    %add3A_16 = arith.addi %mul3A_8, %add3A_15 : i32
    "tpu.region"() ({
      %run_scoped3A = tpu.sem_alloc : memref<!tpu.dma_semaphore, #tpu.memory_space<semaphore_mem>>
      %dma_start3A = arith.constant 0 : i32
      %dma_start3A_37 = tpu.memref_slice %arg10[%add3A_16, %dma_start3A] : memref<10240x128xf32, #tpu.memory_space<vmem_shared>> -> memref<128x128xf32, #tpu.memory_space<vmem_shared>>
      %dma_start3A_38 = arith.constant 0 : i32
      %dma_start3A_39 = tpu.memref_slice %arg10[%add3A_16, %dma_start3A_38] : memref<10240x128xf32, #tpu.memory_space<vmem_shared>> -> memref<128x128xf32, #tpu.memory_space<vmem_shared>>
      tpu.enqueue_dma source(%arg13 : memref<128x128xf32, #tpu.memory_space<vmem>>) target(%dma_start3A_39 : memref<128x128xf32, #tpu.memory_space<vmem_shared>>) target_semaphore(%run_scoped3A : memref<!tpu.dma_semaphore, #tpu.memory_space<semaphore_mem>>)
      %dma_wait3A = arith.constant 0 : i32
      %dma_wait3A_40 = tpu.memref_slice %arg10[%add3A_16, %dma_wait3A] : memref<10240x128xf32, #tpu.memory_space<vmem_shared>> -> memref<128x128xf32, #tpu.memory_space<vmem_shared>>
      %dma_wait3A_41 = arith.constant 0 : i32
      %dma_wait3A_42 = tpu.memref_slice %arg10[%add3A_16, %dma_wait3A_41] : memref<10240x128xf32, #tpu.memory_space<vmem_shared>> -> memref<128x128xf32, #tpu.memory_space<vmem_shared>>
      tpu.wait_dma2 semaphore(%run_scoped3A : memref<!tpu.dma_semaphore, #tpu.memory_space<semaphore_mem>>) src(%arg13 : memref<128x128xf32, #tpu.memory_space<vmem>>) dst(%dma_wait3A_42 : memref<128x128xf32, #tpu.memory_space<vmem_shared>>)
      tpu.yield
    }) : () -> ()
    %add3A_17 = arith.constant 512 : i32
    %add3A_18 = arith.addi %mul3A_8, %add3A_17 : i32
    "tpu.region"() ({
      %run_scoped3A = tpu.sem_alloc : memref<!tpu.dma_semaphore, #tpu.memory_space<semaphore_mem>>
      %dma_start3A = arith.constant 0 : i32
      %dma_start3A_37 = tpu.memref_slice %arg10[%add3A_18, %dma_start3A] : memref<10240x128xf32, #tpu.memory_space<vmem_shared>> -> memref<128x128xf32, #tpu.memory_space<vmem_shared>>
      %dma_start3A_38 = arith.constant 0 : i32
      %dma_start3A_39 = tpu.memref_slice %arg10[%add3A_18, %dma_start3A_38] : memref<10240x128xf32, #tpu.memory_space<vmem_shared>> -> memref<128x128xf32, #tpu.memory_space<vmem_shared>>
      tpu.enqueue_dma source(%arg13 : memref<128x128xf32, #tpu.memory_space<vmem>>) target(%dma_start3A_39 : memref<128x128xf32, #tpu.memory_space<vmem_shared>>) target_semaphore(%run_scoped3A : memref<!tpu.dma_semaphore, #tpu.memory_space<semaphore_mem>>)
      %dma_wait3A = arith.constant 0 : i32
      %dma_wait3A_40 = tpu.memref_slice %arg10[%add3A_18, %dma_wait3A] : memref<10240x128xf32, #tpu.memory_space<vmem_shared>> -> memref<128x128xf32, #tpu.memory_space<vmem_shared>>
      %dma_wait3A_41 = arith.constant 0 : i32
      %dma_wait3A_42 = tpu.memref_slice %arg10[%add3A_18, %dma_wait3A_41] : memref<10240x128xf32, #tpu.memory_space<vmem_shared>> -> memref<128x128xf32, #tpu.memory_space<vmem_shared>>
      tpu.wait_dma2 semaphore(%run_scoped3A : memref<!tpu.dma_semaphore, #tpu.memory_space<semaphore_mem>>) src(%arg13 : memref<128x128xf32, #tpu.memory_space<vmem>>) dst(%dma_wait3A_42 : memref<128x128xf32, #tpu.memory_space<vmem_shared>>)
      tpu.yield
    }) : () -> ()
    %barrier3A = arith.constant 0 : index
    tpu.barrier barrier_id(%barrier3A)
    %eq3A = arith.constant 0 : i32
    %eq3A_19 = arith.cmpi eq, %arg0, %eq3A : i32
    %convert_element_type3A = arith.extui %eq3A_19 : i1 to i32
    %cond3A = arith.constant 0 : i32
    %cond3A_20 = arith.cmpi ne, %convert_element_type3A, %cond3A : i32
    scf.if %cond3A_20 {
      %dma_start3A = arith.constant 0 : i32
      %dma_start3A_37 = arith.constant 0 : i32
      %dma_start3A_38 = tpu.memref_slice %arg11[%dma_start3A, %dma_start3A_37] : memref<4x128xi32, #tpu.memory_space<vmem>> -> memref<2x128xi32, #tpu.memory_space<vmem>>
      %dma_start3A_39 = arith.constant 0 : i32
      %dma_start3A_40 = tpu.memref_slice %arg4[%add3A, %dma_start3A_39] : memref<2500x128xi32, #tpu.memory_space<hbm>> -> memref<2x128xi32, #tpu.memory_space<hbm>>
      %dma_start3A_41 = arith.constant 0 : i32
      %dma_start3A_42 = arith.constant 0 : i32
      %dma_start3A_43 = tpu.memref_slice %arg11[%dma_start3A_41, %dma_start3A_42] : memref<4x128xi32, #tpu.memory_space<vmem>> -> memref<2x128xi32, #tpu.memory_space<vmem>>
      %dma_start3A_44 = arith.constant 0 : i32
      %dma_start3A_45 = tpu.memref_slice %arg4[%add3A, %dma_start3A_44] : memref<2500x128xi32, #tpu.memory_space<hbm>> -> memref<2x128xi32, #tpu.memory_space<hbm>>
      tpu.enqueue_dma source(%dma_start3A_45 : memref<2x128xi32, #tpu.memory_space<hbm>>) target(%dma_start3A_43 : memref<2x128xi32, #tpu.memory_space<vmem>>) target_semaphore(%arg15 : memref<!tpu.dma_semaphore, #tpu.memory_space<semaphore_mem>>)
      %dma_start3A_46 = arith.constant 0 : i32
      %dma_start3A_47 = arith.constant 0 : i32
      %dma_start3A_48 = tpu.memref_slice %arg12[%dma_start3A_46, %dma_start3A_47] : memref<4x128xi32, #tpu.memory_space<vmem>> -> memref<2x128xi32, #tpu.memory_space<vmem>>
      %dma_start3A_49 = arith.constant 0 : i32
      %dma_start3A_50 = tpu.memref_slice %arg5[%add3A, %dma_start3A_49] : memref<2500x128xi32, #tpu.memory_space<hbm>> -> memref<2x128xi32, #tpu.memory_space<hbm>>
      %dma_start3A_51 = arith.constant 0 : i32
      %dma_start3A_52 = arith.constant 0 : i32
      %dma_start3A_53 = tpu.memref_slice %arg12[%dma_start3A_51, %dma_start3A_52] : memref<4x128xi32, #tpu.memory_space<vmem>> -> memref<2x128xi32, #tpu.memory_space<vmem>>
      %dma_start3A_54 = arith.constant 0 : i32
      %dma_start3A_55 = tpu.memref_slice %arg5[%add3A, %dma_start3A_54] : memref<2500x128xi32, #tpu.memory_space<hbm>> -> memref<2x128xi32, #tpu.memory_space<hbm>>
      tpu.enqueue_dma source(%dma_start3A_55 : memref<2x128xi32, #tpu.memory_space<hbm>>) target(%dma_start3A_53 : memref<2x128xi32, #tpu.memory_space<vmem>>) target_semaphore(%arg15 : memref<!tpu.dma_semaphore, #tpu.memory_space<semaphore_mem>>)
      %scan3A_56 = arith.constant 0 : i32
      %scan3A_57 = arith.constant 0 : i32
      %scan3A_58 = arith.constant 78 : i32
      %scan3A_59 = arith.addi %scan3A_57, %scan3A_58 : i32
      %scan3A_60 = arith.constant 1 : i32
      scf.for %scan3A_99 = %scan3A_57 to %scan3A_59 step %scan3A_60  : i32 {
        %and3A = arith.constant 1 : i32
        %and3A_100 = arith.andi %scan3A_99, %and3A : i32
        %mul3A_101 = arith.constant 2 : i32
        %mul3A_102 = arith.muli %mul3A_101, %and3A_100 : i32
        %sub3A = arith.constant 2 : i32
        %sub3A_103 = arith.subi %sub3A, %mul3A_102 : i32
        %add3A_104 = arith.constant 1 : i32
        %add3A_105 = arith.addi %mul3A_102, %add3A_104 : i32
        %dma_wait3A_106 = arith.constant 0 : i32
        %dma_wait3A_107 = arith.constant 0 : i32
        %dma_wait3A_108 = tpu.memref_slice %arg11[%dma_wait3A_106, %dma_wait3A_107] : memref<4x128xi32, #tpu.memory_space<vmem>> -> memref<2x128xi32, #tpu.memory_space<vmem>>
        %dma_wait3A_109 = arith.constant 0 : i32
        %dma_wait3A_110 = tpu.memref_slice %arg4[%add3A, %dma_wait3A_109] : memref<2500x128xi32, #tpu.memory_space<hbm>> -> memref<2x128xi32, #tpu.memory_space<hbm>>
        %dma_wait3A_111 = arith.constant 0 : i32
        %dma_wait3A_112 = arith.constant 0 : i32
        %dma_wait3A_113 = tpu.memref_slice %arg11[%dma_wait3A_111, %dma_wait3A_112] : memref<4x128xi32, #tpu.memory_space<vmem>> -> memref<2x128xi32, #tpu.memory_space<vmem>>
        %dma_wait3A_114 = arith.constant 0 : i32
        %dma_wait3A_115 = tpu.memref_slice %arg4[%add3A, %dma_wait3A_114] : memref<2500x128xi32, #tpu.memory_space<hbm>> -> memref<2x128xi32, #tpu.memory_space<hbm>>
        tpu.wait_dma2 semaphore(%arg15 : memref<!tpu.dma_semaphore, #tpu.memory_space<semaphore_mem>>) src(%dma_wait3A_115 : memref<2x128xi32, #tpu.memory_space<hbm>>) dst(%dma_wait3A_113 : memref<2x128xi32, #tpu.memory_space<vmem>>)
        %dma_wait3A_116 = arith.constant 0 : i32
        %dma_wait3A_117 = arith.constant 0 : i32
        %dma_wait3A_118 = tpu.memref_slice %arg12[%dma_wait3A_116, %dma_wait3A_117] : memref<4x128xi32, #tpu.memory_space<vmem>> -> memref<2x128xi32, #tpu.memory_space<vmem>>
        %dma_wait3A_119 = arith.constant 0 : i32
        %dma_wait3A_120 = tpu.memref_slice %arg5[%add3A, %dma_wait3A_119] : memref<2500x128xi32, #tpu.memory_space<hbm>> -> memref<2x128xi32, #tpu.memory_space<hbm>>
        %dma_wait3A_121 = arith.constant 0 : i32
        %dma_wait3A_122 = arith.constant 0 : i32
        %dma_wait3A_123 = tpu.memref_slice %arg12[%dma_wait3A_121, %dma_wait3A_122] : memref<4x128xi32, #tpu.memory_space<vmem>> -> memref<2x128xi32, #tpu.memory_space<vmem>>
        %dma_wait3A_124 = arith.constant 0 : i32
        %dma_wait3A_125 = tpu.memref_slice %arg5[%add3A, %dma_wait3A_124] : memref<2500x128xi32, #tpu.memory_space<hbm>> -> memref<2x128xi32, #tpu.memory_space<hbm>>
        tpu.wait_dma2 semaphore(%arg15 : memref<!tpu.dma_semaphore, #tpu.memory_space<semaphore_mem>>) src(%dma_wait3A_125 : memref<2x128xi32, #tpu.memory_space<hbm>>) dst(%dma_wait3A_123 : memref<2x128xi32, #tpu.memory_space<vmem>>)
        %gt3A = arith.constant 0 : i32
        %gt3A_126 = arith.cmpi sgt, %scan3A_99, %gt3A : i32
        %convert_element_type3A_127 = arith.extui %gt3A_126 : i1 to i32
        %cond3A_128 = arith.constant 0 : i32
        %cond3A_129 = arith.cmpi ne, %convert_element_type3A_127, %cond3A_128 : i32
        scf.if %cond3A_129 {
          %dma_wait3A_194 = arith.constant 0 : i32
          %dma_wait3A_195 = tpu.memref_slice %arg12[%mul3A_102, %dma_wait3A_194] : memref<4x128xi32, #tpu.memory_space<vmem>> -> memref<1x128xi32, #tpu.memory_space<vmem>>
          %dma_wait3A_196 = tpu.memref_squeeze %dma_wait3A_195 : memref<1x128xi32, #tpu.memory_space<vmem>> -> memref<128xi32, #tpu.memory_space<vmem>>
          %dma_wait3A_197 = arith.constant 0 : i32
          %dma_wait3A_198 = arith.constant 0 : i32
          %dma_wait3A_199 = tpu.memref_slice %arg10[%dma_wait3A_197, %dma_wait3A_198] : memref<10240x128xf32, #tpu.memory_space<vmem_shared>> -> memref<10240x128xf32, #tpu.memory_space<vmem_shared>>
          tpu.wait_indirect_dma semaphore(%arg18 : memref<!tpu.dma_semaphore, #tpu.memory_space<semaphore_mem>>) src(%arg13 : memref<128x128xf32, #tpu.memory_space<vmem>>) dst(%dma_wait3A_199 : memref<10240x128xf32, #tpu.memory_space<vmem_shared>>)
        } else {
        }
        %dma_start3A_130 = arith.constant 0 : i32
        %dma_start3A_131 = tpu.memref_slice %arg11[%mul3A_102, %dma_start3A_130] : memref<4x128xi32, #tpu.memory_space<vmem>> -> memref<1x128xi32, #tpu.memory_space<vmem>>
        %dma_start3A_132 = tpu.memref_squeeze %dma_start3A_131 : memref<1x128xi32, #tpu.memory_space<vmem>> -> memref<128xi32, #tpu.memory_space<vmem>>
        %dma_start3A_133 = arith.constant 0 : i32
        %dma_start3A_134 = arith.constant 0 : i32
        %dma_start3A_135 = tpu.memref_slice %arg2[%dma_start3A_133, %dma_start3A_134] : memref<10000x128xf32, #tpu.memory_space<hbm>> -> memref<10000x128xf32, #tpu.memory_space<hbm>>
        tpu.enqueue_indirect_dma source(%dma_start3A_135 : memref<10000x128xf32, #tpu.memory_space<hbm>>) target(%arg13 : memref<128x128xf32, #tpu.memory_space<vmem>>) offsets(%dma_start3A_132 : memref<128xi32, #tpu.memory_space<vmem>>) semaphore(%arg16 : memref<!tpu.dma_semaphore, #tpu.memory_space<semaphore_mem>>)
        %dma_wait3A_136 = arith.constant 0 : i32
        %dma_wait3A_137 = tpu.memref_slice %arg11[%mul3A_102, %dma_wait3A_136] : memref<4x128xi32, #tpu.memory_space<vmem>> -> memref<1x128xi32, #tpu.memory_space<vmem>>
        %dma_wait3A_138 = tpu.memref_squeeze %dma_wait3A_137 : memref<1x128xi32, #tpu.memory_space<vmem>> -> memref<128xi32, #tpu.memory_space<vmem>>
        %dma_wait3A_139 = arith.constant 0 : i32
        %dma_wait3A_140 = arith.constant 0 : i32
        %dma_wait3A_141 = tpu.memref_slice %arg2[%dma_wait3A_139, %dma_wait3A_140] : memref<10000x128xf32, #tpu.memory_space<hbm>> -> memref<10000x128xf32, #tpu.memory_space<hbm>>
        tpu.wait_indirect_dma semaphore(%arg16 : memref<!tpu.dma_semaphore, #tpu.memory_space<semaphore_mem>>) src(%dma_wait3A_141 : memref<10000x128xf32, #tpu.memory_space<hbm>>) dst(%arg13 : memref<128x128xf32, #tpu.memory_space<vmem>>)
        %dma_start3A_142 = arith.constant 0 : i32
        %dma_start3A_143 = tpu.memref_slice %arg12[%mul3A_102, %dma_start3A_142] : memref<4x128xi32, #tpu.memory_space<vmem>> -> memref<1x128xi32, #tpu.memory_space<vmem>>
        %dma_start3A_144 = tpu.memref_squeeze %dma_start3A_143 : memref<1x128xi32, #tpu.memory_space<vmem>> -> memref<128xi32, #tpu.memory_space<vmem>>
        %dma_start3A_145 = arith.constant 0 : i32
        %dma_start3A_146 = arith.constant 0 : i32
        %dma_start3A_147 = tpu.memref_slice %arg10[%dma_start3A_145, %dma_start3A_146] : memref<10240x128xf32, #tpu.memory_space<vmem_shared>> -> memref<10240x128xf32, #tpu.memory_space<vmem_shared>>
        tpu.enqueue_indirect_dma source(%arg13 : memref<128x128xf32, #tpu.memory_space<vmem>>) target(%dma_start3A_147 : memref<10240x128xf32, #tpu.memory_space<vmem_shared>>) offsets(%dma_start3A_144 : memref<128xi32, #tpu.memory_space<vmem>>) semaphore(%arg18 : memref<!tpu.dma_semaphore, #tpu.memory_space<semaphore_mem>>) {add = true}
        %gt3A_148 = arith.constant 0 : i32
        %gt3A_149 = arith.cmpi sgt, %scan3A_99, %gt3A_148 : i32
        %convert_element_type3A_150 = arith.extui %gt3A_149 : i1 to i32
        %cond3A_151 = arith.constant 0 : i32
        %cond3A_152 = arith.cmpi ne, %convert_element_type3A_150, %cond3A_151 : i32
        scf.if %cond3A_152 {
          %dma_wait3A_194 = arith.constant 0 : i32
          %dma_wait3A_195 = tpu.memref_slice %arg12[%add3A_105, %dma_wait3A_194] : memref<4x128xi32, #tpu.memory_space<vmem>> -> memref<1x128xi32, #tpu.memory_space<vmem>>
          %dma_wait3A_196 = tpu.memref_squeeze %dma_wait3A_195 : memref<1x128xi32, #tpu.memory_space<vmem>> -> memref<128xi32, #tpu.memory_space<vmem>>
          %dma_wait3A_197 = arith.constant 0 : i32
          %dma_wait3A_198 = arith.constant 0 : i32
          %dma_wait3A_199 = tpu.memref_slice %arg10[%dma_wait3A_197, %dma_wait3A_198] : memref<10240x128xf32, #tpu.memory_space<vmem_shared>> -> memref<10240x128xf32, #tpu.memory_space<vmem_shared>>
          tpu.wait_indirect_dma semaphore(%arg19 : memref<!tpu.dma_semaphore, #tpu.memory_space<semaphore_mem>>) src(%arg14 : memref<128x128xf32, #tpu.memory_space<vmem>>) dst(%dma_wait3A_199 : memref<10240x128xf32, #tpu.memory_space<vmem_shared>>)
        } else {
        }
        %add3A_153 = arith.constant 1 : i32
        %add3A_154 = arith.addi %scan3A_99, %add3A_153 : i32
        %mul3A_155 = arith.constant 2 : i32
        %mul3A_156 = arith.muli %mul3A_155, %add3A_154 : i32
        %add3A_157 = arith.addi %add3A, %mul3A_156 : i32
        %min3A_158 = arith.constant 2498 : i32
        %min3A_159 = arith.minsi %add3A_157, %min3A_158 : i32
        %dma_start3A_160 = arith.constant 0 : i32
        %dma_start3A_161 = tpu.memref_slice %arg11[%sub3A_103, %dma_start3A_160] : memref<4x128xi32, #tpu.memory_space<vmem>> -> memref<2x128xi32, #tpu.memory_space<vmem>>
        %dma_start3A_162 = arith.constant 0 : i32
        %dma_start3A_163 = tpu.memref_slice %arg4[%min3A_159, %dma_start3A_162] : memref<2500x128xi32, #tpu.memory_space<hbm>> -> memref<2x128xi32, #tpu.memory_space<hbm>>
        %dma_start3A_164 = arith.constant 0 : i32
        %dma_start3A_165 = tpu.memref_slice %arg11[%sub3A_103, %dma_start3A_164] : memref<4x128xi32, #tpu.memory_space<vmem>> -> memref<2x128xi32, #tpu.memory_space<vmem>>
        %dma_start3A_166 = arith.constant 0 : i32
        %dma_start3A_167 = tpu.memref_slice %arg4[%min3A_159, %dma_start3A_166] : memref<2500x128xi32, #tpu.memory_space<hbm>> -> memref<2x128xi32, #tpu.memory_space<hbm>>
        tpu.enqueue_dma source(%dma_start3A_167 : memref<2x128xi32, #tpu.memory_space<hbm>>) target(%dma_start3A_165 : memref<2x128xi32, #tpu.memory_space<vmem>>) target_semaphore(%arg15 : memref<!tpu.dma_semaphore, #tpu.memory_space<semaphore_mem>>)
        %dma_start3A_168 = arith.constant 0 : i32
        %dma_start3A_169 = tpu.memref_slice %arg12[%sub3A_103, %dma_start3A_168] : memref<4x128xi32, #tpu.memory_space<vmem>> -> memref<2x128xi32, #tpu.memory_space<vmem>>
        %dma_start3A_170 = arith.constant 0 : i32
        %dma_start3A_171 = tpu.memref_slice %arg5[%min3A_159, %dma_start3A_170] : memref<2500x128xi32, #tpu.memory_space<hbm>> -> memref<2x128xi32, #tpu.memory_space<hbm>>
        %dma_start3A_172 = arith.constant 0 : i32
        %dma_start3A_173 = tpu.memref_slice %arg12[%sub3A_103, %dma_start3A_172] : memref<4x128xi32, #tpu.memory_space<vmem>> -> memref<2x128xi32, #tpu.memory_space<vmem>>
        %dma_start3A_174 = arith.constant 0 : i32
        %dma_start3A_175 = tpu.memref_slice %arg5[%min3A_159, %dma_start3A_174] : memref<2500x128xi32, #tpu.memory_space<hbm>> -> memref<2x128xi32, #tpu.memory_space<hbm>>
        tpu.enqueue_dma source(%dma_start3A_175 : memref<2x128xi32, #tpu.memory_space<hbm>>) target(%dma_start3A_173 : memref<2x128xi32, #tpu.memory_space<vmem>>) target_semaphore(%arg15 : memref<!tpu.dma_semaphore, #tpu.memory_space<semaphore_mem>>)
        %dma_start3A_176 = arith.constant 0 : i32
        %dma_start3A_177 = tpu.memref_slice %arg11[%add3A_105, %dma_start3A_176] : memref<4x128xi32, #tpu.memory_space<vmem>> -> memref<1x128xi32, #tpu.memory_space<vmem>>
        %dma_start3A_178 = tpu.memref_squeeze %dma_start3A_177 : memref<1x128xi32, #tpu.memory_space<vmem>> -> memref<128xi32, #tpu.memory_space<vmem>>
        %dma_start3A_179 = arith.constant 0 : i32
        %dma_start3A_180 = arith.constant 0 : i32
        %dma_start3A_181 = tpu.memref_slice %arg2[%dma_start3A_179, %dma_start3A_180] : memref<10000x128xf32, #tpu.memory_space<hbm>> -> memref<10000x128xf32, #tpu.memory_space<hbm>>
        tpu.enqueue_indirect_dma source(%dma_start3A_181 : memref<10000x128xf32, #tpu.memory_space<hbm>>) target(%arg14 : memref<128x128xf32, #tpu.memory_space<vmem>>) offsets(%dma_start3A_178 : memref<128xi32, #tpu.memory_space<vmem>>) semaphore(%arg17 : memref<!tpu.dma_semaphore, #tpu.memory_space<semaphore_mem>>)
        %dma_wait3A_182 = arith.constant 0 : i32
        %dma_wait3A_183 = tpu.memref_slice %arg11[%add3A_105, %dma_wait3A_182] : memref<4x128xi32, #tpu.memory_space<vmem>> -> memref<1x128xi32, #tpu.memory_space<vmem>>
        %dma_wait3A_184 = tpu.memref_squeeze %dma_wait3A_183 : memref<1x128xi32, #tpu.memory_space<vmem>> -> memref<128xi32, #tpu.memory_space<vmem>>
        %dma_wait3A_185 = arith.constant 0 : i32
        %dma_wait3A_186 = arith.constant 0 : i32
        %dma_wait3A_187 = tpu.memref_slice %arg2[%dma_wait3A_185, %dma_wait3A_186] : memref<10000x128xf32, #tpu.memory_space<hbm>> -> memref<10000x128xf32, #tpu.memory_space<hbm>>
        tpu.wait_indirect_dma semaphore(%arg17 : memref<!tpu.dma_semaphore, #tpu.memory_space<semaphore_mem>>) src(%dma_wait3A_187 : memref<10000x128xf32, #tpu.memory_space<hbm>>) dst(%arg14 : memref<128x128xf32, #tpu.memory_space<vmem>>)
        %dma_start3A_188 = arith.constant 0 : i32
        %dma_start3A_189 = tpu.memref_slice %arg12[%add3A_105, %dma_start3A_188] : memref<4x128xi32, #tpu.memory_space<vmem>> -> memref<1x128xi32, #tpu.memory_space<vmem>>
        %dma_start3A_190 = tpu.memref_squeeze %dma_start3A_189 : memref<1x128xi32, #tpu.memory_space<vmem>> -> memref<128xi32, #tpu.memory_space<vmem>>
        %dma_start3A_191 = arith.constant 0 : i32
        %dma_start3A_192 = arith.constant 0 : i32
        %dma_start3A_193 = tpu.memref_slice %arg10[%dma_start3A_191, %dma_start3A_192] : memref<10240x128xf32, #tpu.memory_space<vmem_shared>> -> memref<10240x128xf32, #tpu.memory_space<vmem_shared>>
        tpu.enqueue_indirect_dma source(%arg14 : memref<128x128xf32, #tpu.memory_space<vmem>>) target(%dma_start3A_193 : memref<10240x128xf32, #tpu.memory_space<vmem_shared>>) offsets(%dma_start3A_190 : memref<128xi32, #tpu.memory_space<vmem>>) semaphore(%arg19 : memref<!tpu.dma_semaphore, #tpu.memory_space<semaphore_mem>>) {add = true}
      }
      %scan3A_61 = arith.constant 78 : i32
      %dma_wait3A = arith.constant 0 : i32
      %dma_wait3A_62 = arith.constant 0 : i32
      %dma_wait3A_63 = tpu.memref_slice %arg11[%dma_wait3A, %dma_wait3A_62] : memref<4x128xi32, #tpu.memory_space<vmem>> -> memref<2x128xi32, #tpu.memory_space<vmem>>
      %dma_wait3A_64 = arith.constant 0 : i32
      %dma_wait3A_65 = tpu.memref_slice %arg4[%add3A, %dma_wait3A_64] : memref<2500x128xi32, #tpu.memory_space<hbm>> -> memref<2x128xi32, #tpu.memory_space<hbm>>
      %dma_wait3A_66 = arith.constant 0 : i32
      %dma_wait3A_67 = arith.constant 0 : i32
      %dma_wait3A_68 = tpu.memref_slice %arg11[%dma_wait3A_66, %dma_wait3A_67] : memref<4x128xi32, #tpu.memory_space<vmem>> -> memref<2x128xi32, #tpu.memory_space<vmem>>
      %dma_wait3A_69 = arith.constant 0 : i32
      %dma_wait3A_70 = tpu.memref_slice %arg4[%add3A, %dma_wait3A_69] : memref<2500x128xi32, #tpu.memory_space<hbm>> -> memref<2x128xi32, #tpu.memory_space<hbm>>
      tpu.wait_dma2 semaphore(%arg15 : memref<!tpu.dma_semaphore, #tpu.memory_space<semaphore_mem>>) src(%dma_wait3A_70 : memref<2x128xi32, #tpu.memory_space<hbm>>) dst(%dma_wait3A_68 : memref<2x128xi32, #tpu.memory_space<vmem>>)
      %dma_wait3A_71 = arith.constant 0 : i32
      %dma_wait3A_72 = arith.constant 0 : i32
      %dma_wait3A_73 = tpu.memref_slice %arg12[%dma_wait3A_71, %dma_wait3A_72] : memref<4x128xi32, #tpu.memory_space<vmem>> -> memref<2x128xi32, #tpu.memory_space<vmem>>
      %dma_wait3A_74 = arith.constant 0 : i32
      %dma_wait3A_75 = tpu.memref_slice %arg5[%add3A, %dma_wait3A_74] : memref<2500x128xi32, #tpu.memory_space<hbm>> -> memref<2x128xi32, #tpu.memory_space<hbm>>
      %dma_wait3A_76 = arith.constant 0 : i32
      %dma_wait3A_77 = arith.constant 0 : i32
      %dma_wait3A_78 = tpu.memref_slice %arg12[%dma_wait3A_76, %dma_wait3A_77] : memref<4x128xi32, #tpu.memory_space<vmem>> -> memref<2x128xi32, #tpu.memory_space<vmem>>
      %dma_wait3A_79 = arith.constant 0 : i32
      %dma_wait3A_80 = tpu.memref_slice %arg5[%add3A, %dma_wait3A_79] : memref<2500x128xi32, #tpu.memory_space<hbm>> -> memref<2x128xi32, #tpu.memory_space<hbm>>
      tpu.wait_dma2 semaphore(%arg15 : memref<!tpu.dma_semaphore, #tpu.memory_space<semaphore_mem>>) src(%dma_wait3A_80 : memref<2x128xi32, #tpu.memory_space<hbm>>) dst(%dma_wait3A_78 : memref<2x128xi32, #tpu.memory_space<vmem>>)
      %dma_wait3A_81 = arith.constant 0 : i32
      %dma_wait3A_82 = arith.constant 0 : i32
      %dma_wait3A_83 = tpu.memref_slice %arg12[%dma_wait3A_81, %dma_wait3A_82] : memref<4x128xi32, #tpu.memory_space<vmem>> -> memref<1x128xi32, #tpu.memory_space<vmem>>
      %dma_wait3A_84 = tpu.memref_squeeze %dma_wait3A_83 : memref<1x128xi32, #tpu.memory_space<vmem>> -> memref<128xi32, #tpu.memory_space<vmem>>
      %dma_wait3A_85 = arith.constant 0 : i32
      %dma_wait3A_86 = arith.constant 0 : i32
      %dma_wait3A_87 = tpu.memref_slice %arg10[%dma_wait3A_85, %dma_wait3A_86] : memref<10240x128xf32, #tpu.memory_space<vmem_shared>> -> memref<10240x128xf32, #tpu.memory_space<vmem_shared>>
      tpu.wait_indirect_dma semaphore(%arg18 : memref<!tpu.dma_semaphore, #tpu.memory_space<semaphore_mem>>) src(%arg13 : memref<128x128xf32, #tpu.memory_space<vmem>>) dst(%dma_wait3A_87 : memref<10240x128xf32, #tpu.memory_space<vmem_shared>>)
      %dma_wait3A_88 = arith.constant 1 : i32
      %dma_wait3A_89 = arith.constant 0 : i32
      %dma_wait3A_90 = tpu.memref_slice %arg12[%dma_wait3A_88, %dma_wait3A_89] : memref<4x128xi32, #tpu.memory_space<vmem>> -> memref<1x128xi32, #tpu.memory_space<vmem>>
      %dma_wait3A_91 = tpu.memref_squeeze %dma_wait3A_90 : memref<1x128xi32, #tpu.memory_space<vmem>> -> memref<128xi32, #tpu.memory_space<vmem>>
      %dma_wait3A_92 = arith.constant 0 : i32
      %dma_wait3A_93 = arith.constant 0 : i32
      %dma_wait3A_94 = tpu.memref_slice %arg10[%dma_wait3A_92, %dma_wait3A_93] : memref<10240x128xf32, #tpu.memory_space<vmem_shared>> -> memref<10240x128xf32, #tpu.memory_space<vmem_shared>>
      tpu.wait_indirect_dma semaphore(%arg19 : memref<!tpu.dma_semaphore, #tpu.memory_space<semaphore_mem>>) src(%arg14 : memref<128x128xf32, #tpu.memory_space<vmem>>) dst(%dma_wait3A_94 : memref<10240x128xf32, #tpu.memory_space<vmem_shared>>)
      %lt3A = arith.constant 4 : i32
      %lt3A_95 = arith.cmpi slt, %arg1, %lt3A : i32
      %convert_element_type3A_96 = arith.extui %lt3A_95 : i1 to i32
      %cond3A_97 = arith.constant 0 : i32
      %cond3A_98 = arith.cmpi ne, %convert_element_type3A_96, %cond3A_97 : i32
      scf.if %cond3A_98 {
        %dma_start3A_99 = arith.constant 0 : i32
        %dma_start3A_100 = arith.constant 0 : i32
        %dma_start3A_101 = tpu.memref_slice %arg11[%dma_start3A_99, %dma_start3A_100] : memref<4x128xi32, #tpu.memory_space<vmem>> -> memref<1x128xi32, #tpu.memory_space<vmem>>
        %dma_start3A_102 = tpu.memref_squeeze %dma_start3A_101 : memref<1x128xi32, #tpu.memory_space<vmem>> -> memref<128xi32, #tpu.memory_space<vmem>>
        %dma_start3A_103 = arith.constant 0 : i32
        %dma_start3A_104 = arith.constant 0 : i32
        %dma_start3A_105 = tpu.memref_slice %arg2[%dma_start3A_103, %dma_start3A_104] : memref<10000x128xf32, #tpu.memory_space<hbm>> -> memref<10000x128xf32, #tpu.memory_space<hbm>>
        tpu.enqueue_indirect_dma source(%dma_start3A_105 : memref<10000x128xf32, #tpu.memory_space<hbm>>) target(%arg13 : memref<128x128xf32, #tpu.memory_space<vmem>>) offsets(%dma_start3A_102 : memref<128xi32, #tpu.memory_space<vmem>>) semaphore(%arg16 : memref<!tpu.dma_semaphore, #tpu.memory_space<semaphore_mem>>)
        %dma_wait3A_106 = arith.constant 0 : i32
        %dma_wait3A_107 = arith.constant 0 : i32
        %dma_wait3A_108 = tpu.memref_slice %arg11[%dma_wait3A_106, %dma_wait3A_107] : memref<4x128xi32, #tpu.memory_space<vmem>> -> memref<1x128xi32, #tpu.memory_space<vmem>>
        %dma_wait3A_109 = tpu.memref_squeeze %dma_wait3A_108 : memref<1x128xi32, #tpu.memory_space<vmem>> -> memref<128xi32, #tpu.memory_space<vmem>>
        %dma_wait3A_110 = arith.constant 0 : i32
        %dma_wait3A_111 = arith.constant 0 : i32
        %dma_wait3A_112 = tpu.memref_slice %arg2[%dma_wait3A_110, %dma_wait3A_111] : memref<10000x128xf32, #tpu.memory_space<hbm>> -> memref<10000x128xf32, #tpu.memory_space<hbm>>
        tpu.wait_indirect_dma semaphore(%arg16 : memref<!tpu.dma_semaphore, #tpu.memory_space<semaphore_mem>>) src(%dma_wait3A_112 : memref<10000x128xf32, #tpu.memory_space<hbm>>) dst(%arg13 : memref<128x128xf32, #tpu.memory_space<vmem>>)
        %run_scoped3A = arith.constant 0 : i32
        "tpu.region"() ({
          %run_scoped3A_113 = tpu.sem_alloc : memref<!tpu.dma_semaphore, #tpu.memory_space<semaphore_mem>>
          %dma_start3A_114 = arith.constant 0 : i32
          %dma_start3A_115 = tpu.memref_slice %arg12[%run_scoped3A, %dma_start3A_114] : memref<4x128xi32, #tpu.memory_space<vmem>> -> memref<1x128xi32, #tpu.memory_space<vmem>>
          %dma_start3A_116 = tpu.memref_squeeze %dma_start3A_115 : memref<1x128xi32, #tpu.memory_space<vmem>> -> memref<128xi32, #tpu.memory_space<vmem>>
          %dma_start3A_117 = arith.constant 0 : i32
          %dma_start3A_118 = arith.constant 0 : i32
          %dma_start3A_119 = tpu.memref_slice %arg10[%dma_start3A_117, %dma_start3A_118] : memref<10240x128xf32, #tpu.memory_space<vmem_shared>> -> memref<10240x128xf32, #tpu.memory_space<vmem_shared>>
          tpu.enqueue_indirect_dma source(%arg13 : memref<128x128xf32, #tpu.memory_space<vmem>>) target(%dma_start3A_119 : memref<10240x128xf32, #tpu.memory_space<vmem_shared>>) offsets(%dma_start3A_116 : memref<128xi32, #tpu.memory_space<vmem>>) semaphore(%run_scoped3A_113 : memref<!tpu.dma_semaphore, #tpu.memory_space<semaphore_mem>>) {add = true}
          %dma_wait3A_120 = arith.constant 0 : i32
          %dma_wait3A_121 = tpu.memref_slice %arg12[%run_scoped3A, %dma_wait3A_120] : memref<4x128xi32, #tpu.memory_space<vmem>> -> memref<1x128xi32, #tpu.memory_space<vmem>>
          %dma_wait3A_122 = tpu.memref_squeeze %dma_wait3A_121 : memref<1x128xi32, #tpu.memory_space<vmem>> -> memref<128xi32, #tpu.memory_space<vmem>>
          %dma_wait3A_123 = arith.constant 0 : i32
          %dma_wait3A_124 = arith.constant 0 : i32
          %dma_wait3A_125 = tpu.memref_slice %arg10[%dma_wait3A_123, %dma_wait3A_124] : memref<10240x128xf32, #tpu.memory_space<vmem_shared>> -> memref<10240x128xf32, #tpu.memory_space<vmem_shared>>
          tpu.wait_indirect_dma semaphore(%run_scoped3A_113 : memref<!tpu.dma_semaphore, #tpu.memory_space<semaphore_mem>>) src(%arg13 : memref<128x128xf32, #tpu.memory_space<vmem>>) dst(%dma_wait3A_125 : memref<10240x128xf32, #tpu.memory_space<vmem_shared>>)
          tpu.yield
        }) : () -> ()
      } else {
      }
    } else {
    }
    %eq3A_21 = arith.constant 1 : i32
    %eq3A_22 = arith.cmpi eq, %arg0, %eq3A_21 : i32
    %convert_element_type3A_23 = arith.extui %eq3A_22 : i1 to i32
    %cond3A_24 = arith.constant 0 : i32
    %cond3A_25 = arith.cmpi ne, %convert_element_type3A_23, %cond3A_24 : i32
    scf.if %cond3A_25 {
      %dma_start3A = arith.constant 0 : i32
      %dma_start3A_37 = arith.constant 0 : i32
      %dma_start3A_38 = tpu.memref_slice %arg11[%dma_start3A, %dma_start3A_37] : memref<4x128xi32, #tpu.memory_space<vmem>> -> memref<2x128xi32, #tpu.memory_space<vmem>>
      %dma_start3A_39 = arith.constant 0 : i32
      %dma_start3A_40 = tpu.memref_slice %arg6[%add3A, %dma_start3A_39] : memref<2500x128xi32, #tpu.memory_space<hbm>> -> memref<2x128xi32, #tpu.memory_space<hbm>>
      %dma_start3A_41 = arith.constant 0 : i32
      %dma_start3A_42 = arith.constant 0 : i32
      %dma_start3A_43 = tpu.memref_slice %arg11[%dma_start3A_41, %dma_start3A_42] : memref<4x128xi32, #tpu.memory_space<vmem>> -> memref<2x128xi32, #tpu.memory_space<vmem>>
      %dma_start3A_44 = arith.constant 0 : i32
      %dma_start3A_45 = tpu.memref_slice %arg6[%add3A, %dma_start3A_44] : memref<2500x128xi32, #tpu.memory_space<hbm>> -> memref<2x128xi32, #tpu.memory_space<hbm>>
      tpu.enqueue_dma source(%dma_start3A_45 : memref<2x128xi32, #tpu.memory_space<hbm>>) target(%dma_start3A_43 : memref<2x128xi32, #tpu.memory_space<vmem>>) target_semaphore(%arg15 : memref<!tpu.dma_semaphore, #tpu.memory_space<semaphore_mem>>)
      %dma_start3A_46 = arith.constant 0 : i32
      %dma_start3A_47 = arith.constant 0 : i32
      %dma_start3A_48 = tpu.memref_slice %arg12[%dma_start3A_46, %dma_start3A_47] : memref<4x128xi32, #tpu.memory_space<vmem>> -> memref<2x128xi32, #tpu.memory_space<vmem>>
      %dma_start3A_49 = arith.constant 0 : i32
      %dma_start3A_50 = tpu.memref_slice %arg7[%add3A, %dma_start3A_49] : memref<2500x128xi32, #tpu.memory_space<hbm>> -> memref<2x128xi32, #tpu.memory_space<hbm>>
      %dma_start3A_51 = arith.constant 0 : i32
      %dma_start3A_52 = arith.constant 0 : i32
      %dma_start3A_53 = tpu.memref_slice %arg12[%dma_start3A_51, %dma_start3A_52] : memref<4x128xi32, #tpu.memory_space<vmem>> -> memref<2x128xi32, #tpu.memory_space<vmem>>
      %dma_start3A_54 = arith.constant 0 : i32
      %dma_start3A_55 = tpu.memref_slice %arg7[%add3A, %dma_start3A_54] : memref<2500x128xi32, #tpu.memory_space<hbm>> -> memref<2x128xi32, #tpu.memory_space<hbm>>
      tpu.enqueue_dma source(%dma_start3A_55 : memref<2x128xi32, #tpu.memory_space<hbm>>) target(%dma_start3A_53 : memref<2x128xi32, #tpu.memory_space<vmem>>) target_semaphore(%arg15 : memref<!tpu.dma_semaphore, #tpu.memory_space<semaphore_mem>>)
      %scan3A_56 = arith.constant 0 : i32
      %scan3A_57 = arith.constant 0 : i32
      %scan3A_58 = arith.constant 78 : i32
      %scan3A_59 = arith.addi %scan3A_57, %scan3A_58 : i32
      %scan3A_60 = arith.constant 1 : i32
      scf.for %scan3A_99 = %scan3A_57 to %scan3A_59 step %scan3A_60  : i32 {
        %and3A = arith.constant 1 : i32
        %and3A_100 = arith.andi %scan3A_99, %and3A : i32
        %mul3A_101 = arith.constant 2 : i32
        %mul3A_102 = arith.muli %mul3A_101, %and3A_100 : i32
        %sub3A = arith.constant 2 : i32
        %sub3A_103 = arith.subi %sub3A, %mul3A_102 : i32
        %add3A_104 = arith.constant 1 : i32
        %add3A_105 = arith.addi %mul3A_102, %add3A_104 : i32
        %dma_wait3A_106 = arith.constant 0 : i32
        %dma_wait3A_107 = arith.constant 0 : i32
        %dma_wait3A_108 = tpu.memref_slice %arg11[%dma_wait3A_106, %dma_wait3A_107] : memref<4x128xi32, #tpu.memory_space<vmem>> -> memref<2x128xi32, #tpu.memory_space<vmem>>
        %dma_wait3A_109 = arith.constant 0 : i32
        %dma_wait3A_110 = tpu.memref_slice %arg6[%add3A, %dma_wait3A_109] : memref<2500x128xi32, #tpu.memory_space<hbm>> -> memref<2x128xi32, #tpu.memory_space<hbm>>
        %dma_wait3A_111 = arith.constant 0 : i32
        %dma_wait3A_112 = arith.constant 0 : i32
        %dma_wait3A_113 = tpu.memref_slice %arg11[%dma_wait3A_111, %dma_wait3A_112] : memref<4x128xi32, #tpu.memory_space<vmem>> -> memref<2x128xi32, #tpu.memory_space<vmem>>
        %dma_wait3A_114 = arith.constant 0 : i32
        %dma_wait3A_115 = tpu.memref_slice %arg6[%add3A, %dma_wait3A_114] : memref<2500x128xi32, #tpu.memory_space<hbm>> -> memref<2x128xi32, #tpu.memory_space<hbm>>
        tpu.wait_dma2 semaphore(%arg15 : memref<!tpu.dma_semaphore, #tpu.memory_space<semaphore_mem>>) src(%dma_wait3A_115 : memref<2x128xi32, #tpu.memory_space<hbm>>) dst(%dma_wait3A_113 : memref<2x128xi32, #tpu.memory_space<vmem>>)
        %dma_wait3A_116 = arith.constant 0 : i32
        %dma_wait3A_117 = arith.constant 0 : i32
        %dma_wait3A_118 = tpu.memref_slice %arg12[%dma_wait3A_116, %dma_wait3A_117] : memref<4x128xi32, #tpu.memory_space<vmem>> -> memref<2x128xi32, #tpu.memory_space<vmem>>
        %dma_wait3A_119 = arith.constant 0 : i32
        %dma_wait3A_120 = tpu.memref_slice %arg7[%add3A, %dma_wait3A_119] : memref<2500x128xi32, #tpu.memory_space<hbm>> -> memref<2x128xi32, #tpu.memory_space<hbm>>
        %dma_wait3A_121 = arith.constant 0 : i32
        %dma_wait3A_122 = arith.constant 0 : i32
        %dma_wait3A_123 = tpu.memref_slice %arg12[%dma_wait3A_121, %dma_wait3A_122] : memref<4x128xi32, #tpu.memory_space<vmem>> -> memref<2x128xi32, #tpu.memory_space<vmem>>
        %dma_wait3A_124 = arith.constant 0 : i32
        %dma_wait3A_125 = tpu.memref_slice %arg7[%add3A, %dma_wait3A_124] : memref<2500x128xi32, #tpu.memory_space<hbm>> -> memref<2x128xi32, #tpu.memory_space<hbm>>
        tpu.wait_dma2 semaphore(%arg15 : memref<!tpu.dma_semaphore, #tpu.memory_space<semaphore_mem>>) src(%dma_wait3A_125 : memref<2x128xi32, #tpu.memory_space<hbm>>) dst(%dma_wait3A_123 : memref<2x128xi32, #tpu.memory_space<vmem>>)
        %gt3A = arith.constant 0 : i32
        %gt3A_126 = arith.cmpi sgt, %scan3A_99, %gt3A : i32
        %convert_element_type3A_127 = arith.extui %gt3A_126 : i1 to i32
        %cond3A_128 = arith.constant 0 : i32
        %cond3A_129 = arith.cmpi ne, %convert_element_type3A_127, %cond3A_128 : i32
        scf.if %cond3A_129 {
          %dma_wait3A_194 = arith.constant 0 : i32
          %dma_wait3A_195 = tpu.memref_slice %arg12[%mul3A_102, %dma_wait3A_194] : memref<4x128xi32, #tpu.memory_space<vmem>> -> memref<1x128xi32, #tpu.memory_space<vmem>>
          %dma_wait3A_196 = tpu.memref_squeeze %dma_wait3A_195 : memref<1x128xi32, #tpu.memory_space<vmem>> -> memref<128xi32, #tpu.memory_space<vmem>>
          %dma_wait3A_197 = arith.constant 0 : i32
          %dma_wait3A_198 = arith.constant 0 : i32
          %dma_wait3A_199 = tpu.memref_slice %arg10[%dma_wait3A_197, %dma_wait3A_198] : memref<10240x128xf32, #tpu.memory_space<vmem_shared>> -> memref<10240x128xf32, #tpu.memory_space<vmem_shared>>
          tpu.wait_indirect_dma semaphore(%arg18 : memref<!tpu.dma_semaphore, #tpu.memory_space<semaphore_mem>>) src(%arg13 : memref<128x128xf32, #tpu.memory_space<vmem>>) dst(%dma_wait3A_199 : memref<10240x128xf32, #tpu.memory_space<vmem_shared>>)
        } else {
        }
        %dma_start3A_130 = arith.constant 0 : i32
        %dma_start3A_131 = tpu.memref_slice %arg11[%mul3A_102, %dma_start3A_130] : memref<4x128xi32, #tpu.memory_space<vmem>> -> memref<1x128xi32, #tpu.memory_space<vmem>>
        %dma_start3A_132 = tpu.memref_squeeze %dma_start3A_131 : memref<1x128xi32, #tpu.memory_space<vmem>> -> memref<128xi32, #tpu.memory_space<vmem>>
        %dma_start3A_133 = arith.constant 0 : i32
        %dma_start3A_134 = arith.constant 0 : i32
        %dma_start3A_135 = tpu.memref_slice %arg3[%dma_start3A_133, %dma_start3A_134] : memref<10000x128xf32, #tpu.memory_space<hbm>> -> memref<10000x128xf32, #tpu.memory_space<hbm>>
        tpu.enqueue_indirect_dma source(%dma_start3A_135 : memref<10000x128xf32, #tpu.memory_space<hbm>>) target(%arg13 : memref<128x128xf32, #tpu.memory_space<vmem>>) offsets(%dma_start3A_132 : memref<128xi32, #tpu.memory_space<vmem>>) semaphore(%arg16 : memref<!tpu.dma_semaphore, #tpu.memory_space<semaphore_mem>>)
        %dma_wait3A_136 = arith.constant 0 : i32
        %dma_wait3A_137 = tpu.memref_slice %arg11[%mul3A_102, %dma_wait3A_136] : memref<4x128xi32, #tpu.memory_space<vmem>> -> memref<1x128xi32, #tpu.memory_space<vmem>>
        %dma_wait3A_138 = tpu.memref_squeeze %dma_wait3A_137 : memref<1x128xi32, #tpu.memory_space<vmem>> -> memref<128xi32, #tpu.memory_space<vmem>>
        %dma_wait3A_139 = arith.constant 0 : i32
        %dma_wait3A_140 = arith.constant 0 : i32
        %dma_wait3A_141 = tpu.memref_slice %arg3[%dma_wait3A_139, %dma_wait3A_140] : memref<10000x128xf32, #tpu.memory_space<hbm>> -> memref<10000x128xf32, #tpu.memory_space<hbm>>
        tpu.wait_indirect_dma semaphore(%arg16 : memref<!tpu.dma_semaphore, #tpu.memory_space<semaphore_mem>>) src(%dma_wait3A_141 : memref<10000x128xf32, #tpu.memory_space<hbm>>) dst(%arg13 : memref<128x128xf32, #tpu.memory_space<vmem>>)
        %dma_start3A_142 = arith.constant 0 : i32
        %dma_start3A_143 = tpu.memref_slice %arg12[%mul3A_102, %dma_start3A_142] : memref<4x128xi32, #tpu.memory_space<vmem>> -> memref<1x128xi32, #tpu.memory_space<vmem>>
        %dma_start3A_144 = tpu.memref_squeeze %dma_start3A_143 : memref<1x128xi32, #tpu.memory_space<vmem>> -> memref<128xi32, #tpu.memory_space<vmem>>
        %dma_start3A_145 = arith.constant 0 : i32
        %dma_start3A_146 = arith.constant 0 : i32
        %dma_start3A_147 = tpu.memref_slice %arg10[%dma_start3A_145, %dma_start3A_146] : memref<10240x128xf32, #tpu.memory_space<vmem_shared>> -> memref<10240x128xf32, #tpu.memory_space<vmem_shared>>
        tpu.enqueue_indirect_dma source(%arg13 : memref<128x128xf32, #tpu.memory_space<vmem>>) target(%dma_start3A_147 : memref<10240x128xf32, #tpu.memory_space<vmem_shared>>) offsets(%dma_start3A_144 : memref<128xi32, #tpu.memory_space<vmem>>) semaphore(%arg18 : memref<!tpu.dma_semaphore, #tpu.memory_space<semaphore_mem>>) {add = true}
        %gt3A_148 = arith.constant 0 : i32
        %gt3A_149 = arith.cmpi sgt, %scan3A_99, %gt3A_148 : i32
        %convert_element_type3A_150 = arith.extui %gt3A_149 : i1 to i32
        %cond3A_151 = arith.constant 0 : i32
        %cond3A_152 = arith.cmpi ne, %convert_element_type3A_150, %cond3A_151 : i32
        scf.if %cond3A_152 {
          %dma_wait3A_194 = arith.constant 0 : i32
          %dma_wait3A_195 = tpu.memref_slice %arg12[%add3A_105, %dma_wait3A_194] : memref<4x128xi32, #tpu.memory_space<vmem>> -> memref<1x128xi32, #tpu.memory_space<vmem>>
          %dma_wait3A_196 = tpu.memref_squeeze %dma_wait3A_195 : memref<1x128xi32, #tpu.memory_space<vmem>> -> memref<128xi32, #tpu.memory_space<vmem>>
          %dma_wait3A_197 = arith.constant 0 : i32
          %dma_wait3A_198 = arith.constant 0 : i32
          %dma_wait3A_199 = tpu.memref_slice %arg10[%dma_wait3A_197, %dma_wait3A_198] : memref<10240x128xf32, #tpu.memory_space<vmem_shared>> -> memref<10240x128xf32, #tpu.memory_space<vmem_shared>>
          tpu.wait_indirect_dma semaphore(%arg19 : memref<!tpu.dma_semaphore, #tpu.memory_space<semaphore_mem>>) src(%arg14 : memref<128x128xf32, #tpu.memory_space<vmem>>) dst(%dma_wait3A_199 : memref<10240x128xf32, #tpu.memory_space<vmem_shared>>)
        } else {
        }
        %add3A_153 = arith.constant 1 : i32
        %add3A_154 = arith.addi %scan3A_99, %add3A_153 : i32
        %mul3A_155 = arith.constant 2 : i32
        %mul3A_156 = arith.muli %mul3A_155, %add3A_154 : i32
        %add3A_157 = arith.addi %add3A, %mul3A_156 : i32
        %min3A_158 = arith.constant 2498 : i32
        %min3A_159 = arith.minsi %add3A_157, %min3A_158 : i32
        %dma_start3A_160 = arith.constant 0 : i32
        %dma_start3A_161 = tpu.memref_slice %arg11[%sub3A_103, %dma_start3A_160] : memref<4x128xi32, #tpu.memory_space<vmem>> -> memref<2x128xi32, #tpu.memory_space<vmem>>
        %dma_start3A_162 = arith.constant 0 : i32
        %dma_start3A_163 = tpu.memref_slice %arg6[%min3A_159, %dma_start3A_162] : memref<2500x128xi32, #tpu.memory_space<hbm>> -> memref<2x128xi32, #tpu.memory_space<hbm>>
        %dma_start3A_164 = arith.constant 0 : i32
        %dma_start3A_165 = tpu.memref_slice %arg11[%sub3A_103, %dma_start3A_164] : memref<4x128xi32, #tpu.memory_space<vmem>> -> memref<2x128xi32, #tpu.memory_space<vmem>>
        %dma_start3A_166 = arith.constant 0 : i32
        %dma_start3A_167 = tpu.memref_slice %arg6[%min3A_159, %dma_start3A_166] : memref<2500x128xi32, #tpu.memory_space<hbm>> -> memref<2x128xi32, #tpu.memory_space<hbm>>
        tpu.enqueue_dma source(%dma_start3A_167 : memref<2x128xi32, #tpu.memory_space<hbm>>) target(%dma_start3A_165 : memref<2x128xi32, #tpu.memory_space<vmem>>) target_semaphore(%arg15 : memref<!tpu.dma_semaphore, #tpu.memory_space<semaphore_mem>>)
        %dma_start3A_168 = arith.constant 0 : i32
        %dma_start3A_169 = tpu.memref_slice %arg12[%sub3A_103, %dma_start3A_168] : memref<4x128xi32, #tpu.memory_space<vmem>> -> memref<2x128xi32, #tpu.memory_space<vmem>>
        %dma_start3A_170 = arith.constant 0 : i32
        %dma_start3A_171 = tpu.memref_slice %arg7[%min3A_159, %dma_start3A_170] : memref<2500x128xi32, #tpu.memory_space<hbm>> -> memref<2x128xi32, #tpu.memory_space<hbm>>
        %dma_start3A_172 = arith.constant 0 : i32
        %dma_start3A_173 = tpu.memref_slice %arg12[%sub3A_103, %dma_start3A_172] : memref<4x128xi32, #tpu.memory_space<vmem>> -> memref<2x128xi32, #tpu.memory_space<vmem>>
        %dma_start3A_174 = arith.constant 0 : i32
        %dma_start3A_175 = tpu.memref_slice %arg7[%min3A_159, %dma_start3A_174] : memref<2500x128xi32, #tpu.memory_space<hbm>> -> memref<2x128xi32, #tpu.memory_space<hbm>>
        tpu.enqueue_dma source(%dma_start3A_175 : memref<2x128xi32, #tpu.memory_space<hbm>>) target(%dma_start3A_173 : memref<2x128xi32, #tpu.memory_space<vmem>>) target_semaphore(%arg15 : memref<!tpu.dma_semaphore, #tpu.memory_space<semaphore_mem>>)
        %dma_start3A_176 = arith.constant 0 : i32
        %dma_start3A_177 = tpu.memref_slice %arg11[%add3A_105, %dma_start3A_176] : memref<4x128xi32, #tpu.memory_space<vmem>> -> memref<1x128xi32, #tpu.memory_space<vmem>>
        %dma_start3A_178 = tpu.memref_squeeze %dma_start3A_177 : memref<1x128xi32, #tpu.memory_space<vmem>> -> memref<128xi32, #tpu.memory_space<vmem>>
        %dma_start3A_179 = arith.constant 0 : i32
        %dma_start3A_180 = arith.constant 0 : i32
        %dma_start3A_181 = tpu.memref_slice %arg3[%dma_start3A_179, %dma_start3A_180] : memref<10000x128xf32, #tpu.memory_space<hbm>> -> memref<10000x128xf32, #tpu.memory_space<hbm>>
        tpu.enqueue_indirect_dma source(%dma_start3A_181 : memref<10000x128xf32, #tpu.memory_space<hbm>>) target(%arg14 : memref<128x128xf32, #tpu.memory_space<vmem>>) offsets(%dma_start3A_178 : memref<128xi32, #tpu.memory_space<vmem>>) semaphore(%arg17 : memref<!tpu.dma_semaphore, #tpu.memory_space<semaphore_mem>>)
        %dma_wait3A_182 = arith.constant 0 : i32
        %dma_wait3A_183 = tpu.memref_slice %arg11[%add3A_105, %dma_wait3A_182] : memref<4x128xi32, #tpu.memory_space<vmem>> -> memref<1x128xi32, #tpu.memory_space<vmem>>
        %dma_wait3A_184 = tpu.memref_squeeze %dma_wait3A_183 : memref<1x128xi32, #tpu.memory_space<vmem>> -> memref<128xi32, #tpu.memory_space<vmem>>
        %dma_wait3A_185 = arith.constant 0 : i32
        %dma_wait3A_186 = arith.constant 0 : i32
        %dma_wait3A_187 = tpu.memref_slice %arg3[%dma_wait3A_185, %dma_wait3A_186] : memref<10000x128xf32, #tpu.memory_space<hbm>> -> memref<10000x128xf32, #tpu.memory_space<hbm>>
        tpu.wait_indirect_dma semaphore(%arg17 : memref<!tpu.dma_semaphore, #tpu.memory_space<semaphore_mem>>) src(%dma_wait3A_187 : memref<10000x128xf32, #tpu.memory_space<hbm>>) dst(%arg14 : memref<128x128xf32, #tpu.memory_space<vmem>>)
        %dma_start3A_188 = arith.constant 0 : i32
        %dma_start3A_189 = tpu.memref_slice %arg12[%add3A_105, %dma_start3A_188] : memref<4x128xi32, #tpu.memory_space<vmem>> -> memref<1x128xi32, #tpu.memory_space<vmem>>
        %dma_start3A_190 = tpu.memref_squeeze %dma_start3A_189 : memref<1x128xi32, #tpu.memory_space<vmem>> -> memref<128xi32, #tpu.memory_space<vmem>>
        %dma_start3A_191 = arith.constant 0 : i32
        %dma_start3A_192 = arith.constant 0 : i32
        %dma_start3A_193 = tpu.memref_slice %arg10[%dma_start3A_191, %dma_start3A_192] : memref<10240x128xf32, #tpu.memory_space<vmem_shared>> -> memref<10240x128xf32, #tpu.memory_space<vmem_shared>>
        tpu.enqueue_indirect_dma source(%arg14 : memref<128x128xf32, #tpu.memory_space<vmem>>) target(%dma_start3A_193 : memref<10240x128xf32, #tpu.memory_space<vmem_shared>>) offsets(%dma_start3A_190 : memref<128xi32, #tpu.memory_space<vmem>>) semaphore(%arg19 : memref<!tpu.dma_semaphore, #tpu.memory_space<semaphore_mem>>) {add = true}
      }
      %scan3A_61 = arith.constant 78 : i32
      %dma_wait3A = arith.constant 0 : i32
      %dma_wait3A_62 = arith.constant 0 : i32
      %dma_wait3A_63 = tpu.memref_slice %arg11[%dma_wait3A, %dma_wait3A_62] : memref<4x128xi32, #tpu.memory_space<vmem>> -> memref<2x128xi32, #tpu.memory_space<vmem>>
      %dma_wait3A_64 = arith.constant 0 : i32
      %dma_wait3A_65 = tpu.memref_slice %arg6[%add3A, %dma_wait3A_64] : memref<2500x128xi32, #tpu.memory_space<hbm>> -> memref<2x128xi32, #tpu.memory_space<hbm>>
      %dma_wait3A_66 = arith.constant 0 : i32
      %dma_wait3A_67 = arith.constant 0 : i32
      %dma_wait3A_68 = tpu.memref_slice %arg11[%dma_wait3A_66, %dma_wait3A_67] : memref<4x128xi32, #tpu.memory_space<vmem>> -> memref<2x128xi32, #tpu.memory_space<vmem>>
      %dma_wait3A_69 = arith.constant 0 : i32
      %dma_wait3A_70 = tpu.memref_slice %arg6[%add3A, %dma_wait3A_69] : memref<2500x128xi32, #tpu.memory_space<hbm>> -> memref<2x128xi32, #tpu.memory_space<hbm>>
      tpu.wait_dma2 semaphore(%arg15 : memref<!tpu.dma_semaphore, #tpu.memory_space<semaphore_mem>>) src(%dma_wait3A_70 : memref<2x128xi32, #tpu.memory_space<hbm>>) dst(%dma_wait3A_68 : memref<2x128xi32, #tpu.memory_space<vmem>>)
      %dma_wait3A_71 = arith.constant 0 : i32
      %dma_wait3A_72 = arith.constant 0 : i32
      %dma_wait3A_73 = tpu.memref_slice %arg12[%dma_wait3A_71, %dma_wait3A_72] : memref<4x128xi32, #tpu.memory_space<vmem>> -> memref<2x128xi32, #tpu.memory_space<vmem>>
      %dma_wait3A_74 = arith.constant 0 : i32
      %dma_wait3A_75 = tpu.memref_slice %arg7[%add3A, %dma_wait3A_74] : memref<2500x128xi32, #tpu.memory_space<hbm>> -> memref<2x128xi32, #tpu.memory_space<hbm>>
      %dma_wait3A_76 = arith.constant 0 : i32
      %dma_wait3A_77 = arith.constant 0 : i32
      %dma_wait3A_78 = tpu.memref_slice %arg12[%dma_wait3A_76, %dma_wait3A_77] : memref<4x128xi32, #tpu.memory_space<vmem>> -> memref<2x128xi32, #tpu.memory_space<vmem>>
      %dma_wait3A_79 = arith.constant 0 : i32
      %dma_wait3A_80 = tpu.memref_slice %arg7[%add3A, %dma_wait3A_79] : memref<2500x128xi32, #tpu.memory_space<hbm>> -> memref<2x128xi32, #tpu.memory_space<hbm>>
      tpu.wait_dma2 semaphore(%arg15 : memref<!tpu.dma_semaphore, #tpu.memory_space<semaphore_mem>>) src(%dma_wait3A_80 : memref<2x128xi32, #tpu.memory_space<hbm>>) dst(%dma_wait3A_78 : memref<2x128xi32, #tpu.memory_space<vmem>>)
      %dma_wait3A_81 = arith.constant 0 : i32
      %dma_wait3A_82 = arith.constant 0 : i32
      %dma_wait3A_83 = tpu.memref_slice %arg12[%dma_wait3A_81, %dma_wait3A_82] : memref<4x128xi32, #tpu.memory_space<vmem>> -> memref<1x128xi32, #tpu.memory_space<vmem>>
      %dma_wait3A_84 = tpu.memref_squeeze %dma_wait3A_83 : memref<1x128xi32, #tpu.memory_space<vmem>> -> memref<128xi32, #tpu.memory_space<vmem>>
      %dma_wait3A_85 = arith.constant 0 : i32
      %dma_wait3A_86 = arith.constant 0 : i32
      %dma_wait3A_87 = tpu.memref_slice %arg10[%dma_wait3A_85, %dma_wait3A_86] : memref<10240x128xf32, #tpu.memory_space<vmem_shared>> -> memref<10240x128xf32, #tpu.memory_space<vmem_shared>>
      tpu.wait_indirect_dma semaphore(%arg18 : memref<!tpu.dma_semaphore, #tpu.memory_space<semaphore_mem>>) src(%arg13 : memref<128x128xf32, #tpu.memory_space<vmem>>) dst(%dma_wait3A_87 : memref<10240x128xf32, #tpu.memory_space<vmem_shared>>)
      %dma_wait3A_88 = arith.constant 1 : i32
      %dma_wait3A_89 = arith.constant 0 : i32
      %dma_wait3A_90 = tpu.memref_slice %arg12[%dma_wait3A_88, %dma_wait3A_89] : memref<4x128xi32, #tpu.memory_space<vmem>> -> memref<1x128xi32, #tpu.memory_space<vmem>>
      %dma_wait3A_91 = tpu.memref_squeeze %dma_wait3A_90 : memref<1x128xi32, #tpu.memory_space<vmem>> -> memref<128xi32, #tpu.memory_space<vmem>>
      %dma_wait3A_92 = arith.constant 0 : i32
      %dma_wait3A_93 = arith.constant 0 : i32
      %dma_wait3A_94 = tpu.memref_slice %arg10[%dma_wait3A_92, %dma_wait3A_93] : memref<10240x128xf32, #tpu.memory_space<vmem_shared>> -> memref<10240x128xf32, #tpu.memory_space<vmem_shared>>
      tpu.wait_indirect_dma semaphore(%arg19 : memref<!tpu.dma_semaphore, #tpu.memory_space<semaphore_mem>>) src(%arg14 : memref<128x128xf32, #tpu.memory_space<vmem>>) dst(%dma_wait3A_94 : memref<10240x128xf32, #tpu.memory_space<vmem_shared>>)
      %lt3A = arith.constant 4 : i32
      %lt3A_95 = arith.cmpi slt, %arg1, %lt3A : i32
      %convert_element_type3A_96 = arith.extui %lt3A_95 : i1 to i32
      %cond3A_97 = arith.constant 0 : i32
      %cond3A_98 = arith.cmpi ne, %convert_element_type3A_96, %cond3A_97 : i32
      scf.if %cond3A_98 {
        %dma_start3A_99 = arith.constant 0 : i32
        %dma_start3A_100 = arith.constant 0 : i32
        %dma_start3A_101 = tpu.memref_slice %arg11[%dma_start3A_99, %dma_start3A_100] : memref<4x128xi32, #tpu.memory_space<vmem>> -> memref<1x128xi32, #tpu.memory_space<vmem>>
        %dma_start3A_102 = tpu.memref_squeeze %dma_start3A_101 : memref<1x128xi32, #tpu.memory_space<vmem>> -> memref<128xi32, #tpu.memory_space<vmem>>
        %dma_start3A_103 = arith.constant 0 : i32
        %dma_start3A_104 = arith.constant 0 : i32
        %dma_start3A_105 = tpu.memref_slice %arg3[%dma_start3A_103, %dma_start3A_104] : memref<10000x128xf32, #tpu.memory_space<hbm>> -> memref<10000x128xf32, #tpu.memory_space<hbm>>
        tpu.enqueue_indirect_dma source(%dma_start3A_105 : memref<10000x128xf32, #tpu.memory_space<hbm>>) target(%arg13 : memref<128x128xf32, #tpu.memory_space<vmem>>) offsets(%dma_start3A_102 : memref<128xi32, #tpu.memory_space<vmem>>) semaphore(%arg16 : memref<!tpu.dma_semaphore, #tpu.memory_space<semaphore_mem>>)
        %dma_wait3A_106 = arith.constant 0 : i32
        %dma_wait3A_107 = arith.constant 0 : i32
        %dma_wait3A_108 = tpu.memref_slice %arg11[%dma_wait3A_106, %dma_wait3A_107] : memref<4x128xi32, #tpu.memory_space<vmem>> -> memref<1x128xi32, #tpu.memory_space<vmem>>
        %dma_wait3A_109 = tpu.memref_squeeze %dma_wait3A_108 : memref<1x128xi32, #tpu.memory_space<vmem>> -> memref<128xi32, #tpu.memory_space<vmem>>
        %dma_wait3A_110 = arith.constant 0 : i32
        %dma_wait3A_111 = arith.constant 0 : i32
        %dma_wait3A_112 = tpu.memref_slice %arg3[%dma_wait3A_110, %dma_wait3A_111] : memref<10000x128xf32, #tpu.memory_space<hbm>> -> memref<10000x128xf32, #tpu.memory_space<hbm>>
        tpu.wait_indirect_dma semaphore(%arg16 : memref<!tpu.dma_semaphore, #tpu.memory_space<semaphore_mem>>) src(%dma_wait3A_112 : memref<10000x128xf32, #tpu.memory_space<hbm>>) dst(%arg13 : memref<128x128xf32, #tpu.memory_space<vmem>>)
        %run_scoped3A = arith.constant 0 : i32
        "tpu.region"() ({
          %run_scoped3A_113 = tpu.sem_alloc : memref<!tpu.dma_semaphore, #tpu.memory_space<semaphore_mem>>
          %dma_start3A_114 = arith.constant 0 : i32
          %dma_start3A_115 = tpu.memref_slice %arg12[%run_scoped3A, %dma_start3A_114] : memref<4x128xi32, #tpu.memory_space<vmem>> -> memref<1x128xi32, #tpu.memory_space<vmem>>
          %dma_start3A_116 = tpu.memref_squeeze %dma_start3A_115 : memref<1x128xi32, #tpu.memory_space<vmem>> -> memref<128xi32, #tpu.memory_space<vmem>>
          %dma_start3A_117 = arith.constant 0 : i32
          %dma_start3A_118 = arith.constant 0 : i32
          %dma_start3A_119 = tpu.memref_slice %arg10[%dma_start3A_117, %dma_start3A_118] : memref<10240x128xf32, #tpu.memory_space<vmem_shared>> -> memref<10240x128xf32, #tpu.memory_space<vmem_shared>>
          tpu.enqueue_indirect_dma source(%arg13 : memref<128x128xf32, #tpu.memory_space<vmem>>) target(%dma_start3A_119 : memref<10240x128xf32, #tpu.memory_space<vmem_shared>>) offsets(%dma_start3A_116 : memref<128xi32, #tpu.memory_space<vmem>>) semaphore(%run_scoped3A_113 : memref<!tpu.dma_semaphore, #tpu.memory_space<semaphore_mem>>) {add = true}
          %dma_wait3A_120 = arith.constant 0 : i32
          %dma_wait3A_121 = tpu.memref_slice %arg12[%run_scoped3A, %dma_wait3A_120] : memref<4x128xi32, #tpu.memory_space<vmem>> -> memref<1x128xi32, #tpu.memory_space<vmem>>
          %dma_wait3A_122 = tpu.memref_squeeze %dma_wait3A_121 : memref<1x128xi32, #tpu.memory_space<vmem>> -> memref<128xi32, #tpu.memory_space<vmem>>
          %dma_wait3A_123 = arith.constant 0 : i32
          %dma_wait3A_124 = arith.constant 0 : i32
          %dma_wait3A_125 = tpu.memref_slice %arg10[%dma_wait3A_123, %dma_wait3A_124] : memref<10240x128xf32, #tpu.memory_space<vmem_shared>> -> memref<10240x128xf32, #tpu.memory_space<vmem_shared>>
          tpu.wait_indirect_dma semaphore(%run_scoped3A_113 : memref<!tpu.dma_semaphore, #tpu.memory_space<semaphore_mem>>) src(%arg13 : memref<128x128xf32, #tpu.memory_space<vmem>>) dst(%dma_wait3A_125 : memref<10240x128xf32, #tpu.memory_space<vmem_shared>>)
          tpu.yield
        }) : () -> ()
      } else {
      }
    } else {
    }
    %barrier3A_26 = arith.constant 0 : index
    tpu.barrier barrier_id(%barrier3A_26)
    %eq3A_27 = arith.constant 0 : i32
    %eq3A_28 = arith.cmpi eq, %arg0, %eq3A_27 : i32
    %convert_element_type3A_29 = arith.extui %eq3A_28 : i1 to i32
    %cond3A_30 = arith.constant 0 : i32
    %cond3A_31 = arith.cmpi ne, %convert_element_type3A_29, %cond3A_30 : i32
    scf.if %cond3A_31 {
      "tpu.region"() ({
        %run_scoped3A = tpu.sem_alloc : memref<!tpu.dma_semaphore, #tpu.memory_space<semaphore_mem>>
        %dma_start3A = arith.constant 0 : i32
        %dma_start3A_37 = tpu.memref_slice %arg8[%mul3A_8, %dma_start3A] : memref<10240x128xf32, #tpu.memory_space<hbm>> -> memref<640x128xf32, #tpu.memory_space<hbm>>
        %dma_start3A_38 = arith.constant 0 : i32
        %dma_start3A_39 = tpu.memref_slice %arg10[%mul3A_8, %dma_start3A_38] : memref<10240x128xf32, #tpu.memory_space<vmem_shared>> -> memref<640x128xf32, #tpu.memory_space<vmem_shared>>
        tpu.enqueue_dma source(%dma_start3A_39 : memref<640x128xf32, #tpu.memory_space<vmem_shared>>) target(%dma_start3A_37 : memref<640x128xf32, #tpu.memory_space<hbm>>) target_semaphore(%run_scoped3A : memref<!tpu.dma_semaphore, #tpu.memory_space<semaphore_mem>>)
        %dma_wait3A = arith.constant 0 : i32
        %dma_wait3A_40 = tpu.memref_slice %arg8[%mul3A_8, %dma_wait3A] : memref<10240x128xf32, #tpu.memory_space<hbm>> -> memref<640x128xf32, #tpu.memory_space<hbm>>
        %dma_wait3A_41 = arith.constant 0 : i32
        %dma_wait3A_42 = tpu.memref_slice %arg10[%mul3A_8, %dma_wait3A_41] : memref<10240x128xf32, #tpu.memory_space<vmem_shared>> -> memref<640x128xf32, #tpu.memory_space<vmem_shared>>
        tpu.wait_dma2 semaphore(%run_scoped3A : memref<!tpu.dma_semaphore, #tpu.memory_space<semaphore_mem>>) src(%dma_wait3A_42 : memref<640x128xf32, #tpu.memory_space<vmem_shared>>) dst(%dma_wait3A_40 : memref<640x128xf32, #tpu.memory_space<hbm>>)
        tpu.yield
      }) : () -> ()
    } else {
    }
    %eq3A_32 = arith.constant 1 : i32
    %eq3A_33 = arith.cmpi eq, %arg0, %eq3A_32 : i32
    %convert_element_type3A_34 = arith.extui %eq3A_33 : i1 to i32
    %cond3A_35 = arith.constant 0 : i32
    %cond3A_36 = arith.cmpi ne, %convert_element_type3A_34, %cond3A_35 : i32
    scf.if %cond3A_36 {
      "tpu.region"() ({
        %run_scoped3A = tpu.sem_alloc : memref<!tpu.dma_semaphore, #tpu.memory_space<semaphore_mem>>
        %dma_start3A = arith.constant 0 : i32
        %dma_start3A_37 = tpu.memref_slice %arg9[%mul3A_8, %dma_start3A] : memref<10240x128xf32, #tpu.memory_space<hbm>> -> memref<640x128xf32, #tpu.memory_space<hbm>>
        %dma_start3A_38 = arith.constant 0 : i32
        %dma_start3A_39 = tpu.memref_slice %arg10[%mul3A_8, %dma_start3A_38] : memref<10240x128xf32, #tpu.memory_space<vmem_shared>> -> memref<640x128xf32, #tpu.memory_space<vmem_shared>>
        tpu.enqueue_dma source(%dma_start3A_39 : memref<640x128xf32, #tpu.memory_space<vmem_shared>>) target(%dma_start3A_37 : memref<640x128xf32, #tpu.memory_space<hbm>>) target_semaphore(%run_scoped3A : memref<!tpu.dma_semaphore, #tpu.memory_space<semaphore_mem>>)
        %dma_wait3A = arith.constant 0 : i32
        %dma_wait3A_40 = tpu.memref_slice %arg9[%mul3A_8, %dma_wait3A] : memref<10240x128xf32, #tpu.memory_space<hbm>> -> memref<640x128xf32, #tpu.memory_space<hbm>>
        %dma_wait3A_41 = arith.constant 0 : i32
        %dma_wait3A_42 = tpu.memref_slice %arg10[%mul3A_8, %dma_wait3A_41] : memref<10240x128xf32, #tpu.memory_space<vmem_shared>> -> memref<640x128xf32, #tpu.memory_space<vmem_shared>>
        tpu.wait_dma2 semaphore(%run_scoped3A : memref<!tpu.dma_semaphore, #tpu.memory_space<semaphore_mem>>) src(%dma_wait3A_42 : memref<640x128xf32, #tpu.memory_space<vmem_shared>>) dst(%dma_wait3A_40 : memref<640x128xf32, #tpu.memory_space<hbm>>)
        tpu.yield
      }) : () -> ()
    } else {
    }
    return
  }
}

#map = affine_map<(d0, d1) -> (0, 0)>
module attributes {stable_mosaic.version = 14 : i64} {
  func.func @_sc_cnt_body(%arg0: i32, %arg1: i32, %arg2: memref<2500x128xi32, #tpu.memory_space<hbm>>, %arg3: memref<2500x128xi32, #tpu.memory_space<hbm>>, %arg4: memref<10240x16xf32, #tpu.memory_space<hbm>>, %arg5: memref<10240x16xf32, #tpu.memory_space<hbm>>, %arg6: memref<10240x16xf32, #tpu.memory_space<vmem_shared>>, %arg7: memref<157x128xi32, #tpu.memory_space<vmem>>, %arg8: memref<128x16xf32, #tpu.memory_space<vmem>>, %arg9: memref<!tpu.dma_semaphore, #tpu.memory_space<semaphore_mem>>) attributes {dimension_semantics = [#tpu.dimension_semantics<core_parallel>, #tpu.dimension_semantics<subcore_parallel>], iteration_bounds = array<i64: 2, 16>, scalar_prefetch = 0 : i64, scratch_operands = 4 : i64, tpu.core_type = #tpu.core_type<sc_vector_subcore>, window_params = [{transform_indices = #map}, {transform_indices = #map}, {transform_indices = #map}, {transform_indices = #map}]} {
    %mul3A = arith.constant 156 : i32
    %mul3A_0 = arith.muli %mul3A, %arg1 : i32
    %min3A = arith.constant 4 : i32
    %min3A_1 = arith.minsi %arg1, %min3A : i32
    %add3A = arith.addi %mul3A_0, %min3A_1 : i32
    %lt3A = arith.constant 4 : i32
    %lt3A_2 = arith.cmpi slt, %arg1, %lt3A : i32
    %jit3A = arith.constant 157 : i32
    %jit3A_3 = arith.constant 156 : i32
    %select_n3A = arith.select %lt3A_2, %jit3A, %jit3A_3 : i32
    %min3A_4 = arith.constant 2343 : i32
    %min3A_5 = arith.minsi %add3A, %min3A_4 : i32
    %sub3A = arith.subi %add3A, %min3A_5 : i32
    %scan3A = arith.constant 0 : i32
    %scan3A_6 = arith.constant 0 : i32
    %scan3A_7 = arith.constant 128 : i32
    %scan3A_8 = arith.addi %scan3A_6, %scan3A_7 : i32
    %scan3A_9 = arith.constant 1 : i32
    scf.for %scan3A_47 = %scan3A_6 to %scan3A_8 step %scan3A_9  : i32 {
      %broadcast_in_dim3A = arith.constant 0.000000e+00 : f32
      %broadcast_in_dim3A_48 = vector.broadcast %broadcast_in_dim3A : f32 to vector<16xf32>
      %swap3A = arith.index_cast %scan3A_47 : i32 to index
      %swap3A_49 = arith.constant 0 : index
      %swap3A_50 = tpu.vector_load %arg8[%swap3A, %swap3A_49] {strides = array<i32>} : memref<128x16xf32, #tpu.memory_space<vmem>>, vector<1x16xf32>,
      %swap3A_51 = vector.shape_cast %swap3A_50 : vector<1x16xf32> to vector<16xf32>
      %swap3A_52 = vector.shape_cast %broadcast_in_dim3A_48 : vector<16xf32> to vector<1x16xf32>
      tpu.vector_store %arg8[%swap3A, %swap3A_49], %swap3A_52 {strides = array<i32>} : memref<128x16xf32, #tpu.memory_space<vmem>>, vector<1x16xf32>,
    }
    %scan3A_10 = arith.constant 128 : i32
    %mul3A_11 = arith.constant 640 : i32
    %mul3A_12 = arith.muli %arg1, %mul3A_11 : i32
    %add3A_13 = arith.constant 0 : i32
    %add3A_14 = arith.addi %mul3A_12, %add3A_13 : i32
    "tpu.region"() ({
      %run_scoped3A = tpu.sem_alloc : memref<!tpu.dma_semaphore, #tpu.memory_space<semaphore_mem>>
      %dma_start3A = arith.constant 0 : i32
      %dma_start3A_47 = tpu.memref_slice %arg6[%add3A_14, %dma_start3A] : memref<10240x16xf32, #tpu.memory_space<vmem_shared>> -> memref<128x16xf32, #tpu.memory_space<vmem_shared>>
      %dma_start3A_48 = arith.constant 0 : i32
      %dma_start3A_49 = tpu.memref_slice %arg6[%add3A_14, %dma_start3A_48] : memref<10240x16xf32, #tpu.memory_space<vmem_shared>> -> memref<128x16xf32, #tpu.memory_space<vmem_shared>>
      tpu.enqueue_dma source(%arg8 : memref<128x16xf32, #tpu.memory_space<vmem>>) target(%dma_start3A_49 : memref<128x16xf32, #tpu.memory_space<vmem_shared>>) target_semaphore(%run_scoped3A : memref<!tpu.dma_semaphore, #tpu.memory_space<semaphore_mem>>)
      %dma_wait3A = arith.constant 0 : i32
      %dma_wait3A_50 = tpu.memref_slice %arg6[%add3A_14, %dma_wait3A] : memref<10240x16xf32, #tpu.memory_space<vmem_shared>> -> memref<128x16xf32, #tpu.memory_space<vmem_shared>>
      %dma_wait3A_51 = arith.constant 0 : i32
      %dma_wait3A_52 = tpu.memref_slice %arg6[%add3A_14, %dma_wait3A_51] : memref<10240x16xf32, #tpu.memory_space<vmem_shared>> -> memref<128x16xf32, #tpu.memory_space<vmem_shared>>
      tpu.wait_dma2 semaphore(%run_scoped3A : memref<!tpu.dma_semaphore, #tpu.memory_space<semaphore_mem>>) src(%arg8 : memref<128x16xf32, #tpu.memory_space<vmem>>) dst(%dma_wait3A_52 : memref<128x16xf32, #tpu.memory_space<vmem_shared>>)
      tpu.yield
    }) : () -> ()
    %add3A_15 = arith.constant 128 : i32
    %add3A_16 = arith.addi %mul3A_12, %add3A_15 : i32
    "tpu.region"() ({
      %run_scoped3A = tpu.sem_alloc : memref<!tpu.dma_semaphore, #tpu.memory_space<semaphore_mem>>
      %dma_start3A = arith.constant 0 : i32
      %dma_start3A_47 = tpu.memref_slice %arg6[%add3A_16, %dma_start3A] : memref<10240x16xf32, #tpu.memory_space<vmem_shared>> -> memref<128x16xf32, #tpu.memory_space<vmem_shared>>
      %dma_start3A_48 = arith.constant 0 : i32
      %dma_start3A_49 = tpu.memref_slice %arg6[%add3A_16, %dma_start3A_48] : memref<10240x16xf32, #tpu.memory_space<vmem_shared>> -> memref<128x16xf32, #tpu.memory_space<vmem_shared>>
      tpu.enqueue_dma source(%arg8 : memref<128x16xf32, #tpu.memory_space<vmem>>) target(%dma_start3A_49 : memref<128x16xf32, #tpu.memory_space<vmem_shared>>) target_semaphore(%run_scoped3A : memref<!tpu.dma_semaphore, #tpu.memory_space<semaphore_mem>>)
      %dma_wait3A = arith.constant 0 : i32
      %dma_wait3A_50 = tpu.memref_slice %arg6[%add3A_16, %dma_wait3A] : memref<10240x16xf32, #tpu.memory_space<vmem_shared>> -> memref<128x16xf32, #tpu.memory_space<vmem_shared>>
      %dma_wait3A_51 = arith.constant 0 : i32
      %dma_wait3A_52 = tpu.memref_slice %arg6[%add3A_16, %dma_wait3A_51] : memref<10240x16xf32, #tpu.memory_space<vmem_shared>> -> memref<128x16xf32, #tpu.memory_space<vmem_shared>>
      tpu.wait_dma2 semaphore(%run_scoped3A : memref<!tpu.dma_semaphore, #tpu.memory_space<semaphore_mem>>) src(%arg8 : memref<128x16xf32, #tpu.memory_space<vmem>>) dst(%dma_wait3A_52 : memref<128x16xf32, #tpu.memory_space<vmem_shared>>)
      tpu.yield
    }) : () -> ()
    %add3A_17 = arith.constant 256 : i32
    %add3A_18 = arith.addi %mul3A_12, %add3A_17 : i32
    "tpu.region"() ({
      %run_scoped3A = tpu.sem_alloc : memref<!tpu.dma_semaphore, #tpu.memory_space<semaphore_mem>>
      %dma_start3A = arith.constant 0 : i32
      %dma_start3A_47 = tpu.memref_slice %arg6[%add3A_18, %dma_start3A] : memref<10240x16xf32, #tpu.memory_space<vmem_shared>> -> memref<128x16xf32, #tpu.memory_space<vmem_shared>>
      %dma_start3A_48 = arith.constant 0 : i32
      %dma_start3A_49 = tpu.memref_slice %arg6[%add3A_18, %dma_start3A_48] : memref<10240x16xf32, #tpu.memory_space<vmem_shared>> -> memref<128x16xf32, #tpu.memory_space<vmem_shared>>
      tpu.enqueue_dma source(%arg8 : memref<128x16xf32, #tpu.memory_space<vmem>>) target(%dma_start3A_49 : memref<128x16xf32, #tpu.memory_space<vmem_shared>>) target_semaphore(%run_scoped3A : memref<!tpu.dma_semaphore, #tpu.memory_space<semaphore_mem>>)
      %dma_wait3A = arith.constant 0 : i32
      %dma_wait3A_50 = tpu.memref_slice %arg6[%add3A_18, %dma_wait3A] : memref<10240x16xf32, #tpu.memory_space<vmem_shared>> -> memref<128x16xf32, #tpu.memory_space<vmem_shared>>
      %dma_wait3A_51 = arith.constant 0 : i32
      %dma_wait3A_52 = tpu.memref_slice %arg6[%add3A_18, %dma_wait3A_51] : memref<10240x16xf32, #tpu.memory_space<vmem_shared>> -> memref<128x16xf32, #tpu.memory_space<vmem_shared>>
      tpu.wait_dma2 semaphore(%run_scoped3A : memref<!tpu.dma_semaphore, #tpu.memory_space<semaphore_mem>>) src(%arg8 : memref<128x16xf32, #tpu.memory_space<vmem>>) dst(%dma_wait3A_52 : memref<128x16xf32, #tpu.memory_space<vmem_shared>>)
      tpu.yield
    }) : () -> ()
    %add3A_19 = arith.constant 384 : i32
    %add3A_20 = arith.addi %mul3A_12, %add3A_19 : i32
    "tpu.region"() ({
      %run_scoped3A = tpu.sem_alloc : memref<!tpu.dma_semaphore, #tpu.memory_space<semaphore_mem>>
      %dma_start3A = arith.constant 0 : i32
      %dma_start3A_47 = tpu.memref_slice %arg6[%add3A_20, %dma_start3A] : memref<10240x16xf32, #tpu.memory_space<vmem_shared>> -> memref<128x16xf32, #tpu.memory_space<vmem_shared>>
      %dma_start3A_48 = arith.constant 0 : i32
      %dma_start3A_49 = tpu.memref_slice %arg6[%add3A_20, %dma_start3A_48] : memref<10240x16xf32, #tpu.memory_space<vmem_shared>> -> memref<128x16xf32, #tpu.memory_space<vmem_shared>>
      tpu.enqueue_dma source(%arg8 : memref<128x16xf32, #tpu.memory_space<vmem>>) target(%dma_start3A_49 : memref<128x16xf32, #tpu.memory_space<vmem_shared>>) target_semaphore(%run_scoped3A : memref<!tpu.dma_semaphore, #tpu.memory_space<semaphore_mem>>)
      %dma_wait3A = arith.constant 0 : i32
      %dma_wait3A_50 = tpu.memref_slice %arg6[%add3A_20, %dma_wait3A] : memref<10240x16xf32, #tpu.memory_space<vmem_shared>> -> memref<128x16xf32, #tpu.memory_space<vmem_shared>>
      %dma_wait3A_51 = arith.constant 0 : i32
      %dma_wait3A_52 = tpu.memref_slice %arg6[%add3A_20, %dma_wait3A_51] : memref<10240x16xf32, #tpu.memory_space<vmem_shared>> -> memref<128x16xf32, #tpu.memory_space<vmem_shared>>
      tpu.wait_dma2 semaphore(%run_scoped3A : memref<!tpu.dma_semaphore, #tpu.memory_space<semaphore_mem>>) src(%arg8 : memref<128x16xf32, #tpu.memory_space<vmem>>) dst(%dma_wait3A_52 : memref<128x16xf32, #tpu.memory_space<vmem_shared>>)
      tpu.yield
    }) : () -> ()
    %add3A_21 = arith.constant 512 : i32
    %add3A_22 = arith.addi %mul3A_12, %add3A_21 : i32
    "tpu.region"() ({
      %run_scoped3A = tpu.sem_alloc : memref<!tpu.dma_semaphore, #tpu.memory_space<semaphore_mem>>
      %dma_start3A = arith.constant 0 : i32
      %dma_start3A_47 = tpu.memref_slice %arg6[%add3A_22, %dma_start3A] : memref<10240x16xf32, #tpu.memory_space<vmem_shared>> -> memref<128x16xf32, #tpu.memory_space<vmem_shared>>
      %dma_start3A_48 = arith.constant 0 : i32
      %dma_start3A_49 = tpu.memref_slice %arg6[%add3A_22, %dma_start3A_48] : memref<10240x16xf32, #tpu.memory_space<vmem_shared>> -> memref<128x16xf32, #tpu.memory_space<vmem_shared>>
      tpu.enqueue_dma source(%arg8 : memref<128x16xf32, #tpu.memory_space<vmem>>) target(%dma_start3A_49 : memref<128x16xf32, #tpu.memory_space<vmem_shared>>) target_semaphore(%run_scoped3A : memref<!tpu.dma_semaphore, #tpu.memory_space<semaphore_mem>>)
      %dma_wait3A = arith.constant 0 : i32
      %dma_wait3A_50 = tpu.memref_slice %arg6[%add3A_22, %dma_wait3A] : memref<10240x16xf32, #tpu.memory_space<vmem_shared>> -> memref<128x16xf32, #tpu.memory_space<vmem_shared>>
      %dma_wait3A_51 = arith.constant 0 : i32
      %dma_wait3A_52 = tpu.memref_slice %arg6[%add3A_22, %dma_wait3A_51] : memref<10240x16xf32, #tpu.memory_space<vmem_shared>> -> memref<128x16xf32, #tpu.memory_space<vmem_shared>>
      tpu.wait_dma2 semaphore(%run_scoped3A : memref<!tpu.dma_semaphore, #tpu.memory_space<semaphore_mem>>) src(%arg8 : memref<128x16xf32, #tpu.memory_space<vmem>>) dst(%dma_wait3A_52 : memref<128x16xf32, #tpu.memory_space<vmem_shared>>)
      tpu.yield
    }) : () -> ()
    %barrier3A = arith.constant 0 : index
    tpu.barrier barrier_id(%barrier3A)
    %scan3A_23 = arith.constant 0 : i32
    %scan3A_24 = arith.constant 0 : i32
    %scan3A_25 = arith.constant 128 : i32
    %scan3A_26 = arith.addi %scan3A_24, %scan3A_25 : i32
    %scan3A_27 = arith.constant 1 : i32
    scf.for %scan3A_47 = %scan3A_24 to %scan3A_26 step %scan3A_27  : i32 {
      %broadcast_in_dim3A = arith.constant 1.000000e+00 : f32
      %broadcast_in_dim3A_48 = vector.broadcast %broadcast_in_dim3A : f32 to vector<16xf32>
      %swap3A = arith.index_cast %scan3A_47 : i32 to index
      %swap3A_49 = arith.constant 0 : index
      %swap3A_50 = tpu.vector_load %arg8[%swap3A, %swap3A_49] {strides = array<i32>} : memref<128x16xf32, #tpu.memory_space<vmem>>, vector<1x16xf32>,
      %swap3A_51 = vector.shape_cast %swap3A_50 : vector<1x16xf32> to vector<16xf32>
      %swap3A_52 = vector.shape_cast %broadcast_in_dim3A_48 : vector<16xf32> to vector<1x16xf32>
      tpu.vector_store %arg8[%swap3A, %swap3A_49], %swap3A_52 {strides = array<i32>} : memref<128x16xf32, #tpu.memory_space<vmem>>, vector<1x16xf32>,
    }
    %scan3A_28 = arith.constant 128 : i32
    %eq3A = arith.constant 0 : i32
    %eq3A_29 = arith.cmpi eq, %arg0, %eq3A : i32
    %convert_element_type3A = arith.extui %eq3A_29 : i1 to i32
    %cond3A = arith.constant 0 : i32
    %cond3A_30 = arith.cmpi ne, %convert_element_type3A, %cond3A : i32
    scf.if %cond3A_30 {
      "tpu.region"() ({
        %run_scoped3A = tpu.sem_alloc : memref<!tpu.dma_semaphore, #tpu.memory_space<semaphore_mem>>
        %dma_start3A = arith.constant 0 : i32
        %dma_start3A_56 = tpu.memref_slice %arg2[%min3A_5, %dma_start3A] : memref<2500x128xi32, #tpu.memory_space<hbm>> -> memref<157x128xi32, #tpu.memory_space<hbm>>
        %dma_start3A_57 = arith.constant 0 : i32
        %dma_start3A_58 = tpu.memref_slice %arg2[%min3A_5, %dma_start3A_57] : memref<2500x128xi32, #tpu.memory_space<hbm>> -> memref<157x128xi32, #tpu.memory_space<hbm>>
        tpu.enqueue_dma source(%dma_start3A_58 : memref<157x128xi32, #tpu.memory_space<hbm>>) target(%arg7 : memref<157x128xi32, #tpu.memory_space<vmem>>) target_semaphore(%run_scoped3A : memref<!tpu.dma_semaphore, #tpu.memory_space<semaphore_mem>>)
        %dma_wait3A = arith.constant 0 : i32
        %dma_wait3A_59 = tpu.memref_slice %arg2[%min3A_5, %dma_wait3A] : memref<2500x128xi32, #tpu.memory_space<hbm>> -> memref<157x128xi32, #tpu.memory_space<hbm>>
        %dma_wait3A_60 = arith.constant 0 : i32
        %dma_wait3A_61 = tpu.memref_slice %arg2[%min3A_5, %dma_wait3A_60] : memref<2500x128xi32, #tpu.memory_space<hbm>> -> memref<157x128xi32, #tpu.memory_space<hbm>>
        tpu.wait_dma2 semaphore(%run_scoped3A : memref<!tpu.dma_semaphore, #tpu.memory_space<semaphore_mem>>) src(%dma_wait3A_61 : memref<157x128xi32, #tpu.memory_space<hbm>>) dst(%arg7 : memref<157x128xi32, #tpu.memory_space<vmem>>)
        tpu.yield
      }) : () -> ()
      %while3A = arith.constant 0 : i32
      %while3A_47 = arith.constant 0 : i32
      %while3A_48 = arith.subi %select_n3A, %while3A_47 : i32
      %while3A_49 = arith.addi %while3A_47, %while3A_48 : i32
      %while3A_50 = arith.constant 1 : i32
      %while3A_51 = arith.divsi %while3A_48, %while3A_50 : i32
      %while3A_52 = arith.muli %while3A_51, %while3A_50 : i32
      %while3A_53 = arith.addi %while3A_47, %while3A_52 : i32
      %while3A_54 = arith.constant 1 : i32
      scf.for %while3A_56 = %while3A_47 to %while3A_53 step %while3A_54  : i32 {
        %add3A_57 = arith.addi %while3A_56, %sub3A : i32
        "tpu.region"() ({
          %run_scoped3A = tpu.sem_alloc : memref<!tpu.dma_semaphore, #tpu.memory_space<semaphore_mem>>
          %dma_start3A = arith.constant 0 : i32
          %dma_start3A_58 = tpu.memref_slice %arg7[%add3A_57, %dma_start3A] : memref<157x128xi32, #tpu.memory_space<vmem>> -> memref<1x128xi32, #tpu.memory_space<vmem>>
          %dma_start3A_59 = tpu.memref_squeeze %dma_start3A_58 : memref<1x128xi32, #tpu.memory_space<vmem>> -> memref<128xi32, #tpu.memory_space<vmem>>
          %dma_start3A_60 = arith.constant 0 : i32
          %dma_start3A_61 = arith.constant 0 : i32
          %dma_start3A_62 = tpu.memref_slice %arg6[%dma_start3A_60, %dma_start3A_61] : memref<10240x16xf32, #tpu.memory_space<vmem_shared>> -> memref<10240x16xf32, #tpu.memory_space<vmem_shared>>
          tpu.enqueue_indirect_dma source(%arg8 : memref<128x16xf32, #tpu.memory_space<vmem>>) target(%dma_start3A_62 : memref<10240x16xf32, #tpu.memory_space<vmem_shared>>) offsets(%dma_start3A_59 : memref<128xi32, #tpu.memory_space<vmem>>) semaphore(%run_scoped3A : memref<!tpu.dma_semaphore, #tpu.memory_space<semaphore_mem>>) {add = true}
          %dma_wait3A = arith.constant 0 : i32
          %dma_wait3A_63 = tpu.memref_slice %arg7[%add3A_57, %dma_wait3A] : memref<157x128xi32, #tpu.memory_space<vmem>> -> memref<1x128xi32, #tpu.memory_space<vmem>>
          %dma_wait3A_64 = tpu.memref_squeeze %dma_wait3A_63 : memref<1x128xi32, #tpu.memory_space<vmem>> -> memref<128xi32, #tpu.memory_space<vmem>>
          %dma_wait3A_65 = arith.constant 0 : i32
          %dma_wait3A_66 = arith.constant 0 : i32
          %dma_wait3A_67 = tpu.memref_slice %arg6[%dma_wait3A_65, %dma_wait3A_66] : memref<10240x16xf32, #tpu.memory_space<vmem_shared>> -> memref<10240x16xf32, #tpu.memory_space<vmem_shared>>
          tpu.wait_indirect_dma semaphore(%run_scoped3A : memref<!tpu.dma_semaphore, #tpu.memory_space<semaphore_mem>>) src(%arg8 : memref<128x16xf32, #tpu.memory_space<vmem>>) dst(%dma_wait3A_67 : memref<10240x16xf32, #tpu.memory_space<vmem_shared>>)
          tpu.yield
        }) : () -> ()
      }
      %while3A_55 = arith.constant 1 : i32
      scf.for %while3A_56 = %while3A_53 to %while3A_49 step %while3A_55  : i32 {
        %add3A_57 = arith.addi %while3A_56, %sub3A : i32
        "tpu.region"() ({
          %run_scoped3A = tpu.sem_alloc : memref<!tpu.dma_semaphore, #tpu.memory_space<semaphore_mem>>
          %dma_start3A = arith.constant 0 : i32
          %dma_start3A_58 = tpu.memref_slice %arg7[%add3A_57, %dma_start3A] : memref<157x128xi32, #tpu.memory_space<vmem>> -> memref<1x128xi32, #tpu.memory_space<vmem>>
          %dma_start3A_59 = tpu.memref_squeeze %dma_start3A_58 : memref<1x128xi32, #tpu.memory_space<vmem>> -> memref<128xi32, #tpu.memory_space<vmem>>
          %dma_start3A_60 = arith.constant 0 : i32
          %dma_start3A_61 = arith.constant 0 : i32
          %dma_start3A_62 = tpu.memref_slice %arg6[%dma_start3A_60, %dma_start3A_61] : memref<10240x16xf32, #tpu.memory_space<vmem_shared>> -> memref<10240x16xf32, #tpu.memory_space<vmem_shared>>
          tpu.enqueue_indirect_dma source(%arg8 : memref<128x16xf32, #tpu.memory_space<vmem>>) target(%dma_start3A_62 : memref<10240x16xf32, #tpu.memory_space<vmem_shared>>) offsets(%dma_start3A_59 : memref<128xi32, #tpu.memory_space<vmem>>) semaphore(%run_scoped3A : memref<!tpu.dma_semaphore, #tpu.memory_space<semaphore_mem>>) {add = true}
          %dma_wait3A = arith.constant 0 : i32
          %dma_wait3A_63 = tpu.memref_slice %arg7[%add3A_57, %dma_wait3A] : memref<157x128xi32, #tpu.memory_space<vmem>> -> memref<1x128xi32, #tpu.memory_space<vmem>>
          %dma_wait3A_64 = tpu.memref_squeeze %dma_wait3A_63 : memref<1x128xi32, #tpu.memory_space<vmem>> -> memref<128xi32, #tpu.memory_space<vmem>>
          %dma_wait3A_65 = arith.constant 0 : i32
          %dma_wait3A_66 = arith.constant 0 : i32
          %dma_wait3A_67 = tpu.memref_slice %arg6[%dma_wait3A_65, %dma_wait3A_66] : memref<10240x16xf32, #tpu.memory_space<vmem_shared>> -> memref<10240x16xf32, #tpu.memory_space<vmem_shared>>
          tpu.wait_indirect_dma semaphore(%run_scoped3A : memref<!tpu.dma_semaphore, #tpu.memory_space<semaphore_mem>>) src(%arg8 : memref<128x16xf32, #tpu.memory_space<vmem>>) dst(%dma_wait3A_67 : memref<10240x16xf32, #tpu.memory_space<vmem_shared>>)
          tpu.yield
        }) : () -> ()
      }
    } else {
    }
    %eq3A_31 = arith.constant 1 : i32
    %eq3A_32 = arith.cmpi eq, %arg0, %eq3A_31 : i32
    %convert_element_type3A_33 = arith.extui %eq3A_32 : i1 to i32
    %cond3A_34 = arith.constant 0 : i32
    %cond3A_35 = arith.cmpi ne, %convert_element_type3A_33, %cond3A_34 : i32
    scf.if %cond3A_35 {
      "tpu.region"() ({
        %run_scoped3A = tpu.sem_alloc : memref<!tpu.dma_semaphore, #tpu.memory_space<semaphore_mem>>
        %dma_start3A = arith.constant 0 : i32
        %dma_start3A_56 = tpu.memref_slice %arg3[%min3A_5, %dma_start3A] : memref<2500x128xi32, #tpu.memory_space<hbm>> -> memref<157x128xi32, #tpu.memory_space<hbm>>
        %dma_start3A_57 = arith.constant 0 : i32
        %dma_start3A_58 = tpu.memref_slice %arg3[%min3A_5, %dma_start3A_57] : memref<2500x128xi32, #tpu.memory_space<hbm>> -> memref<157x128xi32, #tpu.memory_space<hbm>>
        tpu.enqueue_dma source(%dma_start3A_58 : memref<157x128xi32, #tpu.memory_space<hbm>>) target(%arg7 : memref<157x128xi32, #tpu.memory_space<vmem>>) target_semaphore(%run_scoped3A : memref<!tpu.dma_semaphore, #tpu.memory_space<semaphore_mem>>)
        %dma_wait3A = arith.constant 0 : i32
        %dma_wait3A_59 = tpu.memref_slice %arg3[%min3A_5, %dma_wait3A] : memref<2500x128xi32, #tpu.memory_space<hbm>> -> memref<157x128xi32, #tpu.memory_space<hbm>>
        %dma_wait3A_60 = arith.constant 0 : i32
        %dma_wait3A_61 = tpu.memref_slice %arg3[%min3A_5, %dma_wait3A_60] : memref<2500x128xi32, #tpu.memory_space<hbm>> -> memref<157x128xi32, #tpu.memory_space<hbm>>
        tpu.wait_dma2 semaphore(%run_scoped3A : memref<!tpu.dma_semaphore, #tpu.memory_space<semaphore_mem>>) src(%dma_wait3A_61 : memref<157x128xi32, #tpu.memory_space<hbm>>) dst(%arg7 : memref<157x128xi32, #tpu.memory_space<vmem>>)
        tpu.yield
      }) : () -> ()
      %while3A = arith.constant 0 : i32
      %while3A_47 = arith.constant 0 : i32
      %while3A_48 = arith.subi %select_n3A, %while3A_47 : i32
      %while3A_49 = arith.addi %while3A_47, %while3A_48 : i32
      %while3A_50 = arith.constant 1 : i32
      %while3A_51 = arith.divsi %while3A_48, %while3A_50 : i32
      %while3A_52 = arith.muli %while3A_51, %while3A_50 : i32
      %while3A_53 = arith.addi %while3A_47, %while3A_52 : i32
      %while3A_54 = arith.constant 1 : i32
      scf.for %while3A_56 = %while3A_47 to %while3A_53 step %while3A_54  : i32 {
        %add3A_57 = arith.addi %while3A_56, %sub3A : i32
        "tpu.region"() ({
          %run_scoped3A = tpu.sem_alloc : memref<!tpu.dma_semaphore, #tpu.memory_space<semaphore_mem>>
          %dma_start3A = arith.constant 0 : i32
          %dma_start3A_58 = tpu.memref_slice %arg7[%add3A_57, %dma_start3A] : memref<157x128xi32, #tpu.memory_space<vmem>> -> memref<1x128xi32, #tpu.memory_space<vmem>>
          %dma_start3A_59 = tpu.memref_squeeze %dma_start3A_58 : memref<1x128xi32, #tpu.memory_space<vmem>> -> memref<128xi32, #tpu.memory_space<vmem>>
          %dma_start3A_60 = arith.constant 0 : i32
          %dma_start3A_61 = arith.constant 0 : i32
          %dma_start3A_62 = tpu.memref_slice %arg6[%dma_start3A_60, %dma_start3A_61] : memref<10240x16xf32, #tpu.memory_space<vmem_shared>> -> memref<10240x16xf32, #tpu.memory_space<vmem_shared>>
          tpu.enqueue_indirect_dma source(%arg8 : memref<128x16xf32, #tpu.memory_space<vmem>>) target(%dma_start3A_62 : memref<10240x16xf32, #tpu.memory_space<vmem_shared>>) offsets(%dma_start3A_59 : memref<128xi32, #tpu.memory_space<vmem>>) semaphore(%run_scoped3A : memref<!tpu.dma_semaphore, #tpu.memory_space<semaphore_mem>>) {add = true}
          %dma_wait3A = arith.constant 0 : i32
          %dma_wait3A_63 = tpu.memref_slice %arg7[%add3A_57, %dma_wait3A] : memref<157x128xi32, #tpu.memory_space<vmem>> -> memref<1x128xi32, #tpu.memory_space<vmem>>
          %dma_wait3A_64 = tpu.memref_squeeze %dma_wait3A_63 : memref<1x128xi32, #tpu.memory_space<vmem>> -> memref<128xi32, #tpu.memory_space<vmem>>
          %dma_wait3A_65 = arith.constant 0 : i32
          %dma_wait3A_66 = arith.constant 0 : i32
          %dma_wait3A_67 = tpu.memref_slice %arg6[%dma_wait3A_65, %dma_wait3A_66] : memref<10240x16xf32, #tpu.memory_space<vmem_shared>> -> memref<10240x16xf32, #tpu.memory_space<vmem_shared>>
          tpu.wait_indirect_dma semaphore(%run_scoped3A : memref<!tpu.dma_semaphore, #tpu.memory_space<semaphore_mem>>) src(%arg8 : memref<128x16xf32, #tpu.memory_space<vmem>>) dst(%dma_wait3A_67 : memref<10240x16xf32, #tpu.memory_space<vmem_shared>>)
          tpu.yield
        }) : () -> ()
      }
      %while3A_55 = arith.constant 1 : i32
      scf.for %while3A_56 = %while3A_53 to %while3A_49 step %while3A_55  : i32 {
        %add3A_57 = arith.addi %while3A_56, %sub3A : i32
        "tpu.region"() ({
          %run_scoped3A = tpu.sem_alloc : memref<!tpu.dma_semaphore, #tpu.memory_space<semaphore_mem>>
          %dma_start3A = arith.constant 0 : i32
          %dma_start3A_58 = tpu.memref_slice %arg7[%add3A_57, %dma_start3A] : memref<157x128xi32, #tpu.memory_space<vmem>> -> memref<1x128xi32, #tpu.memory_space<vmem>>
          %dma_start3A_59 = tpu.memref_squeeze %dma_start3A_58 : memref<1x128xi32, #tpu.memory_space<vmem>> -> memref<128xi32, #tpu.memory_space<vmem>>
          %dma_start3A_60 = arith.constant 0 : i32
          %dma_start3A_61 = arith.constant 0 : i32
          %dma_start3A_62 = tpu.memref_slice %arg6[%dma_start3A_60, %dma_start3A_61] : memref<10240x16xf32, #tpu.memory_space<vmem_shared>> -> memref<10240x16xf32, #tpu.memory_space<vmem_shared>>
          tpu.enqueue_indirect_dma source(%arg8 : memref<128x16xf32, #tpu.memory_space<vmem>>) target(%dma_start3A_62 : memref<10240x16xf32, #tpu.memory_space<vmem_shared>>) offsets(%dma_start3A_59 : memref<128xi32, #tpu.memory_space<vmem>>) semaphore(%run_scoped3A : memref<!tpu.dma_semaphore, #tpu.memory_space<semaphore_mem>>) {add = true}
          %dma_wait3A = arith.constant 0 : i32
          %dma_wait3A_63 = tpu.memref_slice %arg7[%add3A_57, %dma_wait3A] : memref<157x128xi32, #tpu.memory_space<vmem>> -> memref<1x128xi32, #tpu.memory_space<vmem>>
          %dma_wait3A_64 = tpu.memref_squeeze %dma_wait3A_63 : memref<1x128xi32, #tpu.memory_space<vmem>> -> memref<128xi32, #tpu.memory_space<vmem>>
          %dma_wait3A_65 = arith.constant 0 : i32
          %dma_wait3A_66 = arith.constant 0 : i32
          %dma_wait3A_67 = tpu.memref_slice %arg6[%dma_wait3A_65, %dma_wait3A_66] : memref<10240x16xf32, #tpu.memory_space<vmem_shared>> -> memref<10240x16xf32, #tpu.memory_space<vmem_shared>>
          tpu.wait_indirect_dma semaphore(%run_scoped3A : memref<!tpu.dma_semaphore, #tpu.memory_space<semaphore_mem>>) src(%arg8 : memref<128x16xf32, #tpu.memory_space<vmem>>) dst(%dma_wait3A_67 : memref<10240x16xf32, #tpu.memory_space<vmem_shared>>)
          tpu.yield
        }) : () -> ()
      }
    } else {
    }
    %barrier3A_36 = arith.constant 0 : index
    tpu.barrier barrier_id(%barrier3A_36)
    %eq3A_37 = arith.constant 0 : i32
    %eq3A_38 = arith.cmpi eq, %arg0, %eq3A_37 : i32
    %convert_element_type3A_39 = arith.extui %eq3A_38 : i1 to i32
    %cond3A_40 = arith.constant 0 : i32
    %cond3A_41 = arith.cmpi ne, %convert_element_type3A_39, %cond3A_40 : i32
    scf.if %cond3A_41 {
      "tpu.region"() ({
        %run_scoped3A = tpu.sem_alloc : memref<!tpu.dma_semaphore, #tpu.memory_space<semaphore_mem>>
        %dma_start3A = arith.constant 0 : i32
        %dma_start3A_47 = tpu.memref_slice %arg4[%mul3A_12, %dma_start3A] : memref<10240x16xf32, #tpu.memory_space<hbm>> -> memref<640x16xf32, #tpu.memory_space<hbm>>
        %dma_start3A_48 = arith.constant 0 : i32
        %dma_start3A_49 = tpu.memref_slice %arg6[%mul3A_12, %dma_start3A_48] : memref<10240x16xf32, #tpu.memory_space<vmem_shared>> -> memref<640x16xf32, #tpu.memory_space<vmem_shared>>
        tpu.enqueue_dma source(%dma_start3A_49 : memref<640x16xf32, #tpu.memory_space<vmem_shared>>) target(%dma_start3A_47 : memref<640x16xf32, #tpu.memory_space<hbm>>) target_semaphore(%run_scoped3A : memref<!tpu.dma_semaphore, #tpu.memory_space<semaphore_mem>>)
        %dma_wait3A = arith.constant 0 : i32
        %dma_wait3A_50 = tpu.memref_slice %arg4[%mul3A_12, %dma_wait3A] : memref<10240x16xf32, #tpu.memory_space<hbm>> -> memref<640x16xf32, #tpu.memory_space<hbm>>
        %dma_wait3A_51 = arith.constant 0 : i32
        %dma_wait3A_52 = tpu.memref_slice %arg6[%mul3A_12, %dma_wait3A_51] : memref<10240x16xf32, #tpu.memory_space<vmem_shared>> -> memref<640x16xf32, #tpu.memory_space<vmem_shared>>
        tpu.wait_dma2 semaphore(%run_scoped3A : memref<!tpu.dma_semaphore, #tpu.memory_space<semaphore_mem>>) src(%dma_wait3A_52 : memref<640x16xf32, #tpu.memory_space<vmem_shared>>) dst(%dma_wait3A_50 : memref<640x16xf32, #tpu.memory_space<hbm>>)
        tpu.yield
      }) : () -> ()
    } else {
    }
    %eq3A_42 = arith.constant 1 : i32
    %eq3A_43 = arith.cmpi eq, %arg0, %eq3A_42 : i32
    %convert_element_type3A_44 = arith.extui %eq3A_43 : i1 to i32
    %cond3A_45 = arith.constant 0 : i32
    %cond3A_46 = arith.cmpi ne, %convert_element_type3A_44, %cond3A_45 : i32
    scf.if %cond3A_46 {
      "tpu.region"() ({
        %run_scoped3A = tpu.sem_alloc : memref<!tpu.dma_semaphore, #tpu.memory_space<semaphore_mem>>
        %dma_start3A = arith.constant 0 : i32
        %dma_start3A_47 = tpu.memref_slice %arg5[%mul3A_12, %dma_start3A] : memref<10240x16xf32, #tpu.memory_space<hbm>> -> memref<640x16xf32, #tpu.memory_space<hbm>>
        %dma_start3A_48 = arith.constant 0 : i32
        %dma_start3A_49 = tpu.memref_slice %arg6[%mul3A_12, %dma_start3A_48] : memref<10240x16xf32, #tpu.memory_space<vmem_shared>> -> memref<640x16xf32, #tpu.memory_space<vmem_shared>>
        tpu.enqueue_dma source(%dma_start3A_49 : memref<640x16xf32, #tpu.memory_space<vmem_shared>>) target(%dma_start3A_47 : memref<640x16xf32, #tpu.memory_space<hbm>>) target_semaphore(%run_scoped3A : memref<!tpu.dma_semaphore, #tpu.memory_space<semaphore_mem>>)
        %dma_wait3A = arith.constant 0 : i32
        %dma_wait3A_50 = tpu.memref_slice %arg5[%mul3A_12, %dma_wait3A] : memref<10240x16xf32, #tpu.memory_space<hbm>> -> memref<640x16xf32, #tpu.memory_space<hbm>>
        %dma_wait3A_51 = arith.constant 0 : i32
        %dma_wait3A_52 = tpu.memref_slice %arg6[%mul3A_12, %dma_wait3A_51] : memref<10240x16xf32, #tpu.memory_space<vmem_shared>> -> memref<640x16xf32, #tpu.memory_space<vmem_shared>>
        tpu.wait_dma2 semaphore(%run_scoped3A : memref<!tpu.dma_semaphore, #tpu.memory_space<semaphore_mem>>) src(%dma_wait3A_52 : memref<640x16xf32, #tpu.memory_space<vmem_shared>>) dst(%dma_wait3A_50 : memref<640x16xf32, #tpu.memory_space<hbm>>)
        tpu.yield
      }) : () -> ()
    } else {
    }
    return
  }
}

module attributes {stable_mosaic.version = 14 : i64} {
  func.func @_kin_body(%arg0: i32, %arg1: memref<1000x128xf32, #tpu.memory_space<vmem>>, %arg2: memref<1000x128xf32, #tpu.memory_space<vmem>>, %arg3: memref<128x128xf32, #tpu.memory_space<vmem>>, %arg4: memref<1x128xf32, #tpu.memory_space<vmem>>, %arg5: memref<128x128xf32, #tpu.memory_space<vmem>>, %arg6: memref<1x128xf32, #tpu.memory_space<vmem>>, %arg7: memref<1000x128xf32, #tpu.memory_space<vmem>>, %arg8: memref<1000x128xf32, #tpu.memory_space<vmem>>) attributes {dimension_semantics = [#tpu.dimension_semantics<arbitrary>], iteration_bounds = array<i64: 10>, scalar_prefetch = 0 : i64, scratch_operands = 0 : i64, tpu.core_type = #tpu.core_type<tc>, window_params = [{transform_indices = @transform_0, window_bounds = array<i64: 1000, 128>}, {transform_indices = @transform_1, window_bounds = array<i64: 1000, 128>}, {pipeline_mode = #tpu.pipeline_mode<synchronous>, transform_indices = @transform_2, window_bounds = array<i64: 128, 128>}, {pipeline_mode = #tpu.pipeline_mode<synchronous>, transform_indices = @transform_3, window_bounds = array<i64: 1, 128>}, {pipeline_mode = #tpu.pipeline_mode<synchronous>, transform_indices = @transform_4, window_bounds = array<i64: 128, 128>}, {pipeline_mode = #tpu.pipeline_mode<synchronous>, transform_indices = @transform_5, window_bounds = array<i64: 1, 128>}, {transform_indices = @transform_6, window_bounds = array<i64: 1000, 128>}, {transform_indices = @transform_7, window_bounds = array<i64: 1000, 128>}]} {
    %get3A = arith.constant 0 : index
    %get3A_0 = arith.constant 0 : index
    %get3A_1 = vector.load %arg1[%get3A, %get3A_0] : memref<1000x128xf32, #tpu.memory_space<vmem>>, vector<1000x128xf32>
    %get3A_2 = arith.constant 0 : index
    %get3A_3 = arith.constant 0 : index
    %get3A_4 = vector.load %arg3[%get3A_2, %get3A_3] : memref<128x128xf32, #tpu.memory_space<vmem>>, vector<128x128xf32>
    %dot_general3A = arith.constant dense<0.000000e+00> : vector<1000x128xf32>
    %dot_general3A_5 = tpu.matmul %get3A_1, %get3A_4, %dot_general3A {dimension_numbers = #tpu.dot_dimension_numbers<[1], [0], [0], [1], [0, 0, 1, 1], [], []>, transpose_lhs_hint = false} : vector<1000x128xf32>, vector<128x128xf32>, vector<1000x128xf32> -> vector<1000x128xf32>
    %get3A_6 = arith.constant 0 : index
    %get3A_7 = arith.constant 0 : index
    %get3A_8 = vector.load %arg4[%get3A_6, %get3A_7] : memref<1x128xf32, #tpu.memory_space<vmem>>, vector<1x128xf32>
    %add3A = vector.broadcast %get3A_8 : vector<1x128xf32> to vector<1000x128xf32>
    %add3A_9 = arith.addf %dot_general3A_5, %add3A : vector<1000x128xf32>
    %swap3A = arith.constant 0 : index
    %swap3A_10 = arith.constant 0 : index
    %swap3A_11 = vector.load %arg7[%swap3A, %swap3A_10] : memref<1000x128xf32, #tpu.memory_space<vmem>>, vector<1000x128xf32>
    tpu.vector_store %arg7[%swap3A, %swap3A_10], %add3A_9 {strides = array<i32>} : memref<1000x128xf32, #tpu.memory_space<vmem>>, vector<1000x128xf32>,
    %get3A_12 = arith.constant 0 : index
    %get3A_13 = arith.constant 0 : index
    %get3A_14 = vector.load %arg2[%get3A_12, %get3A_13] : memref<1000x128xf32, #tpu.memory_space<vmem>>, vector<1000x128xf32>
    %get3A_15 = arith.constant 0 : index
    %get3A_16 = arith.constant 0 : index
    %get3A_17 = vector.load %arg5[%get3A_15, %get3A_16] : memref<128x128xf32, #tpu.memory_space<vmem>>, vector<128x128xf32>
    %dot_general3A_18 = arith.constant dense<0.000000e+00> : vector<1000x128xf32>
    %dot_general3A_19 = tpu.matmul %get3A_14, %get3A_17, %dot_general3A_18 {dimension_numbers = #tpu.dot_dimension_numbers<[1], [0], [0], [1], [0, 0, 1, 1], [], []>, transpose_lhs_hint = false} : vector<1000x128xf32>, vector<128x128xf32>, vector<1000x128xf32> -> vector<1000x128xf32>
    %get3A_20 = arith.constant 0 : index
    %get3A_21 = arith.constant 0 : index
    %get3A_22 = vector.load %arg6[%get3A_20, %get3A_21] : memref<1x128xf32, #tpu.memory_space<vmem>>, vector<1x128xf32>
    %add3A_23 = vector.broadcast %get3A_22 : vector<1x128xf32> to vector<1000x128xf32>
    %add3A_24 = arith.addf %dot_general3A_19, %add3A_23 : vector<1000x128xf32>
    %swap3A_25 = arith.constant 0 : index
    %swap3A_26 = arith.constant 0 : index
    %swap3A_27 = vector.load %arg8[%swap3A_25, %swap3A_26] : memref<1000x128xf32, #tpu.memory_space<vmem>>, vector<1000x128xf32>
    tpu.vector_store %arg8[%swap3A_25, %swap3A_26], %add3A_24 {strides = array<i32>} : memref<1000x128xf32, #tpu.memory_space<vmem>>, vector<1000x128xf32>,
    return
  }
  func.func @transform_0(%arg0: i32) -> (i32, i32) {
    %c0_i32 = arith.constant 0 : i32
    %c0_i32_0 = arith.constant 0 : i32
    return %arg0, %c0_i32 : i32, i32
  }
  func.func @transform_1(%arg0: i32) -> (i32, i32) {
    %c0_i32 = arith.constant 0 : i32
    %c0_i32_0 = arith.constant 0 : i32
    return %arg0, %c0_i32 : i32, i32
  }
  func.func @transform_2(%arg0: i32) -> (i32, i32) {
    %c0_i32 = arith.constant 0 : i32
    %c0_i32_0 = arith.constant 0 : i32
    %c0_i32_1 = arith.constant 0 : i32
    return %c0_i32, %c0_i32_0 : i32, i32
  }
  func.func @transform_3(%arg0: i32) -> (i32, i32) {
    %c0_i32 = arith.constant 0 : i32
    %c0_i32_0 = arith.constant 0 : i32
    %c0_i32_1 = arith.constant 0 : i32
    return %c0_i32, %c0_i32_0 : i32, i32
  }
  func.func @transform_4(%arg0: i32) -> (i32, i32) {
    %c0_i32 = arith.constant 0 : i32
    %c0_i32_0 = arith.constant 0 : i32
    %c0_i32_1 = arith.constant 0 : i32
    return %c0_i32, %c0_i32_0 : i32, i32
  }
  func.func @transform_5(%arg0: i32) -> (i32, i32) {
    %c0_i32 = arith.constant 0 : i32
    %c0_i32_0 = arith.constant 0 : i32
    %c0_i32_1 = arith.constant 0 : i32
    return %c0_i32, %c0_i32_0 : i32, i32
  }
  func.func @transform_6(%arg0: i32) -> (i32, i32) {
    %c0_i32 = arith.constant 0 : i32
    %c0_i32_0 = arith.constant 0 : i32
    return %arg0, %c0_i32 : i32, i32
  }
  func.func @transform_7(%arg0: i32) -> (i32, i32) {
    %c0_i32 = arith.constant 0 : i32
    %c0_i32_0 = arith.constant 0 : i32
    return %arg0, %c0_i32 : i32, i32
  }
}

module attributes {stable_mosaic.version = 14 : i64} {
  func.func @_kupd_body(%arg0: i32, %arg1: memref<1000x128xf32, #tpu.memory_space<vmem>>, %arg2: memref<1000x128xf32, #tpu.memory_space<vmem>>, %arg3: memref<1000x128xf32, #tpu.memory_space<vmem>>, %arg4: memref<1000x128xf32, #tpu.memory_space<vmem>>, %arg5: memref<1000x16xf32, #tpu.memory_space<vmem>>, %arg6: memref<1000x16xf32, #tpu.memory_space<vmem>>, %arg7: memref<256x128xf32, #tpu.memory_space<vmem>>, %arg8: memref<1x128xf32, #tpu.memory_space<vmem>>, %arg9: memref<256x128xf32, #tpu.memory_space<vmem>>, %arg10: memref<1x128xf32, #tpu.memory_space<vmem>>, %arg11: memref<1x128xf32, #tpu.memory_space<vmem>>, %arg12: memref<1x128xf32, #tpu.memory_space<vmem>>, %arg13: memref<1x128xf32, #tpu.memory_space<vmem>>, %arg14: memref<1x128xf32, #tpu.memory_space<vmem>>, %arg15: memref<1000x128xf32, #tpu.memory_space<vmem>>, %arg16: memref<1000x128xf32, #tpu.memory_space<vmem>>) attributes {dimension_semantics = [#tpu.dimension_semantics<arbitrary>], iteration_bounds = array<i64: 10>, scalar_prefetch = 0 : i64, scratch_operands = 0 : i64, tpu.core_type = #tpu.core_type<tc>, window_params = [{transform_indices = @transform_0, window_bounds = array<i64: 1000, 128>}, {transform_indices = @transform_1, window_bounds = array<i64: 1000, 128>}, {transform_indices = @transform_2, window_bounds = array<i64: 1000, 128>}, {transform_indices = @transform_3, window_bounds = array<i64: 1000, 128>}, {transform_indices = @transform_4, window_bounds = array<i64: 1000, 16>}, {transform_indices = @transform_5, window_bounds = array<i64: 1000, 16>}, {pipeline_mode = #tpu.pipeline_mode<synchronous>, transform_indices = @transform_6, window_bounds = array<i64: 256, 128>}, {pipeline_mode = #tpu.pipeline_mode<synchronous>, transform_indices = @transform_7, window_bounds = array<i64: 1, 128>}, {pipeline_mode = #tpu.pipeline_mode<synchronous>, transform_indices = @transform_8, window_bounds = array<i64: 256, 128>}, {pipeline_mode = #tpu.pipeline_mode<synchronous>, transform_indices = @transform_9, window_bounds = array<i64: 1, 128>}, {pipeline_mode = #tpu.pipeline_mode<synchronous>, transform_indices = @transform_10, window_bounds = array<i64: 1, 128>}, {pipeline_mode = #tpu.pipeline_mode<synchronous>, transform_indices = @transform_11, window_bounds = array<i64: 1, 128>}, {pipeline_mode = #tpu.pipeline_mode<synchronous>, transform_indices = @transform_12, window_bounds = array<i64: 1, 128>}, {pipeline_mode = #tpu.pipeline_mode<synchronous>, transform_indices = @transform_13, window_bounds = array<i64: 1, 128>}, {transform_indices = @transform_14, window_bounds = array<i64: 1000, 128>}, {transform_indices = @transform_15, window_bounds = array<i64: 1000, 128>}]} {
    %get3A = arith.constant 0 : index
    %get3A_0 = arith.constant 0 : index
    %get3A_1 = vector.load %arg5[%get3A, %get3A_0] : memref<1000x16xf32, #tpu.memory_space<vmem>>, vector<1000x1xf32>
    %max3A = arith.constant 1.000000e+00 : f32
    %max3A_2 = vector.broadcast %max3A : f32 to vector<1000x1xf32>
    %max3A_3 = arith.maximumf %get3A_1, %max3A_2 : vector<1000x1xf32>
    %div3A = arith.constant 1.000000e+00 : f32
    %div3A_4 = vector.broadcast %div3A : f32 to vector<1000x1xf32>
    %div3A_5 = arith.divf %div3A_4, %max3A_3 : vector<1000x1xf32>
    %get3A_6 = arith.constant 0 : index
    %get3A_7 = arith.constant 0 : index
    %get3A_8 = vector.load %arg6[%get3A_6, %get3A_7] : memref<1000x16xf32, #tpu.memory_space<vmem>>, vector<1000x1xf32>
    %max3A_9 = arith.constant 1.000000e+00 : f32
    %max3A_10 = vector.broadcast %max3A_9 : f32 to vector<1000x1xf32>
    %max3A_11 = arith.maximumf %get3A_8, %max3A_10 : vector<1000x1xf32>
    %div3A_12 = arith.constant 1.000000e+00 : f32
    %div3A_13 = vector.broadcast %div3A_12 : f32 to vector<1000x1xf32>
    %div3A_14 = arith.divf %div3A_13, %max3A_11 : vector<1000x1xf32>
    %get3A_15 = arith.constant 0 : index
    %get3A_16 = arith.constant 0 : index
    %get3A_17 = vector.load %arg1[%get3A_15, %get3A_16] : memref<1000x128xf32, #tpu.memory_space<vmem>>, vector<1000x128xf32>
    %get3A_18 = arith.constant 0 : index
    %get3A_19 = arith.constant 0 : index
    %get3A_20 = vector.load %arg4[%get3A_18, %get3A_19] : memref<1000x128xf32, #tpu.memory_space<vmem>>, vector<1000x128xf32>
    %mul3A = vector.broadcast %div3A_5 : vector<1000x1xf32> to vector<1000x128xf32>
    %mul3A_21 = arith.mulf %get3A_17, %mul3A : vector<1000x128xf32>
    %concatenate3A = tpu.concatenate %mul3A_21, %get3A_20 in 1 : vector<1000x128xf32>, vector<1000x128xf32> -> vector<1000x256xf32>
    %get3A_22 = arith.constant 0 : index
    %get3A_23 = arith.constant 0 : index
    %get3A_24 = vector.load %arg7[%get3A_22, %get3A_23] : memref<256x128xf32, #tpu.memory_space<vmem>>, vector<256x128xf32>
    %dot_general3A = arith.constant dense<0.000000e+00> : vector<1000x128xf32>
    %dot_general3A_25 = tpu.matmul %concatenate3A, %get3A_24, %dot_general3A {dimension_numbers = #tpu.dot_dimension_numbers<[1], [0], [0], [1], [0, 0, 1, 1], [], []>, transpose_lhs_hint = false} : vector<1000x256xf32>, vector<256x128xf32>, vector<1000x128xf32> -> vector<1000x128xf32>
    %get3A_26 = arith.constant 0 : index
    %get3A_27 = arith.constant 0 : index
    %get3A_28 = vector.load %arg8[%get3A_26, %get3A_27] : memref<1x128xf32, #tpu.memory_space<vmem>>, vector<1x128xf32>
    %add3A = vector.broadcast %get3A_28 : vector<1x128xf32> to vector<1000x128xf32>
    %add3A_29 = arith.addf %dot_general3A_25, %add3A : vector<1000x128xf32>
    %max3A_30 = arith.constant 0.000000e+00 : f32
    %max3A_31 = vector.broadcast %max3A_30 : f32 to vector<1000x128xf32>
    %max3A_32 = arith.maximumf %add3A_29, %max3A_31 : vector<1000x128xf32>
    %get3A_33 = arith.constant 0 : index
    %get3A_34 = arith.constant 0 : index
    %get3A_35 = vector.load %arg13[%get3A_33, %get3A_34] : memref<1x128xf32, #tpu.memory_space<vmem>>, vector<1x128xf32>
    %get3A_36 = arith.constant 0 : index
    %get3A_37 = arith.constant 0 : index
    %get3A_38 = vector.load %arg14[%get3A_36, %get3A_37] : memref<1x128xf32, #tpu.memory_space<vmem>>, vector<1x128xf32>
    %reduce_sum3A = arith.constant dense<0.000000e+00> : vector<1000xf32>
    %reduce_sum3A_39 = vector.multi_reduction <add>, %max3A_32, %reduce_sum3A [1] : vector<1000x128xf32> to vector<1000xf32>
    %broadcast_in_dim3A = vector.shape_cast %reduce_sum3A_39 : vector<1000xf32> to vector<1000x1xf32>
    %div3A_40 = arith.constant 1.280000e+02 : f32
    %div3A_41 = vector.broadcast %div3A_40 : f32 to vector<1000x1xf32>
    %div3A_42 = arith.divf %broadcast_in_dim3A, %div3A_41 : vector<1000x1xf32>
    %sub3A = vector.broadcast %div3A_42 : vector<1000x1xf32> to vector<1000x128xf32>
    %sub3A_43 = arith.subf %max3A_32, %sub3A : vector<1000x128xf32>
    %integer_pow3A = arith.mulf %sub3A_43, %sub3A_43 : vector<1000x128xf32>
    %reduce_sum3A_44 = arith.constant dense<0.000000e+00> : vector<1000xf32>
    %reduce_sum3A_45 = vector.multi_reduction <add>, %integer_pow3A, %reduce_sum3A_44 [1] : vector<1000x128xf32> to vector<1000xf32>
    %broadcast_in_dim3A_46 = vector.shape_cast %reduce_sum3A_45 : vector<1000xf32> to vector<1000x1xf32>
    %div3A_47 = arith.constant 1.280000e+02 : f32
    %div3A_48 = vector.broadcast %div3A_47 : f32 to vector<1000x1xf32>
    %div3A_49 = arith.divf %broadcast_in_dim3A_46, %div3A_48 : vector<1000x1xf32>
    %sub3A_50 = vector.broadcast %div3A_42 : vector<1000x1xf32> to vector<1000x128xf32>
    %sub3A_51 = arith.subf %max3A_32, %sub3A_50 : vector<1000x128xf32>
    %add3A_52 = arith.constant 9.99999974E-6 : f32
    %add3A_53 = vector.broadcast %add3A_52 : f32 to vector<1000x1xf32>
    %add3A_54 = arith.addf %div3A_49, %add3A_53 : vector<1000x1xf32>
    %rsqrt3A = math.rsqrt %add3A_54 : vector<1000x1xf32>
    %mul3A_55 = vector.broadcast %rsqrt3A : vector<1000x1xf32> to vector<1000x128xf32>
    %mul3A_56 = arith.mulf %sub3A_51, %mul3A_55 : vector<1000x128xf32>
    %mul3A_57 = vector.broadcast %get3A_35 : vector<1x128xf32> to vector<1000x128xf32>
    %mul3A_58 = arith.mulf %mul3A_56, %mul3A_57 : vector<1000x128xf32>
    %add3A_59 = vector.broadcast %get3A_38 : vector<1x128xf32> to vector<1000x128xf32>
    %add3A_60 = arith.addf %mul3A_58, %add3A_59 : vector<1000x128xf32>
    %add3A_61 = arith.addf %add3A_60, %get3A_20 : vector<1000x128xf32>
    %swap3A = arith.constant 0 : index
    %swap3A_62 = arith.constant 0 : index
    %swap3A_63 = vector.load %arg16[%swap3A, %swap3A_62] : memref<1000x128xf32, #tpu.memory_space<vmem>>, vector<1000x128xf32>
    tpu.vector_store %arg16[%swap3A, %swap3A_62], %add3A_61 {strides = array<i32>} : memref<1000x128xf32, #tpu.memory_space<vmem>>, vector<1000x128xf32>,
    %get3A_64 = arith.constant 0 : index
    %get3A_65 = arith.constant 0 : index
    %get3A_66 = vector.load %arg2[%get3A_64, %get3A_65] : memref<1000x128xf32, #tpu.memory_space<vmem>>, vector<1000x128xf32>
    %get3A_67 = arith.constant 0 : index
    %get3A_68 = arith.constant 0 : index
    %get3A_69 = vector.load %arg3[%get3A_67, %get3A_68] : memref<1000x128xf32, #tpu.memory_space<vmem>>, vector<1000x128xf32>
    %mul3A_70 = vector.broadcast %div3A_14 : vector<1000x1xf32> to vector<1000x128xf32>
    %mul3A_71 = arith.mulf %get3A_66, %mul3A_70 : vector<1000x128xf32>
    %concatenate3A_72 = tpu.concatenate %mul3A_71, %get3A_69 in 1 : vector<1000x128xf32>, vector<1000x128xf32> -> vector<1000x256xf32>
    %get3A_73 = arith.constant 0 : index
    %get3A_74 = arith.constant 0 : index
    %get3A_75 = vector.load %arg9[%get3A_73, %get3A_74] : memref<256x128xf32, #tpu.memory_space<vmem>>, vector<256x128xf32>
    %dot_general3A_76 = arith.constant dense<0.000000e+00> : vector<1000x128xf32>
    %dot_general3A_77 = tpu.matmul %concatenate3A_72, %get3A_75, %dot_general3A_76 {dimension_numbers = #tpu.dot_dimension_numbers<[1], [0], [0], [1], [0, 0, 1, 1], [], []>, transpose_lhs_hint = false} : vector<1000x256xf32>, vector<256x128xf32>, vector<1000x128xf32> -> vector<1000x128xf32>
    %get3A_78 = arith.constant 0 : index
    %get3A_79 = arith.constant 0 : index
    %get3A_80 = vector.load %arg10[%get3A_78, %get3A_79] : memref<1x128xf32, #tpu.memory_space<vmem>>, vector<1x128xf32>
    %add3A_81 = vector.broadcast %get3A_80 : vector<1x128xf32> to vector<1000x128xf32>
    %add3A_82 = arith.addf %dot_general3A_77, %add3A_81 : vector<1000x128xf32>
    %max3A_83 = arith.constant 0.000000e+00 : f32
    %max3A_84 = vector.broadcast %max3A_83 : f32 to vector<1000x128xf32>
    %max3A_85 = arith.maximumf %add3A_82, %max3A_84 : vector<1000x128xf32>
    %get3A_86 = arith.constant 0 : index
    %get3A_87 = arith.constant 0 : index
    %get3A_88 = vector.load %arg11[%get3A_86, %get3A_87] : memref<1x128xf32, #tpu.memory_space<vmem>>, vector<1x128xf32>
    %get3A_89 = arith.constant 0 : index
    %get3A_90 = arith.constant 0 : index
    %get3A_91 = vector.load %arg12[%get3A_89, %get3A_90] : memref<1x128xf32, #tpu.memory_space<vmem>>, vector<1x128xf32>
    %reduce_sum3A_92 = arith.constant dense<0.000000e+00> : vector<1000xf32>
    %reduce_sum3A_93 = vector.multi_reduction <add>, %max3A_85, %reduce_sum3A_92 [1] : vector<1000x128xf32> to vector<1000xf32>
    %broadcast_in_dim3A_94 = vector.shape_cast %reduce_sum3A_93 : vector<1000xf32> to vector<1000x1xf32>
    %div3A_95 = arith.constant 1.280000e+02 : f32
    %div3A_96 = vector.broadcast %div3A_95 : f32 to vector<1000x1xf32>
    %div3A_97 = arith.divf %broadcast_in_dim3A_94, %div3A_96 : vector<1000x1xf32>
    %sub3A_98 = vector.broadcast %div3A_97 : vector<1000x1xf32> to vector<1000x128xf32>
    %sub3A_99 = arith.subf %max3A_85, %sub3A_98 : vector<1000x128xf32>
    %integer_pow3A_100 = arith.mulf %sub3A_99, %sub3A_99 : vector<1000x128xf32>
    %reduce_sum3A_101 = arith.constant dense<0.000000e+00> : vector<1000xf32>
    %reduce_sum3A_102 = vector.multi_reduction <add>, %integer_pow3A_100, %reduce_sum3A_101 [1] : vector<1000x128xf32> to vector<1000xf32>
    %broadcast_in_dim3A_103 = vector.shape_cast %reduce_sum3A_102 : vector<1000xf32> to vector<1000x1xf32>
    %div3A_104 = arith.constant 1.280000e+02 : f32
    %div3A_105 = vector.broadcast %div3A_104 : f32 to vector<1000x1xf32>
    %div3A_106 = arith.divf %broadcast_in_dim3A_103, %div3A_105 : vector<1000x1xf32>
    %sub3A_107 = vector.broadcast %div3A_97 : vector<1000x1xf32> to vector<1000x128xf32>
    %sub3A_108 = arith.subf %max3A_85, %sub3A_107 : vector<1000x128xf32>
    %add3A_109 = arith.constant 9.99999974E-6 : f32
    %add3A_110 = vector.broadcast %add3A_109 : f32 to vector<1000x1xf32>
    %add3A_111 = arith.addf %div3A_106, %add3A_110 : vector<1000x1xf32>
    %rsqrt3A_112 = math.rsqrt %add3A_111 : vector<1000x1xf32>
    %mul3A_113 = vector.broadcast %rsqrt3A_112 : vector<1000x1xf32> to vector<1000x128xf32>
    %mul3A_114 = arith.mulf %sub3A_108, %mul3A_113 : vector<1000x128xf32>
    %mul3A_115 = vector.broadcast %get3A_88 : vector<1x128xf32> to vector<1000x128xf32>
    %mul3A_116 = arith.mulf %mul3A_114, %mul3A_115 : vector<1000x128xf32>
    %add3A_117 = vector.broadcast %get3A_91 : vector<1x128xf32> to vector<1000x128xf32>
    %add3A_118 = arith.addf %mul3A_116, %add3A_117 : vector<1000x128xf32>
    %add3A_119 = arith.addf %add3A_118, %get3A_69 : vector<1000x128xf32>
    %swap3A_120 = arith.constant 0 : index
    %swap3A_121 = arith.constant 0 : index
    %swap3A_122 = vector.load %arg15[%swap3A_120, %swap3A_121] : memref<1000x128xf32, #tpu.memory_space<vmem>>, vector<1000x128xf32>
    tpu.vector_store %arg15[%swap3A_120, %swap3A_121], %add3A_119 {strides = array<i32>} : memref<1000x128xf32, #tpu.memory_space<vmem>>, vector<1000x128xf32>,
    return
  }
  func.func @transform_0(%arg0: i32) -> (i32, i32) {
    %c0_i32 = arith.constant 0 : i32
    %c0_i32_0 = arith.constant 0 : i32
    return %arg0, %c0_i32 : i32, i32
  }
  func.func @transform_1(%arg0: i32) -> (i32, i32) {
    %c0_i32 = arith.constant 0 : i32
    %c0_i32_0 = arith.constant 0 : i32
    return %arg0, %c0_i32 : i32, i32
  }
  func.func @transform_2(%arg0: i32) -> (i32, i32) {
    %c0_i32 = arith.constant 0 : i32
    %c0_i32_0 = arith.constant 0 : i32
    return %arg0, %c0_i32 : i32, i32
  }
  func.func @transform_3(%arg0: i32) -> (i32, i32) {
    %c0_i32 = arith.constant 0 : i32
    %c0_i32_0 = arith.constant 0 : i32
    return %arg0, %c0_i32 : i32, i32
  }
  func.func @transform_4(%arg0: i32) -> (i32, i32) {
    %c0_i32 = arith.constant 0 : i32
    %c0_i32_0 = arith.constant 0 : i32
    return %arg0, %c0_i32 : i32, i32
  }
  func.func @transform_5(%arg0: i32) -> (i32, i32) {
    %c0_i32 = arith.constant 0 : i32
    %c0_i32_0 = arith.constant 0 : i32
    return %arg0, %c0_i32 : i32, i32
  }
  func.func @transform_6(%arg0: i32) -> (i32, i32) {
    %c0_i32 = arith.constant 0 : i32
    %c0_i32_0 = arith.constant 0 : i32
    %c0_i32_1 = arith.constant 0 : i32
    return %c0_i32, %c0_i32_0 : i32, i32
  }
  func.func @transform_7(%arg0: i32) -> (i32, i32) {
    %c0_i32 = arith.constant 0 : i32
    %c0_i32_0 = arith.constant 0 : i32
    %c0_i32_1 = arith.constant 0 : i32
    return %c0_i32, %c0_i32_0 : i32, i32
  }
  func.func @transform_8(%arg0: i32) -> (i32, i32) {
    %c0_i32 = arith.constant 0 : i32
    %c0_i32_0 = arith.constant 0 : i32
    %c0_i32_1 = arith.constant 0 : i32
    return %c0_i32, %c0_i32_0 : i32, i32
  }
  func.func @transform_9(%arg0: i32) -> (i32, i32) {
    %c0_i32 = arith.constant 0 : i32
    %c0_i32_0 = arith.constant 0 : i32
    %c0_i32_1 = arith.constant 0 : i32
    return %c0_i32, %c0_i32_0 : i32, i32
  }
  func.func @transform_10(%arg0: i32) -> (i32, i32) {
    %c0_i32 = arith.constant 0 : i32
    %c0_i32_0 = arith.constant 0 : i32
    %c0_i32_1 = arith.constant 0 : i32
    return %c0_i32, %c0_i32_0 : i32, i32
  }
  func.func @transform_11(%arg0: i32) -> (i32, i32) {
    %c0_i32 = arith.constant 0 : i32
    %c0_i32_0 = arith.constant 0 : i32
    %c0_i32_1 = arith.constant 0 : i32
    return %c0_i32, %c0_i32_0 : i32, i32
  }
  func.func @transform_12(%arg0: i32) -> (i32, i32) {
    %c0_i32 = arith.constant 0 : i32
    %c0_i32_0 = arith.constant 0 : i32
    %c0_i32_1 = arith.constant 0 : i32
    return %c0_i32, %c0_i32_0 : i32, i32
  }
  func.func @transform_13(%arg0: i32) -> (i32, i32) {
    %c0_i32 = arith.constant 0 : i32
    %c0_i32_0 = arith.constant 0 : i32
    %c0_i32_1 = arith.constant 0 : i32
    return %c0_i32, %c0_i32_0 : i32, i32
  }
  func.func @transform_14(%arg0: i32) -> (i32, i32) {
    %c0_i32 = arith.constant 0 : i32
    %c0_i32_0 = arith.constant 0 : i32
    return %arg0, %c0_i32 : i32, i32
  }
  func.func @transform_15(%arg0: i32) -> (i32, i32) {
    %c0_i32 = arith.constant 0 : i32
    %c0_i32_0 = arith.constant 0 : i32
    return %arg0, %c0_i32 : i32, i32
  }
}

module attributes {stable_mosaic.version = 14 : i64} {
  func.func @_kupd_out_body(%arg0: i32, %arg1: memref<1000x128xf32, #tpu.memory_space<vmem>>, %arg2: memref<1000x128xf32, #tpu.memory_space<vmem>>, %arg3: memref<1000x128xf32, #tpu.memory_space<vmem>>, %arg4: memref<1000x128xf32, #tpu.memory_space<vmem>>, %arg5: memref<1000x16xf32, #tpu.memory_space<vmem>>, %arg6: memref<1000x16xf32, #tpu.memory_space<vmem>>, %arg7: memref<256x128xf32, #tpu.memory_space<vmem>>, %arg8: memref<1x128xf32, #tpu.memory_space<vmem>>, %arg9: memref<256x128xf32, #tpu.memory_space<vmem>>, %arg10: memref<1x128xf32, #tpu.memory_space<vmem>>, %arg11: memref<1x128xf32, #tpu.memory_space<vmem>>, %arg12: memref<1x128xf32, #tpu.memory_space<vmem>>, %arg13: memref<1x128xf32, #tpu.memory_space<vmem>>, %arg14: memref<1x128xf32, #tpu.memory_space<vmem>>, %arg15: memref<128x64xf32, #tpu.memory_space<vmem>>, %arg16: memref<1x64xf32, #tpu.memory_space<vmem>>, %arg17: memref<1x64xf32, #tpu.memory_space<vmem>>, %arg18: memref<1000x64xf32, #tpu.memory_space<vmem>>, %arg19: memref<1000x64xf32, #tpu.memory_space<vmem>>) attributes {dimension_semantics = [#tpu.dimension_semantics<arbitrary>], iteration_bounds = array<i64: 10>, scalar_prefetch = 0 : i64, scratch_operands = 0 : i64, tpu.core_type = #tpu.core_type<tc>, window_params = [{transform_indices = @transform_0, window_bounds = array<i64: 1000, 128>}, {transform_indices = @transform_1, window_bounds = array<i64: 1000, 128>}, {transform_indices = @transform_2, window_bounds = array<i64: 1000, 128>}, {transform_indices = @transform_3, window_bounds = array<i64: 1000, 128>}, {transform_indices = @transform_4, window_bounds = array<i64: 1000, 16>}, {transform_indices = @transform_5, window_bounds = array<i64: 1000, 16>}, {pipeline_mode = #tpu.pipeline_mode<synchronous>, transform_indices = @transform_6, window_bounds = array<i64: 256, 128>}, {pipeline_mode = #tpu.pipeline_mode<synchronous>, transform_indices = @transform_7, window_bounds = array<i64: 1, 128>}, {pipeline_mode = #tpu.pipeline_mode<synchronous>, transform_indices = @transform_8, window_bounds = array<i64: 256, 128>}, {pipeline_mode = #tpu.pipeline_mode<synchronous>, transform_indices = @transform_9, window_bounds = array<i64: 1, 128>}, {pipeline_mode = #tpu.pipeline_mode<synchronous>, transform_indices = @transform_10, window_bounds = array<i64: 1, 128>}, {pipeline_mode = #tpu.pipeline_mode<synchronous>, transform_indices = @transform_11, window_bounds = array<i64: 1, 128>}, {pipeline_mode = #tpu.pipeline_mode<synchronous>, transform_indices = @transform_12, window_bounds = array<i64: 1, 128>}, {pipeline_mode = #tpu.pipeline_mode<synchronous>, transform_indices = @transform_13, window_bounds = array<i64: 1, 128>}, {pipeline_mode = #tpu.pipeline_mode<synchronous>, transform_indices = @transform_14, window_bounds = array<i64: 128, 64>}, {pipeline_mode = #tpu.pipeline_mode<synchronous>, transform_indices = @transform_15, window_bounds = array<i64: 1, 64>}, {pipeline_mode = #tpu.pipeline_mode<synchronous>, transform_indices = @transform_16, window_bounds = array<i64: 1, 64>}, {transform_indices = @transform_17, window_bounds = array<i64: 1000, 64>}, {transform_indices = @transform_18, window_bounds = array<i64: 1000, 64>}]} {
    %get3A = arith.constant 0 : index
    %get3A_0 = arith.constant 0 : index
    %get3A_1 = vector.load %arg5[%get3A, %get3A_0] : memref<1000x16xf32, #tpu.memory_space<vmem>>, vector<1000x1xf32>
    %max3A = arith.constant 1.000000e+00 : f32
    %max3A_2 = vector.broadcast %max3A : f32 to vector<1000x1xf32>
    %max3A_3 = arith.maximumf %get3A_1, %max3A_2 : vector<1000x1xf32>
    %div3A = arith.constant 1.000000e+00 : f32
    %div3A_4 = vector.broadcast %div3A : f32 to vector<1000x1xf32>
    %div3A_5 = arith.divf %div3A_4, %max3A_3 : vector<1000x1xf32>
    %get3A_6 = arith.constant 0 : index
    %get3A_7 = arith.constant 0 : index
    %get3A_8 = vector.load %arg6[%get3A_6, %get3A_7] : memref<1000x16xf32, #tpu.memory_space<vmem>>, vector<1000x1xf32>
    %max3A_9 = arith.constant 1.000000e+00 : f32
    %max3A_10 = vector.broadcast %max3A_9 : f32 to vector<1000x1xf32>
    %max3A_11 = arith.maximumf %get3A_8, %max3A_10 : vector<1000x1xf32>
    %div3A_12 = arith.constant 1.000000e+00 : f32
    %div3A_13 = vector.broadcast %div3A_12 : f32 to vector<1000x1xf32>
    %div3A_14 = arith.divf %div3A_13, %max3A_11 : vector<1000x1xf32>
    %get3A_15 = arith.constant 0 : index
    %get3A_16 = arith.constant 0 : index
    %get3A_17 = vector.load %arg1[%get3A_15, %get3A_16] : memref<1000x128xf32, #tpu.memory_space<vmem>>, vector<1000x128xf32>
    %get3A_18 = arith.constant 0 : index
    %get3A_19 = arith.constant 0 : index
    %get3A_20 = vector.load %arg4[%get3A_18, %get3A_19] : memref<1000x128xf32, #tpu.memory_space<vmem>>, vector<1000x128xf32>
    %mul3A = vector.broadcast %div3A_5 : vector<1000x1xf32> to vector<1000x128xf32>
    %mul3A_21 = arith.mulf %get3A_17, %mul3A : vector<1000x128xf32>
    %concatenate3A = tpu.concatenate %mul3A_21, %get3A_20 in 1 : vector<1000x128xf32>, vector<1000x128xf32> -> vector<1000x256xf32>
    %get3A_22 = arith.constant 0 : index
    %get3A_23 = arith.constant 0 : index
    %get3A_24 = vector.load %arg7[%get3A_22, %get3A_23] : memref<256x128xf32, #tpu.memory_space<vmem>>, vector<256x128xf32>
    %dot_general3A = arith.constant dense<0.000000e+00> : vector<1000x128xf32>
    %dot_general3A_25 = tpu.matmul %concatenate3A, %get3A_24, %dot_general3A {dimension_numbers = #tpu.dot_dimension_numbers<[1], [0], [0], [1], [0, 0, 1, 1], [], []>, transpose_lhs_hint = false} : vector<1000x256xf32>, vector<256x128xf32>, vector<1000x128xf32> -> vector<1000x128xf32>
    %get3A_26 = arith.constant 0 : index
    %get3A_27 = arith.constant 0 : index
    %get3A_28 = vector.load %arg8[%get3A_26, %get3A_27] : memref<1x128xf32, #tpu.memory_space<vmem>>, vector<1x128xf32>
    %add3A = vector.broadcast %get3A_28 : vector<1x128xf32> to vector<1000x128xf32>
    %add3A_29 = arith.addf %dot_general3A_25, %add3A : vector<1000x128xf32>
    %max3A_30 = arith.constant 0.000000e+00 : f32
    %max3A_31 = vector.broadcast %max3A_30 : f32 to vector<1000x128xf32>
    %max3A_32 = arith.maximumf %add3A_29, %max3A_31 : vector<1000x128xf32>
    %get3A_33 = arith.constant 0 : index
    %get3A_34 = arith.constant 0 : index
    %get3A_35 = vector.load %arg13[%get3A_33, %get3A_34] : memref<1x128xf32, #tpu.memory_space<vmem>>, vector<1x128xf32>
    %get3A_36 = arith.constant 0 : index
    %get3A_37 = arith.constant 0 : index
    %get3A_38 = vector.load %arg14[%get3A_36, %get3A_37] : memref<1x128xf32, #tpu.memory_space<vmem>>, vector<1x128xf32>
    %reduce_sum3A = arith.constant dense<0.000000e+00> : vector<1000xf32>
    %reduce_sum3A_39 = vector.multi_reduction <add>, %max3A_32, %reduce_sum3A [1] : vector<1000x128xf32> to vector<1000xf32>
    %broadcast_in_dim3A = vector.shape_cast %reduce_sum3A_39 : vector<1000xf32> to vector<1000x1xf32>
    %div3A_40 = arith.constant 1.280000e+02 : f32
    %div3A_41 = vector.broadcast %div3A_40 : f32 to vector<1000x1xf32>
    %div3A_42 = arith.divf %broadcast_in_dim3A, %div3A_41 : vector<1000x1xf32>
    %sub3A = vector.broadcast %div3A_42 : vector<1000x1xf32> to vector<1000x128xf32>
    %sub3A_43 = arith.subf %max3A_32, %sub3A : vector<1000x128xf32>
    %integer_pow3A = arith.mulf %sub3A_43, %sub3A_43 : vector<1000x128xf32>
    %reduce_sum3A_44 = arith.constant dense<0.000000e+00> : vector<1000xf32>
    %reduce_sum3A_45 = vector.multi_reduction <add>, %integer_pow3A, %reduce_sum3A_44 [1] : vector<1000x128xf32> to vector<1000xf32>
    %broadcast_in_dim3A_46 = vector.shape_cast %reduce_sum3A_45 : vector<1000xf32> to vector<1000x1xf32>
    %div3A_47 = arith.constant 1.280000e+02 : f32
    %div3A_48 = vector.broadcast %div3A_47 : f32 to vector<1000x1xf32>
    %div3A_49 = arith.divf %broadcast_in_dim3A_46, %div3A_48 : vector<1000x1xf32>
    %sub3A_50 = vector.broadcast %div3A_42 : vector<1000x1xf32> to vector<1000x128xf32>
    %sub3A_51 = arith.subf %max3A_32, %sub3A_50 : vector<1000x128xf32>
    %add3A_52 = arith.constant 9.99999974E-6 : f32
    %add3A_53 = vector.broadcast %add3A_52 : f32 to vector<1000x1xf32>
    %add3A_54 = arith.addf %div3A_49, %add3A_53 : vector<1000x1xf32>
    %rsqrt3A = math.rsqrt %add3A_54 : vector<1000x1xf32>
    %mul3A_55 = vector.broadcast %rsqrt3A : vector<1000x1xf32> to vector<1000x128xf32>
    %mul3A_56 = arith.mulf %sub3A_51, %mul3A_55 : vector<1000x128xf32>
    %mul3A_57 = vector.broadcast %get3A_35 : vector<1x128xf32> to vector<1000x128xf32>
    %mul3A_58 = arith.mulf %mul3A_56, %mul3A_57 : vector<1000x128xf32>
    %add3A_59 = vector.broadcast %get3A_38 : vector<1x128xf32> to vector<1000x128xf32>
    %add3A_60 = arith.addf %mul3A_58, %add3A_59 : vector<1000x128xf32>
    %add3A_61 = arith.addf %add3A_60, %get3A_20 : vector<1000x128xf32>
    %get3A_62 = arith.constant 0 : index
    %get3A_63 = arith.constant 0 : index
    %get3A_64 = vector.load %arg2[%get3A_62, %get3A_63] : memref<1000x128xf32, #tpu.memory_space<vmem>>, vector<1000x128xf32>
    %get3A_65 = arith.constant 0 : index
    %get3A_66 = arith.constant 0 : index
    %get3A_67 = vector.load %arg3[%get3A_65, %get3A_66] : memref<1000x128xf32, #tpu.memory_space<vmem>>, vector<1000x128xf32>
    %mul3A_68 = vector.broadcast %div3A_14 : vector<1000x1xf32> to vector<1000x128xf32>
    %mul3A_69 = arith.mulf %get3A_64, %mul3A_68 : vector<1000x128xf32>
    %concatenate3A_70 = tpu.concatenate %mul3A_69, %get3A_67 in 1 : vector<1000x128xf32>, vector<1000x128xf32> -> vector<1000x256xf32>
    %get3A_71 = arith.constant 0 : index
    %get3A_72 = arith.constant 0 : index
    %get3A_73 = vector.load %arg9[%get3A_71, %get3A_72] : memref<256x128xf32, #tpu.memory_space<vmem>>, vector<256x128xf32>
    %dot_general3A_74 = arith.constant dense<0.000000e+00> : vector<1000x128xf32>
    %dot_general3A_75 = tpu.matmul %concatenate3A_70, %get3A_73, %dot_general3A_74 {dimension_numbers = #tpu.dot_dimension_numbers<[1], [0], [0], [1], [0, 0, 1, 1], [], []>, transpose_lhs_hint = false} : vector<1000x256xf32>, vector<256x128xf32>, vector<1000x128xf32> -> vector<1000x128xf32>
    %get3A_76 = arith.constant 0 : index
    %get3A_77 = arith.constant 0 : index
    %get3A_78 = vector.load %arg10[%get3A_76, %get3A_77] : memref<1x128xf32, #tpu.memory_space<vmem>>, vector<1x128xf32>
    %add3A_79 = vector.broadcast %get3A_78 : vector<1x128xf32> to vector<1000x128xf32>
    %add3A_80 = arith.addf %dot_general3A_75, %add3A_79 : vector<1000x128xf32>
    %max3A_81 = arith.constant 0.000000e+00 : f32
    %max3A_82 = vector.broadcast %max3A_81 : f32 to vector<1000x128xf32>
    %max3A_83 = arith.maximumf %add3A_80, %max3A_82 : vector<1000x128xf32>
    %get3A_84 = arith.constant 0 : index
    %get3A_85 = arith.constant 0 : index
    %get3A_86 = vector.load %arg11[%get3A_84, %get3A_85] : memref<1x128xf32, #tpu.memory_space<vmem>>, vector<1x128xf32>
    %get3A_87 = arith.constant 0 : index
    %get3A_88 = arith.constant 0 : index
    %get3A_89 = vector.load %arg12[%get3A_87, %get3A_88] : memref<1x128xf32, #tpu.memory_space<vmem>>, vector<1x128xf32>
    %reduce_sum3A_90 = arith.constant dense<0.000000e+00> : vector<1000xf32>
    %reduce_sum3A_91 = vector.multi_reduction <add>, %max3A_83, %reduce_sum3A_90 [1] : vector<1000x128xf32> to vector<1000xf32>
    %broadcast_in_dim3A_92 = vector.shape_cast %reduce_sum3A_91 : vector<1000xf32> to vector<1000x1xf32>
    %div3A_93 = arith.constant 1.280000e+02 : f32
    %div3A_94 = vector.broadcast %div3A_93 : f32 to vector<1000x1xf32>
    %div3A_95 = arith.divf %broadcast_in_dim3A_92, %div3A_94 : vector<1000x1xf32>
    %sub3A_96 = vector.broadcast %div3A_95 : vector<1000x1xf32> to vector<1000x128xf32>
    %sub3A_97 = arith.subf %max3A_83, %sub3A_96 : vector<1000x128xf32>
    %integer_pow3A_98 = arith.mulf %sub3A_97, %sub3A_97 : vector<1000x128xf32>
    %reduce_sum3A_99 = arith.constant dense<0.000000e+00> : vector<1000xf32>
    %reduce_sum3A_100 = vector.multi_reduction <add>, %integer_pow3A_98, %reduce_sum3A_99 [1] : vector<1000x128xf32> to vector<1000xf32>
    %broadcast_in_dim3A_101 = vector.shape_cast %reduce_sum3A_100 : vector<1000xf32> to vector<1000x1xf32>
    %div3A_102 = arith.constant 1.280000e+02 : f32
    %div3A_103 = vector.broadcast %div3A_102 : f32 to vector<1000x1xf32>
    %div3A_104 = arith.divf %broadcast_in_dim3A_101, %div3A_103 : vector<1000x1xf32>
    %sub3A_105 = vector.broadcast %div3A_95 : vector<1000x1xf32> to vector<1000x128xf32>
    %sub3A_106 = arith.subf %max3A_83, %sub3A_105 : vector<1000x128xf32>
    %add3A_107 = arith.constant 9.99999974E-6 : f32
    %add3A_108 = vector.broadcast %add3A_107 : f32 to vector<1000x1xf32>
    %add3A_109 = arith.addf %div3A_104, %add3A_108 : vector<1000x1xf32>
    %rsqrt3A_110 = math.rsqrt %add3A_109 : vector<1000x1xf32>
    %mul3A_111 = vector.broadcast %rsqrt3A_110 : vector<1000x1xf32> to vector<1000x128xf32>
    %mul3A_112 = arith.mulf %sub3A_106, %mul3A_111 : vector<1000x128xf32>
    %mul3A_113 = vector.broadcast %get3A_86 : vector<1x128xf32> to vector<1000x128xf32>
    %mul3A_114 = arith.mulf %mul3A_112, %mul3A_113 : vector<1000x128xf32>
    %add3A_115 = vector.broadcast %get3A_89 : vector<1x128xf32> to vector<1000x128xf32>
    %add3A_116 = arith.addf %mul3A_114, %add3A_115 : vector<1000x128xf32>
    %add3A_117 = arith.addf %add3A_116, %get3A_67 : vector<1000x128xf32>
    %get3A_118 = arith.constant 0 : index
    %get3A_119 = arith.constant 0 : index
    %get3A_120 = vector.load %arg15[%get3A_118, %get3A_119] : memref<128x64xf32, #tpu.memory_space<vmem>>, vector<128x64xf32>
    %dot_general3A_121 = arith.constant dense<0.000000e+00> : vector<1000x64xf32>
    %dot_general3A_122 = tpu.matmul %add3A_117, %get3A_120, %dot_general3A_121 {dimension_numbers = #tpu.dot_dimension_numbers<[1], [0], [0], [1], [0, 0, 1, 1], [], []>, transpose_lhs_hint = false} : vector<1000x128xf32>, vector<128x64xf32>, vector<1000x64xf32> -> vector<1000x64xf32>
    %get3A_123 = arith.constant 0 : index
    %get3A_124 = arith.constant 0 : index
    %get3A_125 = vector.load %arg16[%get3A_123, %get3A_124] : memref<1x64xf32, #tpu.memory_space<vmem>>, vector<1x64xf32>
    %add3A_126 = vector.broadcast %get3A_125 : vector<1x64xf32> to vector<1000x64xf32>
    %add3A_127 = arith.addf %dot_general3A_122, %add3A_126 : vector<1000x64xf32>
    %mul3A_128 = arith.mulf %add3A_127, %add3A_127 : vector<1000x64xf32>
    %reduce_sum3A_129 = arith.constant dense<0.000000e+00> : vector<1000xf32>
    %reduce_sum3A_130 = vector.multi_reduction <add>, %mul3A_128, %reduce_sum3A_129 [1] : vector<1000x64xf32> to vector<1000xf32>
    %broadcast_in_dim3A_131 = vector.shape_cast %reduce_sum3A_130 : vector<1000xf32> to vector<1000x1xf32>
    %sqrt3A = math.sqrt %broadcast_in_dim3A_131 : vector<1000x1xf32>
    %max3A_132 = arith.constant 9.99999996E-13 : f32
    %max3A_133 = vector.broadcast %max3A_132 : f32 to vector<1000x1xf32>
    %max3A_134 = arith.maximumf %sqrt3A, %max3A_133 : vector<1000x1xf32>
    %div3A_135 = vector.broadcast %max3A_134 : vector<1000x1xf32> to vector<1000x64xf32>
    %div3A_136 = arith.divf %add3A_127, %div3A_135 : vector<1000x64xf32>
    %get3A_137 = arith.constant 0 : index
    %get3A_138 = arith.constant 0 : index
    %get3A_139 = vector.load %arg17[%get3A_137, %get3A_138] : memref<1x64xf32, #tpu.memory_space<vmem>>, vector<1x64xf32>
    %mul3A_140 = vector.broadcast %get3A_139 : vector<1x64xf32> to vector<1000x64xf32>
    %mul3A_141 = arith.mulf %div3A_136, %mul3A_140 : vector<1000x64xf32>
    %swap3A = arith.constant 0 : index
    %swap3A_142 = arith.constant 0 : index
    %swap3A_143 = vector.load %arg18[%swap3A, %swap3A_142] : memref<1000x64xf32, #tpu.memory_space<vmem>>, vector<1000x64xf32>
    tpu.vector_store %arg18[%swap3A, %swap3A_142], %mul3A_141 {strides = array<i32>} : memref<1000x64xf32, #tpu.memory_space<vmem>>, vector<1000x64xf32>,
    %get3A_144 = arith.constant 0 : index
    %get3A_145 = arith.constant 0 : index
    %get3A_146 = vector.load %arg15[%get3A_144, %get3A_145] : memref<128x64xf32, #tpu.memory_space<vmem>>, vector<128x64xf32>
    %dot_general3A_147 = arith.constant dense<0.000000e+00> : vector<1000x64xf32>
    %dot_general3A_148 = tpu.matmul %add3A_61, %get3A_146, %dot_general3A_147 {dimension_numbers = #tpu.dot_dimension_numbers<[1], [0], [0], [1], [0, 0, 1, 1], [], []>, transpose_lhs_hint = false} : vector<1000x128xf32>, vector<128x64xf32>, vector<1000x64xf32> -> vector<1000x64xf32>
    %get3A_149 = arith.constant 0 : index
    %get3A_150 = arith.constant 0 : index
    %get3A_151 = vector.load %arg16[%get3A_149, %get3A_150] : memref<1x64xf32, #tpu.memory_space<vmem>>, vector<1x64xf32>
    %add3A_152 = vector.broadcast %get3A_151 : vector<1x64xf32> to vector<1000x64xf32>
    %add3A_153 = arith.addf %dot_general3A_148, %add3A_152 : vector<1000x64xf32>
    %mul3A_154 = arith.mulf %add3A_153, %add3A_153 : vector<1000x64xf32>
    %reduce_sum3A_155 = arith.constant dense<0.000000e+00> : vector<1000xf32>
    %reduce_sum3A_156 = vector.multi_reduction <add>, %mul3A_154, %reduce_sum3A_155 [1] : vector<1000x64xf32> to vector<1000xf32>
    %broadcast_in_dim3A_157 = vector.shape_cast %reduce_sum3A_156 : vector<1000xf32> to vector<1000x1xf32>
    %sqrt3A_158 = math.sqrt %broadcast_in_dim3A_157 : vector<1000x1xf32>
    %max3A_159 = arith.constant 9.99999996E-13 : f32
    %max3A_160 = vector.broadcast %max3A_159 : f32 to vector<1000x1xf32>
    %max3A_161 = arith.maximumf %sqrt3A_158, %max3A_160 : vector<1000x1xf32>
    %div3A_162 = vector.broadcast %max3A_161 : vector<1000x1xf32> to vector<1000x64xf32>
    %div3A_163 = arith.divf %add3A_153, %div3A_162 : vector<1000x64xf32>
    %get3A_164 = arith.constant 0 : index
    %get3A_165 = arith.constant 0 : index
    %get3A_166 = vector.load %arg17[%get3A_164, %get3A_165] : memref<1x64xf32, #tpu.memory_space<vmem>>, vector<1x64xf32>
    %mul3A_167 = vector.broadcast %get3A_166 : vector<1x64xf32> to vector<1000x64xf32>
    %mul3A_168 = arith.mulf %div3A_163, %mul3A_167 : vector<1000x64xf32>
    %swap3A_169 = arith.constant 0 : index
    %swap3A_170 = arith.constant 0 : index
    %swap3A_171 = vector.load %arg19[%swap3A_169, %swap3A_170] : memref<1000x64xf32, #tpu.memory_space<vmem>>, vector<1000x64xf32>
    tpu.vector_store %arg19[%swap3A_169, %swap3A_170], %mul3A_168 {strides = array<i32>} : memref<1000x64xf32, #tpu.memory_space<vmem>>, vector<1000x64xf32>,
    return
  }
  func.func @transform_0(%arg0: i32) -> (i32, i32) {
    %c0_i32 = arith.constant 0 : i32
    %c0_i32_0 = arith.constant 0 : i32
    return %arg0, %c0_i32 : i32, i32
  }
  func.func @transform_1(%arg0: i32) -> (i32, i32) {
    %c0_i32 = arith.constant 0 : i32
    %c0_i32_0 = arith.constant 0 : i32
    return %arg0, %c0_i32 : i32, i32
  }
  func.func @transform_2(%arg0: i32) -> (i32, i32) {
    %c0_i32 = arith.constant 0 : i32
    %c0_i32_0 = arith.constant 0 : i32
    return %arg0, %c0_i32 : i32, i32
  }
  func.func @transform_3(%arg0: i32) -> (i32, i32) {
    %c0_i32 = arith.constant 0 : i32
    %c0_i32_0 = arith.constant 0 : i32
    return %arg0, %c0_i32 : i32, i32
  }
  func.func @transform_4(%arg0: i32) -> (i32, i32) {
    %c0_i32 = arith.constant 0 : i32
    %c0_i32_0 = arith.constant 0 : i32
    return %arg0, %c0_i32 : i32, i32
  }
  func.func @transform_5(%arg0: i32) -> (i32, i32) {
    %c0_i32 = arith.constant 0 : i32
    %c0_i32_0 = arith.constant 0 : i32
    return %arg0, %c0_i32 : i32, i32
  }
  func.func @transform_6(%arg0: i32) -> (i32, i32) {
    %c0_i32 = arith.constant 0 : i32
    %c0_i32_0 = arith.constant 0 : i32
    %c0_i32_1 = arith.constant 0 : i32
    return %c0_i32, %c0_i32_0 : i32, i32
  }
  func.func @transform_7(%arg0: i32) -> (i32, i32) {
    %c0_i32 = arith.constant 0 : i32
    %c0_i32_0 = arith.constant 0 : i32
    %c0_i32_1 = arith.constant 0 : i32
    return %c0_i32, %c0_i32_0 : i32, i32
  }
  func.func @transform_8(%arg0: i32) -> (i32, i32) {
    %c0_i32 = arith.constant 0 : i32
    %c0_i32_0 = arith.constant 0 : i32
    %c0_i32_1 = arith.constant 0 : i32
    return %c0_i32, %c0_i32_0 : i32, i32
  }
  func.func @transform_9(%arg0: i32) -> (i32, i32) {
    %c0_i32 = arith.constant 0 : i32
    %c0_i32_0 = arith.constant 0 : i32
    %c0_i32_1 = arith.constant 0 : i32
    return %c0_i32, %c0_i32_0 : i32, i32
  }
  func.func @transform_10(%arg0: i32) -> (i32, i32) {
    %c0_i32 = arith.constant 0 : i32
    %c0_i32_0 = arith.constant 0 : i32
    %c0_i32_1 = arith.constant 0 : i32
    return %c0_i32, %c0_i32_0 : i32, i32
  }
  func.func @transform_11(%arg0: i32) -> (i32, i32) {
    %c0_i32 = arith.constant 0 : i32
    %c0_i32_0 = arith.constant 0 : i32
    %c0_i32_1 = arith.constant 0 : i32
    return %c0_i32, %c0_i32_0 : i32, i32
  }
  func.func @transform_12(%arg0: i32) -> (i32, i32) {
    %c0_i32 = arith.constant 0 : i32
    %c0_i32_0 = arith.constant 0 : i32
    %c0_i32_1 = arith.constant 0 : i32
    return %c0_i32, %c0_i32_0 : i32, i32
  }
  func.func @transform_13(%arg0: i32) -> (i32, i32) {
    %c0_i32 = arith.constant 0 : i32
    %c0_i32_0 = arith.constant 0 : i32
    %c0_i32_1 = arith.constant 0 : i32
    return %c0_i32, %c0_i32_0 : i32, i32
  }
  func.func @transform_14(%arg0: i32) -> (i32, i32) {
    %c0_i32 = arith.constant 0 : i32
    %c0_i32_0 = arith.constant 0 : i32
    %c0_i32_1 = arith.constant 0 : i32
    return %c0_i32, %c0_i32_0 : i32, i32
  }
  func.func @transform_15(%arg0: i32) -> (i32, i32) {
    %c0_i32 = arith.constant 0 : i32
    %c0_i32_0 = arith.constant 0 : i32
    %c0_i32_1 = arith.constant 0 : i32
    return %c0_i32, %c0_i32_0 : i32, i32
  }
  func.func @transform_16(%arg0: i32) -> (i32, i32) {
    %c0_i32 = arith.constant 0 : i32
    %c0_i32_0 = arith.constant 0 : i32
    %c0_i32_1 = arith.constant 0 : i32
    return %c0_i32, %c0_i32_0 : i32, i32
  }
  func.func @transform_17(%arg0: i32) -> (i32, i32) {
    %c0_i32 = arith.constant 0 : i32
    %c0_i32_0 = arith.constant 0 : i32
    return %arg0, %c0_i32 : i32, i32
  }
  func.func @transform_18(%arg0: i32) -> (i32, i32) {
    %c0_i32 = arith.constant 0 : i32
    %c0_i32_0 = arith.constant 0 : i32
    return %arg0, %c0_i32 : i32, i32
  }
}

</mosaic_0001>

<sc_bundles>
// kernel: kernel.11.cloned.1.call-start
scs
__scs_entry_jumppad:
0x0: {  	(pc) =	sbr.rel $0x88, $3  }
0x1: {  	(tag) =	ssettag $0x0;
	lr =	simm.s32 $0x1  }
0x2: {  	[smem:$0x3F86] =	sst lr;
	_ =	strace $0xD0000000  }
0x3: {  	_ = 	snop  }
0x4: {  	_ = 	snop  }
0x5: {  	_ = 	snop  }
0x6: {  	_ = 	snop  }
0x7: {  	_ = 	snop  }
__scs_overlays_trampoline_lowered:
0x8: {  	[smem:$0x3F95] =	sst s0  }
0x9: {  	[smem:$0x3F96] =	sst s1  }
0xa: {  	[smem:$0x3F97] =	sst s2  }
0xb: {  	[smem:$0x3F98] =	sst s3  }
0xc: {  	[smem:$0x3F99] =	sst s4  }
0xd: {  	[smem:$0x3F9A] =	sst s5  }
0xe: {  	[smem:$0x3F9B] =	sst s6  }
0xf: {  	[smem:$0x3F9C] =	sst s7  }
0x10: {  	[smem:$0x3F9D] =	sst s8  }
0x11: {  	[smem:$0x3F9E] =	sst s9;
	s0 =	simm.s32 @!p0 $0x0  }
0x12: {  	s1 =	sld [smem:$0x3F84];
	s0 =	simm.s32 @p0 $0x1  }
0x13: {  	[smem:$0x3F9F] =	sst s0;
	s0 =	simm.s32 @!p1 $0x0  }
0x14: {  	s2 =	sld [smem:$0x3F83];
	s0 =	simm.s32 @p1 $0x1  }
0x15: {  	[smem:$0x3FA0] =	sst s0;
	s0 =	simm.s32 @!p2 $0x0  }
0x16: {  	s3 =	sld [smem:$0x3FDB];
	s0 =	simm.s32 @p2 $0x1  }
0x17: {  	s4 =	simm.s32 $0x1BF5;
	[smem:$0x3FA2] =	sst s0  }
0x18: {  	s0 =	sld [smem:$0x3F85];
	_ =	swait.ge [sflag:s4], $0x0  }
0x19: {  	s7 =	sld [smem:$0x3F86]  }
0x1a: {  	s8 =	sadd.s32 $0xFFFFE003, lr  }
0x1b: {  	s9 =	sadd.s32 $0xFFFFFEF7, lr;
	s5 =	simm.s32 $0xFFFFFFFF;
	p2 =	slt.u32 s8, $0xFFFFF086  }
0x1c: {  	p1 =	slt.u32 s9, $0xF7A;
	s5 =	simm.s32 @!p2 $0x0  }
0x1d: {  	s5 =	simm.s32 @p1 $0x1;
	p0 =	seq.s32 s7, s2  }
0x1e: {  	s7 =	smul.u32 @!p0 $0xF7A, s2;
	p2 =	seq.s32 @!p0 s5, $0x0  }
0x1f: {  	s9 =	smul.u32 $0xF7A, s1;
	s8 =	simm.s32 @!p0 $0x1BF5;
	p2 =	por !p2, p0  }
0x20: {  	[sflag:s8] =	ssyncset.s32 @!p0 $0xFFFFF086;
	s6 =	sadd.s32 @!p0 s3, s7;
	s7 =	simm.s32 @!p0 $0x108  }
0x21: {  	s3 =	sadd.s32 s3, s9;
	s6 =	sadd.s32 @!p0 $0x88, s6;
	s7 =	simm.s32 @p2 $0x1082  }
0x22: {  	[simem:s7], [sflag:s8] =	dma.local @!p0 [hbm:s6], $0xF7A  }
0x23: {  	s9 =	sor.u32 $0xD0000000, s2;
	s6 =	simm.s32 $0x108;
	_ =	swait.ge @!p0 [sflag:s8], $0x0  }
0x24: {  	s3 =	sadd.s32 $0x88, s3;
	s6 =	simm.s32 @!p1 $0x1082;
	[sflag:s4] =	ssyncset.s32 $0xFFFFF086  }
0x25: {  	[simem:s6], [sflag:s4] =	dma.local [hbm:s3], $0xF7A  }
0x26: {  	[smem:$0x3F86] =	sst s1;
	(tag) =	ssettag s2;
	_ =	strace s9  }
0x27: {  	s1 =	sld [smem:$0x3F96]  }
0x28: {  	s2 =	sld [smem:$0x3F97]  }
0x29: {  	s4 =	sld [smem:$0x3F99]  }
0x2a: {  	p0 =	seq.s32 s5, $0x0;
	s5 =	sld [smem:$0x3F9A]  }
0x2b: {  	s6 =	sld [smem:$0x3F9B]  }
0x2c: {  	s7 =	sld [smem:$0x3F9C]  }
0x2d: {  	s3 =	simm.s32 $0x108;
	s8 =	sld [smem:$0x3F9D]  }
0x2e: {  	s3 =	simm.s32 @!p0 $0x1082;
	s9 =	sld [smem:$0x3F9E]  }
0x2f: {  	lr =	sadd.s32 s0, s3;
	s0 =	sld [smem:$0x3F95]  }
0x30: {  	s3 =	sld [smem:$0x3F98]  }
0x31: {  	[smem:$0x3FA1] =	sst s10  }
0x32: {  	s10 =	sld [smem:$0x3F9F];
	_ =	sdelay $0x3  }
0x33: {  	p0 =	seq.s32 s10, $0x1;
	s10 =	sld [smem:$0x3FA1];
	_ =	sdelay $0x3  }
0x34: {  	[smem:$0x3FA1] =	sst s10  }
0x35: {  	s10 =	sld [smem:$0x3FA0];
	_ =	sdelay $0x3  }
0x36: {  	p1 =	seq.s32 s10, $0x1;
	s10 =	sld [smem:$0x3FA1];
	_ =	sdelay $0x3  }
0x37: {  	[smem:$0x3FA1] =	sst s10  }
0x38: {  	s10 =	sld [smem:$0x3FA2]  }
0x39: {  	_ = 	snop;
	(pc) =	sbr.ind lr, $3  }
0x3a: {  	_ = 	snop  }
0x3b: {  	_ = 	snop  }
0x3c: {  	p2 =	seq.s32 s10, $0x1;
	s10 =	sld [smem:$0x3FA1]  }
0x3d: {  	_ =	shalt  }
0x3e: {  	_ =	shalt  }
0x3f: {  	_ =	shalt  }
0x40: {  	_ =	shalt  }
0x41: {  	_ =	shalt  }
0x42: {  	_ =	shalt  }
0x43: {  	_ =	shalt  }
0x44: {  	_ =	shalt  }
0x45: {  	_ =	shalt  }
0x46: {  	_ =	shalt  }
0x47: {  	_ =	shalt  }
0x48: {  	_ =	shalt  }
0x49: {  	_ =	shalt  }
0x4a: {  	_ =	shalt  }
0x4b: {  	_ =	shalt  }
0x4c: {  	_ =	shalt  }
0x4d: {  	_ =	shalt  }
0x4e: {  	_ =	shalt  }
0x4f: {  	_ =	shalt  }
0x50: {  	_ =	shalt  }
0x51: {  	_ =	shalt  }
0x52: {  	_ =	shalt  }
0x53: {  	_ =	shalt  }
0x54: {  	_ =	shalt  }
0x55: {  	_ =	shalt  }
0x56: {  	_ =	shalt  }
0x57: {  	_ =	shalt  }
0x58: {  	_ =	shalt  }
0x59: {  	_ =	shalt  }
0x5a: {  	_ =	shalt  }
0x5b: {  	_ =	shalt  }
0x5c: {  	_ =	shalt  }
0x5d: {  	_ =	shalt  }
0x5e: {  	_ =	shalt  }
0x5f: {  	_ =	shalt  }
0x60: {  	_ =	shalt  }
0x61: {  	_ =	shalt  }
0x62: {  	_ =	shalt  }
0x63: {  	_ =	shalt  }
0x64: {  	_ =	shalt  }
0x65: {  	_ =	shalt  }
0x66: {  	_ =	shalt  }
0x67: {  	_ =	shalt  }
0x68: {  	_ =	shalt  }
0x69: {  	_ =	shalt  }
0x6a: {  	_ =	shalt  }
0x6b: {  	_ =	shalt  }
0x6c: {  	_ =	shalt  }
0x6d: {  	_ =	shalt  }
0x6e: {  	_ =	shalt  }
0x6f: {  	_ =	shalt  }
0x70: {  	_ =	shalt  }
0x71: {  	_ =	shalt  }
0x72: {  	_ =	shalt  }
0x73: {  	_ =	shalt  }
0x74: {  	_ =	shalt  }
0x75: {  	_ =	shalt  }
0x76: {  	_ =	shalt  }
0x77: {  	_ =	shalt  }
0x78: {  	_ =	shalt  }
0x79: {  	_ =	shalt  }
0x7a: {  	_ =	shalt  }
0x7b: {  	_ =	shalt  }
0x7c: {  	_ =	shalt  }
0x7d: {  	_ =	shalt  }
0x7e: {  	_ =	shalt  }
0x7f: {  	_ =	shalt  }
0x80: {  	_ =	shalt  }
0x81: {  	_ =	shalt  }
0x82: {  	_ =	shalt  }
0x83: {  	_ =	shalt  }
0x84: {  	_ =	shalt  }
0x85: {  	_ =	shalt  }
0x86: {  	_ =	shalt  }
0x87: {  	_ =	shalt  }
.Lfunc_end0:
.L_simem_size_0:
called_computation.1_lowered:
.L_overlay_start_0:
0x88: {  	s2 =	sld [smem:$0x3FD9]  }
0x89: {  	s3 =	sld [smem:$0x3FFE];
	_ =	sdelay $0x1  }
0x8a: {  	s1 =	srdreg.scid  }
0x8b: {  	s0 =	sand.u32 $0x1, s1  }
0x8c: {  	s15 =	sshll.u32 s0, $0xA;
	s2 =	sadd.s32 s3, s2  }
0x8d: {  	s2 =	sadd.s32 s2, s15  }
0x8e: {  	[smem:$0x3FAD] =	sst s2  }
0x8f: {  	_ = 	snop  }
0x90: {  	s2 =	sld [smem:$0x3FD0];
	_ =	sdelay $0x2  }
0x91: {  	s4 =	simm.s32 $0xB;
	s16 =	simm.s32 $0x10  }
0x92: {  	[smem:s16], [sflag:s4] =	dma.local [hbm:s2], $0x1  }
0x93: {  	_ =	swait.eq [sflag:s4], $0x1  }
0x94: {  	[sflag:s4] =	ssyncset.done $0x0  }
0x95: {  	s17 =	sld [smem:$0x10];
	[sflag:s4] =	ssyncadd.s32 $0xFFFFFFFF  }
0x96: {  	s18 =	sld [smem:$0x11];
	(tm) =	ssettm $0x1  }
0x97: {  	s19 =	sld [smem:$0x3FFB];
	_ =	sdelay $0x3  }
0x98: {  	_ =	strace s19  }
0x99: {  	s2 =	sld [smem:$0x3FFC];
	_ =	sdelay $0x3  }
0x9a: {  	_ =	strace s2  }
0x9b: {  	s2 =	sld [smem:$0x3FFD];
	_ =	sdelay $0x3  }
0x9c: {  	_ =	strace s2  }
0x9d: {  	_ =	strace $0x8FFFFFFF  }
0x9e: {  	s20 =	sld [smem:$0x3FDB];
	_ =	sdelay $0x1  }
0x9f: {  	s5 =	simm.s32 $_scs_section_size  }
0xa0: {  	s6 =	simm.s32 $_size__tile_overlayer_lowered;
	s7 =	simm.s32 $_tile_overlayer_lowered  }
0xa1: {  	s8 =	simm.s32 $0x1BFF;
	s21 =	sshll.u32 s7, $0x1;
	s5 =	sadd.s32 s5, s20  }
0xa2: {  	s22 =	simm.s32 $0x0;
	s6 =	sshll.u32 s6, $0x1;
	s7 =	sadd.s32 s21, s5  }
0xa3: {  	[timem:s22], [sflag:s8] =	dma.local [hbm:s7], s6  }
0xa4: {  	_ =	swait.ge [sflag:s8], s6  }
0xa5: {  	s6 =	ssub.s32 $0x0, s6;
	[sflag:s8] =	ssyncset.done $0x0  }
0xa6: {  	[sflag:s8] =	ssyncadd.s32 s6;
	_ =	sdelay $0x1  }
0xa7: {  	s23 =	simm.s32 $0x1B8B  }
0xa8: {  	_ =	swait.ge [sflag:s23], $0x1  }
0xa9: {  	[sflag:s23] =	ssyncset.done $0x0  }
0xaa: {  	[sflag:s23] =	ssyncadd.s32 $0xFFFFFFFF  }
0xab: {  	s6 =	sld [smem:$0x0]  }
0xac: {  	s7 =	sand.u32 $0xFFFFFFFE, s1  }
0xad: {  	p0 =	sne.s32 s1, s7  }
0xae: {  	s7 =	sshll.u32 @p0 s7, $0xE  }
0xaf: {  	s7 =	sadd.s32 @p0 $0x11B8D, s7;
	s8 =	sshll.u32 @p0 s6, $0x11  }
0xb0: {  	s7 =	sor.u32 @p0 s8, s7  }
0xb1: {  	[sflag:s7] =	ssyncadd.remote.s32 @p0 $0x1;
	_ =	sdelay $0x1  }
0xb2: {  	s7 =	simm.s32 @p0 $0x1B8D  }
0xb3: {  	_ =	swait.eq @p0 [sflag:s7], $0x1  }
0xb4: {  	[sflag:s7] =	ssyncadd.s32 @p0 $0xFFFFFFFF  }
0xb5: {  	s8 =	sshll.u32 @!p0 s1, $0xE  }
0xb6: {  	s8 =	sor.u32 @!p0 $0x4000, s8;
	s7 =	simm.s32 @!p0 $0x1B8D  }
0xb7: {  	s6 =	sshll.u32 @!p0 s6, $0x11;
	s8 =	sadd.s32 @!p0 $0x11B8D, s8;
	_ =	swait.eq @!p0 [sflag:s7], $0x1  }
0xb8: {  	s6 =	sor.u32 @!p0 s6, s8;
	[sflag:s7] =	ssyncadd.s32 @!p0 $0xFFFFFFFF  }
0xb9: {  	s25 =	simm.s32 $0x1B8E;
	s24 =	sld [smem:$0x3FFE];
	[sflag:s6] =	ssyncadd.remote.s32 @!p0 $0x1  }
0xba: {  	s26 =	simm.s32 $execute0_lowered;
	[smem:$0x3FD2] =	sst s25  }
0xbb: {  	s7 =	sshll.u32 s26, $0x1;
	_ =	strace $0x80000049;
	[dreg:$0x1] =	wrdreg $0xFFFFFFFF  }
0xbc: {  	s28 =	simm.s32 $_size_execute0_lowered;
	s5 =	sadd.s32 s5, s7;
	[dreg:$0x0] =	wrdreg $0x0  }
0xbd: {  	s7 =	sshll.u32 s28, $0x1;
	[dreg:$0x2] =	wrdreg s5  }
0xbe: {  	[dreg:$0x3] =	wrdreg s7  }
0xbf: {  	[dreg:$0x4] =	wrdreg $0xC0  }
0xc0: {  	_ =	task [dreg:s22], $0x5FFFF  }
0xc1: {  	[dreg:$0x1] =	wrdreg $0xFFFFFFFF  }
0xc2: {  	[dreg:$0x0] =	wrdreg $0x60  }
0xc3: {  	[dreg:$0x2] =	wrdreg s24  }
0xc4: {  	[dreg:$0x3] =	wrdreg s17  }
0xc5: {  	[dreg:$0x4] =	wrdreg s18  }
0xc6: {  	[dreg:$0x5] =	wrdreg $0x0  }
0xc7: {  	[dreg:$0x6] =	wrdreg $0xA  }
0xc8: {  	_ =	task.clear_ibuf [dreg:s22], $0x7FFFF;
	_ =	strace $0x90000049  }
0xc9: {  	s29 =	simm.s32 $0xA;
	_ =	strace $0x8000004B  }
0xca: {  	_ =	swait.ge [sflag:s29], $0x1  }
0xcb: {  	[sflag:s29] =	ssyncadd.s32 $0xFFFFFFFF  }
0xcc: {  	_ =	strace $0x9000004B  }
0xcd: {  	_ =	sfence  }
0xce: {  	s30 =	sld [smem:$0x0];
	_ =	sdelay $0x2  }
0xcf: {  	s31 =	sshll.u32 s1, $0xD;
	s1 =	sshrl.u32 s1, $0x2  }
0xd0: {  	s4 =	sand.u32 $0x4000, s31;
	s1 =	sadd.s32 s1, s30  }
0xd1: {  	s0 =	sor.u32 s4, s0;
	s1 =	sshll.u32 s1, $0x11  }
0xd2: {  	s0 =	sor.u32 s1, s0  }
0xd3: {  	s0 =	sadd.s32 $0x8F2B, s0  }
0xd4: {  	[sflag:s0] =	ssyncadd.remote.s32 $0x1  }
0xd5: {  	_ =	sfence.sel $0xFFFF  }
0xd6: {  	[dreg:$0x0] =	wrdreg $0xFFFFFFFF;
	(pc) =	sbr.abs _section_cstart, $3  }
0xd7: {  	[dreg:$0x1] =	wrdreg $0xFFFFFFFF  }
0xd8: {  	_ =	task.clear_ibuf [dreg:s22], $0x2FFFF;
	_ =	strace $0x9FFFFFFF  }
0xd9: {  	(tm) =	ssettm $0x7FFFFFFF  }
tec
execute0_lowered:
.L_overlay_start_1:
0x0: {  	(tag) =	ssettag $0x1  }
0x1: {  	s0 =	rddreg [dreg:$0x0]  }
0x2: {  	s1 =	rddreg [dreg:$0x1]  }
0x3: {  	s2 =	rddreg [dreg:$0x2]  }
0x4: {  	s3 =	rddreg [dreg:$0x3];
	s5 =	simm.s32 $0x0;
	s4 =	stileid.u32  }
0x5: {  	s11 =	srdreg.scid;
	s28 =	simm.s32 $0x14400;
	s29 =	simm.s32 $0x6  }
0x6: {  	s30 =	simm.s32 $0x14000;
	s31 =	simm.s32 $0x14200;
	[smem:$0x7FF] =	sst s5  }
0x7: {  	s6 =	sadd.s32 $0x25600, s0;
	s7 =	sadd.s32 $0x4C800, s0;
	s10 =	smul.u32 $0x14000, s4  }
0x8: {  	s8 =	sadd.s32 $0x11800, s0;
	s9 =	sadd.s32 $0x7A00, s0;
	s13 =	smul.u32 $0x50000, s4  }
0x9: {  	s15 =	sand.u32 $0x1, s11;
	s14 =	smul.u32 $0x9C, s4;
	s21 =	smin.u32 s4, $0x4  }
0xa: {  	p1 =	slt.u32 s4, $0x4;
	p2 =	sgt.u32 s4, $0x3;
	_ =	strace $0x8000004A  }
0xb: {  	s12 =	ssub.s32 $0x2, s15;
	p0 =	sne.s32 s15, $0x0;
	s15 =	simm.s32 $0x80  }
0xc: {  	s19 =	sshrl.u32 s10, $0x3;
	s20 =	sshrl.u32 s12, $0x1;
	s22 =	sshrl.u32 s13, $0x2  }
0xd: {  	s17 =	sadd.s32 s21, s14;
	s10 =	sadd.s32 s10, s3;
	s23 =	sadd.s32 s22, s3  }
0xe: {  	s0 =	sadd.s32 s19, s0;
	s16 =	ssub.s32 s12, s20;
	s24 =	sadd.s32 $0x4000, s23  }
0xf: {  	s18 =	sshll.u32 s17, $0x4;
	s25 =	sadd.s32 $0x8000, s23;
	[dreg:$0x5] =	wrdreg s24  }
0x10: {  	s13 =	sadd.s32 $0xC000, s23;
	s26 =	sadd.s32 s8, s18;
	[dreg:$0x6] =	wrdreg s25  }
0x11: {  	s14 =	sadd.s32 $0x10000, s23;
	s12 =	sadd.s32 s9, s18;
	[dreg:$0x7] =	wrdreg s26  }
0x12: {  	s19 =	sadd.s32 $0x9BA00, s0;
	s20 =	sadd.s32 s1, s18;
	[dreg:$0x8] =	wrdreg s12  }
0x13: {  	s21 =	sadd.s32 s2, s18;
	[dreg:$0x9] =	wrdreg s19;
	s19 =	smin.u32 s17, $0x9C0  }
0x14: {  	s0 =	sadd.s32 $0x73A00, s0;
	[dreg:$0xa] =	wrdreg s20;
	s22 =	sshll.u32 s19, $0x4  }
0x15: {  	s18 =	simm.s32 $0x4;
	[dreg:$0xb] =	wrdreg s21;
	s23 =	sadd.s32 $0x20, s22  }
0x16: {  	[dreg:$0xc] =	wrdreg s0;
	s21 =	smax.u32 s16, $0x1;
	s24 =	sadd.s32 s8, s23  }
.Ltmp0:
0x17: {  	s25 =	sadd.s32 s9, s23;
	[dreg:$0xd] =	wrdreg s24;
	(pc) =	sbr.rel .LBB2_1-.Ltmp0, $4  }
0x18: {  	s16 =	simm.s32 $0x2;
	s26 =	sadd.s32 s1, s23;
	[dreg:$0xe] =	wrdreg s25  }
0x19: {  	s20 =	simm.s32 $0x3;
	s0 =	sadd.s32 s2, s23;
	[dreg:$0xf] =	wrdreg s26  }
0x1a: {  	s19 =	simm.s32 $0x0;
	s22 =	simm.s32 $0x18400;
	[dreg:$0x10] =	wrdreg s0  }
0x1b: {  	v0 =	vimm.f32 $0.0e+00;
	s26 =	sadd.s32 $0x4, s17;
	s0 =	simm.s32 $0x1;
	s24 =	simm.s32 $0x5  }
.LBB2_10:
0x1c: {  	[tilespmem:s28], [sflag:$0x2] =	stream.indirect.gather [hbm4b:s23+s15], $0x80, s30, s15, $0xb8;
	[tilespmem:$0x1C400] =	vst v63  }
0x1d: {  	_ =	swait.ge [sflag:s16], $0x4000  }
0x1e: {  	[sflag:s16] =	ssyncset.done $0x0  }
0x1f: {  	[sflag:s16] =	ssyncadd.s32 $0xFFFFC000  }
0x20: {  	[spmem:s3] =	stream.indirect.scatter.add.f32 [tilespmem:s28], [sflag:$0x6], $0x80, s31, s15, $0xb8;
	[tilespmem:$0x1C400] =	vst v63  }
0x21: {  	_ =	swait.ge [sflag:s29], $0x4000  }
0x22: {  	[sflag:s29] =	ssyncset.done $0x0  }
0x23: {  	[sflag:s29] =	ssyncadd.s32 $0xFFFFC000  }
.LBB2_11:
0x24: {  	s4 =	stileid.u32;
	s19 =	sadd.s32 $0x1, s19  }
0x25: {  	[bflag:$0x0] =	sbarrier.arrive $0xFFFF;
	s4 =	sshll.u32 s4, $0x6;
	p3 =	sne.s32 s19, s21  }
.Ltmp1:
0x26: {  	s11 =	sshrl.u32 s10, $0x3;
	s4 =	sor.u32 $0x1C06, s4;
	(pc) =	sbr.rel @!p3 .LBB2_12-.Ltmp1, $4  }
0x27: {  	[hbm:s17], [sflag:s4] =	dma.local [spmem:s11], $0x2800  }
0x28: {  	_ =	swait.ge [sflag:s29], $0x2800  }
0x29: {  	[sflag:s29] =	ssyncset.done $0x0  }
0x2a: {  	[sflag:s29] =	ssyncadd.s32 $0xFFFFD800  }
.LBB2_1:
0x2b: {  	s17 =	simm.s32 $0x0;
	s25 =	simm.s32 $0x200  }
.LBB2_2:
0x2c: {  	p3 =	sne.s32 s25, $0xFE00;
	[tilespmem:s17+$0x14470] =	vst v0  }
0x2d: {  	[tilespmem:s17+$0x14400] =	vst v0  }
0x2e: {  	[tilespmem:s17+$0x14410] =	vst v0  }
.Ltmp2:
0x2f: {  	[tilespmem:s17+$0x14420] =	vst v0;
	(pc) =	sbr.rel @p3 .LBB2_2-.Ltmp2, $4  }
0x30: {  	[tilespmem:s17+$0x14430] =	vst v0  }
0x31: {  	[tilespmem:s17+$0x14440] =	vst v0  }
0x32: {  	[tilespmem:s17+$0x14450] =	vst v0  }
0x33: {  	[tilespmem:s17+$0x14460] =	vst v0;
	s17 =	sshra.s32 s25, $0x2;
	s25 =	sadd.s32 $0x200, s25  }
0x34: {  	[tilespmem:s17+$0x14470] =	vst v0  }
0x35: {  	[tilespmem:s17+$0x14400] =	vst v0  }
0x36: {  	[tilespmem:s17+$0x14410] =	vst v0  }
0x37: {  	[tilespmem:s17+$0x14420] =	vst v0  }
0x38: {  	[tilespmem:s17+$0x14430] =	vst v0  }
0x39: {  	[tilespmem:s17+$0x14440] =	vst v0  }
0x3a: {  	[tilespmem:s17+$0x14450] =	vst v0  }
0x3b: {  	[tilespmem:s17+$0x14460] =	vst v0  }
0x3c: {  	[spmem:s10] =	stream.linear.scatter [tilespmem:s28], [sflag:$0x6], $0x4000, $0x38;
	[tilespmem:$0x1C400] =	vst v63  }
0x3d: {  	_ =	swait.ge [sflag:s29], $0x4000  }
0x3e: {  	[sflag:s29] =	ssyncset.done $0x0  }
0x3f: {  	s4 =	rddreg [dreg:$0x5];
	[sflag:s29] =	ssyncadd.s32 $0xFFFFC000  }
0x40: {  	[spmem:s4] =	stream.linear.scatter [tilespmem:s28], [sflag:$0x6], $0x4000, $0x38;
	[tilespmem:$0x1C400] =	vst v63  }
0x41: {  	_ =	swait.ge [sflag:s29], $0x4000  }
0x42: {  	[sflag:s29] =	ssyncset.done $0x0  }
0x43: {  	s25 =	rddreg [dreg:$0x6];
	[sflag:s29] =	ssyncadd.s32 $0xFFFFC000  }
0x44: {  	[spmem:s25] =	stream.linear.scatter [tilespmem:s28], [sflag:$0x6], $0x4000, $0x38;
	[tilespmem:$0x1C400] =	vst v63  }
0x45: {  	_ =	swait.ge [sflag:s29], $0x4000  }
0x46: {  	[sflag:s29] =	ssyncset.done $0x0  }
0x47: {  	[sflag:s29] =	ssyncadd.s32 $0xFFFFC000  }
0x48: {  	[spmem:s13] =	stream.linear.scatter [tilespmem:s28], [sflag:$0x6], $0x4000, $0x38;
	[tilespmem:$0x1C400] =	vst v63  }
0x49: {  	_ =	swait.ge [sflag:s29], $0x4000  }
0x4a: {  	[sflag:s29] =	ssyncset.done $0x0  }
0x4b: {  	[sflag:s29] =	ssyncadd.s32 $0xFFFFC000  }
0x4c: {  	[spmem:s14] =	stream.linear.scatter [tilespmem:s28], [sflag:$0x6], $0x4000, $0x38;
	[tilespmem:$0x1C400] =	vst v63  }
.Ltmp3:
0x4d: {  	_ =	swait.ge [sflag:s29], $0x4000;
	(pc) =	sbr.rel @p0 .LBB2_7-.Ltmp3, $3  }
0x4e: {  	[sflag:s29] =	ssyncset.done $0x0  }
0x4f: {  	[sflag:s29] =	ssyncadd.s32 $0xFFFFC000  }
0x50: {  	[bflag:$0x0] =	sbarrier.arrive $0xFFFF;
	_ =	sdelay $0x1  }
0x51: {  	s4 =	rddreg [dreg:$0xa]  }
0x52: {  	[tilespmem:s30], [sflag:$0x1] =	stream.linear.gather [hbm4b:s4+s5], $0x100, $0x38;
	[tilespmem:$0x1C400] =	vst v63  }
0x53: {  	s23 =	rddreg [dreg:$0xb]  }
0x54: {  	[tilespmem:s31], [sflag:$0x1] =	stream.linear.gather [hbm4b:s23+s5], $0x100, $0x38;
	[tilespmem:$0x1C400] =	vst v63  }
0x55: {  	_ =	swait.ge [sflag:s0], $0x100  }
0x56: {  	[sflag:s0] =	ssyncset.done $0x0  }
0x57: {  	[sflag:s0] =	ssyncadd.s32 $0xFFFFFF00  }
0x58: {  	_ =	swait.ge [sflag:s0], $0x100  }
0x59: {  	[sflag:s0] =	ssyncset.done $0x0  }
0x5a: {  	[sflag:s0] =	ssyncadd.s32 $0xFFFFFF00  }
0x5b: {  	[tilespmem:s28], [sflag:$0x2] =	stream.indirect.gather [hbm4b:s6+s15], $0x80, s30, s15, $0xb8;
	[tilespmem:$0x1C400] =	vst v63  }
0x5c: {  	_ =	swait.ge [sflag:s16], $0x4000  }
0x5d: {  	[sflag:s16] =	ssyncset.done $0x0  }
0x5e: {  	[sflag:s16] =	ssyncadd.s32 $0xFFFFC000  }
0x5f: {  	[spmem:s3] =	stream.indirect.scatter.add.f32 [tilespmem:s28], [sflag:$0x4], $0x80, s31, s15, $0xb8;
	[tilespmem:$0x1C400] =	vst v63  }
0x60: {  	s11 =	simm.s32 $0x14100;
	s25 =	rddreg [dreg:$0xf]  }
0x61: {  	[tilespmem:s11], [sflag:$0x1] =	stream.linear.gather [hbm4b:s25+s5], $0x100, $0x38;
	[tilespmem:$0x1C400] =	vst v63  }
0x62: {  	s17 =	simm.s32 $0x14300;
	s12 =	rddreg [dreg:$0x10]  }
0x63: {  	[tilespmem:s17], [sflag:$0x1] =	stream.linear.gather [hbm4b:s12+s5], $0x100, $0x38;
	[tilespmem:$0x1C400] =	vst v63  }
0x64: {  	s23 =	simm.s32 $0x14080  }
0x65: {  	[tilespmem:s22], [sflag:$0x3] =	stream.indirect.gather [hbm4b:s6+s15], $0x80, s23, s15, $0xb8;
	[tilespmem:$0x1C400] =	vst v63  }
0x66: {  	_ =	swait.ge [sflag:s20], $0x4000  }
0x67: {  	[sflag:s20] =	ssyncset.done $0x0  }
0x68: {  	s25 =	simm.s32 $0x14280;
	[sflag:s20] =	ssyncadd.s32 $0xFFFFC000  }
0x69: {  	[spmem:s3] =	stream.indirect.scatter.add.f32 [tilespmem:s22], [sflag:$0x5], $0x80, s25, s15, $0xb8;
	[tilespmem:$0x1C400] =	vst v63  }
0x6a: {  	_ =	swait.ge [sflag:s0], $0x100  }
0x6b: {  	[sflag:s0] =	ssyncset.done $0x0  }
0x6c: {  	[sflag:s0] =	ssyncadd.s32 $0xFFFFFF00  }
0x6d: {  	_ =	swait.ge [sflag:s0], $0x100  }
0x6e: {  	[sflag:s0] =	ssyncset.done $0x0  }
0x6f: {  	[sflag:s0] =	ssyncadd.s32 $0xFFFFFF00  }
0x70: {  	s17 =	simm.s32 $0x100;
	_ =	swait.ge [sflag:s18], $0x4000  }
0x71: {  	s17 =	sand.u32 $0x100, s17;
	[sflag:s18] =	ssyncset.done $0x0  }
0x72: {  	s23 =	sor.u32 $0x14000, s17;
	[sflag:s18] =	ssyncadd.s32 $0xFFFFC000  }
0x73: {  	[tilespmem:s28], [sflag:$0x2] =	stream.indirect.gather [hbm4b:s6+s15], $0x80, s23, s15, $0xb8;
	[tilespmem:$0x1C400] =	vst v63  }
0x74: {  	_ =	swait.ge [sflag:s16], $0x4000  }
0x75: {  	p3 =	slt.s32 s26, $0x9C2;
	[sflag:s16] =	ssyncset.done $0x0  }
0x76: {  	s4 =	sor.u32 $0x14200, s17;
	s23 =	smov.u32 s26;
	[sflag:s16] =	ssyncadd.s32 $0xFFFFC000  }
0x77: {  	[spmem:s3] =	stream.indirect.scatter.add.f32 [tilespmem:s28], [sflag:$0x4], $0x80, s4, s15, $0xb8;
	[tilespmem:$0x1C400] =	vst v63  }
0x78: {  	s23 =	simm.s32 @!p3 $0x9C2;
	_ =	swait.ge [sflag:s24], $0x4000  }
0x79: {  	s23 =	sshll.u32 s23, $0x4;
	[sflag:s24] =	ssyncset.done $0x0  }
0x7a: {  	s25 =	sxor.u32 $0x14100, s17;
	s11 =	sadd.s32 s1, s23;
	[sflag:s24] =	ssyncadd.s32 $0xFFFFC000  }
0x7b: {  	[tilespmem:s25], [sflag:$0x1] =	stream.linear.gather [hbm4b:s11+s5], $0x100, $0x38;
	[tilespmem:$0x1C400] =	vst v63  }
0x7c: {  	s12 =	sxor.u32 $0x14300, s17;
	s23 =	sadd.s32 s2, s23  }
0x7d: {  	[tilespmem:s12], [sflag:$0x1] =	stream.linear.gather [hbm4b:s23+s5], $0x100, $0x38;
	[tilespmem:$0x1C400] =	vst v63  }
0x7e: {  	s25 =	sor.u32 $0x14080, s17  }
0x7f: {  	[tilespmem:s22], [sflag:$0x3] =	stream.indirect.gather [hbm4b:s6+s15], $0x80, s25, s15, $0xb8;
	[tilespmem:$0x1C400] =	vst v63  }
0x80: {  	_ =	swait.ge [sflag:s20], $0x4000  }
0x81: {  	s23 =	sor.u32 $0x14280, s17;
	[sflag:s20] =	ssyncset.done $0x0  }
0x82: {  	s17 =	sadd.s32 $0x2, s26;
	s25 =	simm.s32 $0x200;
	[sflag:s20] =	ssyncadd.s32 $0xFFFFC000  }
.LBB2_5:
0x83: {  	[spmem:s3] =	stream.indirect.scatter.add.f32 [tilespmem:s22], [sflag:$0x5], $0x80, s23, s15, $0xb8;
	[tilespmem:$0x1C400] =	vst v63  }
0x84: {  	s4 =	smov.u32 s25  }
0x85: {  	p3 =	sne.s32 s25, $0x4D00;
	s25 =	sadd.s32 $0x100, s25;
	_ =	swait.ge [sflag:s0], $0x100  }
0x86: {  	[sflag:s0] =	ssyncset.done $0x0  }
0x87: {  	[sflag:s0] =	ssyncadd.s32 $0xFFFFFF00  }
0x88: {  	_ =	swait.ge [sflag:s0], $0x100  }
0x89: {  	[sflag:s0] =	ssyncset.done $0x0  }
0x8a: {  	[sflag:s0] =	ssyncadd.s32 $0xFFFFFF00  }
0x8b: {  	_ =	swait.ge [sflag:s18], $0x4000  }
0x8c: {  	s4 =	sand.u32 $0x100, s4;
	[sflag:s18] =	ssyncset.done $0x0  }
0x8d: {  	s23 =	sor.u32 $0x14000, s4;
	[sflag:s18] =	ssyncadd.s32 $0xFFFFC000  }
0x8e: {  	[tilespmem:s28], [sflag:$0x2] =	stream.indirect.gather [hbm4b:s6+s15], $0x80, s23, s15, $0xb8;
	[tilespmem:$0x1C400] =	vst v63  }
0x8f: {  	_ =	swait.ge [sflag:s16], $0x4000  }
0x90: {  	[sflag:s16] =	ssyncset.done $0x0  }
0x91: {  	p4 =	slt.s32 s17, $0x9C2;
	s23 =	sor.u32 $0x14200, s4;
	[sflag:s16] =	ssyncadd.s32 $0xFFFFC000  }
0x92: {  	[spmem:s3] =	stream.indirect.scatter.add.f32 [tilespmem:s28], [sflag:$0x4], $0x80, s23, s15, $0xb8;
	[tilespmem:$0x1C400] =	vst v63  }
0x93: {  	s23 =	smov.u32 s17  }
0x94: {  	_ =	swait.ge [sflag:s24], $0x4000;
	s23 =	simm.s32 @!p4 $0x9C2  }
0x95: {  	[sflag:s24] =	ssyncset.done $0x0;
	s23 =	sshll.u32 s23, $0x4  }
0x96: {  	s11 =	sxor.u32 $0x14100, s4;
	[sflag:s24] =	ssyncadd.s32 $0xFFFFC000;
	s12 =	sadd.s32 s1, s23  }
0x97: {  	[tilespmem:s11], [sflag:$0x1] =	stream.linear.gather [hbm4b:s12+s5], $0x100, $0x38;
	[tilespmem:$0x1C400] =	vst v63  }
0x98: {  	s11 =	sxor.u32 $0x14300, s4;
	s12 =	sadd.s32 s2, s23  }
0x99: {  	[tilespmem:s11], [sflag:$0x1] =	stream.linear.gather [hbm4b:s12+s5], $0x100, $0x38;
	[tilespmem:$0x1C400] =	vst v63  }
.Ltmp4:
0x9a: {  	s11 =	sor.u32 $0x14080, s4;
	(pc) =	sbr.rel @p3 .LBB2_5-.Ltmp4, $4  }
0x9b: {  	[tilespmem:s22], [sflag:$0x3] =	stream.indirect.gather [hbm4b:s6+s15], $0x80, s11, s15, $0xb8;
	[tilespmem:$0x1C400] =	vst v63  }
0x9c: {  	_ =	swait.ge [sflag:s20], $0x4000  }
0x9d: {  	[sflag:s20] =	ssyncset.done $0x0  }
0x9e: {  	s17 =	sadd.s32 $0x2, s17;
	s23 =	sor.u32 $0x14280, s4;
	[sflag:s20] =	ssyncadd.s32 $0xFFFFC000  }
0x9f: {  	[spmem:s3] =	stream.indirect.scatter.add.f32 [tilespmem:s22], [sflag:$0x5], $0x80, s23, s15, $0xb8;
	[tilespmem:$0x1C400] =	vst v63  }
0xa0: {  	_ =	swait.ge [sflag:s0], $0x100  }
0xa1: {  	[sflag:s0] =	ssyncset.done $0x0  }
0xa2: {  	[sflag:s0] =	ssyncadd.s32 $0xFFFFFF00  }
0xa3: {  	_ =	swait.ge [sflag:s0], $0x100  }
0xa4: {  	[sflag:s0] =	ssyncset.done $0x0  }
0xa5: {  	[sflag:s0] =	ssyncadd.s32 $0xFFFFFF00  }
0xa6: {  	_ =	swait.ge [sflag:s18], $0x4000  }
.Ltmp5:
0xa7: {  	[sflag:s18] =	ssyncset.done $0x0;
	(pc) =	sbr.rel @p1 .LBB2_10-.Ltmp5, $4  }
.Ltmp6:
0xa8: {  	[sflag:s18] =	ssyncadd.s32 $0xFFFFC000;
	(pc) =	sbr.rel @!p1 .LBB2_11-.Ltmp6, $4  }
0xa9: {  	_ =	swait.ge [sflag:s24], $0x4000  }
0xaa: {  	[sflag:s24] =	ssyncset.done $0x0  }
0xab: {  	s23 =	smov.u32 s6;
	s17 =	rddreg [dreg:$0xc];
	[sflag:s24] =	ssyncadd.s32 $0xFFFFC000  }
0xac: {  	_ = 	snop  }
.LBB2_7:
0xad: {  	s4 =	rddreg [dreg:$0x7]  }
0xae: {  	[tilespmem:s30], [sflag:$0x1] =	stream.linear.gather [hbm4b:s4+s5], $0x100, $0x38;
	[tilespmem:$0x1C400] =	vst v63  }
0xaf: {  	s23 =	rddreg [dreg:$0x8]  }
0xb0: {  	[tilespmem:s31], [sflag:$0x1] =	stream.linear.gather [hbm4b:s23+s5], $0x100, $0x38;
	[tilespmem:$0x1C400] =	vst v63  }
0xb1: {  	_ =	swait.ge [sflag:s0], $0x100  }
0xb2: {  	[sflag:s0] =	ssyncset.done $0x0  }
0xb3: {  	[sflag:s0] =	ssyncadd.s32 $0xFFFFFF00  }
0xb4: {  	_ =	swait.ge [sflag:s0], $0x100  }
0xb5: {  	[sflag:s0] =	ssyncset.done $0x0  }
0xb6: {  	[sflag:s0] =	ssyncadd.s32 $0xFFFFFF00  }
0xb7: {  	[tilespmem:s28], [sflag:$0x2] =	stream.indirect.gather [hbm4b:s7+s15], $0x80, s30, s15, $0xb8;
	[tilespmem:$0x1C400] =	vst v63  }
0xb8: {  	_ =	swait.ge [sflag:s16], $0x4000  }
0xb9: {  	[sflag:s16] =	ssyncset.done $0x0  }
0xba: {  	[sflag:s16] =	ssyncadd.s32 $0xFFFFC000  }
0xbb: {  	[spmem:s3] =	stream.indirect.scatter.add.f32 [tilespmem:s28], [sflag:$0x4], $0x80, s31, s15, $0xb8;
	[tilespmem:$0x1C400] =	vst v63  }
0xbc: {  	s11 =	simm.s32 $0x14100;
	s25 =	rddreg [dreg:$0xd]  }
0xbd: {  	[tilespmem:s11], [sflag:$0x1] =	stream.linear.gather [hbm4b:s25+s5], $0x100, $0x38;
	[tilespmem:$0x1C400] =	vst v63  }
0xbe: {  	s17 =	simm.s32 $0x14300;
	s12 =	rddreg [dreg:$0xe]  }
0xbf: {  	[tilespmem:s17], [sflag:$0x1] =	stream.linear.gather [hbm4b:s12+s5], $0x100, $0x38;
	[tilespmem:$0x1C400] =	vst v63  }
0xc0: {  	s23 =	simm.s32 $0x14080  }
0xc1: {  	[tilespmem:s22], [sflag:$0x3] =	stream.indirect.gather [hbm4b:s7+s15], $0x80, s23, s15, $0xb8;
	[tilespmem:$0x1C400] =	vst v63  }
0xc2: {  	_ =	swait.ge [sflag:s20], $0x4000  }
0xc3: {  	[sflag:s20] =	ssyncset.done $0x0  }
0xc4: {  	s25 =	simm.s32 $0x14280;
	[sflag:s20] =	ssyncadd.s32 $0xFFFFC000  }
0xc5: {  	[spmem:s3] =	stream.indirect.scatter.add.f32 [tilespmem:s22], [sflag:$0x5], $0x80, s25, s15, $0xb8;
	[tilespmem:$0x1C400] =	vst v63  }
0xc6: {  	_ =	swait.ge [sflag:s0], $0x100  }
0xc7: {  	[sflag:s0] =	ssyncset.done $0x0  }
0xc8: {  	[sflag:s0] =	ssyncadd.s32 $0xFFFFFF00  }
0xc9: {  	_ =	swait.ge [sflag:s0], $0x100  }
0xca: {  	[sflag:s0] =	ssyncset.done $0x0  }
0xcb: {  	[sflag:s0] =	ssyncadd.s32 $0xFFFFFF00  }
0xcc: {  	s11 =	simm.s32 $0x100;
	_ =	swait.ge [sflag:s18], $0x4000  }
0xcd: {  	s4 =	sand.u32 $0x100, s11;
	[sflag:s18] =	ssyncset.done $0x0  }
0xce: {  	s12 =	sor.u32 $0x14000, s4;
	[sflag:s18] =	ssyncadd.s32 $0xFFFFC000  }
0xcf: {  	[tilespmem:s28], [sflag:$0x2] =	stream.indirect.gather [hbm4b:s7+s15], $0x80, s12, s15, $0xb8;
	[tilespmem:$0x1C400] =	vst v63  }
0xd0: {  	_ =	swait.ge [sflag:s16], $0x4000  }
0xd1: {  	p3 =	slt.s32 s26, $0x9C2;
	[sflag:s16] =	ssyncset.done $0x0  }
0xd2: {  	s11 =	smov.u32 s26;
	s17 =	sor.u32 $0x14200, s4;
	[sflag:s16] =	ssyncadd.s32 $0xFFFFC000  }
0xd3: {  	[spmem:s3] =	stream.indirect.scatter.add.f32 [tilespmem:s28], [sflag:$0x4], $0x80, s17, s15, $0xb8;
	[tilespmem:$0x1C400] =	vst v63  }
0xd4: {  	s11 =	simm.s32 @!p3 $0x9C2;
	_ =	swait.ge [sflag:s24], $0x4000  }
0xd5: {  	s11 =	sshll.u32 s11, $0x4;
	[sflag:s24] =	ssyncset.done $0x0  }
0xd6: {  	s12 =	sxor.u32 $0x14100, s4;
	s17 =	sadd.s32 s8, s11;
	[sflag:s24] =	ssyncadd.s32 $0xFFFFC000  }
0xd7: {  	[tilespmem:s12], [sflag:$0x1] =	stream.linear.gather [hbm4b:s17+s5], $0x100, $0x38;
	[tilespmem:$0x1C400] =	vst v63  }
0xd8: {  	s23 =	sxor.u32 $0x14300, s4;
	s11 =	sadd.s32 s9, s11  }
0xd9: {  	[tilespmem:s23], [sflag:$0x1] =	stream.linear.gather [hbm4b:s11+s5], $0x100, $0x38;
	[tilespmem:$0x1C400] =	vst v63  }
0xda: {  	s25 =	sor.u32 $0x14080, s4  }
0xdb: {  	[tilespmem:s22], [sflag:$0x3] =	stream.indirect.gather [hbm4b:s7+s15], $0x80, s25, s15, $0xb8;
	[tilespmem:$0x1C400] =	vst v63  }
0xdc: {  	_ =	swait.ge [sflag:s20], $0x4000  }
0xdd: {  	s17 =	sadd.s32 $0x2, s26;
	[sflag:s20] =	ssyncset.done $0x0  }
0xde: {  	s23 =	sor.u32 $0x14280, s4;
	s25 =	simm.s32 $0x200;
	[sflag:s20] =	ssyncadd.s32 $0xFFFFC000  }
.LBB2_8:
0xdf: {  	[spmem:s3] =	stream.indirect.scatter.add.f32 [tilespmem:s22], [sflag:$0x5], $0x80, s23, s15, $0xb8;
	[tilespmem:$0x1C400] =	vst v63  }
0xe0: {  	s4 =	smov.u32 s25  }
0xe1: {  	p3 =	sne.s32 s25, $0x4D00;
	s25 =	sadd.s32 $0x100, s25;
	_ =	swait.ge [sflag:s0], $0x100  }
0xe2: {  	[sflag:s0] =	ssyncset.done $0x0  }
0xe3: {  	[sflag:s0] =	ssyncadd.s32 $0xFFFFFF00  }
0xe4: {  	_ =	swait.ge [sflag:s0], $0x100  }
0xe5: {  	[sflag:s0] =	ssyncset.done $0x0  }
0xe6: {  	[sflag:s0] =	ssyncadd.s32 $0xFFFFFF00  }
0xe7: {  	_ =	swait.ge [sflag:s18], $0x4000  }
0xe8: {  	s4 =	sand.u32 $0x100, s4;
	[sflag:s18] =	ssyncset.done $0x0  }
0xe9: {  	s11 =	sor.u32 $0x14000, s4;
	[sflag:s18] =	ssyncadd.s32 $0xFFFFC000  }
0xea: {  	[tilespmem:s28], [sflag:$0x2] =	stream.indirect.gather [hbm4b:s7+s15], $0x80, s11, s15, $0xb8;
	[tilespmem:$0x1C400] =	vst v63  }
0xeb: {  	_ =	swait.ge [sflag:s16], $0x4000  }
0xec: {  	[sflag:s16] =	ssyncset.done $0x0  }
0xed: {  	p4 =	slt.s32 s17, $0x9C2;
	s11 =	sor.u32 $0x14200, s4;
	[sflag:s16] =	ssyncadd.s32 $0xFFFFC000  }
0xee: {  	[spmem:s3] =	stream.indirect.scatter.add.f32 [tilespmem:s28], [sflag:$0x4], $0x80, s11, s15, $0xb8;
	[tilespmem:$0x1C400] =	vst v63  }
0xef: {  	s11 =	smov.u32 s17  }
0xf0: {  	_ =	swait.ge [sflag:s24], $0x4000;
	s11 =	simm.s32 @!p4 $0x9C2  }
0xf1: {  	[sflag:s24] =	ssyncset.done $0x0;
	s11 =	sshll.u32 s11, $0x4  }
0xf2: {  	s12 =	sxor.u32 $0x14100, s4;
	[sflag:s24] =	ssyncadd.s32 $0xFFFFC000;
	s23 =	sadd.s32 s8, s11  }
0xf3: {  	[tilespmem:s12], [sflag:$0x1] =	stream.linear.gather [hbm4b:s23+s5], $0x100, $0x38;
	[tilespmem:$0x1C400] =	vst v63  }
0xf4: {  	s11 =	sadd.s32 s9, s11;
	s12 =	sxor.u32 $0x14300, s4  }
0xf5: {  	[tilespmem:s12], [sflag:$0x1] =	stream.linear.gather [hbm4b:s11+s5], $0x100, $0x38;
	[tilespmem:$0x1C400] =	vst v63  }
.Ltmp7:
0xf6: {  	s11 =	sor.u32 $0x14080, s4;
	(pc) =	sbr.rel @p3 .LBB2_8-.Ltmp7, $4  }
0xf7: {  	[tilespmem:s22], [sflag:$0x3] =	stream.indirect.gather [hbm4b:s7+s15], $0x80, s11, s15, $0xb8;
	[tilespmem:$0x1C400] =	vst v63  }
0xf8: {  	_ =	swait.ge [sflag:s20], $0x4000  }
0xf9: {  	[sflag:s20] =	ssyncset.done $0x0  }
0xfa: {  	s17 =	sadd.s32 $0x2, s17;
	s23 =	sor.u32 $0x14280, s4;
	[sflag:s20] =	ssyncadd.s32 $0xFFFFC000  }
0xfb: {  	[spmem:s3] =	stream.indirect.scatter.add.f32 [tilespmem:s22], [sflag:$0x5], $0x80, s23, s15, $0xb8;
	[tilespmem:$0x1C400] =	vst v63  }
0xfc: {  	_ =	swait.ge [sflag:s0], $0x100  }
0xfd: {  	[sflag:s0] =	ssyncset.done $0x0  }
0xfe: {  	[sflag:s0] =	ssyncadd.s32 $0xFFFFFF00  }
0xff: {  	_ =	swait.ge [sflag:s0], $0x100  }
0x100: {  	[sflag:s0] =	ssyncset.done $0x0  }
0x101: {  	[sflag:s0] =	ssyncadd.s32 $0xFFFFFF00  }
0x102: {  	_ =	swait.ge [sflag:s18], $0x4000  }
.Ltmp8:
0x103: {  	[sflag:s18] =	ssyncset.done $0x0;
	(pc) =	sbr.rel @p2 .LBB2_11-.Ltmp8, $4  }
.Ltmp9:
0x104: {  	[sflag:s18] =	ssyncadd.s32 $0xFFFFC000;
	(pc) =	sbr.rel @!p2 .LBB2_10-.Ltmp9, $4  }
0x105: {  	_ =	swait.ge [sflag:s24], $0x4000  }
0x106: {  	[sflag:s24] =	ssyncset.done $0x0  }
0x107: {  	s23 =	smov.u32 s7;
	s17 =	rddreg [dreg:$0x9];
	[sflag:s24] =	ssyncadd.s32 $0xFFFFC000  }
0x108: {  	_ = 	snop  }
.LBB2_12:
0x109: {  	_ =	sfence.sel $0x180000  }
0x10a: {  	[bflag:$0x0] =	sbarrier.arrive $0xFFFF  }
0x10b: {  	_ =	strace $0x9000004A  }
0x10c: {  	s0 =	stileid.u32;
	[bflag:$0x2] =	sbarrier.arrive $0xFFFF  }
0x10d: {  	p0 =	sne.s32 s0, $0x0;
	s0 =	rddreg [dreg:$0x4]  }
0x10e: {  	s0 =	sadd.s32 @!p0 $0x100000, s0  }
0x10f: {  	[sflag:s0] =	ssyncadd.tile.s32 @!p0 $0x1;
	_ =	shalt  }
.Lfunc_end2:
_tile_overlayer_lowered:
.L_overlay_start_2:
0x110: {  	(tag) =	ssettag $0x2  }
0x111: {  	s0 =	rddreg [dreg:$0x0];
	s2 =	stileid.u32  }
0x112: {  	s1 =	rddreg [dreg:$0x1];
	p0 =	sne.s32 s2, $0x0  }
0x113: {  	s3 =	rddreg [dreg:$0x2];
	[bflag:$0x3] =	sbarrier.arrive $0xFFFF;
	s2 =	simm.s32 @!p0 $0x1C06  }
0x114: {  	[timem:s3], [sflag:s2] =	dma.local @!p0 [hbm:s0], s1  }
0x115: {  	s0 =	simm.s32 @!p0 $0x6  }
0x116: {  	_ =	swait.ge @!p0 [sflag:s0], s1  }
0x117: {  	s1 =	ssub.s32 @!p0 $0x0, s1;
	[sflag:s0] =	ssyncset.done @!p0 $0x0  }
0x118: {  	[sflag:s0] =	ssyncadd.s32 @!p0 s1  }
0x119: {  	[bflag:$0x3] =	sbarrier.arrive $0xFFFF  }
0x11a: {  	_ =	shalt  }

// kernel: kernel.14.cloned.1.call-start
scs
__scs_entry_jumppad:
0x0: {  	(pc) =	sbr.rel $0x88, $3  }
0x1: {  	(tag) =	ssettag $0x0;
	lr =	simm.s32 $0x1  }
0x2: {  	[smem:$0x3F86] =	sst lr;
	_ =	strace $0xD0000000  }
0x3: {  	_ = 	snop  }
0x4: {  	_ = 	snop  }
0x5: {  	_ = 	snop  }
0x6: {  	_ = 	snop  }
0x7: {  	_ = 	snop  }
__scs_overlays_trampoline_lowered:
0x8: {  	[smem:$0x3F95] =	sst s0  }
0x9: {  	[smem:$0x3F96] =	sst s1  }
0xa: {  	[smem:$0x3F97] =	sst s2  }
0xb: {  	[smem:$0x3F98] =	sst s3  }
0xc: {  	[smem:$0x3F99] =	sst s4  }
0xd: {  	[smem:$0x3F9A] =	sst s5  }
0xe: {  	[smem:$0x3F9B] =	sst s6  }
0xf: {  	[smem:$0x3F9C] =	sst s7  }
0x10: {  	[smem:$0x3F9D] =	sst s8  }
0x11: {  	[smem:$0x3F9E] =	sst s9;
	s0 =	simm.s32 @!p0 $0x0  }
0x12: {  	s1 =	sld [smem:$0x3F84];
	s0 =	simm.s32 @p0 $0x1  }
0x13: {  	[smem:$0x3F9F] =	sst s0;
	s0 =	simm.s32 @!p1 $0x0  }
0x14: {  	s2 =	sld [smem:$0x3F83];
	s0 =	simm.s32 @p1 $0x1  }
0x15: {  	[smem:$0x3FA0] =	sst s0;
	s0 =	simm.s32 @!p2 $0x0  }
0x16: {  	s3 =	sld [smem:$0x3FDB];
	s0 =	simm.s32 @p2 $0x1  }
0x17: {  	s4 =	simm.s32 $0x1BF5;
	[smem:$0x3FA2] =	sst s0  }
0x18: {  	s0 =	sld [smem:$0x3F85];
	_ =	swait.ge [sflag:s4], $0x0  }
0x19: {  	s7 =	sld [smem:$0x3F86]  }
0x1a: {  	s8 =	sadd.s32 $0xFFFFE003, lr  }
0x1b: {  	s9 =	sadd.s32 $0xFFFFFEF7, lr;
	s5 =	simm.s32 $0xFFFFFFFF;
	p2 =	slt.u32 s8, $0xFFFFF086  }
0x1c: {  	p1 =	slt.u32 s9, $0xF7A;
	s5 =	simm.s32 @!p2 $0x0  }
0x1d: {  	s5 =	simm.s32 @p1 $0x1;
	p0 =	seq.s32 s7, s2  }
0x1e: {  	s7 =	smul.u32 @!p0 $0xF7A, s2;
	p2 =	seq.s32 @!p0 s5, $0x0  }
0x1f: {  	s9 =	smul.u32 $0xF7A, s1;
	s8 =	simm.s32 @!p0 $0x1BF5;
	p2 =	por !p2, p0  }
0x20: {  	[sflag:s8] =	ssyncset.s32 @!p0 $0xFFFFF086;
	s6 =	sadd.s32 @!p0 s3, s7;
	s7 =	simm.s32 @!p0 $0x108  }
0x21: {  	s3 =	sadd.s32 s3, s9;
	s6 =	sadd.s32 @!p0 $0x88, s6;
	s7 =	simm.s32 @p2 $0x1082  }
0x22: {  	[simem:s7], [sflag:s8] =	dma.local @!p0 [hbm:s6], $0xF7A  }
0x23: {  	s9 =	sor.u32 $0xD0000000, s2;
	s6 =	simm.s32 $0x108;
	_ =	swait.ge @!p0 [sflag:s8], $0x0  }
0x24: {  	s3 =	sadd.s32 $0x88, s3;
	s6 =	simm.s32 @!p1 $0x1082;
	[sflag:s4] =	ssyncset.s32 $0xFFFFF086  }
0x25: {  	[simem:s6], [sflag:s4] =	dma.local [hbm:s3], $0xF7A  }
0x26: {  	[smem:$0x3F86] =	sst s1;
	(tag) =	ssettag s2;
	_ =	strace s9  }
0x27: {  	s1 =	sld [smem:$0x3F96]  }
0x28: {  	s2 =	sld [smem:$0x3F97]  }
0x29: {  	s4 =	sld [smem:$0x3F99]  }
0x2a: {  	p0 =	seq.s32 s5, $0x0;
	s5 =	sld [smem:$0x3F9A]  }
0x2b: {  	s6 =	sld [smem:$0x3F9B]  }
0x2c: {  	s7 =	sld [smem:$0x3F9C]  }
0x2d: {  	s3 =	simm.s32 $0x108;
	s8 =	sld [smem:$0x3F9D]  }
0x2e: {  	s3 =	simm.s32 @!p0 $0x1082;
	s9 =	sld [smem:$0x3F9E]  }
0x2f: {  	lr =	sadd.s32 s0, s3;
	s0 =	sld [smem:$0x3F95]  }
0x30: {  	s3 =	sld [smem:$0x3F98]  }
0x31: {  	[smem:$0x3FA1] =	sst s10  }
0x32: {  	s10 =	sld [smem:$0x3F9F];
	_ =	sdelay $0x3  }
0x33: {  	p0 =	seq.s32 s10, $0x1;
	s10 =	sld [smem:$0x3FA1];
	_ =	sdelay $0x3  }
0x34: {  	[smem:$0x3FA1] =	sst s10  }
0x35: {  	s10 =	sld [smem:$0x3FA0];
	_ =	sdelay $0x3  }
0x36: {  	p1 =	seq.s32 s10, $0x1;
	s10 =	sld [smem:$0x3FA1];
	_ =	sdelay $0x3  }
0x37: {  	[smem:$0x3FA1] =	sst s10  }
0x38: {  	s10 =	sld [smem:$0x3FA2]  }
0x39: {  	_ = 	snop;
	(pc) =	sbr.ind lr, $3  }
0x3a: {  	_ = 	snop  }
0x3b: {  	_ = 	snop  }
0x3c: {  	p2 =	seq.s32 s10, $0x1;
	s10 =	sld [smem:$0x3FA1]  }
0x3d: {  	_ =	shalt  }
0x3e: {  	_ =	shalt  }
0x3f: {  	_ =	shalt  }
0x40: {  	_ =	shalt  }
0x41: {  	_ =	shalt  }
0x42: {  	_ =	shalt  }
0x43: {  	_ =	shalt  }
0x44: {  	_ =	shalt  }
0x45: {  	_ =	shalt  }
0x46: {  	_ =	shalt  }
0x47: {  	_ =	shalt  }
0x48: {  	_ =	shalt  }
0x49: {  	_ =	shalt  }
0x4a: {  	_ =	shalt  }
0x4b: {  	_ =	shalt  }
0x4c: {  	_ =	shalt  }
0x4d: {  	_ =	shalt  }
0x4e: {  	_ =	shalt  }
0x4f: {  	_ =	shalt  }
0x50: {  	_ =	shalt  }
0x51: {  	_ =	shalt  }
0x52: {  	_ =	shalt  }
0x53: {  	_ =	shalt  }
0x54: {  	_ =	shalt  }
0x55: {  	_ =	shalt  }
0x56: {  	_ =	shalt  }
0x57: {  	_ =	shalt  }
0x58: {  	_ =	shalt  }
0x59: {  	_ =	shalt  }
0x5a: {  	_ =	shalt  }
0x5b: {  	_ =	shalt  }
0x5c: {  	_ =	shalt  }
0x5d: {  	_ =	shalt  }
0x5e: {  	_ =	shalt  }
0x5f: {  	_ =	shalt  }
0x60: {  	_ =	shalt  }
0x61: {  	_ =	shalt  }
0x62: {  	_ =	shalt  }
0x63: {  	_ =	shalt  }
0x64: {  	_ =	shalt  }
0x65: {  	_ =	shalt  }
0x66: {  	_ =	shalt  }
0x67: {  	_ =	shalt  }
0x68: {  	_ =	shalt  }
0x69: {  	_ =	shalt  }
0x6a: {  	_ =	shalt  }
0x6b: {  	_ =	shalt  }
0x6c: {  	_ =	shalt  }
0x6d: {  	_ =	shalt  }
0x6e: {  	_ =	shalt  }
0x6f: {  	_ =	shalt  }
0x70: {  	_ =	shalt  }
0x71: {  	_ =	shalt  }
0x72: {  	_ =	shalt  }
0x73: {  	_ =	shalt  }
0x74: {  	_ =	shalt  }
0x75: {  	_ =	shalt  }
0x76: {  	_ =	shalt  }
0x77: {  	_ =	shalt  }
0x78: {  	_ =	shalt  }
0x79: {  	_ =	shalt  }
0x7a: {  	_ =	shalt  }
0x7b: {  	_ =	shalt  }
0x7c: {  	_ =	shalt  }
0x7d: {  	_ =	shalt  }
0x7e: {  	_ =	shalt  }
0x7f: {  	_ =	shalt  }
0x80: {  	_ =	shalt  }
0x81: {  	_ =	shalt  }
0x82: {  	_ =	shalt  }
0x83: {  	_ =	shalt  }
0x84: {  	_ =	shalt  }
0x85: {  	_ =	shalt  }
0x86: {  	_ =	shalt  }
0x87: {  	_ =	shalt  }
.Lfunc_end0:
.L_simem_size_0:
called_computation.2_lowered:
.L_overlay_start_0:
0x88: {  	s2 =	sld [smem:$0x3FD9]  }
0x89: {  	s3 =	sld [smem:$0x3FFE];
	_ =	sdelay $0x1  }
0x8a: {  	s1 =	srdreg.scid  }
0x8b: {  	s0 =	sand.u32 $0x1, s1  }
0x8c: {  	s14 =	sshll.u32 s0, $0xA;
	s2 =	sadd.s32 s3, s2  }
0x8d: {  	s2 =	sadd.s32 s2, s14  }
0x8e: {  	[smem:$0x3FAD] =	sst s2  }
0x8f: {  	_ = 	snop  }
0x90: {  	s2 =	sld [smem:$0x3FD0];
	_ =	sdelay $0x2  }
0x91: {  	s15 =	simm.s32 $0xB;
	s4 =	simm.s32 $0x10  }
0x92: {  	[smem:s4], [sflag:s15] =	dma.local [hbm:s2], $0x1  }
0x93: {  	_ =	swait.eq [sflag:s15], $0x1  }
0x94: {  	[sflag:s15] =	ssyncset.done $0x0  }
0x95: {  	s16 =	sld [smem:$0x10];
	[sflag:s15] =	ssyncadd.s32 $0xFFFFFFFF  }
0x96: {  	s17 =	sld [smem:$0x11];
	(tm) =	ssettm $0x1  }
0x97: {  	s18 =	sld [smem:$0x3FFB];
	_ =	sdelay $0x3  }
0x98: {  	_ =	strace s18  }
0x99: {  	s4 =	sld [smem:$0x3FFC];
	_ =	sdelay $0x3  }
0x9a: {  	_ =	strace s4  }
0x9b: {  	s4 =	sld [smem:$0x3FFD];
	_ =	sdelay $0x3  }
0x9c: {  	_ =	strace s4  }
0x9d: {  	_ =	strace $0x8FFFFFFF  }
0x9e: {  	s19 =	sld [smem:$0x3FDB];
	_ =	sdelay $0x1  }
0x9f: {  	s5 =	simm.s32 $_scs_section_size  }
0xa0: {  	s6 =	simm.s32 $_size__tile_overlayer_lowered;
	s7 =	simm.s32 $_tile_overlayer_lowered  }
0xa1: {  	s22 =	simm.s32 $0x1BFF;
	s21 =	sshll.u32 s7, $0x1;
	s4 =	sadd.s32 s5, s19  }
0xa2: {  	s8 =	simm.s32 $0x0;
	s20 =	sshll.u32 s6, $0x1;
	s6 =	sadd.s32 s21, s4  }
0xa3: {  	[timem:s8], [sflag:s22] =	dma.local [hbm:s6], s20  }
0xa4: {  	_ =	swait.ge [sflag:s22], s20  }
0xa5: {  	s5 =	ssub.s32 $0x0, s20;
	[sflag:s22] =	ssyncset.done $0x0  }
0xa6: {  	[sflag:s22] =	ssyncadd.s32 s5;
	_ =	sdelay $0x1  }
0xa7: {  	s23 =	simm.s32 $0x1B8B  }
0xa8: {  	_ =	swait.ge [sflag:s23], $0x1  }
0xa9: {  	[sflag:s23] =	ssyncset.done $0x0  }
0xaa: {  	s25 =	simm.s32 $0x1B8E;
	s24 =	sld [smem:$0x3FFE];
	[sflag:s23] =	ssyncadd.s32 $0xFFFFFFFF  }
0xab: {  	s26 =	simm.s32 $execute0_lowered;
	[smem:$0x3FD2] =	sst s25  }
0xac: {  	s6 =	sshll.u32 s26, $0x1;
	_ =	strace $0x8000004C;
	[dreg:$0x1] =	wrdreg $0xFFFFFFFF  }
0xad: {  	s28 =	simm.s32 $_size_execute0_lowered;
	s4 =	sadd.s32 s4, s6;
	[dreg:$0x0] =	wrdreg $0x0  }
0xae: {  	s6 =	sshll.u32 s28, $0x1;
	[dreg:$0x2] =	wrdreg s4  }
0xaf: {  	[dreg:$0x3] =	wrdreg s6  }
0xb0: {  	[dreg:$0x4] =	wrdreg $0xC0  }
0xb1: {  	_ =	task [dreg:s8], $0x5FFFF  }
0xb2: {  	[dreg:$0x1] =	wrdreg $0xFFFFFFFF  }
0xb3: {  	[dreg:$0x0] =	wrdreg $0x60  }
0xb4: {  	[dreg:$0x2] =	wrdreg s24  }
0xb5: {  	[dreg:$0x3] =	wrdreg s16  }
0xb6: {  	[dreg:$0x4] =	wrdreg s17  }
0xb7: {  	[dreg:$0x5] =	wrdreg $0x0  }
0xb8: {  	[dreg:$0x6] =	wrdreg $0x9  }
0xb9: {  	_ =	task.clear_ibuf [dreg:s8], $0x7FFFF;
	_ =	strace $0x9000004C  }
0xba: {  	s29 =	simm.s32 $0x9;
	_ =	strace $0x8000004E  }
0xbb: {  	_ =	swait.ge [sflag:s29], $0x1  }
0xbc: {  	[sflag:s29] =	ssyncadd.s32 $0xFFFFFFFF  }
0xbd: {  	_ =	strace $0x9000004E  }
0xbe: {  	_ =	sfence  }
0xbf: {  	s30 =	sld [smem:$0x0];
	_ =	sdelay $0x2  }
0xc0: {  	s31 =	sshll.u32 s1, $0xD;
	s1 =	sshrl.u32 s1, $0x2  }
0xc1: {  	s3 =	sand.u32 $0x4000, s31;
	s1 =	sadd.s32 s1, s30  }
0xc2: {  	s0 =	sor.u32 s3, s0;
	s1 =	sshll.u32 s1, $0x11  }
0xc3: {  	s0 =	sor.u32 s1, s0  }
0xc4: {  	s0 =	sadd.s32 $0x8F2B, s0  }
0xc5: {  	[sflag:s0] =	ssyncadd.remote.s32 $0x1  }
0xc6: {  	_ =	sfence.sel $0xFFFF  }
0xc7: {  	[dreg:$0x0] =	wrdreg $0xFFFFFFFF;
	(pc) =	sbr.abs _section_cstart, $3  }
0xc8: {  	[dreg:$0x1] =	wrdreg $0xFFFFFFFF  }
0xc9: {  	_ =	task.clear_ibuf [dreg:s8], $0x2FFFF;
	_ =	strace $0x9FFFFFFF  }
0xca: {  	(tm) =	ssettm $0x7FFFFFFF  }
0xcb: {  	_ =	shalt  }
tec
execute0_lowered:
.L_overlay_start_1:
0x0: {  	(tag) =	ssettag $0x1  }
0x1: {  	s0 =	rddreg [dreg:$0x0]  }
0x2: {  	s1 =	rddreg [dreg:$0x1]  }
0x3: {  	s2 =	rddreg [dreg:$0x2]  }
0x4: {  	s3 =	rddreg [dreg:$0x3];
	s5 =	simm.s32 $0x0;
	s4 =	stileid.u32  }
0x5: {  	s11 =	srdreg.scid;
	s28 =	simm.s32 $0x14400;
	s29 =	simm.s32 $0x6  }
0x6: {  	s30 =	simm.s32 $0x14000;
	s31 =	simm.s32 $0x14200;
	[smem:$0x7FF] =	sst s5  }
0x7: {  	s6 =	sadd.s32 $0x1B600, s0;
	s7 =	sadd.s32 $0x42800, s0;
	s10 =	smul.u32 $0x14000, s4  }
0x8: {  	s8 =	sadd.s32 $0x11800, s0;
	s9 =	sadd.s32 $0x7A00, s0;
	s13 =	smul.u32 $0x50000, s4  }
0x9: {  	s15 =	sand.u32 $0x1, s11;
	s14 =	smul.u32 $0x9C, s4;
	s21 =	smin.u32 s4, $0x4  }
0xa: {  	p1 =	slt.u32 s4, $0x4;
	p2 =	sgt.u32 s4, $0x3;
	_ =	strace $0x8000004D  }
0xb: {  	s12 =	ssub.s32 $0x2, s15;
	p0 =	sne.s32 s15, $0x0;
	s15 =	simm.s32 $0x80  }
0xc: {  	s19 =	sshrl.u32 s10, $0x3;
	s20 =	sshrl.u32 s12, $0x1;
	s22 =	sshrl.u32 s13, $0x2  }
0xd: {  	s17 =	sadd.s32 s21, s14;
	s10 =	sadd.s32 s10, s3;
	s23 =	sadd.s32 s22, s3  }
0xe: {  	s0 =	sadd.s32 s19, s0;
	s16 =	ssub.s32 s12, s20;
	s24 =	sadd.s32 $0x4000, s23  }
0xf: {  	s18 =	sshll.u32 s17, $0x4;
	s25 =	sadd.s32 $0x8000, s23;
	[dreg:$0x5] =	wrdreg s24  }
0x10: {  	s13 =	sadd.s32 $0xC000, s23;
	s26 =	sadd.s32 s8, s18;
	[dreg:$0x6] =	wrdreg s25  }
0x11: {  	s14 =	sadd.s32 $0x10000, s23;
	s12 =	sadd.s32 s9, s18;
	[dreg:$0x7] =	wrdreg s26  }
0x12: {  	s19 =	sadd.s32 $0x91A00, s0;
	s20 =	sadd.s32 s1, s18;
	[dreg:$0x8] =	wrdreg s12  }
0x13: {  	s21 =	sadd.s32 s2, s18;
	[dreg:$0x9] =	wrdreg s19;
	s19 =	smin.u32 s17, $0x9C0  }
0x14: {  	s0 =	sadd.s32 $0x69A00, s0;
	[dreg:$0xa] =	wrdreg s20;
	s22 =	sshll.u32 s19, $0x4  }
0x15: {  	s18 =	simm.s32 $0x4;
	[dreg:$0xb] =	wrdreg s21;
	s23 =	sadd.s32 $0x20, s22  }
0x16: {  	[dreg:$0xc] =	wrdreg s0;
	s21 =	smax.u32 s16, $0x1;
	s24 =	sadd.s32 s8, s23  }
.Ltmp0:
0x17: {  	s25 =	sadd.s32 s9, s23;
	[dreg:$0xd] =	wrdreg s24;
	(pc) =	sbr.rel .LBB2_1-.Ltmp0, $4  }
0x18: {  	s16 =	simm.s32 $0x2;
	s26 =	sadd.s32 s1, s23;
	[dreg:$0xe] =	wrdreg s25  }
0x19: {  	s20 =	simm.s32 $0x3;
	s0 =	sadd.s32 s2, s23;
	[dreg:$0xf] =	wrdreg s26  }
0x1a: {  	s19 =	simm.s32 $0x0;
	s22 =	simm.s32 $0x18400;
	[dreg:$0x10] =	wrdreg s0  }
0x1b: {  	v0 =	vimm.f32 $0.0e+00;
	s26 =	sadd.s32 $0x4, s17;
	s0 =	simm.s32 $0x1;
	s24 =	simm.s32 $0x5  }
.LBB2_10:
0x1c: {  	[tilespmem:s28], [sflag:$0x2] =	stream.indirect.gather [hbm4b:s23+s15], $0x80, s30, s15, $0xb8;
	[tilespmem:$0x1C400] =	vst v63  }
0x1d: {  	_ =	swait.ge [sflag:s16], $0x4000  }
0x1e: {  	[sflag:s16] =	ssyncset.done $0x0  }
0x1f: {  	[sflag:s16] =	ssyncadd.s32 $0xFFFFC000  }
0x20: {  	[spmem:s3] =	stream.indirect.scatter.add.f32 [tilespmem:s28], [sflag:$0x6], $0x80, s31, s15, $0xb8;
	[tilespmem:$0x1C400] =	vst v63  }
0x21: {  	_ =	swait.ge [sflag:s29], $0x4000  }
0x22: {  	[sflag:s29] =	ssyncset.done $0x0  }
0x23: {  	[sflag:s29] =	ssyncadd.s32 $0xFFFFC000  }
.LBB2_11:
0x24: {  	s4 =	stileid.u32;
	s19 =	sadd.s32 $0x1, s19  }
0x25: {  	[bflag:$0x0] =	sbarrier.arrive $0xFFFF;
	s4 =	sshll.u32 s4, $0x6;
	p3 =	sne.s32 s19, s21  }
.Ltmp1:
0x26: {  	s11 =	sshrl.u32 s10, $0x3;
	s4 =	sor.u32 $0x1C06, s4;
	(pc) =	sbr.rel @!p3 .LBB2_12-.Ltmp1, $4  }
0x27: {  	[hbm:s17], [sflag:s4] =	dma.local [spmem:s11], $0x2800  }
0x28: {  	_ =	swait.ge [sflag:s29], $0x2800  }
0x29: {  	[sflag:s29] =	ssyncset.done $0x0  }
0x2a: {  	[sflag:s29] =	ssyncadd.s32 $0xFFFFD800  }
.LBB2_1:
0x2b: {  	s17 =	simm.s32 $0x0;
	s25 =	simm.s32 $0x200  }
.LBB2_2:
0x2c: {  	p3 =	sne.s32 s25, $0xFE00;
	[tilespmem:s17+$0x14470] =	vst v0  }
0x2d: {  	[tilespmem:s17+$0x14400] =	vst v0  }
0x2e: {  	[tilespmem:s17+$0x14410] =	vst v0  }
.Ltmp2:
0x2f: {  	[tilespmem:s17+$0x14420] =	vst v0;
	(pc) =	sbr.rel @p3 .LBB2_2-.Ltmp2, $4  }
0x30: {  	[tilespmem:s17+$0x14430] =	vst v0  }
0x31: {  	[tilespmem:s17+$0x14440] =	vst v0  }
0x32: {  	[tilespmem:s17+$0x14450] =	vst v0  }
0x33: {  	[tilespmem:s17+$0x14460] =	vst v0;
	s17 =	sshra.s32 s25, $0x2;
	s25 =	sadd.s32 $0x200, s25  }
0x34: {  	[tilespmem:s17+$0x14470] =	vst v0  }
0x35: {  	[tilespmem:s17+$0x14400] =	vst v0  }
0x36: {  	[tilespmem:s17+$0x14410] =	vst v0  }
0x37: {  	[tilespmem:s17+$0x14420] =	vst v0  }
0x38: {  	[tilespmem:s17+$0x14430] =	vst v0  }
0x39: {  	[tilespmem:s17+$0x14440] =	vst v0  }
0x3a: {  	[tilespmem:s17+$0x14450] =	vst v0  }
0x3b: {  	[tilespmem:s17+$0x14460] =	vst v0  }
0x3c: {  	[spmem:s10] =	stream.linear.scatter [tilespmem:s28], [sflag:$0x6], $0x4000, $0x38;
	[tilespmem:$0x1C400] =	vst v63  }
0x3d: {  	_ =	swait.ge [sflag:s29], $0x4000  }
0x3e: {  	[sflag:s29] =	ssyncset.done $0x0  }
0x3f: {  	s4 =	rddreg [dreg:$0x5];
	[sflag:s29] =	ssyncadd.s32 $0xFFFFC000  }
0x40: {  	[spmem:s4] =	stream.linear.scatter [tilespmem:s28], [sflag:$0x6], $0x4000, $0x38;
	[tilespmem:$0x1C400] =	vst v63  }
0x41: {  	_ =	swait.ge [sflag:s29], $0x4000  }
0x42: {  	[sflag:s29] =	ssyncset.done $0x0  }
0x43: {  	s25 =	rddreg [dreg:$0x6];
	[sflag:s29] =	ssyncadd.s32 $0xFFFFC000  }
0x44: {  	[spmem:s25] =	stream.linear.scatter [tilespmem:s28], [sflag:$0x6], $0x4000, $0x38;
	[tilespmem:$0x1C400] =	vst v63  }
0x45: {  	_ =	swait.ge [sflag:s29], $0x4000  }
0x46: {  	[sflag:s29] =	ssyncset.done $0x0  }
0x47: {  	[sflag:s29] =	ssyncadd.s32 $0xFFFFC000  }
0x48: {  	[spmem:s13] =	stream.linear.scatter [tilespmem:s28], [sflag:$0x6], $0x4000, $0x38;
	[tilespmem:$0x1C400] =	vst v63  }
0x49: {  	_ =	swait.ge [sflag:s29], $0x4000  }
0x4a: {  	[sflag:s29] =	ssyncset.done $0x0  }
0x4b: {  	[sflag:s29] =	ssyncadd.s32 $0xFFFFC000  }
0x4c: {  	[spmem:s14] =	stream.linear.scatter [tilespmem:s28], [sflag:$0x6], $0x4000, $0x38;
	[tilespmem:$0x1C400] =	vst v63  }
.Ltmp3:
0x4d: {  	_ =	swait.ge [sflag:s29], $0x4000;
	(pc) =	sbr.rel @p0 .LBB2_7-.Ltmp3, $3  }
0x4e: {  	[sflag:s29] =	ssyncset.done $0x0  }
0x4f: {  	[sflag:s29] =	ssyncadd.s32 $0xFFFFC000  }
0x50: {  	[bflag:$0x0] =	sbarrier.arrive $0xFFFF;
	_ =	sdelay $0x1  }
0x51: {  	s4 =	rddreg [dreg:$0xa]  }
0x52: {  	[tilespmem:s30], [sflag:$0x1] =	stream.linear.gather [hbm4b:s4+s5], $0x100, $0x38;
	[tilespmem:$0x1C400] =	vst v63  }
0x53: {  	s23 =	rddreg [dreg:$0xb]  }
0x54: {  	[tilespmem:s31], [sflag:$0x1] =	stream.linear.gather [hbm4b:s23+s5], $0x100, $0x38;
	[tilespmem:$0x1C400] =	vst v63  }
0x55: {  	_ =	swait.ge [sflag:s0], $0x100  }
0x56: {  	[sflag:s0] =	ssyncset.done $0x0  }
0x57: {  	[sflag:s0] =	ssyncadd.s32 $0xFFFFFF00  }
0x58: {  	_ =	swait.ge [sflag:s0], $0x100  }
0x59: {  	[sflag:s0] =	ssyncset.done $0x0  }
0x5a: {  	[sflag:s0] =	ssyncadd.s32 $0xFFFFFF00  }
0x5b: {  	[tilespmem:s28], [sflag:$0x2] =	stream.indirect.gather [hbm4b:s6+s15], $0x80, s30, s15, $0xb8;
	[tilespmem:$0x1C400] =	vst v63  }
0x5c: {  	_ =	swait.ge [sflag:s16], $0x4000  }
0x5d: {  	[sflag:s16] =	ssyncset.done $0x0  }
0x5e: {  	[sflag:s16] =	ssyncadd.s32 $0xFFFFC000  }
0x5f: {  	[spmem:s3] =	stream.indirect.scatter.add.f32 [tilespmem:s28], [sflag:$0x4], $0x80, s31, s15, $0xb8;
	[tilespmem:$0x1C400] =	vst v63  }
0x60: {  	s11 =	simm.s32 $0x14100;
	s25 =	rddreg [dreg:$0xf]  }
0x61: {  	[tilespmem:s11], [sflag:$0x1] =	stream.linear.gather [hbm4b:s25+s5], $0x100, $0x38;
	[tilespmem:$0x1C400] =	vst v63  }
0x62: {  	s17 =	simm.s32 $0x14300;
	s12 =	rddreg [dreg:$0x10]  }
0x63: {  	[tilespmem:s17], [sflag:$0x1] =	stream.linear.gather [hbm4b:s12+s5], $0x100, $0x38;
	[tilespmem:$0x1C400] =	vst v63  }
0x64: {  	s23 =	simm.s32 $0x14080  }
0x65: {  	[tilespmem:s22], [sflag:$0x3] =	stream.indirect.gather [hbm4b:s6+s15], $0x80, s23, s15, $0xb8;
	[tilespmem:$0x1C400] =	vst v63  }
0x66: {  	_ =	swait.ge [sflag:s20], $0x4000  }
0x67: {  	[sflag:s20] =	ssyncset.done $0x0  }
0x68: {  	s25 =	simm.s32 $0x14280;
	[sflag:s20] =	ssyncadd.s32 $0xFFFFC000  }
0x69: {  	[spmem:s3] =	stream.indirect.scatter.add.f32 [tilespmem:s22], [sflag:$0x5], $0x80, s25, s15, $0xb8;
	[tilespmem:$0x1C400] =	vst v63  }
0x6a: {  	_ =	swait.ge [sflag:s0], $0x100  }
0x6b: {  	[sflag:s0] =	ssyncset.done $0x0  }
0x6c: {  	[sflag:s0] =	ssyncadd.s32 $0xFFFFFF00  }
0x6d: {  	_ =	swait.ge [sflag:s0], $0x100  }
0x6e: {  	[sflag:s0] =	ssyncset.done $0x0  }
0x6f: {  	[sflag:s0] =	ssyncadd.s32 $0xFFFFFF00  }
0x70: {  	s17 =	simm.s32 $0x100;
	_ =	swait.ge [sflag:s18], $0x4000  }
0x71: {  	s17 =	sand.u32 $0x100, s17;
	[sflag:s18] =	ssyncset.done $0x0  }
0x72: {  	s23 =	sor.u32 $0x14000, s17;
	[sflag:s18] =	ssyncadd.s32 $0xFFFFC000  }
0x73: {  	[tilespmem:s28], [sflag:$0x2] =	stream.indirect.gather [hbm4b:s6+s15], $0x80, s23, s15, $0xb8;
	[tilespmem:$0x1C400] =	vst v63  }
0x74: {  	_ =	swait.ge [sflag:s16], $0x4000  }
0x75: {  	p3 =	slt.s32 s26, $0x9C2;
	[sflag:s16] =	ssyncset.done $0x0  }
0x76: {  	s4 =	sor.u32 $0x14200, s17;
	s23 =	smov.u32 s26;
	[sflag:s16] =	ssyncadd.s32 $0xFFFFC000  }
0x77: {  	[spmem:s3] =	stream.indirect.scatter.add.f32 [tilespmem:s28], [sflag:$0x4], $0x80, s4, s15, $0xb8;
	[tilespmem:$0x1C400] =	vst v63  }
0x78: {  	s23 =	simm.s32 @!p3 $0x9C2;
	_ =	swait.ge [sflag:s24], $0x4000  }
0x79: {  	s23 =	sshll.u32 s23, $0x4;
	[sflag:s24] =	ssyncset.done $0x0  }
0x7a: {  	s25 =	sxor.u32 $0x14100, s17;
	s11 =	sadd.s32 s1, s23;
	[sflag:s24] =	ssyncadd.s32 $0xFFFFC000  }
0x7b: {  	[tilespmem:s25], [sflag:$0x1] =	stream.linear.gather [hbm4b:s11+s5], $0x100, $0x38;
	[tilespmem:$0x1C400] =	vst v63  }
0x7c: {  	s12 =	sxor.u32 $0x14300, s17;
	s23 =	sadd.s32 s2, s23  }
0x7d: {  	[tilespmem:s12], [sflag:$0x1] =	stream.linear.gather [hbm4b:s23+s5], $0x100, $0x38;
	[tilespmem:$0x1C400] =	vst v63  }
0x7e: {  	s25 =	sor.u32 $0x14080, s17  }
0x7f: {  	[tilespmem:s22], [sflag:$0x3] =	stream.indirect.gather [hbm4b:s6+s15], $0x80, s25, s15, $0xb8;
	[tilespmem:$0x1C400] =	vst v63  }
0x80: {  	_ =	swait.ge [sflag:s20], $0x4000  }
0x81: {  	s23 =	sor.u32 $0x14280, s17;
	[sflag:s20] =	ssyncset.done $0x0  }
0x82: {  	s17 =	sadd.s32 $0x2, s26;
	s25 =	simm.s32 $0x200;
	[sflag:s20] =	ssyncadd.s32 $0xFFFFC000  }
.LBB2_5:
0x83: {  	[spmem:s3] =	stream.indirect.scatter.add.f32 [tilespmem:s22], [sflag:$0x5], $0x80, s23, s15, $0xb8;
	[tilespmem:$0x1C400] =	vst v63  }
0x84: {  	s4 =	smov.u32 s25  }
0x85: {  	p3 =	sne.s32 s25, $0x4D00;
	s25 =	sadd.s32 $0x100, s25;
	_ =	swait.ge [sflag:s0], $0x100  }
0x86: {  	[sflag:s0] =	ssyncset.done $0x0  }
0x87: {  	[sflag:s0] =	ssyncadd.s32 $0xFFFFFF00  }
0x88: {  	_ =	swait.ge [sflag:s0], $0x100  }
0x89: {  	[sflag:s0] =	ssyncset.done $0x0  }
0x8a: {  	[sflag:s0] =	ssyncadd.s32 $0xFFFFFF00  }
0x8b: {  	_ =	swait.ge [sflag:s18], $0x4000  }
0x8c: {  	s4 =	sand.u32 $0x100, s4;
	[sflag:s18] =	ssyncset.done $0x0  }
0x8d: {  	s23 =	sor.u32 $0x14000, s4;
	[sflag:s18] =	ssyncadd.s32 $0xFFFFC000  }
0x8e: {  	[tilespmem:s28], [sflag:$0x2] =	stream.indirect.gather [hbm4b:s6+s15], $0x80, s23, s15, $0xb8;
	[tilespmem:$0x1C400] =	vst v63  }
0x8f: {  	_ =	swait.ge [sflag:s16], $0x4000  }
0x90: {  	[sflag:s16] =	ssyncset.done $0x0  }
0x91: {  	p4 =	slt.s32 s17, $0x9C2;
	s23 =	sor.u32 $0x14200, s4;
	[sflag:s16] =	ssyncadd.s32 $0xFFFFC000  }
0x92: {  	[spmem:s3] =	stream.indirect.scatter.add.f32 [tilespmem:s28], [sflag:$0x4], $0x80, s23, s15, $0xb8;
	[tilespmem:$0x1C400] =	vst v63  }
0x93: {  	s23 =	smov.u32 s17  }
0x94: {  	_ =	swait.ge [sflag:s24], $0x4000;
	s23 =	simm.s32 @!p4 $0x9C2  }
0x95: {  	[sflag:s24] =	ssyncset.done $0x0;
	s23 =	sshll.u32 s23, $0x4  }
0x96: {  	s11 =	sxor.u32 $0x14100, s4;
	[sflag:s24] =	ssyncadd.s32 $0xFFFFC000;
	s12 =	sadd.s32 s1, s23  }
0x97: {  	[tilespmem:s11], [sflag:$0x1] =	stream.linear.gather [hbm4b:s12+s5], $0x100, $0x38;
	[tilespmem:$0x1C400] =	vst v63  }
0x98: {  	s11 =	sxor.u32 $0x14300, s4;
	s12 =	sadd.s32 s2, s23  }
0x99: {  	[tilespmem:s11], [sflag:$0x1] =	stream.linear.gather [hbm4b:s12+s5], $0x100, $0x38;
	[tilespmem:$0x1C400] =	vst v63  }
.Ltmp4:
0x9a: {  	s11 =	sor.u32 $0x14080, s4;
	(pc) =	sbr.rel @p3 .LBB2_5-.Ltmp4, $4  }
0x9b: {  	[tilespmem:s22], [sflag:$0x3] =	stream.indirect.gather [hbm4b:s6+s15], $0x80, s11, s15, $0xb8;
	[tilespmem:$0x1C400] =	vst v63  }
0x9c: {  	_ =	swait.ge [sflag:s20], $0x4000  }
0x9d: {  	[sflag:s20] =	ssyncset.done $0x0  }
0x9e: {  	s17 =	sadd.s32 $0x2, s17;
	s23 =	sor.u32 $0x14280, s4;
	[sflag:s20] =	ssyncadd.s32 $0xFFFFC000  }
0x9f: {  	[spmem:s3] =	stream.indirect.scatter.add.f32 [tilespmem:s22], [sflag:$0x5], $0x80, s23, s15, $0xb8;
	[tilespmem:$0x1C400] =	vst v63  }
0xa0: {  	_ =	swait.ge [sflag:s0], $0x100  }
0xa1: {  	[sflag:s0] =	ssyncset.done $0x0  }
0xa2: {  	[sflag:s0] =	ssyncadd.s32 $0xFFFFFF00  }
0xa3: {  	_ =	swait.ge [sflag:s0], $0x100  }
0xa4: {  	[sflag:s0] =	ssyncset.done $0x0  }
0xa5: {  	[sflag:s0] =	ssyncadd.s32 $0xFFFFFF00  }
0xa6: {  	_ =	swait.ge [sflag:s18], $0x4000  }
.Ltmp5:
0xa7: {  	[sflag:s18] =	ssyncset.done $0x0;
	(pc) =	sbr.rel @p1 .LBB2_10-.Ltmp5, $4  }
.Ltmp6:
0xa8: {  	[sflag:s18] =	ssyncadd.s32 $0xFFFFC000;
	(pc) =	sbr.rel @!p1 .LBB2_11-.Ltmp6, $4  }
0xa9: {  	_ =	swait.ge [sflag:s24], $0x4000  }
0xaa: {  	[sflag:s24] =	ssyncset.done $0x0  }
0xab: {  	s23 =	smov.u32 s6;
	s17 =	rddreg [dreg:$0xc];
	[sflag:s24] =	ssyncadd.s32 $0xFFFFC000  }
0xac: {  	_ = 	snop  }
.LBB2_7:
0xad: {  	s4 =	rddreg [dreg:$0x7]  }
0xae: {  	[tilespmem:s30], [sflag:$0x1] =	stream.linear.gather [hbm4b:s4+s5], $0x100, $0x38;
	[tilespmem:$0x1C400] =	vst v63  }
0xaf: {  	s23 =	rddreg [dreg:$0x8]  }
0xb0: {  	[tilespmem:s31], [sflag:$0x1] =	stream.linear.gather [hbm4b:s23+s5], $0x100, $0x38;
	[tilespmem:$0x1C400] =	vst v63  }
0xb1: {  	_ =	swait.ge [sflag:s0], $0x100  }
0xb2: {  	[sflag:s0] =	ssyncset.done $0x0  }
0xb3: {  	[sflag:s0] =	ssyncadd.s32 $0xFFFFFF00  }
0xb4: {  	_ =	swait.ge [sflag:s0], $0x100  }
0xb5: {  	[sflag:s0] =	ssyncset.done $0x0  }
0xb6: {  	[sflag:s0] =	ssyncadd.s32 $0xFFFFFF00  }
0xb7: {  	[tilespmem:s28], [sflag:$0x2] =	stream.indirect.gather [hbm4b:s7+s15], $0x80, s30, s15, $0xb8;
	[tilespmem:$0x1C400] =	vst v63  }
0xb8: {  	_ =	swait.ge [sflag:s16], $0x4000  }
0xb9: {  	[sflag:s16] =	ssyncset.done $0x0  }
0xba: {  	[sflag:s16] =	ssyncadd.s32 $0xFFFFC000  }
0xbb: {  	[spmem:s3] =	stream.indirect.scatter.add.f32 [tilespmem:s28], [sflag:$0x4], $0x80, s31, s15, $0xb8;
	[tilespmem:$0x1C400] =	vst v63  }
0xbc: {  	s11 =	simm.s32 $0x14100;
	s25 =	rddreg [dreg:$0xd]  }
0xbd: {  	[tilespmem:s11], [sflag:$0x1] =	stream.linear.gather [hbm4b:s25+s5], $0x100, $0x38;
	[tilespmem:$0x1C400] =	vst v63  }
0xbe: {  	s17 =	simm.s32 $0x14300;
	s12 =	rddreg [dreg:$0xe]  }
0xbf: {  	[tilespmem:s17], [sflag:$0x1] =	stream.linear.gather [hbm4b:s12+s5], $0x100, $0x38;
	[tilespmem:$0x1C400] =	vst v63  }
0xc0: {  	s23 =	simm.s32 $0x14080  }
0xc1: {  	[tilespmem:s22], [sflag:$0x3] =	stream.indirect.gather [hbm4b:s7+s15], $0x80, s23, s15, $0xb8;
	[tilespmem:$0x1C400] =	vst v63  }
0xc2: {  	_ =	swait.ge [sflag:s20], $0x4000  }
0xc3: {  	[sflag:s20] =	ssyncset.done $0x0  }
0xc4: {  	s25 =	simm.s32 $0x14280;
	[sflag:s20] =	ssyncadd.s32 $0xFFFFC000  }
0xc5: {  	[spmem:s3] =	stream.indirect.scatter.add.f32 [tilespmem:s22], [sflag:$0x5], $0x80, s25, s15, $0xb8;
	[tilespmem:$0x1C400] =	vst v63  }
0xc6: {  	_ =	swait.ge [sflag:s0], $0x100  }
0xc7: {  	[sflag:s0] =	ssyncset.done $0x0  }
0xc8: {  	[sflag:s0] =	ssyncadd.s32 $0xFFFFFF00  }
0xc9: {  	_ =	swait.ge [sflag:s0], $0x100  }
0xca: {  	[sflag:s0] =	ssyncset.done $0x0  }
0xcb: {  	[sflag:s0] =	ssyncadd.s32 $0xFFFFFF00  }
0xcc: {  	s11 =	simm.s32 $0x100;
	_ =	swait.ge [sflag:s18], $0x4000  }
0xcd: {  	s4 =	sand.u32 $0x100, s11;
	[sflag:s18] =	ssyncset.done $0x0  }
0xce: {  	s12 =	sor.u32 $0x14000, s4;
	[sflag:s18] =	ssyncadd.s32 $0xFFFFC000  }
0xcf: {  	[tilespmem:s28], [sflag:$0x2] =	stream.indirect.gather [hbm4b:s7+s15], $0x80, s12, s15, $0xb8;
	[tilespmem:$0x1C400] =	vst v63  }
0xd0: {  	_ =	swait.ge [sflag:s16], $0x4000  }
0xd1: {  	p3 =	slt.s32 s26, $0x9C2;
	[sflag:s16] =	ssyncset.done $0x0  }
0xd2: {  	s11 =	smov.u32 s26;
	s17 =	sor.u32 $0x14200, s4;
	[sflag:s16] =	ssyncadd.s32 $0xFFFFC000  }
0xd3: {  	[spmem:s3] =	stream.indirect.scatter.add.f32 [tilespmem:s28], [sflag:$0x4], $0x80, s17, s15, $0xb8;
	[tilespmem:$0x1C400] =	vst v63  }
0xd4: {  	s11 =	simm.s32 @!p3 $0x9C2;
	_ =	swait.ge [sflag:s24], $0x4000  }
0xd5: {  	s11 =	sshll.u32 s11, $0x4;
	[sflag:s24] =	ssyncset.done $0x0  }
0xd6: {  	s12 =	sxor.u32 $0x14100, s4;
	s17 =	sadd.s32 s8, s11;
	[sflag:s24] =	ssyncadd.s32 $0xFFFFC000  }
0xd7: {  	[tilespmem:s12], [sflag:$0x1] =	stream.linear.gather [hbm4b:s17+s5], $0x100, $0x38;
	[tilespmem:$0x1C400] =	vst v63  }
0xd8: {  	s23 =	sxor.u32 $0x14300, s4;
	s11 =	sadd.s32 s9, s11  }
0xd9: {  	[tilespmem:s23], [sflag:$0x1] =	stream.linear.gather [hbm4b:s11+s5], $0x100, $0x38;
	[tilespmem:$0x1C400] =	vst v63  }
0xda: {  	s25 =	sor.u32 $0x14080, s4  }
0xdb: {  	[tilespmem:s22], [sflag:$0x3] =	stream.indirect.gather [hbm4b:s7+s15], $0x80, s25, s15, $0xb8;
	[tilespmem:$0x1C400] =	vst v63  }
0xdc: {  	_ =	swait.ge [sflag:s20], $0x4000  }
0xdd: {  	s17 =	sadd.s32 $0x2, s26;
	[sflag:s20] =	ssyncset.done $0x0  }
0xde: {  	s23 =	sor.u32 $0x14280, s4;
	s25 =	simm.s32 $0x200;
	[sflag:s20] =	ssyncadd.s32 $0xFFFFC000  }
.LBB2_8:
0xdf: {  	[spmem:s3] =	stream.indirect.scatter.add.f32 [tilespmem:s22], [sflag:$0x5], $0x80, s23, s15, $0xb8;
	[tilespmem:$0x1C400] =	vst v63  }
0xe0: {  	s4 =	smov.u32 s25  }
0xe1: {  	p3 =	sne.s32 s25, $0x4D00;
	s25 =	sadd.s32 $0x100, s25;
	_ =	swait.ge [sflag:s0], $0x100  }
0xe2: {  	[sflag:s0] =	ssyncset.done $0x0  }
0xe3: {  	[sflag:s0] =	ssyncadd.s32 $0xFFFFFF00  }
0xe4: {  	_ =	swait.ge [sflag:s0], $0x100  }
0xe5: {  	[sflag:s0] =	ssyncset.done $0x0  }
0xe6: {  	[sflag:s0] =	ssyncadd.s32 $0xFFFFFF00  }
0xe7: {  	_ =	swait.ge [sflag:s18], $0x4000  }
0xe8: {  	s4 =	sand.u32 $0x100, s4;
	[sflag:s18] =	ssyncset.done $0x0  }
0xe9: {  	s11 =	sor.u32 $0x14000, s4;
	[sflag:s18] =	ssyncadd.s32 $0xFFFFC000  }
0xea: {  	[tilespmem:s28], [sflag:$0x2] =	stream.indirect.gather [hbm4b:s7+s15], $0x80, s11, s15, $0xb8;
	[tilespmem:$0x1C400] =	vst v63  }
0xeb: {  	_ =	swait.ge [sflag:s16], $0x4000  }
0xec: {  	[sflag:s16] =	ssyncset.done $0x0  }
0xed: {  	p4 =	slt.s32 s17, $0x9C2;
	s11 =	sor.u32 $0x14200, s4;
	[sflag:s16] =	ssyncadd.s32 $0xFFFFC000  }
0xee: {  	[spmem:s3] =	stream.indirect.scatter.add.f32 [tilespmem:s28], [sflag:$0x4], $0x80, s11, s15, $0xb8;
	[tilespmem:$0x1C400] =	vst v63  }
0xef: {  	s11 =	smov.u32 s17  }
0xf0: {  	_ =	swait.ge [sflag:s24], $0x4000;
	s11 =	simm.s32 @!p4 $0x9C2  }
0xf1: {  	[sflag:s24] =	ssyncset.done $0x0;
	s11 =	sshll.u32 s11, $0x4  }
0xf2: {  	s12 =	sxor.u32 $0x14100, s4;
	[sflag:s24] =	ssyncadd.s32 $0xFFFFC000;
	s23 =	sadd.s32 s8, s11  }
0xf3: {  	[tilespmem:s12], [sflag:$0x1] =	stream.linear.gather [hbm4b:s23+s5], $0x100, $0x38;
	[tilespmem:$0x1C400] =	vst v63  }
0xf4: {  	s11 =	sadd.s32 s9, s11;
	s12 =	sxor.u32 $0x14300, s4  }
0xf5: {  	[tilespmem:s12], [sflag:$0x1] =	stream.linear.gather [hbm4b:s11+s5], $0x100, $0x38;
	[tilespmem:$0x1C400] =	vst v63  }
.Ltmp7:
0xf6: {  	s11 =	sor.u32 $0x14080, s4;
	(pc) =	sbr.rel @p3 .LBB2_8-.Ltmp7, $4  }
0xf7: {  	[tilespmem:s22], [sflag:$0x3] =	stream.indirect.gather [hbm4b:s7+s15], $0x80, s11, s15, $0xb8;
	[tilespmem:$0x1C400] =	vst v63  }
0xf8: {  	_ =	swait.ge [sflag:s20], $0x4000  }
0xf9: {  	[sflag:s20] =	ssyncset.done $0x0  }
0xfa: {  	s17 =	sadd.s32 $0x2, s17;
	s23 =	sor.u32 $0x14280, s4;
	[sflag:s20] =	ssyncadd.s32 $0xFFFFC000  }
0xfb: {  	[spmem:s3] =	stream.indirect.scatter.add.f32 [tilespmem:s22], [sflag:$0x5], $0x80, s23, s15, $0xb8;
	[tilespmem:$0x1C400] =	vst v63  }
0xfc: {  	_ =	swait.ge [sflag:s0], $0x100  }
0xfd: {  	[sflag:s0] =	ssyncset.done $0x0  }
0xfe: {  	[sflag:s0] =	ssyncadd.s32 $0xFFFFFF00  }
0xff: {  	_ =	swait.ge [sflag:s0], $0x100  }
0x100: {  	[sflag:s0] =	ssyncset.done $0x0  }
0x101: {  	[sflag:s0] =	ssyncadd.s32 $0xFFFFFF00  }
0x102: {  	_ =	swait.ge [sflag:s18], $0x4000  }
.Ltmp8:
0x103: {  	[sflag:s18] =	ssyncset.done $0x0;
	(pc) =	sbr.rel @p2 .LBB2_11-.Ltmp8, $4  }
.Ltmp9:
0x104: {  	[sflag:s18] =	ssyncadd.s32 $0xFFFFC000;
	(pc) =	sbr.rel @!p2 .LBB2_10-.Ltmp9, $4  }
0x105: {  	_ =	swait.ge [sflag:s24], $0x4000  }
0x106: {  	[sflag:s24] =	ssyncset.done $0x0  }
0x107: {  	s23 =	smov.u32 s7;
	s17 =	rddreg [dreg:$0x9];
	[sflag:s24] =	ssyncadd.s32 $0xFFFFC000  }
0x108: {  	_ = 	snop  }
.LBB2_12:
0x109: {  	_ =	sfence.sel $0x180000  }
0x10a: {  	[bflag:$0x0] =	sbarrier.arrive $0xFFFF  }
0x10b: {  	_ =	strace $0x9000004D  }
0x10c: {  	s0 =	stileid.u32;
	[bflag:$0x2] =	sbarrier.arrive $0xFFFF  }
0x10d: {  	p0 =	sne.s32 s0, $0x0;
	s0 =	rddreg [dreg:$0x4]  }
0x10e: {  	s0 =	sadd.s32 @!p0 $0x100000, s0  }
0x10f: {  	[sflag:s0] =	ssyncadd.tile.s32 @!p0 $0x1;
	_ =	shalt  }
.Lfunc_end2:
_tile_overlayer_lowered:
.L_overlay_start_2:
0x110: {  	(tag) =	ssettag $0x2  }
0x111: {  	s0 =	rddreg [dreg:$0x0];
	s2 =	stileid.u32  }
0x112: {  	s1 =	rddreg [dreg:$0x1];
	p0 =	sne.s32 s2, $0x0  }
0x113: {  	s3 =	rddreg [dreg:$0x2];
	[bflag:$0x3] =	sbarrier.arrive $0xFFFF;
	s2 =	simm.s32 @!p0 $0x1C06  }
0x114: {  	[timem:s3], [sflag:s2] =	dma.local @!p0 [hbm:s0], s1  }
0x115: {  	s0 =	simm.s32 @!p0 $0x6  }
0x116: {  	_ =	swait.ge @!p0 [sflag:s0], s1  }
0x117: {  	s1 =	ssub.s32 @!p0 $0x0, s1;
	[sflag:s0] =	ssyncset.done @!p0 $0x0  }
0x118: {  	[sflag:s0] =	ssyncadd.s32 @!p0 s1  }
0x119: {  	[bflag:$0x3] =	sbarrier.arrive $0xFFFF  }
0x11a: {  	_ =	shalt  }

// kernel: kernel.8.cloned.1.call-start
scs
__scs_entry_jumppad:
0x0: {  	(pc) =	sbr.rel $0x88, $3  }
0x1: {  	(tag) =	ssettag $0x0;
	lr =	simm.s32 $0x1  }
0x2: {  	[smem:$0x3F86] =	sst lr;
	_ =	strace $0xD0000000  }
0x3: {  	_ = 	snop  }
0x4: {  	_ = 	snop  }
0x5: {  	_ = 	snop  }
0x6: {  	_ = 	snop  }
0x7: {  	_ = 	snop  }
__scs_overlays_trampoline_lowered:
0x8: {  	[smem:$0x3F95] =	sst s0  }
0x9: {  	[smem:$0x3F96] =	sst s1  }
0xa: {  	[smem:$0x3F97] =	sst s2  }
0xb: {  	[smem:$0x3F98] =	sst s3  }
0xc: {  	[smem:$0x3F99] =	sst s4  }
0xd: {  	[smem:$0x3F9A] =	sst s5  }
0xe: {  	[smem:$0x3F9B] =	sst s6  }
0xf: {  	[smem:$0x3F9C] =	sst s7  }
0x10: {  	[smem:$0x3F9D] =	sst s8  }
0x11: {  	[smem:$0x3F9E] =	sst s9;
	s0 =	simm.s32 @!p0 $0x0  }
0x12: {  	s1 =	sld [smem:$0x3F84];
	s0 =	simm.s32 @p0 $0x1  }
0x13: {  	[smem:$0x3F9F] =	sst s0;
	s0 =	simm.s32 @!p1 $0x0  }
0x14: {  	s2 =	sld [smem:$0x3F83];
	s0 =	simm.s32 @p1 $0x1  }
0x15: {  	[smem:$0x3FA0] =	sst s0;
	s0 =	simm.s32 @!p2 $0x0  }
0x16: {  	s3 =	sld [smem:$0x3FDB];
	s0 =	simm.s32 @p2 $0x1  }
0x17: {  	s4 =	simm.s32 $0x1BF5;
	[smem:$0x3FA2] =	sst s0  }
0x18: {  	s0 =	sld [smem:$0x3F85];
	_ =	swait.ge [sflag:s4], $0x0  }
0x19: {  	s7 =	sld [smem:$0x3F86]  }
0x1a: {  	s8 =	sadd.s32 $0xFFFFE003, lr  }
0x1b: {  	s9 =	sadd.s32 $0xFFFFFEF7, lr;
	s5 =	simm.s32 $0xFFFFFFFF;
	p2 =	slt.u32 s8, $0xFFFFF086  }
0x1c: {  	p1 =	slt.u32 s9, $0xF7A;
	s5 =	simm.s32 @!p2 $0x0  }
0x1d: {  	s5 =	simm.s32 @p1 $0x1;
	p0 =	seq.s32 s7, s2  }
0x1e: {  	s7 =	smul.u32 @!p0 $0xF7A, s2;
	p2 =	seq.s32 @!p0 s5, $0x0  }
0x1f: {  	s9 =	smul.u32 $0xF7A, s1;
	s8 =	simm.s32 @!p0 $0x1BF5;
	p2 =	por !p2, p0  }
0x20: {  	[sflag:s8] =	ssyncset.s32 @!p0 $0xFFFFF086;
	s6 =	sadd.s32 @!p0 s3, s7;
	s7 =	simm.s32 @!p0 $0x108  }
0x21: {  	s3 =	sadd.s32 s3, s9;
	s6 =	sadd.s32 @!p0 $0x88, s6;
	s7 =	simm.s32 @p2 $0x1082  }
0x22: {  	[simem:s7], [sflag:s8] =	dma.local @!p0 [hbm:s6], $0xF7A  }
0x23: {  	s9 =	sor.u32 $0xD0000000, s2;
	s6 =	simm.s32 $0x108;
	_ =	swait.ge @!p0 [sflag:s8], $0x0  }
0x24: {  	s3 =	sadd.s32 $0x88, s3;
	s6 =	simm.s32 @!p1 $0x1082;
	[sflag:s4] =	ssyncset.s32 $0xFFFFF086  }
0x25: {  	[simem:s6], [sflag:s4] =	dma.local [hbm:s3], $0xF7A  }
0x26: {  	[smem:$0x3F86] =	sst s1;
	(tag) =	ssettag s2;
	_ =	strace s9  }
0x27: {  	s1 =	sld [smem:$0x3F96]  }
0x28: {  	s2 =	sld [smem:$0x3F97]  }
0x29: {  	s4 =	sld [smem:$0x3F99]  }
0x2a: {  	p0 =	seq.s32 s5, $0x0;
	s5 =	sld [smem:$0x3F9A]  }
0x2b: {  	s6 =	sld [smem:$0x3F9B]  }
0x2c: {  	s7 =	sld [smem:$0x3F9C]  }
0x2d: {  	s3 =	simm.s32 $0x108;
	s8 =	sld [smem:$0x3F9D]  }
0x2e: {  	s3 =	simm.s32 @!p0 $0x1082;
	s9 =	sld [smem:$0x3F9E]  }
0x2f: {  	lr =	sadd.s32 s0, s3;
	s0 =	sld [smem:$0x3F95]  }
0x30: {  	s3 =	sld [smem:$0x3F98]  }
0x31: {  	[smem:$0x3FA1] =	sst s10  }
0x32: {  	s10 =	sld [smem:$0x3F9F];
	_ =	sdelay $0x3  }
0x33: {  	p0 =	seq.s32 s10, $0x1;
	s10 =	sld [smem:$0x3FA1];
	_ =	sdelay $0x3  }
0x34: {  	[smem:$0x3FA1] =	sst s10  }
0x35: {  	s10 =	sld [smem:$0x3FA0];
	_ =	sdelay $0x3  }
0x36: {  	p1 =	seq.s32 s10, $0x1;
	s10 =	sld [smem:$0x3FA1];
	_ =	sdelay $0x3  }
0x37: {  	[smem:$0x3FA1] =	sst s10  }
0x38: {  	s10 =	sld [smem:$0x3FA2]  }
0x39: {  	_ = 	snop;
	(pc) =	sbr.ind lr, $3  }
0x3a: {  	_ = 	snop  }
0x3b: {  	_ = 	snop  }
0x3c: {  	p2 =	seq.s32 s10, $0x1;
	s10 =	sld [smem:$0x3FA1]  }
0x3d: {  	_ =	shalt  }
0x3e: {  	_ =	shalt  }
0x3f: {  	_ =	shalt  }
0x40: {  	_ =	shalt  }
0x41: {  	_ =	shalt  }
0x42: {  	_ =	shalt  }
0x43: {  	_ =	shalt  }
0x44: {  	_ =	shalt  }
0x45: {  	_ =	shalt  }
0x46: {  	_ =	shalt  }
0x47: {  	_ =	shalt  }
0x48: {  	_ =	shalt  }
0x49: {  	_ =	shalt  }
0x4a: {  	_ =	shalt  }
0x4b: {  	_ =	shalt  }
0x4c: {  	_ =	shalt  }
0x4d: {  	_ =	shalt  }
0x4e: {  	_ =	shalt  }
0x4f: {  	_ =	shalt  }
0x50: {  	_ =	shalt  }
0x51: {  	_ =	shalt  }
0x52: {  	_ =	shalt  }
0x53: {  	_ =	shalt  }
0x54: {  	_ =	shalt  }
0x55: {  	_ =	shalt  }
0x56: {  	_ =	shalt  }
0x57: {  	_ =	shalt  }
0x58: {  	_ =	shalt  }
0x59: {  	_ =	shalt  }
0x5a: {  	_ =	shalt  }
0x5b: {  	_ =	shalt  }
0x5c: {  	_ =	shalt  }
0x5d: {  	_ =	shalt  }
0x5e: {  	_ =	shalt  }
0x5f: {  	_ =	shalt  }
0x60: {  	_ =	shalt  }
0x61: {  	_ =	shalt  }
0x62: {  	_ =	shalt  }
0x63: {  	_ =	shalt  }
0x64: {  	_ =	shalt  }
0x65: {  	_ =	shalt  }
0x66: {  	_ =	shalt  }
0x67: {  	_ =	shalt  }
0x68: {  	_ =	shalt  }
0x69: {  	_ =	shalt  }
0x6a: {  	_ =	shalt  }
0x6b: {  	_ =	shalt  }
0x6c: {  	_ =	shalt  }
0x6d: {  	_ =	shalt  }
0x6e: {  	_ =	shalt  }
0x6f: {  	_ =	shalt  }
0x70: {  	_ =	shalt  }
0x71: {  	_ =	shalt  }
0x72: {  	_ =	shalt  }
0x73: {  	_ =	shalt  }
0x74: {  	_ =	shalt  }
0x75: {  	_ =	shalt  }
0x76: {  	_ =	shalt  }
0x77: {  	_ =	shalt  }
0x78: {  	_ =	shalt  }
0x79: {  	_ =	shalt  }
0x7a: {  	_ =	shalt  }
0x7b: {  	_ =	shalt  }
0x7c: {  	_ =	shalt  }
0x7d: {  	_ =	shalt  }
0x7e: {  	_ =	shalt  }
0x7f: {  	_ =	shalt  }
0x80: {  	_ =	shalt  }
0x81: {  	_ =	shalt  }
0x82: {  	_ =	shalt  }
0x83: {  	_ =	shalt  }
0x84: {  	_ =	shalt  }
0x85: {  	_ =	shalt  }
0x86: {  	_ =	shalt  }
0x87: {  	_ =	shalt  }
.Lfunc_end0:
.L_simem_size_0:
called_computation_lowered:
.L_overlay_start_0:
0x88: {  	s2 =	sld [smem:$0x3FD9]  }
0x89: {  	s3 =	sld [smem:$0x3FFE];
	_ =	sdelay $0x1  }
0x8a: {  	s1 =	srdreg.scid  }
0x8b: {  	s0 =	sand.u32 $0x1, s1  }
0x8c: {  	s14 =	sshll.u32 s0, $0xA;
	s2 =	sadd.s32 s3, s2  }
0x8d: {  	s2 =	sadd.s32 s2, s14  }
0x8e: {  	[smem:$0x3FAD] =	sst s2  }
0x8f: {  	_ = 	snop  }
0x90: {  	s2 =	sld [smem:$0x3FD0];
	_ =	sdelay $0x2  }
0x91: {  	s15 =	simm.s32 $0xB;
	s4 =	simm.s32 $0x10  }
0x92: {  	[smem:s4], [sflag:s15] =	dma.local [hbm:s2], $0x1  }
0x93: {  	_ =	swait.eq [sflag:s15], $0x1  }
0x94: {  	[sflag:s15] =	ssyncset.done $0x0  }
0x95: {  	[sflag:s15] =	ssyncadd.s32 $0xFFFFFFFF  }
0x96: {  	s16 =	sld [smem:$0x11];
	(tm) =	ssettm $0x1  }
0x97: {  	s17 =	sld [smem:$0x3FFB];
	_ =	sdelay $0x3  }
0x98: {  	_ =	strace s17  }
0x99: {  	s3 =	sld [smem:$0x3FFC];
	_ =	sdelay $0x3  }
0x9a: {  	_ =	strace s3  }
0x9b: {  	s3 =	sld [smem:$0x3FFD];
	_ =	sdelay $0x3  }
0x9c: {  	_ =	strace s3  }
0x9d: {  	_ =	strace $0x8FFFFFFF  }
0x9e: {  	s18 =	sld [smem:$0x3FDB];
	_ =	sdelay $0x1  }
0x9f: {  	s19 =	simm.s32 $_scs_section_size  }
0xa0: {  	s5 =	simm.s32 $_size__tile_overlayer_lowered;
	s6 =	simm.s32 $_tile_overlayer_lowered  }
0xa1: {  	s22 =	simm.s32 $0x1BFF;
	s21 =	sshll.u32 s6, $0x1;
	s3 =	sadd.s32 s19, s18  }
0xa2: {  	s7 =	simm.s32 $0x0;
	s20 =	sshll.u32 s5, $0x1;
	s5 =	sadd.s32 s21, s3  }
0xa3: {  	[timem:s7], [sflag:s22] =	dma.local [hbm:s5], s20  }
0xa4: {  	_ =	swait.ge [sflag:s22], s20  }
0xa5: {  	s4 =	ssub.s32 $0x0, s20;
	[sflag:s22] =	ssyncset.done $0x0  }
0xa6: {  	[sflag:s22] =	ssyncadd.s32 s4;
	_ =	sdelay $0x1  }
0xa7: {  	s23 =	simm.s32 $0x1B8B  }
0xa8: {  	_ =	swait.ge [sflag:s23], $0x1  }
0xa9: {  	[sflag:s23] =	ssyncset.done $0x0  }
0xaa: {  	s25 =	simm.s32 $0x1B8E;
	s24 =	sld [smem:$0x3FFE];
	[sflag:s23] =	ssyncadd.s32 $0xFFFFFFFF  }
0xab: {  	s26 =	simm.s32 $execute0_lowered;
	[smem:$0x3FD2] =	sst s25  }
0xac: {  	s5 =	sshll.u32 s26, $0x1;
	_ =	strace $0x80000046;
	[dreg:$0x1] =	wrdreg $0xFFFFFFFF  }
0xad: {  	s28 =	simm.s32 $_size_execute0_lowered;
	s3 =	sadd.s32 s3, s5;
	[dreg:$0x0] =	wrdreg $0x0  }
0xae: {  	s5 =	sshll.u32 s28, $0x1;
	[dreg:$0x2] =	wrdreg s3  }
0xaf: {  	[dreg:$0x3] =	wrdreg s5  }
0xb0: {  	[dreg:$0x4] =	wrdreg $0xC0  }
0xb1: {  	_ =	task [dreg:s7], $0x5FFFF  }
0xb2: {  	[dreg:$0x1] =	wrdreg $0xFFFFFFFF  }
0xb3: {  	[dreg:$0x0] =	wrdreg $0x60  }
0xb4: {  	[dreg:$0x2] =	wrdreg s16  }
0xb5: {  	[dreg:$0x3] =	wrdreg s24  }
0xb6: {  	[dreg:$0x4] =	wrdreg $0x0  }
0xb7: {  	[dreg:$0x5] =	wrdreg $0x9  }
0xb8: {  	_ =	task.clear_ibuf [dreg:s7], $0x6FFFF;
	_ =	strace $0x90000046  }
0xb9: {  	s29 =	simm.s32 $0x9;
	_ =	strace $0x80000048  }
0xba: {  	_ =	swait.ge [sflag:s29], $0x1  }
0xbb: {  	[sflag:s29] =	ssyncadd.s32 $0xFFFFFFFF  }
0xbc: {  	_ =	strace $0x90000048  }
0xbd: {  	_ =	sfence  }
0xbe: {  	s30 =	sld [smem:$0x0];
	_ =	sdelay $0x2  }
0xbf: {  	s31 =	sshll.u32 s1, $0xD;
	s1 =	sshrl.u32 s1, $0x2  }
0xc0: {  	s3 =	sand.u32 $0x4000, s31;
	s1 =	sadd.s32 s1, s30  }
0xc1: {  	s0 =	sor.u32 s3, s0;
	s1 =	sshll.u32 s1, $0x11  }
0xc2: {  	s0 =	sor.u32 s1, s0  }
0xc3: {  	s0 =	sadd.s32 $0x8F2B, s0  }
0xc4: {  	[sflag:s0] =	ssyncadd.remote.s32 $0x1  }
0xc5: {  	_ =	sfence.sel $0xFFFF  }
0xc6: {  	[dreg:$0x0] =	wrdreg $0xFFFFFFFF;
	(pc) =	sbr.abs _section_cstart, $3  }
0xc7: {  	[dreg:$0x1] =	wrdreg $0xFFFFFFFF  }
0xc8: {  	_ =	task.clear_ibuf [dreg:s7], $0x2FFFF;
	_ =	strace $0x9FFFFFFF  }
0xc9: {  	(tm) =	ssettm $0x7FFFFFFF  }
tec
execute0_lowered:
.L_overlay_start_1:
0x0: {  	(tag) =	ssettag $0x1  }
0x1: {  	s14 =	rddreg [dreg:$0x0]  }
0x2: {  	s5 =	rddreg [dreg:$0x1]  }
0x3: {  	s0 =	stileid.u32;
	s2 =	rddreg [dreg:$0x2]  }
0x4: {  	s1 =	rddreg [dreg:$0x3];
	s30 =	srdreg.scid  }
0x5: {  	s18 =	simm.s32 $0x1;
	s20 =	simm.s32 $0x80;
	s3 =	smul.u32 $0x9C, s0  }
0x6: {  	s21 =	simm.s32 $0x0;
	s4 =	smin.u32 s0, $0x4;
	s10 =	smul.u32 $0xA000, s0  }
0x7: {  	s19 =	sand.u32 $0x1, s30;
	p0 =	slt.u32 s0, $0x4;
	s13 =	smul.u32 $0x2800, s0  }
0x8: {  	s6 =	ssub.s32 $0x2, s19;
	s7 =	sadd.s32 s4, s3;
	s3 =	simm.s32 $0x0  }
0x9: {  	s4 =	sadd.s32 $0x20600, s5;
	s9 =	sshrl.u32 s6, $0x1;
	s31 =	sshrl.u32 s10, $0x2  }
0xa: {  	s8 =	smin.u32 s7, $0x927;
	[smem:$0x7FF] =	sst s3;
	s16 =	ssub.s32 s6, s9  }
0xb: {  	s6 =	simm.s32 $0x9D;
	s11 =	sadd.s32 s31, s2;
	s15 =	sshll.u32 s8, $0x4  }
0xc: {  	_ =	strace $0x80000047;
	s6 =	simm.s32 @!p0 $0x9C;
	s17 =	ssub.s32 s7, s8  }
0xd: {  	s7 =	sadd.s32 s13, s2;
	s8 =	sadd.s32 $0x800, s11;
	s9 =	sadd.s32 $0x1000, s11  }
.Ltmp0:
0xe: {  	s10 =	sadd.s32 $0x1800, s11;
	s11 =	sadd.s32 $0x2000, s11;
	(pc) =	sbr.rel .LBB2_1-.Ltmp0, $4  }
0xf: {  	s13 =	sshrl.u32 s13, $0x3;
	p0 =	sne.s32 s19, $0x0;
	s19 =	simm.s32 $0x2800  }
0x10: {  	s12 =	sadd.s32 s15, s5;
	s5 =	sadd.s32 $0x1B600, s5;
	s17 =	sshll.u32 s17, $0x9  }
0x11: {  	s14 =	sadd.s32 s14, s15;
	s15 =	smax.u32 s16, $0x1;
	s17 =	sshra.s32 s17, $0x2  }
0x12: {  	v0 =	vimm.f32 $0.0e+00;
	v1 =	vimm.f32 $1.000000000e+00;
	s12 =	sadd.s32 $0x7A00, s12;
	s16 =	sadd.s32 $0x2800, s17;
	s17 =	simm.s32 $0x7680  }
.LBB2_11:
0x13: {  	[sflag:s18] =	ssyncadd.s32 $0xFFFFF800;
	s22 =	smov.u32 s5  }
.LBB2_12:
0x14: {  	s22 =	sadd.s32 s22, s13;
	s21 =	sadd.s32 $0x1, s21  }
0x15: {  	s23 =	sshll.u32 s0, $0x6;
	[bflag:$0x0] =	sbarrier.arrive $0xFFFF;
	p1 =	sne.s32 s21, s15  }
.Ltmp1:
0x16: {  	s24 =	sshrl.u32 s7, $0x3;
	s23 =	sor.u32 $0x1C01, s23;
	(pc) =	sbr.rel @!p1 .LBB2_13-.Ltmp1, $4  }
0x17: {  	[hbm:s22], [sflag:s23] =	dma.local [spmem:s24], $0x500  }
0x18: {  	_ =	swait.ge [sflag:s18], $0x500  }
0x19: {  	[sflag:s18] =	ssyncset.done $0x0  }
0x1a: {  	[sflag:s18] =	ssyncadd.s32 $0xFFFFFB00  }
.LBB2_1:
0x1b: {  	s22 =	simm.s32 $0x40;
	s23 =	simm.s32 $0x0  }
.LBB2_2:
0x1c: {  	p1 =	sne.s32 s22, $0x1FC0;
	[tilespmem:s23+$0x7680] =	vst v0;
	s23 =	smov.u32 s22;
	s22 =	sadd.s32 $0x40, s22  }
.Ltmp2:
0x1d: {  	(pc) =	sbr.rel @p1 .LBB2_2-.Ltmp2, $2  }
0x1e: {  	_ =	sdelay $0x2  }
0x1f: {  	s23 =	sshra.s32 s23, $0x2  }
0x20: {  	[tilespmem:s23+$0x7680] =	vst v0  }
0x21: {  	[spmem:s7] =	stream.linear.scatter [tilespmem:s17], [sflag:$0x1], $0x800, $0x38;
	[tilespmem:$0x7E80] =	vst v63  }
0x22: {  	_ =	swait.ge [sflag:s18], $0x800  }
0x23: {  	[sflag:s18] =	ssyncset.done $0x0  }
0x24: {  	[sflag:s18] =	ssyncadd.s32 $0xFFFFF800  }
0x25: {  	[spmem:s8] =	stream.linear.scatter [tilespmem:s17], [sflag:$0x1], $0x800, $0x38;
	[tilespmem:$0x7E80] =	vst v63  }
0x26: {  	_ =	swait.ge [sflag:s18], $0x800  }
0x27: {  	[sflag:s18] =	ssyncset.done $0x0  }
0x28: {  	[sflag:s18] =	ssyncadd.s32 $0xFFFFF800  }
0x29: {  	[spmem:s9] =	stream.linear.scatter [tilespmem:s17], [sflag:$0x1], $0x800, $0x38;
	[tilespmem:$0x7E80] =	vst v63  }
0x2a: {  	_ =	swait.ge [sflag:s18], $0x800  }
0x2b: {  	[sflag:s18] =	ssyncset.done $0x0  }
0x2c: {  	[sflag:s18] =	ssyncadd.s32 $0xFFFFF800  }
0x2d: {  	[spmem:s10] =	stream.linear.scatter [tilespmem:s17], [sflag:$0x1], $0x800, $0x38;
	[tilespmem:$0x7E80] =	vst v63  }
0x2e: {  	_ =	swait.ge [sflag:s18], $0x800  }
0x2f: {  	[sflag:s18] =	ssyncset.done $0x0  }
0x30: {  	[sflag:s18] =	ssyncadd.s32 $0xFFFFF800  }
0x31: {  	[spmem:s11] =	stream.linear.scatter [tilespmem:s17], [sflag:$0x1], $0x800, $0x38;
	[tilespmem:$0x7E80] =	vst v63  }
0x32: {  	_ =	swait.ge [sflag:s18], $0x800  }
0x33: {  	[sflag:s18] =	ssyncset.done $0x0  }
0x34: {  	[sflag:s18] =	ssyncadd.s32 $0xFFFFF800  }
0x35: {  	s22 =	simm.s32 $0x40;
	s23 =	simm.s32 $0x0;
	[bflag:$0x0] =	sbarrier.arrive $0xFFFF  }
.LBB2_4:
0x36: {  	p1 =	sne.s32 s22, $0x1FC0;
	[tilespmem:s23+$0x7680] =	vst v1;
	s23 =	smov.u32 s22;
	s22 =	sadd.s32 $0x40, s22  }
.Ltmp3:
0x37: {  	(pc) =	sbr.rel @p1 .LBB2_4-.Ltmp3, $2  }
0x38: {  	_ =	sdelay $0x2  }
0x39: {  	s23 =	sshra.s32 s23, $0x2  }
.Ltmp4:
0x3a: {  	(pc) =	sbr.rel @p0 .LBB2_9-.Ltmp4, $2  }
0x3b: {  	_ =	sdelay $0x2  }
0x3c: {  	[tilespmem:s23+$0x7680] =	vst v1  }
0x3d: {  	[tilespmem:s19], [sflag:$0x1] =	stream.linear.gather [hbm4b:s14+s3], $0x4E80, $0x38;
	[tilespmem:$0x7E80] =	vst v63  }
0x3e: {  	p1 =	seq.s32 s6, $0x1;
	_ =	swait.ge [sflag:s18], $0x4E80  }
.Ltmp5:
0x3f: {  	[sflag:s18] =	ssyncset.done $0x0;
	(pc) =	sbr.rel @p1 .LBB2_8-.Ltmp5, $4  }
0x40: {  	[sflag:s18] =	ssyncadd.s32 $0xFFFFB180  }
0x41: {  	[spmem:s2] =	stream.indirect.scatter.add.f32 [tilespmem:s17], [sflag:$0x1], $0x10, s16, s20, $0xb8;
	[tilespmem:$0x7E80] =	vst v63  }
0x42: {  	_ =	swait.ge [sflag:s18], $0x800  }
0x43: {  	s22 =	sadd.s32 $0xFFFFFFFF, s6;
	s23 =	smov.u32 s16;
	[sflag:s18] =	ssyncset.done $0x0  }
.LBB2_7:
0x44: {  	p1 =	seq.s32 s22, $0x1;
	[sflag:s18] =	ssyncadd.s32 $0xFFFFF800;
	s23 =	sadd.s32 $0x80, s23  }
.Ltmp6:
0x45: {  	s22 =	sadd.s32 $0xFFFFFFFF, s22;
	(pc) =	sbr.rel @!p1 .LBB2_7-.Ltmp6, $4  }
0x46: {  	_ = 	snop  }
0x47: {  	[spmem:s2] =	stream.indirect.scatter.add.f32 [tilespmem:s17], [sflag:$0x1], $0x10, s23, s20, $0xb8;
	[tilespmem:$0x7E80] =	vst v63  }
0x48: {  	_ =	swait.ge [sflag:s18], $0x800  }
0x49: {  	[sflag:s18] =	ssyncset.done $0x0  }
.LBB2_8:
.Ltmp7:
0x4a: {  	(pc) =	sbr.rel .LBB2_12-.Ltmp7, $2  }
0x4b: {  	_ =	sdelay $0x2  }
0x4c: {  	[sflag:s18] =	ssyncadd.s32 $0xFFFFF800;
	s22 =	smov.u32 s4  }
.LBB2_9:
0x4d: {  	[tilespmem:s19], [sflag:$0x1] =	stream.linear.gather [hbm4b:s12+s3], $0x4E80, $0x38;
	[tilespmem:$0x7E80] =	vst v63  }
0x4e: {  	p1 =	sne.s32 s6, $0x1;
	_ =	swait.ge [sflag:s18], $0x4E80  }
.Ltmp8:
0x4f: {  	[sflag:s18] =	ssyncset.done $0x0;
	(pc) =	sbr.rel @!p1 .LBB2_11-.Ltmp8, $4  }
0x50: {  	[sflag:s18] =	ssyncadd.s32 $0xFFFFB180  }
0x51: {  	[spmem:s2] =	stream.indirect.scatter.add.f32 [tilespmem:s17], [sflag:$0x1], $0x10, s16, s20, $0xb8;
	[tilespmem:$0x7E80] =	vst v63  }
0x52: {  	_ =	swait.ge [sflag:s18], $0x800  }
0x53: {  	s22 =	sadd.s32 $0xFFFFFFFF, s6;
	s23 =	smov.u32 s16;
	[sflag:s18] =	ssyncset.done $0x0  }
.LBB2_10:
0x54: {  	p1 =	sne.s32 s22, $0x1;
	[sflag:s18] =	ssyncadd.s32 $0xFFFFF800;
	s23 =	sadd.s32 $0x80, s23  }
.Ltmp9:
0x55: {  	s22 =	sadd.s32 $0xFFFFFFFF, s22;
	(pc) =	sbr.rel @p1 .LBB2_10-.Ltmp9, $4  }
0x56: {  	_ = 	snop  }
0x57: {  	[spmem:s2] =	stream.indirect.scatter.add.f32 [tilespmem:s17], [sflag:$0x1], $0x10, s23, s20, $0xb8;
	[tilespmem:$0x7E80] =	vst v63  }
0x58: {  	_ =	swait.ge [sflag:s18], $0x800  }
0x59: {  	[sflag:s18] =	ssyncset.done $0x0  }
.Ltmp10:
0x5a: {  	_ = 	snop;
	(pc) =	sbr.rel .LBB2_11-.Ltmp10, $1  }
0x5b: {  	_ =	sdelay $0x3  }
.LBB2_13:
0x5c: {  	_ =	sfence.sel $0x180000  }
0x5d: {  	[bflag:$0x0] =	sbarrier.arrive $0xFFFF  }
0x5e: {  	p0 =	sne.s32 s0, $0x0;
	_ =	strace $0x90000047  }
0x5f: {  	s0 =	sadd.s32 @!p0 $0x100000, s1;
	[bflag:$0x2] =	sbarrier.arrive $0xFFFF  }
0x60: {  	[sflag:s0] =	ssyncadd.tile.s32 @!p0 $0x1;
	_ =	shalt  }
.Lfunc_end2:
_tile_overlayer_lowered:
.L_overlay_start_2:
0x61: {  	(tag) =	ssettag $0x2  }
0x62: {  	s0 =	rddreg [dreg:$0x0];
	s2 =	stileid.u32  }
0x63: {  	s1 =	rddreg [dreg:$0x1];
	p0 =	sne.s32 s2, $0x0  }
0x64: {  	s3 =	rddreg [dreg:$0x2];
	[bflag:$0x3] =	sbarrier.arrive $0xFFFF;
	s2 =	simm.s32 @!p0 $0x1C01  }
0x65: {  	[timem:s3], [sflag:s2] =	dma.local @!p0 [hbm:s0], s1  }
0x66: {  	s0 =	simm.s32 @!p0 $0x1  }
0x67: {  	_ =	swait.ge @!p0 [sflag:s0], s1  }
0x68: {  	s1 =	ssub.s32 @!p0 $0x0, s1;
	[sflag:s0] =	ssyncset.done @!p0 $0x0  }
0x69: {  	[sflag:s0] =	ssyncadd.s32 @!p0 s1  }
0x6a: {  	[bflag:$0x3] =	sbarrier.arrive $0xFFFF  }
0x6b: {  	_ =	shalt  }

</sc_bundles>
